<compile_context>
chip_gen: v7x
topology: tpu7x:2x2x1
jax: 0.10.2.dev20260603
libtpu: 0.0.44.dev20260713+nightly
codegen_flags: <defaults>
</compile_context>

<pallas_src>
import functools

import jax
import jax.numpy as jnp
from jax import lax
from jax.experimental import pallas as pl
from jax.experimental.pallas import tpu as pltpu
from jax.experimental.pallas import tpu_sc as plsc

N = 10000
E = 320000
NFEAT = 128
NHID = 128
NCLASS = 64

NC = 2
NS = 16
NW = NC * NS
CHUNK = 128
TOT_CHUNKS = E // CHUNK
KB = TOT_CHUNKS // NW
NA = TOT_CHUNKS - NW * KB
KA = KB + 1
G = 40
NACC = 10240
ROWS_PER_TILE = NACC // NS
COPIES_PER_TILE = ROWS_PER_TILE // CHUNK


def _make_spmm(D):
  mesh = plsc.VectorSubcoreMesh(core_axis_name="c", subcore_axis_name="s")

  @functools.partial(
      pl.kernel,
      out_type=jax.ShapeDtypeStruct((NC, NACC, D), jnp.float32),
      mesh=mesh,
      compiler_params=pltpu.CompilerParams(use_tc_tiling_on_sc=False),
      scratch_types=[
          pltpu.VMEM((G, CHUNK), jnp.int32),
          pltpu.VMEM((G, CHUNK), jnp.int32),
          pltpu.VMEM((CHUNK, D), jnp.float32),
          pltpu.VMEM((CHUNK, D), jnp.float32),
          pltpu.VMEM_SHARED((NACC, D), jnp.float32),
          pltpu.SemaphoreType.DMA,
          pltpu.SemaphoreType.DMA,
      ],
  )
  def spmm(support_hbm, ei_hbm, out_hbm, src_v, dst_v, rows0,
           rows1, acc, sem0, sem1):
    c = lax.axis_index("c")
    s = lax.axis_index("s")
    w = c * NS + s
    chunk0 = w * KB + jnp.minimum(w, NA)
    src_hbm = ei_hbm.at[0]
    dst_hbm = ei_hbm.at[1]

    pltpu.async_copy(src_hbm.at[pl.ds(chunk0, G)], src_v, sem0)
    pltpu.async_copy(dst_hbm.at[pl.ds(chunk0, G)], dst_v, sem1)
    zeros16 = jnp.zeros((16,), jnp.float32)

    def zero_row(i, carry):
      for t in range(D // 16):
        rows0[i, pl.ds(t * 16, 16)] = zeros16
      return carry

    lax.fori_loop(0, CHUNK, zero_row, 0)
    base = s * ROWS_PER_TILE
    for t in range(COPIES_PER_TILE):
      pltpu.sync_copy(rows0, acc.at[pl.ds(base + t * CHUNK, CHUNK)])
    pltpu.make_async_copy(src_hbm.at[pl.ds(chunk0, G)], src_v, sem0).wait()
    pltpu.make_async_copy(dst_hbm.at[pl.ds(chunk0, G)], dst_v, sem1).wait()
    plsc.subcore_barrier()

    def run(kc):
      pltpu.async_copy(support_hbm.at[src_v.at[0]], rows0, sem0)
      for gi, glen in enumerate((G, kc - G)):
        pairs, rem = divmod(glen, 2)

        def body(i, carry):
          t0 = 2 * i
          pltpu.async_copy(support_hbm.at[src_v.at[t0 + 1]], rows1, sem1)
          pltpu.make_async_copy(support_hbm.at[src_v.at[t0]], rows0,
                                sem0).wait()
          pltpu.sync_copy(rows0, acc.at[dst_v.at[t0]], add=True)

          @pl.when(t0 + 2 < glen)
          def _():
            pltpu.async_copy(support_hbm.at[src_v.at[t0 + 2]], rows0, sem0)

          pltpu.make_async_copy(support_hbm.at[src_v.at[t0 + 1]], rows1,
                                sem1).wait()
          pltpu.sync_copy(rows1, acc.at[dst_v.at[t0 + 1]], add=True)
          return carry

        lax.fori_loop(0, pairs, body, 0)
        if rem:
          pltpu.make_async_copy(support_hbm.at[src_v.at[glen - 1]], rows0,
                                sem0).wait()
          pltpu.sync_copy(rows0, acc.at[dst_v.at[glen - 1]], add=True)
        if gi == 0:
          pltpu.sync_copy(src_hbm.at[pl.ds(chunk0 + G, kc - G)],
                          src_v.at[pl.ds(0, kc - G)])
          pltpu.sync_copy(dst_hbm.at[pl.ds(chunk0 + G, kc - G)],
                          dst_v.at[pl.ds(0, kc - G)])
          pltpu.async_copy(support_hbm.at[src_v.at[0]], rows0, sem0)

    @pl.when(w < NA)
    def _():
      run(KA)

    @pl.when(w >= NA)
    def _():
      run(KB)

    plsc.subcore_barrier()

    bufs = (rows0, rows1)
    sems = (sem0, sem1)

    def _slice(t):
      return pl.ds(base + t * CHUNK, CHUNK)

    pltpu.sync_copy(acc.at[_slice(0)], rows0)
    for t in range(COPIES_PER_TILE):
      pltpu.async_copy(bufs[t % 2], out_hbm.at[c, _slice(t)], sems[t % 2])
      if t + 1 < COPIES_PER_TILE:
        if t >= 1:
          pltpu.make_async_copy(bufs[(t + 1) % 2], out_hbm.at[c, _slice(t - 1)],
                                sems[(t + 1) % 2]).wait()
        pltpu.sync_copy(acc.at[_slice(t + 1)], bufs[(t + 1) % 2])
    for t in (COPIES_PER_TILE - 2, COPIES_PER_TILE - 1):
      pltpu.make_async_copy(bufs[t % 2], out_hbm.at[c, _slice(t)],
                            sems[t % 2]).wait()

  return spmm


_spmm128 = _make_spmm(NHID)
_spmm64 = _make_spmm(NCLASS)

_ROWS_BLK = 1000
_GRID = N // _ROWS_BLK


def _mm_first(x, W):
  def body(x_ref, w_ref, o_ref):
    o_ref[...] = jnp.dot(x_ref[...], w_ref[...],
                         preferred_element_type=jnp.float32)

  return pl.pallas_call(
      body,
      grid=(_GRID,),
      in_specs=[
          pl.BlockSpec((_ROWS_BLK, x.shape[1]), lambda i: (i, 0)),
          pl.BlockSpec(W.shape, lambda i: (0, 0)),
      ],
      out_specs=pl.BlockSpec((_ROWS_BLK, W.shape[1]), lambda i: (i, 0)),
      out_shape=jax.ShapeDtypeStruct((N, W.shape[1]), jnp.float32),
  )(x, W)


def _mm_agg(agg, b, W):
  D = agg.shape[2]

  def body(a_ref, b_ref, w_ref, o_ref):
    h = a_ref[0] + a_ref[1] + b_ref[...]
    o_ref[...] = jnp.dot(h, w_ref[...], preferred_element_type=jnp.float32)

  return pl.pallas_call(
      body,
      grid=(_GRID,),
      in_specs=[
          pl.BlockSpec((NC, _ROWS_BLK, D), lambda i: (0, i, 0)),
          pl.BlockSpec((1, D), lambda i: (0, 0)),
          pl.BlockSpec(W.shape, lambda i: (0, 0)),
      ],
      out_specs=pl.BlockSpec((_ROWS_BLK, W.shape[1]), lambda i: (i, 0)),
      out_shape=jax.ShapeDtypeStruct((N, W.shape[1]), jnp.float32),
  )(agg, b.reshape(1, D), W)


def _softmax_out(agg, b):
  D = agg.shape[2]

  def body(a_ref, b_ref, o_ref):
    z = a_ref[0] + a_ref[1] + b_ref[...]
    z = z - jnp.max(z, axis=1, keepdims=True)
    e = jnp.exp(z)
    o_ref[...] = e / jnp.sum(e, axis=1, keepdims=True)

  return pl.pallas_call(
      body,
      grid=(_GRID,),
      in_specs=[
          pl.BlockSpec((NC, _ROWS_BLK, D), lambda i: (0, i, 0)),
          pl.BlockSpec((1, D), lambda i: (0, 0)),
      ],
      out_specs=pl.BlockSpec((_ROWS_BLK, D), lambda i: (i, 0)),
      out_shape=jax.ShapeDtypeStruct((N, D), jnp.float32),
  )(agg, b.reshape(1, D))


def kernel(x, edge_index, W1, b1, W2, b2, W3, b3):
  ei = edge_index.reshape(2, TOT_CHUNKS, CHUNK)

  support1 = _mm_first(x, W1)
  agg1 = _spmm128(support1, ei)
  support2 = _mm_agg(agg1, b1, W2)
  agg2 = _spmm128(support2, ei)
  support3 = _mm_agg(agg2, b2, W3)
  agg3 = _spmm64(support3, ei)
  return _softmax_out(agg3, b3)

# --- scband reference (transcript-rebuilt; emitter-appended) ---
"""Pipeline reference for scband-gcn-20186346291609 (READ-ONLY COPY).

The authoritative reference and input builder live on the scoring server;
editing this copy changes nothing except your own understanding.
"""

import jax, jax.numpy as jnp
import numpy as np

N = 10000
E = 320000
NFEAT = 128
NHID = 128
NCLASS = 64


def _uniform(key, shape, stdv):
    return jax.random.uniform(key, shape, dtype=jnp.float32, minval=-stdv, maxval=stdv)


def setup_inputs(seed: int = 0) -> dict:
    key = jax.random.key(seed)
    ks = jax.random.split(key, 10)
    x = jax.random.normal(ks[0], (N, NFEAT), dtype=jnp.float32)
    edge_index = jax.random.randint(ks[1], (2, E), 0, N, dtype=jnp.int32)
    s1 = 1.0 / np.sqrt(NHID)
    s2 = 1.0 / np.sqrt(NHID)
    s3 = 1.0 / np.sqrt(NCLASS)
    W1 = _uniform(ks[2], (NFEAT, NHID), s1)
    b1 = _uniform(ks[3], (NHID,), s1)
    W2 = _uniform(ks[4], (NHID, NHID), s2)
    b2 = _uniform(ks[5], (NHID,), s2)
    W3 = _uniform(ks[6], (NHID, NCLASS), s3)
    b3 = _uniform(ks[7], (NCLASS,), s3)
    return {"x": x, "edge_index": edge_index, "W1": W1, "b1": b1, "W2": W2, "b2": b2, "W3": W3, "b3": b3}


def _graph_conv(h, W, b, src, dst):
    # support = input @ weight ; output = spmm(adj, support) ; + bias
    support = h @ W
    out = jax.ops.segment_sum(support[src], dst, num_segments=N)
    return out + b


def reference(x, edge_index, W1, b1, W2, b2, W3, b3):
    src = edge_index[0]
    dst = edge_index[1]
    # eval mode: dropout(p=0.0) is identity; GCN forward has no activation between layers
    h = _graph_conv(x, W1, b1, src, dst)
    h = _graph_conv(h, W2, b2, src, dst)
    h = _graph_conv(h, W3, b3, src, dst)
    return jax.nn.softmax(h, axis=1)

if __name__ == "__main__":
    import jax
    _d = setup_inputs()
    print(jax.jit(kernel)(*tuple(_d.values())))

</pallas_src>

<mosaic_0001>
#map = affine_map<(d0, d1) -> (0, 0)>
#map1 = affine_map<(d0, d1) -> (0, 0, 0)>
module attributes {stable_mosaic.version = 14 : i64} {
  func.func @spmm(%arg0: i32, %arg1: i32, %arg2: memref<10000x128xf32, #tpu.memory_space<hbm>>, %arg3: memref<2x2500x128xi32, #tpu.memory_space<hbm>>, %arg4: memref<2x10240x128xf32, #tpu.memory_space<hbm>>, %arg5: memref<40x128xi32, #tpu.memory_space<vmem>>, %arg6: memref<40x128xi32, #tpu.memory_space<vmem>>, %arg7: memref<128x128xf32, #tpu.memory_space<vmem>>, %arg8: memref<128x128xf32, #tpu.memory_space<vmem>>, %arg9: memref<10240x128xf32, #tpu.memory_space<vmem_shared>>, %arg10: memref<!tpu.dma_semaphore, #tpu.memory_space<semaphore_mem>>, %arg11: memref<!tpu.dma_semaphore, #tpu.memory_space<semaphore_mem>>) attributes {dimension_semantics = [#tpu.dimension_semantics<core_parallel>, #tpu.dimension_semantics<subcore_parallel>], iteration_bounds = array<i64: 2, 16>, scalar_prefetch = 0 : i64, scratch_operands = 7 : i64, tpu.core_type = #tpu.core_type<sc_vector_subcore>, window_params = [{transform_indices = #map}, {transform_indices = #map1}, {transform_indices = #map1}]} {
    %mul3A = arith.constant 16 : i32
    %mul3A_0 = arith.muli %arg0, %mul3A : i32
    %add3A = arith.addi %mul3A_0, %arg1 : i32
    %mul3A_1 = arith.constant 78 : i32
    %mul3A_2 = arith.muli %add3A, %mul3A_1 : i32
    %min3A = arith.constant 4 : i32
    %min3A_3 = arith.minsi %add3A, %min3A : i32
    %add3A_4 = arith.addi %mul3A_2, %min3A_3 : i32
    %dma_start3A = arith.constant 0 : i32
    %dma_start3A_5 = arith.constant 0 : i32
    %dma_start3A_6 = arith.constant 0 : i32
    %dma_start3A_7 = tpu.memref_slice %arg3[%dma_start3A, %dma_start3A_5, %dma_start3A_6] : memref<2x2500x128xi32, #tpu.memory_space<hbm>> -> memref<1x2500x128xi32, #tpu.memory_space<hbm>>
    %dma_start3A_8 = tpu.memref_squeeze %dma_start3A_7 : memref<1x2500x128xi32, #tpu.memory_space<hbm>> -> memref<2500x128xi32, #tpu.memory_space<hbm>>
    %dma_start3A_9 = arith.constant 0 : i32
    %dma_start3A_10 = tpu.memref_slice %dma_start3A_8[%add3A_4, %dma_start3A_9] : memref<2500x128xi32, #tpu.memory_space<hbm>> -> memref<40x128xi32, #tpu.memory_space<hbm>>
    %dma_start3A_11 = arith.constant 0 : i32
    %dma_start3A_12 = arith.constant 0 : i32
    %dma_start3A_13 = tpu.memref_slice %arg3[%dma_start3A, %dma_start3A_11, %dma_start3A_12] : memref<2x2500x128xi32, #tpu.memory_space<hbm>> -> memref<1x2500x128xi32, #tpu.memory_space<hbm>>
    %dma_start3A_14 = tpu.memref_squeeze %dma_start3A_13 : memref<1x2500x128xi32, #tpu.memory_space<hbm>> -> memref<2500x128xi32, #tpu.memory_space<hbm>>
    %dma_start3A_15 = arith.constant 0 : i32
    %dma_start3A_16 = tpu.memref_slice %dma_start3A_14[%add3A_4, %dma_start3A_15] : memref<2500x128xi32, #tpu.memory_space<hbm>> -> memref<40x128xi32, #tpu.memory_space<hbm>>
    tpu.enqueue_dma source(%dma_start3A_16 : memref<40x128xi32, #tpu.memory_space<hbm>>) target(%arg5 : memref<40x128xi32, #tpu.memory_space<vmem>>) target_semaphore(%arg10 : memref<!tpu.dma_semaphore, #tpu.memory_space<semaphore_mem>>)
    %dma_start3A_17 = arith.constant 1 : i32
    %dma_start3A_18 = arith.constant 0 : i32
    %dma_start3A_19 = arith.constant 0 : i32
    %dma_start3A_20 = tpu.memref_slice %arg3[%dma_start3A_17, %dma_start3A_18, %dma_start3A_19] : memref<2x2500x128xi32, #tpu.memory_space<hbm>> -> memref<1x2500x128xi32, #tpu.memory_space<hbm>>
    %dma_start3A_21 = tpu.memref_squeeze %dma_start3A_20 : memref<1x2500x128xi32, #tpu.memory_space<hbm>> -> memref<2500x128xi32, #tpu.memory_space<hbm>>
    %dma_start3A_22 = arith.constant 0 : i32
    %dma_start3A_23 = tpu.memref_slice %dma_start3A_21[%add3A_4, %dma_start3A_22] : memref<2500x128xi32, #tpu.memory_space<hbm>> -> memref<40x128xi32, #tpu.memory_space<hbm>>
    %dma_start3A_24 = arith.constant 0 : i32
    %dma_start3A_25 = arith.constant 0 : i32
    %dma_start3A_26 = tpu.memref_slice %arg3[%dma_start3A_17, %dma_start3A_24, %dma_start3A_25] : memref<2x2500x128xi32, #tpu.memory_space<hbm>> -> memref<1x2500x128xi32, #tpu.memory_space<hbm>>
    %dma_start3A_27 = tpu.memref_squeeze %dma_start3A_26 : memref<1x2500x128xi32, #tpu.memory_space<hbm>> -> memref<2500x128xi32, #tpu.memory_space<hbm>>
    %dma_start3A_28 = arith.constant 0 : i32
    %dma_start3A_29 = tpu.memref_slice %dma_start3A_27[%add3A_4, %dma_start3A_28] : memref<2500x128xi32, #tpu.memory_space<hbm>> -> memref<40x128xi32, #tpu.memory_space<hbm>>
    tpu.enqueue_dma source(%dma_start3A_29 : memref<40x128xi32, #tpu.memory_space<hbm>>) target(%arg6 : memref<40x128xi32, #tpu.memory_space<vmem>>) target_semaphore(%arg11 : memref<!tpu.dma_semaphore, #tpu.memory_space<semaphore_mem>>)
    %broadcast_in_dim3A = arith.constant 0.000000e+00 : f32
    %broadcast_in_dim3A_30 = vector.broadcast %broadcast_in_dim3A : f32 to vector<16xf32>
    %scan3A = arith.constant 0 : i32
    %scan3A_31 = arith.constant 0 : i32
    %scan3A_32 = arith.constant 128 : i32
    %scan3A_33 = arith.addi %scan3A_31, %scan3A_32 : i32
    %scan3A_34 = arith.constant 1 : i32
    scf.for %scan3A_174 = %scan3A_31 to %scan3A_33 step %scan3A_34  : i32 {
      %swap3A = arith.index_cast %scan3A_174 : i32 to index
      %swap3A_175 = arith.constant 0 : index
      %swap3A_176 = tpu.vector_load %arg7[%swap3A, %swap3A_175] {strides = array<i32>} : memref<128x128xf32, #tpu.memory_space<vmem>>, vector<1x16xf32>,
      %swap3A_177 = vector.shape_cast %swap3A_176 : vector<1x16xf32> to vector<16xf32>
      %swap3A_178 = vector.shape_cast %broadcast_in_dim3A_30 : vector<16xf32> to vector<1x16xf32>
      tpu.vector_store %arg7[%swap3A, %swap3A_175], %swap3A_178 {strides = array<i32>} : memref<128x128xf32, #tpu.memory_space<vmem>>, vector<1x16xf32>,
      %swap3A_179 = arith.index_cast %scan3A_174 : i32 to index
      %swap3A_180 = arith.constant 16 : index
      %swap3A_181 = tpu.vector_load %arg7[%swap3A_179, %swap3A_180] {strides = array<i32>} : memref<128x128xf32, #tpu.memory_space<vmem>>, vector<1x16xf32>,
      %swap3A_182 = vector.shape_cast %swap3A_181 : vector<1x16xf32> to vector<16xf32>
      %swap3A_183 = vector.shape_cast %broadcast_in_dim3A_30 : vector<16xf32> to vector<1x16xf32>
      tpu.vector_store %arg7[%swap3A_179, %swap3A_180], %swap3A_183 {strides = array<i32>} : memref<128x128xf32, #tpu.memory_space<vmem>>, vector<1x16xf32>,
      %swap3A_184 = arith.index_cast %scan3A_174 : i32 to index
      %swap3A_185 = arith.constant 32 : index
      %swap3A_186 = tpu.vector_load %arg7[%swap3A_184, %swap3A_185] {strides = array<i32>} : memref<128x128xf32, #tpu.memory_space<vmem>>, vector<1x16xf32>,
      %swap3A_187 = vector.shape_cast %swap3A_186 : vector<1x16xf32> to vector<16xf32>
      %swap3A_188 = vector.shape_cast %broadcast_in_dim3A_30 : vector<16xf32> to vector<1x16xf32>
      tpu.vector_store %arg7[%swap3A_184, %swap3A_185], %swap3A_188 {strides = array<i32>} : memref<128x128xf32, #tpu.memory_space<vmem>>, vector<1x16xf32>,
      %swap3A_189 = arith.index_cast %scan3A_174 : i32 to index
      %swap3A_190 = arith.constant 48 : index
      %swap3A_191 = tpu.vector_load %arg7[%swap3A_189, %swap3A_190] {strides = array<i32>} : memref<128x128xf32, #tpu.memory_space<vmem>>, vector<1x16xf32>,
      %swap3A_192 = vector.shape_cast %swap3A_191 : vector<1x16xf32> to vector<16xf32>
      %swap3A_193 = vector.shape_cast %broadcast_in_dim3A_30 : vector<16xf32> to vector<1x16xf32>
      tpu.vector_store %arg7[%swap3A_189, %swap3A_190], %swap3A_193 {strides = array<i32>} : memref<128x128xf32, #tpu.memory_space<vmem>>, vector<1x16xf32>,
      %swap3A_194 = arith.index_cast %scan3A_174 : i32 to index
      %swap3A_195 = arith.constant 64 : index
      %swap3A_196 = tpu.vector_load %arg7[%swap3A_194, %swap3A_195] {strides = array<i32>} : memref<128x128xf32, #tpu.memory_space<vmem>>, vector<1x16xf32>,
      %swap3A_197 = vector.shape_cast %swap3A_196 : vector<1x16xf32> to vector<16xf32>
      %swap3A_198 = vector.shape_cast %broadcast_in_dim3A_30 : vector<16xf32> to vector<1x16xf32>
      tpu.vector_store %arg7[%swap3A_194, %swap3A_195], %swap3A_198 {strides = array<i32>} : memref<128x128xf32, #tpu.memory_space<vmem>>, vector<1x16xf32>,
      %swap3A_199 = arith.index_cast %scan3A_174 : i32 to index
      %swap3A_200 = arith.constant 80 : index
      %swap3A_201 = tpu.vector_load %arg7[%swap3A_199, %swap3A_200] {strides = array<i32>} : memref<128x128xf32, #tpu.memory_space<vmem>>, vector<1x16xf32>,
      %swap3A_202 = vector.shape_cast %swap3A_201 : vector<1x16xf32> to vector<16xf32>
      %swap3A_203 = vector.shape_cast %broadcast_in_dim3A_30 : vector<16xf32> to vector<1x16xf32>
      tpu.vector_store %arg7[%swap3A_199, %swap3A_200], %swap3A_203 {strides = array<i32>} : memref<128x128xf32, #tpu.memory_space<vmem>>, vector<1x16xf32>,
      %swap3A_204 = arith.index_cast %scan3A_174 : i32 to index
      %swap3A_205 = arith.constant 96 : index
      %swap3A_206 = tpu.vector_load %arg7[%swap3A_204, %swap3A_205] {strides = array<i32>} : memref<128x128xf32, #tpu.memory_space<vmem>>, vector<1x16xf32>,
      %swap3A_207 = vector.shape_cast %swap3A_206 : vector<1x16xf32> to vector<16xf32>
      %swap3A_208 = vector.shape_cast %broadcast_in_dim3A_30 : vector<16xf32> to vector<1x16xf32>
      tpu.vector_store %arg7[%swap3A_204, %swap3A_205], %swap3A_208 {strides = array<i32>} : memref<128x128xf32, #tpu.memory_space<vmem>>, vector<1x16xf32>,
      %swap3A_209 = arith.index_cast %scan3A_174 : i32 to index
      %swap3A_210 = arith.constant 112 : index
      %swap3A_211 = tpu.vector_load %arg7[%swap3A_209, %swap3A_210] {strides = array<i32>} : memref<128x128xf32, #tpu.memory_space<vmem>>, vector<1x16xf32>,
      %swap3A_212 = vector.shape_cast %swap3A_211 : vector<1x16xf32> to vector<16xf32>
      %swap3A_213 = vector.shape_cast %broadcast_in_dim3A_30 : vector<16xf32> to vector<1x16xf32>
      tpu.vector_store %arg7[%swap3A_209, %swap3A_210], %swap3A_213 {strides = array<i32>} : memref<128x128xf32, #tpu.memory_space<vmem>>, vector<1x16xf32>,
    }
    %scan3A_35 = arith.constant 128 : i32
    %mul3A_36 = arith.constant 640 : i32
    %mul3A_37 = arith.muli %arg1, %mul3A_36 : i32
    %add3A_38 = arith.constant 0 : i32
    %add3A_39 = arith.addi %mul3A_37, %add3A_38 : i32
    "tpu.region"() ({
      %run_scoped3A = tpu.sem_alloc : memref<!tpu.dma_semaphore, #tpu.memory_space<semaphore_mem>>
      %dma_start3A_174 = arith.constant 0 : i32
      %dma_start3A_175 = tpu.memref_slice %arg9[%add3A_39, %dma_start3A_174] : memref<10240x128xf32, #tpu.memory_space<vmem_shared>> -> memref<128x128xf32, #tpu.memory_space<vmem_shared>>
      %dma_start3A_176 = arith.constant 0 : i32
      %dma_start3A_177 = tpu.memref_slice %arg9[%add3A_39, %dma_start3A_176] : memref<10240x128xf32, #tpu.memory_space<vmem_shared>> -> memref<128x128xf32, #tpu.memory_space<vmem_shared>>
      tpu.enqueue_dma source(%arg7 : memref<128x128xf32, #tpu.memory_space<vmem>>) target(%dma_start3A_177 : memref<128x128xf32, #tpu.memory_space<vmem_shared>>) target_semaphore(%run_scoped3A : memref<!tpu.dma_semaphore, #tpu.memory_space<semaphore_mem>>)
      %dma_wait3A_178 = arith.constant 0 : i32
      %dma_wait3A_179 = tpu.memref_slice %arg9[%add3A_39, %dma_wait3A_178] : memref<10240x128xf32, #tpu.memory_space<vmem_shared>> -> memref<128x128xf32, #tpu.memory_space<vmem_shared>>
      %dma_wait3A_180 = arith.constant 0 : i32
      %dma_wait3A_181 = tpu.memref_slice %arg9[%add3A_39, %dma_wait3A_180] : memref<10240x128xf32, #tpu.memory_space<vmem_shared>> -> memref<128x128xf32, #tpu.memory_space<vmem_shared>>
      tpu.wait_dma2 semaphore(%run_scoped3A : memref<!tpu.dma_semaphore, #tpu.memory_space<semaphore_mem>>) src(%arg7 : memref<128x128xf32, #tpu.memory_space<vmem>>) dst(%dma_wait3A_181 : memref<128x128xf32, #tpu.memory_space<vmem_shared>>)
      tpu.yield
    }) : () -> ()
    %add3A_40 = arith.constant 128 : i32
    %add3A_41 = arith.addi %mul3A_37, %add3A_40 : i32
    "tpu.region"() ({
      %run_scoped3A = tpu.sem_alloc : memref<!tpu.dma_semaphore, #tpu.memory_space<semaphore_mem>>
      %dma_start3A_174 = arith.constant 0 : i32
      %dma_start3A_175 = tpu.memref_slice %arg9[%add3A_41, %dma_start3A_174] : memref<10240x128xf32, #tpu.memory_space<vmem_shared>> -> memref<128x128xf32, #tpu.memory_space<vmem_shared>>
      %dma_start3A_176 = arith.constant 0 : i32
      %dma_start3A_177 = tpu.memref_slice %arg9[%add3A_41, %dma_start3A_176] : memref<10240x128xf32, #tpu.memory_space<vmem_shared>> -> memref<128x128xf32, #tpu.memory_space<vmem_shared>>
      tpu.enqueue_dma source(%arg7 : memref<128x128xf32, #tpu.memory_space<vmem>>) target(%dma_start3A_177 : memref<128x128xf32, #tpu.memory_space<vmem_shared>>) target_semaphore(%run_scoped3A : memref<!tpu.dma_semaphore, #tpu.memory_space<semaphore_mem>>)
      %dma_wait3A_178 = arith.constant 0 : i32
      %dma_wait3A_179 = tpu.memref_slice %arg9[%add3A_41, %dma_wait3A_178] : memref<10240x128xf32, #tpu.memory_space<vmem_shared>> -> memref<128x128xf32, #tpu.memory_space<vmem_shared>>
      %dma_wait3A_180 = arith.constant 0 : i32
      %dma_wait3A_181 = tpu.memref_slice %arg9[%add3A_41, %dma_wait3A_180] : memref<10240x128xf32, #tpu.memory_space<vmem_shared>> -> memref<128x128xf32, #tpu.memory_space<vmem_shared>>
      tpu.wait_dma2 semaphore(%run_scoped3A : memref<!tpu.dma_semaphore, #tpu.memory_space<semaphore_mem>>) src(%arg7 : memref<128x128xf32, #tpu.memory_space<vmem>>) dst(%dma_wait3A_181 : memref<128x128xf32, #tpu.memory_space<vmem_shared>>)
      tpu.yield
    }) : () -> ()
    %add3A_42 = arith.constant 256 : i32
    %add3A_43 = arith.addi %mul3A_37, %add3A_42 : i32
    "tpu.region"() ({
      %run_scoped3A = tpu.sem_alloc : memref<!tpu.dma_semaphore, #tpu.memory_space<semaphore_mem>>
      %dma_start3A_174 = arith.constant 0 : i32
      %dma_start3A_175 = tpu.memref_slice %arg9[%add3A_43, %dma_start3A_174] : memref<10240x128xf32, #tpu.memory_space<vmem_shared>> -> memref<128x128xf32, #tpu.memory_space<vmem_shared>>
      %dma_start3A_176 = arith.constant 0 : i32
      %dma_start3A_177 = tpu.memref_slice %arg9[%add3A_43, %dma_start3A_176] : memref<10240x128xf32, #tpu.memory_space<vmem_shared>> -> memref<128x128xf32, #tpu.memory_space<vmem_shared>>
      tpu.enqueue_dma source(%arg7 : memref<128x128xf32, #tpu.memory_space<vmem>>) target(%dma_start3A_177 : memref<128x128xf32, #tpu.memory_space<vmem_shared>>) target_semaphore(%run_scoped3A : memref<!tpu.dma_semaphore, #tpu.memory_space<semaphore_mem>>)
      %dma_wait3A_178 = arith.constant 0 : i32
      %dma_wait3A_179 = tpu.memref_slice %arg9[%add3A_43, %dma_wait3A_178] : memref<10240x128xf32, #tpu.memory_space<vmem_shared>> -> memref<128x128xf32, #tpu.memory_space<vmem_shared>>
      %dma_wait3A_180 = arith.constant 0 : i32
      %dma_wait3A_181 = tpu.memref_slice %arg9[%add3A_43, %dma_wait3A_180] : memref<10240x128xf32, #tpu.memory_space<vmem_shared>> -> memref<128x128xf32, #tpu.memory_space<vmem_shared>>
      tpu.wait_dma2 semaphore(%run_scoped3A : memref<!tpu.dma_semaphore, #tpu.memory_space<semaphore_mem>>) src(%arg7 : memref<128x128xf32, #tpu.memory_space<vmem>>) dst(%dma_wait3A_181 : memref<128x128xf32, #tpu.memory_space<vmem_shared>>)
      tpu.yield
    }) : () -> ()
    %add3A_44 = arith.constant 384 : i32
    %add3A_45 = arith.addi %mul3A_37, %add3A_44 : i32
    "tpu.region"() ({
      %run_scoped3A = tpu.sem_alloc : memref<!tpu.dma_semaphore, #tpu.memory_space<semaphore_mem>>
      %dma_start3A_174 = arith.constant 0 : i32
      %dma_start3A_175 = tpu.memref_slice %arg9[%add3A_45, %dma_start3A_174] : memref<10240x128xf32, #tpu.memory_space<vmem_shared>> -> memref<128x128xf32, #tpu.memory_space<vmem_shared>>
      %dma_start3A_176 = arith.constant 0 : i32
      %dma_start3A_177 = tpu.memref_slice %arg9[%add3A_45, %dma_start3A_176] : memref<10240x128xf32, #tpu.memory_space<vmem_shared>> -> memref<128x128xf32, #tpu.memory_space<vmem_shared>>
      tpu.enqueue_dma source(%arg7 : memref<128x128xf32, #tpu.memory_space<vmem>>) target(%dma_start3A_177 : memref<128x128xf32, #tpu.memory_space<vmem_shared>>) target_semaphore(%run_scoped3A : memref<!tpu.dma_semaphore, #tpu.memory_space<semaphore_mem>>)
      %dma_wait3A_178 = arith.constant 0 : i32
      %dma_wait3A_179 = tpu.memref_slice %arg9[%add3A_45, %dma_wait3A_178] : memref<10240x128xf32, #tpu.memory_space<vmem_shared>> -> memref<128x128xf32, #tpu.memory_space<vmem_shared>>
      %dma_wait3A_180 = arith.constant 0 : i32
      %dma_wait3A_181 = tpu.memref_slice %arg9[%add3A_45, %dma_wait3A_180] : memref<10240x128xf32, #tpu.memory_space<vmem_shared>> -> memref<128x128xf32, #tpu.memory_space<vmem_shared>>
      tpu.wait_dma2 semaphore(%run_scoped3A : memref<!tpu.dma_semaphore, #tpu.memory_space<semaphore_mem>>) src(%arg7 : memref<128x128xf32, #tpu.memory_space<vmem>>) dst(%dma_wait3A_181 : memref<128x128xf32, #tpu.memory_space<vmem_shared>>)
      tpu.yield
    }) : () -> ()
    %add3A_46 = arith.constant 512 : i32
    %add3A_47 = arith.addi %mul3A_37, %add3A_46 : i32
    "tpu.region"() ({
      %run_scoped3A = tpu.sem_alloc : memref<!tpu.dma_semaphore, #tpu.memory_space<semaphore_mem>>
      %dma_start3A_174 = arith.constant 0 : i32
      %dma_start3A_175 = tpu.memref_slice %arg9[%add3A_47, %dma_start3A_174] : memref<10240x128xf32, #tpu.memory_space<vmem_shared>> -> memref<128x128xf32, #tpu.memory_space<vmem_shared>>
      %dma_start3A_176 = arith.constant 0 : i32
      %dma_start3A_177 = tpu.memref_slice %arg9[%add3A_47, %dma_start3A_176] : memref<10240x128xf32, #tpu.memory_space<vmem_shared>> -> memref<128x128xf32, #tpu.memory_space<vmem_shared>>
      tpu.enqueue_dma source(%arg7 : memref<128x128xf32, #tpu.memory_space<vmem>>) target(%dma_start3A_177 : memref<128x128xf32, #tpu.memory_space<vmem_shared>>) target_semaphore(%run_scoped3A : memref<!tpu.dma_semaphore, #tpu.memory_space<semaphore_mem>>)
      %dma_wait3A_178 = arith.constant 0 : i32
      %dma_wait3A_179 = tpu.memref_slice %arg9[%add3A_47, %dma_wait3A_178] : memref<10240x128xf32, #tpu.memory_space<vmem_shared>> -> memref<128x128xf32, #tpu.memory_space<vmem_shared>>
      %dma_wait3A_180 = arith.constant 0 : i32
      %dma_wait3A_181 = tpu.memref_slice %arg9[%add3A_47, %dma_wait3A_180] : memref<10240x128xf32, #tpu.memory_space<vmem_shared>> -> memref<128x128xf32, #tpu.memory_space<vmem_shared>>
      tpu.wait_dma2 semaphore(%run_scoped3A : memref<!tpu.dma_semaphore, #tpu.memory_space<semaphore_mem>>) src(%arg7 : memref<128x128xf32, #tpu.memory_space<vmem>>) dst(%dma_wait3A_181 : memref<128x128xf32, #tpu.memory_space<vmem_shared>>)
      tpu.yield
    }) : () -> ()
    %dma_wait3A = arith.constant 0 : i32
    %dma_wait3A_48 = arith.constant 0 : i32
    %dma_wait3A_49 = arith.constant 0 : i32
    %dma_wait3A_50 = tpu.memref_slice %arg3[%dma_wait3A, %dma_wait3A_48, %dma_wait3A_49] : memref<2x2500x128xi32, #tpu.memory_space<hbm>> -> memref<1x2500x128xi32, #tpu.memory_space<hbm>>
    %dma_wait3A_51 = tpu.memref_squeeze %dma_wait3A_50 : memref<1x2500x128xi32, #tpu.memory_space<hbm>> -> memref<2500x128xi32, #tpu.memory_space<hbm>>
    %dma_wait3A_52 = arith.constant 0 : i32
    %dma_wait3A_53 = tpu.memref_slice %dma_wait3A_51[%add3A_4, %dma_wait3A_52] : memref<2500x128xi32, #tpu.memory_space<hbm>> -> memref<40x128xi32, #tpu.memory_space<hbm>>
    %dma_wait3A_54 = arith.constant 0 : i32
    %dma_wait3A_55 = arith.constant 0 : i32
    %dma_wait3A_56 = tpu.memref_slice %arg3[%dma_wait3A, %dma_wait3A_54, %dma_wait3A_55] : memref<2x2500x128xi32, #tpu.memory_space<hbm>> -> memref<1x2500x128xi32, #tpu.memory_space<hbm>>
    %dma_wait3A_57 = tpu.memref_squeeze %dma_wait3A_56 : memref<1x2500x128xi32, #tpu.memory_space<hbm>> -> memref<2500x128xi32, #tpu.memory_space<hbm>>
    %dma_wait3A_58 = arith.constant 0 : i32
    %dma_wait3A_59 = tpu.memref_slice %dma_wait3A_57[%add3A_4, %dma_wait3A_58] : memref<2500x128xi32, #tpu.memory_space<hbm>> -> memref<40x128xi32, #tpu.memory_space<hbm>>
    tpu.wait_dma2 semaphore(%arg10 : memref<!tpu.dma_semaphore, #tpu.memory_space<semaphore_mem>>) src(%dma_wait3A_59 : memref<40x128xi32, #tpu.memory_space<hbm>>) dst(%arg5 : memref<40x128xi32, #tpu.memory_space<vmem>>)
    %dma_wait3A_60 = arith.constant 1 : i32
    %dma_wait3A_61 = arith.constant 0 : i32
    %dma_wait3A_62 = arith.constant 0 : i32
    %dma_wait3A_63 = tpu.memref_slice %arg3[%dma_wait3A_60, %dma_wait3A_61, %dma_wait3A_62] : memref<2x2500x128xi32, #tpu.memory_space<hbm>> -> memref<1x2500x128xi32, #tpu.memory_space<hbm>>
    %dma_wait3A_64 = tpu.memref_squeeze %dma_wait3A_63 : memref<1x2500x128xi32, #tpu.memory_space<hbm>> -> memref<2500x128xi32, #tpu.memory_space<hbm>>
    %dma_wait3A_65 = arith.constant 0 : i32
    %dma_wait3A_66 = tpu.memref_slice %dma_wait3A_64[%add3A_4, %dma_wait3A_65] : memref<2500x128xi32, #tpu.memory_space<hbm>> -> memref<40x128xi32, #tpu.memory_space<hbm>>
    %dma_wait3A_67 = arith.constant 0 : i32
    %dma_wait3A_68 = arith.constant 0 : i32
    %dma_wait3A_69 = tpu.memref_slice %arg3[%dma_wait3A_60, %dma_wait3A_67, %dma_wait3A_68] : memref<2x2500x128xi32, #tpu.memory_space<hbm>> -> memref<1x2500x128xi32, #tpu.memory_space<hbm>>
    %dma_wait3A_70 = tpu.memref_squeeze %dma_wait3A_69 : memref<1x2500x128xi32, #tpu.memory_space<hbm>> -> memref<2500x128xi32, #tpu.memory_space<hbm>>
    %dma_wait3A_71 = arith.constant 0 : i32
    %dma_wait3A_72 = tpu.memref_slice %dma_wait3A_70[%add3A_4, %dma_wait3A_71] : memref<2500x128xi32, #tpu.memory_space<hbm>> -> memref<40x128xi32, #tpu.memory_space<hbm>>
    tpu.wait_dma2 semaphore(%arg11 : memref<!tpu.dma_semaphore, #tpu.memory_space<semaphore_mem>>) src(%dma_wait3A_72 : memref<40x128xi32, #tpu.memory_space<hbm>>) dst(%arg6 : memref<40x128xi32, #tpu.memory_space<vmem>>)
    %barrier3A = arith.constant 0 : index
    tpu.barrier barrier_id(%barrier3A)
    %lt3A = arith.constant 4 : i32
    %lt3A_73 = arith.cmpi slt, %add3A, %lt3A : i32
    %convert_element_type3A = arith.extui %lt3A_73 : i1 to i32
    %cond3A = arith.constant 0 : i32
    %cond3A_74 = arith.constant 1 : i32
    %cond3A_75 = arith.constant 0 : i32
    %cond3A_76 = arith.cmpi ne, %convert_element_type3A, %cond3A_75 : i32
    scf.if %cond3A_76 {
      %dma_start3A_174 = arith.constant 0 : i32
      %dma_start3A_175 = arith.constant 0 : i32
      %dma_start3A_176 = tpu.memref_slice %arg5[%dma_start3A_174, %dma_start3A_175] : memref<40x128xi32, #tpu.memory_space<vmem>> -> memref<1x128xi32, #tpu.memory_space<vmem>>
      %dma_start3A_177 = tpu.memref_squeeze %dma_start3A_176 : memref<1x128xi32, #tpu.memory_space<vmem>> -> memref<128xi32, #tpu.memory_space<vmem>>
      %dma_start3A_178 = arith.constant 0 : i32
      %dma_start3A_179 = arith.constant 0 : i32
      %dma_start3A_180 = tpu.memref_slice %arg2[%dma_start3A_178, %dma_start3A_179] : memref<10000x128xf32, #tpu.memory_space<hbm>> -> memref<10000x128xf32, #tpu.memory_space<hbm>>
      tpu.enqueue_indirect_dma source(%dma_start3A_180 : memref<10000x128xf32, #tpu.memory_space<hbm>>) target(%arg7 : memref<128x128xf32, #tpu.memory_space<vmem>>) offsets(%dma_start3A_177 : memref<128xi32, #tpu.memory_space<vmem>>) semaphore(%arg10 : memref<!tpu.dma_semaphore, #tpu.memory_space<semaphore_mem>>)
      %scan3A_181 = arith.constant 0 : i32
      %scan3A_182 = arith.constant 0 : i32
      %scan3A_183 = arith.constant 20 : i32
      %scan3A_184 = arith.addi %scan3A_182, %scan3A_183 : i32
      %scan3A_185 = arith.constant 1 : i32
      scf.for %scan3A_211 = %scan3A_182 to %scan3A_184 step %scan3A_185  : i32 {
        %mul3A_212 = arith.constant 2 : i32
        %mul3A_213 = arith.muli %mul3A_212, %scan3A_211 : i32
        %add3A_214 = arith.constant 1 : i32
        %add3A_215 = arith.addi %mul3A_213, %add3A_214 : i32
        %dma_start3A_216 = arith.constant 0 : i32
        %dma_start3A_217 = tpu.memref_slice %arg5[%add3A_215, %dma_start3A_216] : memref<40x128xi32, #tpu.memory_space<vmem>> -> memref<1x128xi32, #tpu.memory_space<vmem>>
        %dma_start3A_218 = tpu.memref_squeeze %dma_start3A_217 : memref<1x128xi32, #tpu.memory_space<vmem>> -> memref<128xi32, #tpu.memory_space<vmem>>
        %dma_start3A_219 = arith.constant 0 : i32
        %dma_start3A_220 = arith.constant 0 : i32
        %dma_start3A_221 = tpu.memref_slice %arg2[%dma_start3A_219, %dma_start3A_220] : memref<10000x128xf32, #tpu.memory_space<hbm>> -> memref<10000x128xf32, #tpu.memory_space<hbm>>
        tpu.enqueue_indirect_dma source(%dma_start3A_221 : memref<10000x128xf32, #tpu.memory_space<hbm>>) target(%arg8 : memref<128x128xf32, #tpu.memory_space<vmem>>) offsets(%dma_start3A_218 : memref<128xi32, #tpu.memory_space<vmem>>) semaphore(%arg11 : memref<!tpu.dma_semaphore, #tpu.memory_space<semaphore_mem>>)
        %dma_wait3A_222 = arith.constant 0 : i32
        %dma_wait3A_223 = tpu.memref_slice %arg5[%mul3A_213, %dma_wait3A_222] : memref<40x128xi32, #tpu.memory_space<vmem>> -> memref<1x128xi32, #tpu.memory_space<vmem>>
        %dma_wait3A_224 = tpu.memref_squeeze %dma_wait3A_223 : memref<1x128xi32, #tpu.memory_space<vmem>> -> memref<128xi32, #tpu.memory_space<vmem>>
        %dma_wait3A_225 = arith.constant 0 : i32
        %dma_wait3A_226 = arith.constant 0 : i32
        %dma_wait3A_227 = tpu.memref_slice %arg2[%dma_wait3A_225, %dma_wait3A_226] : memref<10000x128xf32, #tpu.memory_space<hbm>> -> memref<10000x128xf32, #tpu.memory_space<hbm>>
        tpu.wait_indirect_dma semaphore(%arg10 : memref<!tpu.dma_semaphore, #tpu.memory_space<semaphore_mem>>) src(%dma_wait3A_227 : memref<10000x128xf32, #tpu.memory_space<hbm>>) dst(%arg7 : memref<128x128xf32, #tpu.memory_space<vmem>>)
        "tpu.region"() ({
          %run_scoped3A_245 = tpu.sem_alloc : memref<!tpu.dma_semaphore, #tpu.memory_space<semaphore_mem>>
          %dma_start3A_246 = arith.constant 0 : i32
          %dma_start3A_247 = tpu.memref_slice %arg6[%mul3A_213, %dma_start3A_246] : memref<40x128xi32, #tpu.memory_space<vmem>> -> memref<1x128xi32, #tpu.memory_space<vmem>>
          %dma_start3A_248 = tpu.memref_squeeze %dma_start3A_247 : memref<1x128xi32, #tpu.memory_space<vmem>> -> memref<128xi32, #tpu.memory_space<vmem>>
          %dma_start3A_249 = arith.constant 0 : i32
          %dma_start3A_250 = arith.constant 0 : i32
          %dma_start3A_251 = tpu.memref_slice %arg9[%dma_start3A_249, %dma_start3A_250] : memref<10240x128xf32, #tpu.memory_space<vmem_shared>> -> memref<10240x128xf32, #tpu.memory_space<vmem_shared>>
          tpu.enqueue_indirect_dma source(%arg7 : memref<128x128xf32, #tpu.memory_space<vmem>>) target(%dma_start3A_251 : memref<10240x128xf32, #tpu.memory_space<vmem_shared>>) offsets(%dma_start3A_248 : memref<128xi32, #tpu.memory_space<vmem>>) semaphore(%run_scoped3A_245 : memref<!tpu.dma_semaphore, #tpu.memory_space<semaphore_mem>>) {add = true}
          %dma_wait3A_252 = arith.constant 0 : i32
          %dma_wait3A_253 = tpu.memref_slice %arg6[%mul3A_213, %dma_wait3A_252] : memref<40x128xi32, #tpu.memory_space<vmem>> -> memref<1x128xi32, #tpu.memory_space<vmem>>
          %dma_wait3A_254 = tpu.memref_squeeze %dma_wait3A_253 : memref<1x128xi32, #tpu.memory_space<vmem>> -> memref<128xi32, #tpu.memory_space<vmem>>
          %dma_wait3A_255 = arith.constant 0 : i32
          %dma_wait3A_256 = arith.constant 0 : i32
          %dma_wait3A_257 = tpu.memref_slice %arg9[%dma_wait3A_255, %dma_wait3A_256] : memref<10240x128xf32, #tpu.memory_space<vmem_shared>> -> memref<10240x128xf32, #tpu.memory_space<vmem_shared>>
          tpu.wait_indirect_dma semaphore(%run_scoped3A_245 : memref<!tpu.dma_semaphore, #tpu.memory_space<semaphore_mem>>) src(%arg7 : memref<128x128xf32, #tpu.memory_space<vmem>>) dst(%dma_wait3A_257 : memref<10240x128xf32, #tpu.memory_space<vmem_shared>>)
          tpu.yield
        }) : () -> ()
        %add3A_228 = arith.constant 2 : i32
        %add3A_229 = arith.addi %mul3A_213, %add3A_228 : i32
        %lt3A_230 = arith.constant 40 : i32
        %lt3A_231 = arith.cmpi slt, %add3A_229, %lt3A_230 : i32
        %convert_element_type3A_232 = arith.extui %lt3A_231 : i1 to i32
        %cond3A_233 = arith.constant 0 : i32
        %cond3A_234 = arith.cmpi ne, %convert_element_type3A_232, %cond3A_233 : i32
        scf.if %cond3A_234 {
          %add3A_245 = arith.constant 2 : i32
          %add3A_246 = arith.addi %mul3A_213, %add3A_245 : i32
          %dma_start3A_247 = arith.constant 0 : i32
          %dma_start3A_248 = tpu.memref_slice %arg5[%add3A_246, %dma_start3A_247] : memref<40x128xi32, #tpu.memory_space<vmem>> -> memref<1x128xi32, #tpu.memory_space<vmem>>
          %dma_start3A_249 = tpu.memref_squeeze %dma_start3A_248 : memref<1x128xi32, #tpu.memory_space<vmem>> -> memref<128xi32, #tpu.memory_space<vmem>>
          %dma_start3A_250 = arith.constant 0 : i32
          %dma_start3A_251 = arith.constant 0 : i32
          %dma_start3A_252 = tpu.memref_slice %arg2[%dma_start3A_250, %dma_start3A_251] : memref<10000x128xf32, #tpu.memory_space<hbm>> -> memref<10000x128xf32, #tpu.memory_space<hbm>>
          tpu.enqueue_indirect_dma source(%dma_start3A_252 : memref<10000x128xf32, #tpu.memory_space<hbm>>) target(%arg7 : memref<128x128xf32, #tpu.memory_space<vmem>>) offsets(%dma_start3A_249 : memref<128xi32, #tpu.memory_space<vmem>>) semaphore(%arg10 : memref<!tpu.dma_semaphore, #tpu.memory_space<semaphore_mem>>)
        } else {
        }
        %add3A_235 = arith.constant 1 : i32
        %add3A_236 = arith.addi %mul3A_213, %add3A_235 : i32
        %dma_wait3A_237 = arith.constant 0 : i32
        %dma_wait3A_238 = tpu.memref_slice %arg5[%add3A_236, %dma_wait3A_237] : memref<40x128xi32, #tpu.memory_space<vmem>> -> memref<1x128xi32, #tpu.memory_space<vmem>>
        %dma_wait3A_239 = tpu.memref_squeeze %dma_wait3A_238 : memref<1x128xi32, #tpu.memory_space<vmem>> -> memref<128xi32, #tpu.memory_space<vmem>>
        %dma_wait3A_240 = arith.constant 0 : i32
        %dma_wait3A_241 = arith.constant 0 : i32
        %dma_wait3A_242 = tpu.memref_slice %arg2[%dma_wait3A_240, %dma_wait3A_241] : memref<10000x128xf32, #tpu.memory_space<hbm>> -> memref<10000x128xf32, #tpu.memory_space<hbm>>
        tpu.wait_indirect_dma semaphore(%arg11 : memref<!tpu.dma_semaphore, #tpu.memory_space<semaphore_mem>>) src(%dma_wait3A_242 : memref<10000x128xf32, #tpu.memory_space<hbm>>) dst(%arg8 : memref<128x128xf32, #tpu.memory_space<vmem>>)
        %add3A_243 = arith.constant 1 : i32
        %add3A_244 = arith.addi %mul3A_213, %add3A_243 : i32
        "tpu.region"() ({
          %run_scoped3A_245 = tpu.sem_alloc : memref<!tpu.dma_semaphore, #tpu.memory_space<semaphore_mem>>
          %dma_start3A_246 = arith.constant 0 : i32
          %dma_start3A_247 = tpu.memref_slice %arg6[%add3A_244, %dma_start3A_246] : memref<40x128xi32, #tpu.memory_space<vmem>> -> memref<1x128xi32, #tpu.memory_space<vmem>>
          %dma_start3A_248 = tpu.memref_squeeze %dma_start3A_247 : memref<1x128xi32, #tpu.memory_space<vmem>> -> memref<128xi32, #tpu.memory_space<vmem>>
          %dma_start3A_249 = arith.constant 0 : i32
          %dma_start3A_250 = arith.constant 0 : i32
          %dma_start3A_251 = tpu.memref_slice %arg9[%dma_start3A_249, %dma_start3A_250] : memref<10240x128xf32, #tpu.memory_space<vmem_shared>> -> memref<10240x128xf32, #tpu.memory_space<vmem_shared>>
          tpu.enqueue_indirect_dma source(%arg8 : memref<128x128xf32, #tpu.memory_space<vmem>>) target(%dma_start3A_251 : memref<10240x128xf32, #tpu.memory_space<vmem_shared>>) offsets(%dma_start3A_248 : memref<128xi32, #tpu.memory_space<vmem>>) semaphore(%run_scoped3A_245 : memref<!tpu.dma_semaphore, #tpu.memory_space<semaphore_mem>>) {add = true}
          %dma_wait3A_252 = arith.constant 0 : i32
          %dma_wait3A_253 = tpu.memref_slice %arg6[%add3A_244, %dma_wait3A_252] : memref<40x128xi32, #tpu.memory_space<vmem>> -> memref<1x128xi32, #tpu.memory_space<vmem>>
          %dma_wait3A_254 = tpu.memref_squeeze %dma_wait3A_253 : memref<1x128xi32, #tpu.memory_space<vmem>> -> memref<128xi32, #tpu.memory_space<vmem>>
          %dma_wait3A_255 = arith.constant 0 : i32
          %dma_wait3A_256 = arith.constant 0 : i32
          %dma_wait3A_257 = tpu.memref_slice %arg9[%dma_wait3A_255, %dma_wait3A_256] : memref<10240x128xf32, #tpu.memory_space<vmem_shared>> -> memref<10240x128xf32, #tpu.memory_space<vmem_shared>>
          tpu.wait_indirect_dma semaphore(%run_scoped3A_245 : memref<!tpu.dma_semaphore, #tpu.memory_space<semaphore_mem>>) src(%arg8 : memref<128x128xf32, #tpu.memory_space<vmem>>) dst(%dma_wait3A_257 : memref<10240x128xf32, #tpu.memory_space<vmem_shared>>)
          tpu.yield
        }) : () -> ()
      }
      %scan3A_186 = arith.constant 20 : i32
      %add3A_187 = arith.constant 40 : i32
      %add3A_188 = arith.addi %add3A_4, %add3A_187 : i32
      "tpu.region"() ({
        %run_scoped3A_211 = tpu.sem_alloc : memref<!tpu.dma_semaphore, #tpu.memory_space<semaphore_mem>>
        %dma_start3A_212 = arith.constant 0 : i32
        %dma_start3A_213 = arith.constant 0 : i32
        %dma_start3A_214 = tpu.memref_slice %arg5[%dma_start3A_212, %dma_start3A_213] : memref<40x128xi32, #tpu.memory_space<vmem>> -> memref<39x128xi32, #tpu.memory_space<vmem>>
        %dma_start3A_215 = arith.constant 0 : i32
        %dma_start3A_216 = arith.constant 0 : i32
        %dma_start3A_217 = tpu.memref_slice %arg3[%cond3A, %dma_start3A_215, %dma_start3A_216] : memref<2x2500x128xi32, #tpu.memory_space<hbm>> -> memref<1x2500x128xi32, #tpu.memory_space<hbm>>
        %dma_start3A_218 = tpu.memref_squeeze %dma_start3A_217 : memref<1x2500x128xi32, #tpu.memory_space<hbm>> -> memref<2500x128xi32, #tpu.memory_space<hbm>>
        %dma_start3A_219 = arith.constant 0 : i32
        %dma_start3A_220 = tpu.memref_slice %dma_start3A_218[%add3A_188, %dma_start3A_219] : memref<2500x128xi32, #tpu.memory_space<hbm>> -> memref<39x128xi32, #tpu.memory_space<hbm>>
        %dma_start3A_221 = arith.constant 0 : i32
        %dma_start3A_222 = arith.constant 0 : i32
        %dma_start3A_223 = tpu.memref_slice %arg5[%dma_start3A_221, %dma_start3A_222] : memref<40x128xi32, #tpu.memory_space<vmem>> -> memref<39x128xi32, #tpu.memory_space<vmem>>
        %dma_start3A_224 = arith.constant 0 : i32
        %dma_start3A_225 = arith.constant 0 : i32
        %dma_start3A_226 = tpu.memref_slice %arg3[%cond3A, %dma_start3A_224, %dma_start3A_225] : memref<2x2500x128xi32, #tpu.memory_space<hbm>> -> memref<1x2500x128xi32, #tpu.memory_space<hbm>>
        %dma_start3A_227 = tpu.memref_squeeze %dma_start3A_226 : memref<1x2500x128xi32, #tpu.memory_space<hbm>> -> memref<2500x128xi32, #tpu.memory_space<hbm>>
        %dma_start3A_228 = arith.constant 0 : i32
        %dma_start3A_229 = tpu.memref_slice %dma_start3A_227[%add3A_188, %dma_start3A_228] : memref<2500x128xi32, #tpu.memory_space<hbm>> -> memref<39x128xi32, #tpu.memory_space<hbm>>
        tpu.enqueue_dma source(%dma_start3A_229 : memref<39x128xi32, #tpu.memory_space<hbm>>) target(%dma_start3A_223 : memref<39x128xi32, #tpu.memory_space<vmem>>) target_semaphore(%run_scoped3A_211 : memref<!tpu.dma_semaphore, #tpu.memory_space<semaphore_mem>>)
        %dma_wait3A_230 = arith.constant 0 : i32
        %dma_wait3A_231 = arith.constant 0 : i32
        %dma_wait3A_232 = tpu.memref_slice %arg5[%dma_wait3A_230, %dma_wait3A_231] : memref<40x128xi32, #tpu.memory_space<vmem>> -> memref<39x128xi32, #tpu.memory_space<vmem>>
        %dma_wait3A_233 = arith.constant 0 : i32
        %dma_wait3A_234 = arith.constant 0 : i32
        %dma_wait3A_235 = tpu.memref_slice %arg3[%cond3A, %dma_wait3A_233, %dma_wait3A_234] : memref<2x2500x128xi32, #tpu.memory_space<hbm>> -> memref<1x2500x128xi32, #tpu.memory_space<hbm>>
        %dma_wait3A_236 = tpu.memref_squeeze %dma_wait3A_235 : memref<1x2500x128xi32, #tpu.memory_space<hbm>> -> memref<2500x128xi32, #tpu.memory_space<hbm>>
        %dma_wait3A_237 = arith.constant 0 : i32
        %dma_wait3A_238 = tpu.memref_slice %dma_wait3A_236[%add3A_188, %dma_wait3A_237] : memref<2500x128xi32, #tpu.memory_space<hbm>> -> memref<39x128xi32, #tpu.memory_space<hbm>>
        %dma_wait3A_239 = arith.constant 0 : i32
        %dma_wait3A_240 = arith.constant 0 : i32
        %dma_wait3A_241 = tpu.memref_slice %arg5[%dma_wait3A_239, %dma_wait3A_240] : memref<40x128xi32, #tpu.memory_space<vmem>> -> memref<39x128xi32, #tpu.memory_space<vmem>>
        %dma_wait3A_242 = arith.constant 0 : i32
        %dma_wait3A_243 = arith.constant 0 : i32
        %dma_wait3A_244 = tpu.memref_slice %arg3[%cond3A, %dma_wait3A_242, %dma_wait3A_243] : memref<2x2500x128xi32, #tpu.memory_space<hbm>> -> memref<1x2500x128xi32, #tpu.memory_space<hbm>>
        %dma_wait3A_245 = tpu.memref_squeeze %dma_wait3A_244 : memref<1x2500x128xi32, #tpu.memory_space<hbm>> -> memref<2500x128xi32, #tpu.memory_space<hbm>>
        %dma_wait3A_246 = arith.constant 0 : i32
        %dma_wait3A_247 = tpu.memref_slice %dma_wait3A_245[%add3A_188, %dma_wait3A_246] : memref<2500x128xi32, #tpu.memory_space<hbm>> -> memref<39x128xi32, #tpu.memory_space<hbm>>
        tpu.wait_dma2 semaphore(%run_scoped3A_211 : memref<!tpu.dma_semaphore, #tpu.memory_space<semaphore_mem>>) src(%dma_wait3A_247 : memref<39x128xi32, #tpu.memory_space<hbm>>) dst(%dma_wait3A_241 : memref<39x128xi32, #tpu.memory_space<vmem>>)
        tpu.yield
      }) : () -> ()
      %add3A_189 = arith.constant 40 : i32
      %add3A_190 = arith.addi %add3A_4, %add3A_189 : i32
      "tpu.region"() ({
        %run_scoped3A_211 = tpu.sem_alloc : memref<!tpu.dma_semaphore, #tpu.memory_space<semaphore_mem>>
        %dma_start3A_212 = arith.constant 0 : i32
        %dma_start3A_213 = arith.constant 0 : i32
        %dma_start3A_214 = tpu.memref_slice %arg6[%dma_start3A_212, %dma_start3A_213] : memref<40x128xi32, #tpu.memory_space<vmem>> -> memref<39x128xi32, #tpu.memory_space<vmem>>
        %dma_start3A_215 = arith.constant 0 : i32
        %dma_start3A_216 = arith.constant 0 : i32
        %dma_start3A_217 = tpu.memref_slice %arg3[%cond3A_74, %dma_start3A_215, %dma_start3A_216] : memref<2x2500x128xi32, #tpu.memory_space<hbm>> -> memref<1x2500x128xi32, #tpu.memory_space<hbm>>
        %dma_start3A_218 = tpu.memref_squeeze %dma_start3A_217 : memref<1x2500x128xi32, #tpu.memory_space<hbm>> -> memref<2500x128xi32, #tpu.memory_space<hbm>>
        %dma_start3A_219 = arith.constant 0 : i32
        %dma_start3A_220 = tpu.memref_slice %dma_start3A_218[%add3A_190, %dma_start3A_219] : memref<2500x128xi32, #tpu.memory_space<hbm>> -> memref<39x128xi32, #tpu.memory_space<hbm>>
        %dma_start3A_221 = arith.constant 0 : i32
        %dma_start3A_222 = arith.constant 0 : i32
        %dma_start3A_223 = tpu.memref_slice %arg6[%dma_start3A_221, %dma_start3A_222] : memref<40x128xi32, #tpu.memory_space<vmem>> -> memref<39x128xi32, #tpu.memory_space<vmem>>
        %dma_start3A_224 = arith.constant 0 : i32
        %dma_start3A_225 = arith.constant 0 : i32
        %dma_start3A_226 = tpu.memref_slice %arg3[%cond3A_74, %dma_start3A_224, %dma_start3A_225] : memref<2x2500x128xi32, #tpu.memory_space<hbm>> -> memref<1x2500x128xi32, #tpu.memory_space<hbm>>
        %dma_start3A_227 = tpu.memref_squeeze %dma_start3A_226 : memref<1x2500x128xi32, #tpu.memory_space<hbm>> -> memref<2500x128xi32, #tpu.memory_space<hbm>>
        %dma_start3A_228 = arith.constant 0 : i32
        %dma_start3A_229 = tpu.memref_slice %dma_start3A_227[%add3A_190, %dma_start3A_228] : memref<2500x128xi32, #tpu.memory_space<hbm>> -> memref<39x128xi32, #tpu.memory_space<hbm>>
        tpu.enqueue_dma source(%dma_start3A_229 : memref<39x128xi32, #tpu.memory_space<hbm>>) target(%dma_start3A_223 : memref<39x128xi32, #tpu.memory_space<vmem>>) target_semaphore(%run_scoped3A_211 : memref<!tpu.dma_semaphore, #tpu.memory_space<semaphore_mem>>)
        %dma_wait3A_230 = arith.constant 0 : i32
        %dma_wait3A_231 = arith.constant 0 : i32
        %dma_wait3A_232 = tpu.memref_slice %arg6[%dma_wait3A_230, %dma_wait3A_231] : memref<40x128xi32, #tpu.memory_space<vmem>> -> memref<39x128xi32, #tpu.memory_space<vmem>>
        %dma_wait3A_233 = arith.constant 0 : i32
        %dma_wait3A_234 = arith.constant 0 : i32
        %dma_wait3A_235 = tpu.memref_slice %arg3[%cond3A_74, %dma_wait3A_233, %dma_wait3A_234] : memref<2x2500x128xi32, #tpu.memory_space<hbm>> -> memref<1x2500x128xi32, #tpu.memory_space<hbm>>
        %dma_wait3A_236 = tpu.memref_squeeze %dma_wait3A_235 : memref<1x2500x128xi32, #tpu.memory_space<hbm>> -> memref<2500x128xi32, #tpu.memory_space<hbm>>
        %dma_wait3A_237 = arith.constant 0 : i32
        %dma_wait3A_238 = tpu.memref_slice %dma_wait3A_236[%add3A_190, %dma_wait3A_237] : memref<2500x128xi32, #tpu.memory_space<hbm>> -> memref<39x128xi32, #tpu.memory_space<hbm>>
        %dma_wait3A_239 = arith.constant 0 : i32
        %dma_wait3A_240 = arith.constant 0 : i32
        %dma_wait3A_241 = tpu.memref_slice %arg6[%dma_wait3A_239, %dma_wait3A_240] : memref<40x128xi32, #tpu.memory_space<vmem>> -> memref<39x128xi32, #tpu.memory_space<vmem>>
        %dma_wait3A_242 = arith.constant 0 : i32
        %dma_wait3A_243 = arith.constant 0 : i32
        %dma_wait3A_244 = tpu.memref_slice %arg3[%cond3A_74, %dma_wait3A_242, %dma_wait3A_243] : memref<2x2500x128xi32, #tpu.memory_space<hbm>> -> memref<1x2500x128xi32, #tpu.memory_space<hbm>>
        %dma_wait3A_245 = tpu.memref_squeeze %dma_wait3A_244 : memref<1x2500x128xi32, #tpu.memory_space<hbm>> -> memref<2500x128xi32, #tpu.memory_space<hbm>>
        %dma_wait3A_246 = arith.constant 0 : i32
        %dma_wait3A_247 = tpu.memref_slice %dma_wait3A_245[%add3A_190, %dma_wait3A_246] : memref<2500x128xi32, #tpu.memory_space<hbm>> -> memref<39x128xi32, #tpu.memory_space<hbm>>
        tpu.wait_dma2 semaphore(%run_scoped3A_211 : memref<!tpu.dma_semaphore, #tpu.memory_space<semaphore_mem>>) src(%dma_wait3A_247 : memref<39x128xi32, #tpu.memory_space<hbm>>) dst(%dma_wait3A_241 : memref<39x128xi32, #tpu.memory_space<vmem>>)
        tpu.yield
      }) : () -> ()
      %dma_start3A_191 = arith.constant 0 : i32
      %dma_start3A_192 = arith.constant 0 : i32
      %dma_start3A_193 = tpu.memref_slice %arg5[%dma_start3A_191, %dma_start3A_192] : memref<40x128xi32, #tpu.memory_space<vmem>> -> memref<1x128xi32, #tpu.memory_space<vmem>>
      %dma_start3A_194 = tpu.memref_squeeze %dma_start3A_193 : memref<1x128xi32, #tpu.memory_space<vmem>> -> memref<128xi32, #tpu.memory_space<vmem>>
      %dma_start3A_195 = arith.constant 0 : i32
      %dma_start3A_196 = arith.constant 0 : i32
      %dma_start3A_197 = tpu.memref_slice %arg2[%dma_start3A_195, %dma_start3A_196] : memref<10000x128xf32, #tpu.memory_space<hbm>> -> memref<10000x128xf32, #tpu.memory_space<hbm>>
      tpu.enqueue_indirect_dma source(%dma_start3A_197 : memref<10000x128xf32, #tpu.memory_space<hbm>>) target(%arg7 : memref<128x128xf32, #tpu.memory_space<vmem>>) offsets(%dma_start3A_194 : memref<128xi32, #tpu.memory_space<vmem>>) semaphore(%arg10 : memref<!tpu.dma_semaphore, #tpu.memory_space<semaphore_mem>>)
      %scan3A_198 = arith.constant 0 : i32
      %scan3A_199 = arith.constant 0 : i32
      %scan3A_200 = arith.constant 19 : i32
      %scan3A_201 = arith.addi %scan3A_199, %scan3A_200 : i32
      %scan3A_202 = arith.constant 1 : i32
      scf.for %scan3A_211 = %scan3A_199 to %scan3A_201 step %scan3A_202  : i32 {
        %mul3A_212 = arith.constant 2 : i32
        %mul3A_213 = arith.muli %mul3A_212, %scan3A_211 : i32
        %add3A_214 = arith.constant 1 : i32
        %add3A_215 = arith.addi %mul3A_213, %add3A_214 : i32
        %dma_start3A_216 = arith.constant 0 : i32
        %dma_start3A_217 = tpu.memref_slice %arg5[%add3A_215, %dma_start3A_216] : memref<40x128xi32, #tpu.memory_space<vmem>> -> memref<1x128xi32, #tpu.memory_space<vmem>>
        %dma_start3A_218 = tpu.memref_squeeze %dma_start3A_217 : memref<1x128xi32, #tpu.memory_space<vmem>> -> memref<128xi32, #tpu.memory_space<vmem>>
        %dma_start3A_219 = arith.constant 0 : i32
        %dma_start3A_220 = arith.constant 0 : i32
        %dma_start3A_221 = tpu.memref_slice %arg2[%dma_start3A_219, %dma_start3A_220] : memref<10000x128xf32, #tpu.memory_space<hbm>> -> memref<10000x128xf32, #tpu.memory_space<hbm>>
        tpu.enqueue_indirect_dma source(%dma_start3A_221 : memref<10000x128xf32, #tpu.memory_space<hbm>>) target(%arg8 : memref<128x128xf32, #tpu.memory_space<vmem>>) offsets(%dma_start3A_218 : memref<128xi32, #tpu.memory_space<vmem>>) semaphore(%arg11 : memref<!tpu.dma_semaphore, #tpu.memory_space<semaphore_mem>>)
        %dma_wait3A_222 = arith.constant 0 : i32
        %dma_wait3A_223 = tpu.memref_slice %arg5[%mul3A_213, %dma_wait3A_222] : memref<40x128xi32, #tpu.memory_space<vmem>> -> memref<1x128xi32, #tpu.memory_space<vmem>>
        %dma_wait3A_224 = tpu.memref_squeeze %dma_wait3A_223 : memref<1x128xi32, #tpu.memory_space<vmem>> -> memref<128xi32, #tpu.memory_space<vmem>>
        %dma_wait3A_225 = arith.constant 0 : i32
        %dma_wait3A_226 = arith.constant 0 : i32
        %dma_wait3A_227 = tpu.memref_slice %arg2[%dma_wait3A_225, %dma_wait3A_226] : memref<10000x128xf32, #tpu.memory_space<hbm>> -> memref<10000x128xf32, #tpu.memory_space<hbm>>
        tpu.wait_indirect_dma semaphore(%arg10 : memref<!tpu.dma_semaphore, #tpu.memory_space<semaphore_mem>>) src(%dma_wait3A_227 : memref<10000x128xf32, #tpu.memory_space<hbm>>) dst(%arg7 : memref<128x128xf32, #tpu.memory_space<vmem>>)
        "tpu.region"() ({
          %run_scoped3A_245 = tpu.sem_alloc : memref<!tpu.dma_semaphore, #tpu.memory_space<semaphore_mem>>
          %dma_start3A_246 = arith.constant 0 : i32
          %dma_start3A_247 = tpu.memref_slice %arg6[%mul3A_213, %dma_start3A_246] : memref<40x128xi32, #tpu.memory_space<vmem>> -> memref<1x128xi32, #tpu.memory_space<vmem>>
          %dma_start3A_248 = tpu.memref_squeeze %dma_start3A_247 : memref<1x128xi32, #tpu.memory_space<vmem>> -> memref<128xi32, #tpu.memory_space<vmem>>
          %dma_start3A_249 = arith.constant 0 : i32
          %dma_start3A_250 = arith.constant 0 : i32
          %dma_start3A_251 = tpu.memref_slice %arg9[%dma_start3A_249, %dma_start3A_250] : memref<10240x128xf32, #tpu.memory_space<vmem_shared>> -> memref<10240x128xf32, #tpu.memory_space<vmem_shared>>
          tpu.enqueue_indirect_dma source(%arg7 : memref<128x128xf32, #tpu.memory_space<vmem>>) target(%dma_start3A_251 : memref<10240x128xf32, #tpu.memory_space<vmem_shared>>) offsets(%dma_start3A_248 : memref<128xi32, #tpu.memory_space<vmem>>) semaphore(%run_scoped3A_245 : memref<!tpu.dma_semaphore, #tpu.memory_space<semaphore_mem>>) {add = true}
          %dma_wait3A_252 = arith.constant 0 : i32
          %dma_wait3A_253 = tpu.memref_slice %arg6[%mul3A_213, %dma_wait3A_252] : memref<40x128xi32, #tpu.memory_space<vmem>> -> memref<1x128xi32, #tpu.memory_space<vmem>>
          %dma_wait3A_254 = tpu.memref_squeeze %dma_wait3A_253 : memref<1x128xi32, #tpu.memory_space<vmem>> -> memref<128xi32, #tpu.memory_space<vmem>>
          %dma_wait3A_255 = arith.constant 0 : i32
          %dma_wait3A_256 = arith.constant 0 : i32
          %dma_wait3A_257 = tpu.memref_slice %arg9[%dma_wait3A_255, %dma_wait3A_256] : memref<10240x128xf32, #tpu.memory_space<vmem_shared>> -> memref<10240x128xf32, #tpu.memory_space<vmem_shared>>
          tpu.wait_indirect_dma semaphore(%run_scoped3A_245 : memref<!tpu.dma_semaphore, #tpu.memory_space<semaphore_mem>>) src(%arg7 : memref<128x128xf32, #tpu.memory_space<vmem>>) dst(%dma_wait3A_257 : memref<10240x128xf32, #tpu.memory_space<vmem_shared>>)
          tpu.yield
        }) : () -> ()
        %add3A_228 = arith.constant 2 : i32
        %add3A_229 = arith.addi %mul3A_213, %add3A_228 : i32
        %lt3A_230 = arith.constant 39 : i32
        %lt3A_231 = arith.cmpi slt, %add3A_229, %lt3A_230 : i32
        %convert_element_type3A_232 = arith.extui %lt3A_231 : i1 to i32
        %cond3A_233 = arith.constant 0 : i32
        %cond3A_234 = arith.cmpi ne, %convert_element_type3A_232, %cond3A_233 : i32
        scf.if %cond3A_234 {
          %add3A_245 = arith.constant 2 : i32
          %add3A_246 = arith.addi %mul3A_213, %add3A_245 : i32
          %dma_start3A_247 = arith.constant 0 : i32
          %dma_start3A_248 = tpu.memref_slice %arg5[%add3A_246, %dma_start3A_247] : memref<40x128xi32, #tpu.memory_space<vmem>> -> memref<1x128xi32, #tpu.memory_space<vmem>>
          %dma_start3A_249 = tpu.memref_squeeze %dma_start3A_248 : memref<1x128xi32, #tpu.memory_space<vmem>> -> memref<128xi32, #tpu.memory_space<vmem>>
          %dma_start3A_250 = arith.constant 0 : i32
          %dma_start3A_251 = arith.constant 0 : i32
          %dma_start3A_252 = tpu.memref_slice %arg2[%dma_start3A_250, %dma_start3A_251] : memref<10000x128xf32, #tpu.memory_space<hbm>> -> memref<10000x128xf32, #tpu.memory_space<hbm>>
          tpu.enqueue_indirect_dma source(%dma_start3A_252 : memref<10000x128xf32, #tpu.memory_space<hbm>>) target(%arg7 : memref<128x128xf32, #tpu.memory_space<vmem>>) offsets(%dma_start3A_249 : memref<128xi32, #tpu.memory_space<vmem>>) semaphore(%arg10 : memref<!tpu.dma_semaphore, #tpu.memory_space<semaphore_mem>>)
        } else {
        }
        %add3A_235 = arith.constant 1 : i32
        %add3A_236 = arith.addi %mul3A_213, %add3A_235 : i32
        %dma_wait3A_237 = arith.constant 0 : i32
        %dma_wait3A_238 = tpu.memref_slice %arg5[%add3A_236, %dma_wait3A_237] : memref<40x128xi32, #tpu.memory_space<vmem>> -> memref<1x128xi32, #tpu.memory_space<vmem>>
        %dma_wait3A_239 = tpu.memref_squeeze %dma_wait3A_238 : memref<1x128xi32, #tpu.memory_space<vmem>> -> memref<128xi32, #tpu.memory_space<vmem>>
        %dma_wait3A_240 = arith.constant 0 : i32
        %dma_wait3A_241 = arith.constant 0 : i32
        %dma_wait3A_242 = tpu.memref_slice %arg2[%dma_wait3A_240, %dma_wait3A_241] : memref<10000x128xf32, #tpu.memory_space<hbm>> -> memref<10000x128xf32, #tpu.memory_space<hbm>>
        tpu.wait_indirect_dma semaphore(%arg11 : memref<!tpu.dma_semaphore, #tpu.memory_space<semaphore_mem>>) src(%dma_wait3A_242 : memref<10000x128xf32, #tpu.memory_space<hbm>>) dst(%arg8 : memref<128x128xf32, #tpu.memory_space<vmem>>)
        %add3A_243 = arith.constant 1 : i32
        %add3A_244 = arith.addi %mul3A_213, %add3A_243 : i32
        "tpu.region"() ({
          %run_scoped3A_245 = tpu.sem_alloc : memref<!tpu.dma_semaphore, #tpu.memory_space<semaphore_mem>>
          %dma_start3A_246 = arith.constant 0 : i32
          %dma_start3A_247 = tpu.memref_slice %arg6[%add3A_244, %dma_start3A_246] : memref<40x128xi32, #tpu.memory_space<vmem>> -> memref<1x128xi32, #tpu.memory_space<vmem>>
          %dma_start3A_248 = tpu.memref_squeeze %dma_start3A_247 : memref<1x128xi32, #tpu.memory_space<vmem>> -> memref<128xi32, #tpu.memory_space<vmem>>
          %dma_start3A_249 = arith.constant 0 : i32
          %dma_start3A_250 = arith.constant 0 : i32
          %dma_start3A_251 = tpu.memref_slice %arg9[%dma_start3A_249, %dma_start3A_250] : memref<10240x128xf32, #tpu.memory_space<vmem_shared>> -> memref<10240x128xf32, #tpu.memory_space<vmem_shared>>
          tpu.enqueue_indirect_dma source(%arg8 : memref<128x128xf32, #tpu.memory_space<vmem>>) target(%dma_start3A_251 : memref<10240x128xf32, #tpu.memory_space<vmem_shared>>) offsets(%dma_start3A_248 : memref<128xi32, #tpu.memory_space<vmem>>) semaphore(%run_scoped3A_245 : memref<!tpu.dma_semaphore, #tpu.memory_space<semaphore_mem>>) {add = true}
          %dma_wait3A_252 = arith.constant 0 : i32
          %dma_wait3A_253 = tpu.memref_slice %arg6[%add3A_244, %dma_wait3A_252] : memref<40x128xi32, #tpu.memory_space<vmem>> -> memref<1x128xi32, #tpu.memory_space<vmem>>
          %dma_wait3A_254 = tpu.memref_squeeze %dma_wait3A_253 : memref<1x128xi32, #tpu.memory_space<vmem>> -> memref<128xi32, #tpu.memory_space<vmem>>
          %dma_wait3A_255 = arith.constant 0 : i32
          %dma_wait3A_256 = arith.constant 0 : i32
          %dma_wait3A_257 = tpu.memref_slice %arg9[%dma_wait3A_255, %dma_wait3A_256] : memref<10240x128xf32, #tpu.memory_space<vmem_shared>> -> memref<10240x128xf32, #tpu.memory_space<vmem_shared>>
          tpu.wait_indirect_dma semaphore(%run_scoped3A_245 : memref<!tpu.dma_semaphore, #tpu.memory_space<semaphore_mem>>) src(%arg8 : memref<128x128xf32, #tpu.memory_space<vmem>>) dst(%dma_wait3A_257 : memref<10240x128xf32, #tpu.memory_space<vmem_shared>>)
          tpu.yield
        }) : () -> ()
      }
      %scan3A_203 = arith.constant 19 : i32
      %dma_wait3A_204 = arith.constant 38 : i32
      %dma_wait3A_205 = arith.constant 0 : i32
      %dma_wait3A_206 = tpu.memref_slice %arg5[%dma_wait3A_204, %dma_wait3A_205] : memref<40x128xi32, #tpu.memory_space<vmem>> -> memref<1x128xi32, #tpu.memory_space<vmem>>
      %dma_wait3A_207 = tpu.memref_squeeze %dma_wait3A_206 : memref<1x128xi32, #tpu.memory_space<vmem>> -> memref<128xi32, #tpu.memory_space<vmem>>
      %dma_wait3A_208 = arith.constant 0 : i32
      %dma_wait3A_209 = arith.constant 0 : i32
      %dma_wait3A_210 = tpu.memref_slice %arg2[%dma_wait3A_208, %dma_wait3A_209] : memref<10000x128xf32, #tpu.memory_space<hbm>> -> memref<10000x128xf32, #tpu.memory_space<hbm>>
      tpu.wait_indirect_dma semaphore(%arg10 : memref<!tpu.dma_semaphore, #tpu.memory_space<semaphore_mem>>) src(%dma_wait3A_210 : memref<10000x128xf32, #tpu.memory_space<hbm>>) dst(%arg7 : memref<128x128xf32, #tpu.memory_space<vmem>>)
      %run_scoped3A = arith.constant 38 : i32
      "tpu.region"() ({
        %run_scoped3A_211 = tpu.sem_alloc : memref<!tpu.dma_semaphore, #tpu.memory_space<semaphore_mem>>
        %dma_start3A_212 = arith.constant 0 : i32
        %dma_start3A_213 = tpu.memref_slice %arg6[%run_scoped3A, %dma_start3A_212] : memref<40x128xi32, #tpu.memory_space<vmem>> -> memref<1x128xi32, #tpu.memory_space<vmem>>
        %dma_start3A_214 = tpu.memref_squeeze %dma_start3A_213 : memref<1x128xi32, #tpu.memory_space<vmem>> -> memref<128xi32, #tpu.memory_space<vmem>>
        %dma_start3A_215 = arith.constant 0 : i32
        %dma_start3A_216 = arith.constant 0 : i32
        %dma_start3A_217 = tpu.memref_slice %arg9[%dma_start3A_215, %dma_start3A_216] : memref<10240x128xf32, #tpu.memory_space<vmem_shared>> -> memref<10240x128xf32, #tpu.memory_space<vmem_shared>>
        tpu.enqueue_indirect_dma source(%arg7 : memref<128x128xf32, #tpu.memory_space<vmem>>) target(%dma_start3A_217 : memref<10240x128xf32, #tpu.memory_space<vmem_shared>>) offsets(%dma_start3A_214 : memref<128xi32, #tpu.memory_space<vmem>>) semaphore(%run_scoped3A_211 : memref<!tpu.dma_semaphore, #tpu.memory_space<semaphore_mem>>) {add = true}
        %dma_wait3A_218 = arith.constant 0 : i32
        %dma_wait3A_219 = tpu.memref_slice %arg6[%run_scoped3A, %dma_wait3A_218] : memref<40x128xi32, #tpu.memory_space<vmem>> -> memref<1x128xi32, #tpu.memory_space<vmem>>
        %dma_wait3A_220 = tpu.memref_squeeze %dma_wait3A_219 : memref<1x128xi32, #tpu.memory_space<vmem>> -> memref<128xi32, #tpu.memory_space<vmem>>
        %dma_wait3A_221 = arith.constant 0 : i32
        %dma_wait3A_222 = arith.constant 0 : i32
        %dma_wait3A_223 = tpu.memref_slice %arg9[%dma_wait3A_221, %dma_wait3A_222] : memref<10240x128xf32, #tpu.memory_space<vmem_shared>> -> memref<10240x128xf32, #tpu.memory_space<vmem_shared>>
        tpu.wait_indirect_dma semaphore(%run_scoped3A_211 : memref<!tpu.dma_semaphore, #tpu.memory_space<semaphore_mem>>) src(%arg7 : memref<128x128xf32, #tpu.memory_space<vmem>>) dst(%dma_wait3A_223 : memref<10240x128xf32, #tpu.memory_space<vmem_shared>>)
        tpu.yield
      }) : () -> ()
    } else {
    }
    %ge3A = arith.constant 4 : i32
    %ge3A_77 = arith.cmpi sge, %add3A, %ge3A : i32
    %convert_element_type3A_78 = arith.extui %ge3A_77 : i1 to i32
    %cond3A_79 = arith.constant 0 : i32
    %cond3A_80 = arith.constant 1 : i32
    %cond3A_81 = arith.constant 0 : i32
    %cond3A_82 = arith.cmpi ne, %convert_element_type3A_78, %cond3A_81 : i32
    scf.if %cond3A_82 {
      %dma_start3A_174 = arith.constant 0 : i32
      %dma_start3A_175 = arith.constant 0 : i32
      %dma_start3A_176 = tpu.memref_slice %arg5[%dma_start3A_174, %dma_start3A_175] : memref<40x128xi32, #tpu.memory_space<vmem>> -> memref<1x128xi32, #tpu.memory_space<vmem>>
      %dma_start3A_177 = tpu.memref_squeeze %dma_start3A_176 : memref<1x128xi32, #tpu.memory_space<vmem>> -> memref<128xi32, #tpu.memory_space<vmem>>
      %dma_start3A_178 = arith.constant 0 : i32
      %dma_start3A_179 = arith.constant 0 : i32
      %dma_start3A_180 = tpu.memref_slice %arg2[%dma_start3A_178, %dma_start3A_179] : memref<10000x128xf32, #tpu.memory_space<hbm>> -> memref<10000x128xf32, #tpu.memory_space<hbm>>
      tpu.enqueue_indirect_dma source(%dma_start3A_180 : memref<10000x128xf32, #tpu.memory_space<hbm>>) target(%arg7 : memref<128x128xf32, #tpu.memory_space<vmem>>) offsets(%dma_start3A_177 : memref<128xi32, #tpu.memory_space<vmem>>) semaphore(%arg10 : memref<!tpu.dma_semaphore, #tpu.memory_space<semaphore_mem>>)
      %scan3A_181 = arith.constant 0 : i32
      %scan3A_182 = arith.constant 0 : i32
      %scan3A_183 = arith.constant 20 : i32
      %scan3A_184 = arith.addi %scan3A_182, %scan3A_183 : i32
      %scan3A_185 = arith.constant 1 : i32
      scf.for %scan3A_204 = %scan3A_182 to %scan3A_184 step %scan3A_185  : i32 {
        %mul3A_205 = arith.constant 2 : i32
        %mul3A_206 = arith.muli %mul3A_205, %scan3A_204 : i32
        %add3A_207 = arith.constant 1 : i32
        %add3A_208 = arith.addi %mul3A_206, %add3A_207 : i32
        %dma_start3A_209 = arith.constant 0 : i32
        %dma_start3A_210 = tpu.memref_slice %arg5[%add3A_208, %dma_start3A_209] : memref<40x128xi32, #tpu.memory_space<vmem>> -> memref<1x128xi32, #tpu.memory_space<vmem>>
        %dma_start3A_211 = tpu.memref_squeeze %dma_start3A_210 : memref<1x128xi32, #tpu.memory_space<vmem>> -> memref<128xi32, #tpu.memory_space<vmem>>
        %dma_start3A_212 = arith.constant 0 : i32
        %dma_start3A_213 = arith.constant 0 : i32
        %dma_start3A_214 = tpu.memref_slice %arg2[%dma_start3A_212, %dma_start3A_213] : memref<10000x128xf32, #tpu.memory_space<hbm>> -> memref<10000x128xf32, #tpu.memory_space<hbm>>
        tpu.enqueue_indirect_dma source(%dma_start3A_214 : memref<10000x128xf32, #tpu.memory_space<hbm>>) target(%arg8 : memref<128x128xf32, #tpu.memory_space<vmem>>) offsets(%dma_start3A_211 : memref<128xi32, #tpu.memory_space<vmem>>) semaphore(%arg11 : memref<!tpu.dma_semaphore, #tpu.memory_space<semaphore_mem>>)
        %dma_wait3A_215 = arith.constant 0 : i32
        %dma_wait3A_216 = tpu.memref_slice %arg5[%mul3A_206, %dma_wait3A_215] : memref<40x128xi32, #tpu.memory_space<vmem>> -> memref<1x128xi32, #tpu.memory_space<vmem>>
        %dma_wait3A_217 = tpu.memref_squeeze %dma_wait3A_216 : memref<1x128xi32, #tpu.memory_space<vmem>> -> memref<128xi32, #tpu.memory_space<vmem>>
        %dma_wait3A_218 = arith.constant 0 : i32
        %dma_wait3A_219 = arith.constant 0 : i32
        %dma_wait3A_220 = tpu.memref_slice %arg2[%dma_wait3A_218, %dma_wait3A_219] : memref<10000x128xf32, #tpu.memory_space<hbm>> -> memref<10000x128xf32, #tpu.memory_space<hbm>>
        tpu.wait_indirect_dma semaphore(%arg10 : memref<!tpu.dma_semaphore, #tpu.memory_space<semaphore_mem>>) src(%dma_wait3A_220 : memref<10000x128xf32, #tpu.memory_space<hbm>>) dst(%arg7 : memref<128x128xf32, #tpu.memory_space<vmem>>)
        "tpu.region"() ({
          %run_scoped3A = tpu.sem_alloc : memref<!tpu.dma_semaphore, #tpu.memory_space<semaphore_mem>>
          %dma_start3A_238 = arith.constant 0 : i32
          %dma_start3A_239 = tpu.memref_slice %arg6[%mul3A_206, %dma_start3A_238] : memref<40x128xi32, #tpu.memory_space<vmem>> -> memref<1x128xi32, #tpu.memory_space<vmem>>
          %dma_start3A_240 = tpu.memref_squeeze %dma_start3A_239 : memref<1x128xi32, #tpu.memory_space<vmem>> -> memref<128xi32, #tpu.memory_space<vmem>>
          %dma_start3A_241 = arith.constant 0 : i32
          %dma_start3A_242 = arith.constant 0 : i32
          %dma_start3A_243 = tpu.memref_slice %arg9[%dma_start3A_241, %dma_start3A_242] : memref<10240x128xf32, #tpu.memory_space<vmem_shared>> -> memref<10240x128xf32, #tpu.memory_space<vmem_shared>>
          tpu.enqueue_indirect_dma source(%arg7 : memref<128x128xf32, #tpu.memory_space<vmem>>) target(%dma_start3A_243 : memref<10240x128xf32, #tpu.memory_space<vmem_shared>>) offsets(%dma_start3A_240 : memref<128xi32, #tpu.memory_space<vmem>>) semaphore(%run_scoped3A : memref<!tpu.dma_semaphore, #tpu.memory_space<semaphore_mem>>) {add = true}
          %dma_wait3A_244 = arith.constant 0 : i32
          %dma_wait3A_245 = tpu.memref_slice %arg6[%mul3A_206, %dma_wait3A_244] : memref<40x128xi32, #tpu.memory_space<vmem>> -> memref<1x128xi32, #tpu.memory_space<vmem>>
          %dma_wait3A_246 = tpu.memref_squeeze %dma_wait3A_245 : memref<1x128xi32, #tpu.memory_space<vmem>> -> memref<128xi32, #tpu.memory_space<vmem>>
          %dma_wait3A_247 = arith.constant 0 : i32
          %dma_wait3A_248 = arith.constant 0 : i32
          %dma_wait3A_249 = tpu.memref_slice %arg9[%dma_wait3A_247, %dma_wait3A_248] : memref<10240x128xf32, #tpu.memory_space<vmem_shared>> -> memref<10240x128xf32, #tpu.memory_space<vmem_shared>>
          tpu.wait_indirect_dma semaphore(%run_scoped3A : memref<!tpu.dma_semaphore, #tpu.memory_space<semaphore_mem>>) src(%arg7 : memref<128x128xf32, #tpu.memory_space<vmem>>) dst(%dma_wait3A_249 : memref<10240x128xf32, #tpu.memory_space<vmem_shared>>)
          tpu.yield
        }) : () -> ()
        %add3A_221 = arith.constant 2 : i32
        %add3A_222 = arith.addi %mul3A_206, %add3A_221 : i32
        %lt3A_223 = arith.constant 40 : i32
        %lt3A_224 = arith.cmpi slt, %add3A_222, %lt3A_223 : i32
        %convert_element_type3A_225 = arith.extui %lt3A_224 : i1 to i32
        %cond3A_226 = arith.constant 0 : i32
        %cond3A_227 = arith.cmpi ne, %convert_element_type3A_225, %cond3A_226 : i32
        scf.if %cond3A_227 {
          %add3A_238 = arith.constant 2 : i32
          %add3A_239 = arith.addi %mul3A_206, %add3A_238 : i32
          %dma_start3A_240 = arith.constant 0 : i32
          %dma_start3A_241 = tpu.memref_slice %arg5[%add3A_239, %dma_start3A_240] : memref<40x128xi32, #tpu.memory_space<vmem>> -> memref<1x128xi32, #tpu.memory_space<vmem>>
          %dma_start3A_242 = tpu.memref_squeeze %dma_start3A_241 : memref<1x128xi32, #tpu.memory_space<vmem>> -> memref<128xi32, #tpu.memory_space<vmem>>
          %dma_start3A_243 = arith.constant 0 : i32
          %dma_start3A_244 = arith.constant 0 : i32
          %dma_start3A_245 = tpu.memref_slice %arg2[%dma_start3A_243, %dma_start3A_244] : memref<10000x128xf32, #tpu.memory_space<hbm>> -> memref<10000x128xf32, #tpu.memory_space<hbm>>
          tpu.enqueue_indirect_dma source(%dma_start3A_245 : memref<10000x128xf32, #tpu.memory_space<hbm>>) target(%arg7 : memref<128x128xf32, #tpu.memory_space<vmem>>) offsets(%dma_start3A_242 : memref<128xi32, #tpu.memory_space<vmem>>) semaphore(%arg10 : memref<!tpu.dma_semaphore, #tpu.memory_space<semaphore_mem>>)
        } else {
        }
        %add3A_228 = arith.constant 1 : i32
        %add3A_229 = arith.addi %mul3A_206, %add3A_228 : i32
        %dma_wait3A_230 = arith.constant 0 : i32
        %dma_wait3A_231 = tpu.memref_slice %arg5[%add3A_229, %dma_wait3A_230] : memref<40x128xi32, #tpu.memory_space<vmem>> -> memref<1x128xi32, #tpu.memory_space<vmem>>
        %dma_wait3A_232 = tpu.memref_squeeze %dma_wait3A_231 : memref<1x128xi32, #tpu.memory_space<vmem>> -> memref<128xi32, #tpu.memory_space<vmem>>
        %dma_wait3A_233 = arith.constant 0 : i32
        %dma_wait3A_234 = arith.constant 0 : i32
        %dma_wait3A_235 = tpu.memref_slice %arg2[%dma_wait3A_233, %dma_wait3A_234] : memref<10000x128xf32, #tpu.memory_space<hbm>> -> memref<10000x128xf32, #tpu.memory_space<hbm>>
        tpu.wait_indirect_dma semaphore(%arg11 : memref<!tpu.dma_semaphore, #tpu.memory_space<semaphore_mem>>) src(%dma_wait3A_235 : memref<10000x128xf32, #tpu.memory_space<hbm>>) dst(%arg8 : memref<128x128xf32, #tpu.memory_space<vmem>>)
        %add3A_236 = arith.constant 1 : i32
        %add3A_237 = arith.addi %mul3A_206, %add3A_236 : i32
        "tpu.region"() ({
          %run_scoped3A = tpu.sem_alloc : memref<!tpu.dma_semaphore, #tpu.memory_space<semaphore_mem>>
          %dma_start3A_238 = arith.constant 0 : i32
          %dma_start3A_239 = tpu.memref_slice %arg6[%add3A_237, %dma_start3A_238] : memref<40x128xi32, #tpu.memory_space<vmem>> -> memref<1x128xi32, #tpu.memory_space<vmem>>
          %dma_start3A_240 = tpu.memref_squeeze %dma_start3A_239 : memref<1x128xi32, #tpu.memory_space<vmem>> -> memref<128xi32, #tpu.memory_space<vmem>>
          %dma_start3A_241 = arith.constant 0 : i32
          %dma_start3A_242 = arith.constant 0 : i32
          %dma_start3A_243 = tpu.memref_slice %arg9[%dma_start3A_241, %dma_start3A_242] : memref<10240x128xf32, #tpu.memory_space<vmem_shared>> -> memref<10240x128xf32, #tpu.memory_space<vmem_shared>>
          tpu.enqueue_indirect_dma source(%arg8 : memref<128x128xf32, #tpu.memory_space<vmem>>) target(%dma_start3A_243 : memref<10240x128xf32, #tpu.memory_space<vmem_shared>>) offsets(%dma_start3A_240 : memref<128xi32, #tpu.memory_space<vmem>>) semaphore(%run_scoped3A : memref<!tpu.dma_semaphore, #tpu.memory_space<semaphore_mem>>) {add = true}
          %dma_wait3A_244 = arith.constant 0 : i32
          %dma_wait3A_245 = tpu.memref_slice %arg6[%add3A_237, %dma_wait3A_244] : memref<40x128xi32, #tpu.memory_space<vmem>> -> memref<1x128xi32, #tpu.memory_space<vmem>>
          %dma_wait3A_246 = tpu.memref_squeeze %dma_wait3A_245 : memref<1x128xi32, #tpu.memory_space<vmem>> -> memref<128xi32, #tpu.memory_space<vmem>>
          %dma_wait3A_247 = arith.constant 0 : i32
          %dma_wait3A_248 = arith.constant 0 : i32
          %dma_wait3A_249 = tpu.memref_slice %arg9[%dma_wait3A_247, %dma_wait3A_248] : memref<10240x128xf32, #tpu.memory_space<vmem_shared>> -> memref<10240x128xf32, #tpu.memory_space<vmem_shared>>
          tpu.wait_indirect_dma semaphore(%run_scoped3A : memref<!tpu.dma_semaphore, #tpu.memory_space<semaphore_mem>>) src(%arg8 : memref<128x128xf32, #tpu.memory_space<vmem>>) dst(%dma_wait3A_249 : memref<10240x128xf32, #tpu.memory_space<vmem_shared>>)
          tpu.yield
        }) : () -> ()
      }
      %scan3A_186 = arith.constant 20 : i32
      %add3A_187 = arith.constant 40 : i32
      %add3A_188 = arith.addi %add3A_4, %add3A_187 : i32
      "tpu.region"() ({
        %run_scoped3A = tpu.sem_alloc : memref<!tpu.dma_semaphore, #tpu.memory_space<semaphore_mem>>
        %dma_start3A_204 = arith.constant 0 : i32
        %dma_start3A_205 = arith.constant 0 : i32
        %dma_start3A_206 = tpu.memref_slice %arg5[%dma_start3A_204, %dma_start3A_205] : memref<40x128xi32, #tpu.memory_space<vmem>> -> memref<38x128xi32, #tpu.memory_space<vmem>>
        %dma_start3A_207 = arith.constant 0 : i32
        %dma_start3A_208 = arith.constant 0 : i32
        %dma_start3A_209 = tpu.memref_slice %arg3[%cond3A_79, %dma_start3A_207, %dma_start3A_208] : memref<2x2500x128xi32, #tpu.memory_space<hbm>> -> memref<1x2500x128xi32, #tpu.memory_space<hbm>>
        %dma_start3A_210 = tpu.memref_squeeze %dma_start3A_209 : memref<1x2500x128xi32, #tpu.memory_space<hbm>> -> memref<2500x128xi32, #tpu.memory_space<hbm>>
        %dma_start3A_211 = arith.constant 0 : i32
        %dma_start3A_212 = tpu.memref_slice %dma_start3A_210[%add3A_188, %dma_start3A_211] : memref<2500x128xi32, #tpu.memory_space<hbm>> -> memref<38x128xi32, #tpu.memory_space<hbm>>
        %dma_start3A_213 = arith.constant 0 : i32
        %dma_start3A_214 = arith.constant 0 : i32
        %dma_start3A_215 = tpu.memref_slice %arg5[%dma_start3A_213, %dma_start3A_214] : memref<40x128xi32, #tpu.memory_space<vmem>> -> memref<38x128xi32, #tpu.memory_space<vmem>>
        %dma_start3A_216 = arith.constant 0 : i32
        %dma_start3A_217 = arith.constant 0 : i32
        %dma_start3A_218 = tpu.memref_slice %arg3[%cond3A_79, %dma_start3A_216, %dma_start3A_217] : memref<2x2500x128xi32, #tpu.memory_space<hbm>> -> memref<1x2500x128xi32, #tpu.memory_space<hbm>>
        %dma_start3A_219 = tpu.memref_squeeze %dma_start3A_218 : memref<1x2500x128xi32, #tpu.memory_space<hbm>> -> memref<2500x128xi32, #tpu.memory_space<hbm>>
        %dma_start3A_220 = arith.constant 0 : i32
        %dma_start3A_221 = tpu.memref_slice %dma_start3A_219[%add3A_188, %dma_start3A_220] : memref<2500x128xi32, #tpu.memory_space<hbm>> -> memref<38x128xi32, #tpu.memory_space<hbm>>
        tpu.enqueue_dma source(%dma_start3A_221 : memref<38x128xi32, #tpu.memory_space<hbm>>) target(%dma_start3A_215 : memref<38x128xi32, #tpu.memory_space<vmem>>) target_semaphore(%run_scoped3A : memref<!tpu.dma_semaphore, #tpu.memory_space<semaphore_mem>>)
        %dma_wait3A_222 = arith.constant 0 : i32
        %dma_wait3A_223 = arith.constant 0 : i32
        %dma_wait3A_224 = tpu.memref_slice %arg5[%dma_wait3A_222, %dma_wait3A_223] : memref<40x128xi32, #tpu.memory_space<vmem>> -> memref<38x128xi32, #tpu.memory_space<vmem>>
        %dma_wait3A_225 = arith.constant 0 : i32
        %dma_wait3A_226 = arith.constant 0 : i32
        %dma_wait3A_227 = tpu.memref_slice %arg3[%cond3A_79, %dma_wait3A_225, %dma_wait3A_226] : memref<2x2500x128xi32, #tpu.memory_space<hbm>> -> memref<1x2500x128xi32, #tpu.memory_space<hbm>>
        %dma_wait3A_228 = tpu.memref_squeeze %dma_wait3A_227 : memref<1x2500x128xi32, #tpu.memory_space<hbm>> -> memref<2500x128xi32, #tpu.memory_space<hbm>>
        %dma_wait3A_229 = arith.constant 0 : i32
        %dma_wait3A_230 = tpu.memref_slice %dma_wait3A_228[%add3A_188, %dma_wait3A_229] : memref<2500x128xi32, #tpu.memory_space<hbm>> -> memref<38x128xi32, #tpu.memory_space<hbm>>
        %dma_wait3A_231 = arith.constant 0 : i32
        %dma_wait3A_232 = arith.constant 0 : i32
        %dma_wait3A_233 = tpu.memref_slice %arg5[%dma_wait3A_231, %dma_wait3A_232] : memref<40x128xi32, #tpu.memory_space<vmem>> -> memref<38x128xi32, #tpu.memory_space<vmem>>
        %dma_wait3A_234 = arith.constant 0 : i32
        %dma_wait3A_235 = arith.constant 0 : i32
        %dma_wait3A_236 = tpu.memref_slice %arg3[%cond3A_79, %dma_wait3A_234, %dma_wait3A_235] : memref<2x2500x128xi32, #tpu.memory_space<hbm>> -> memref<1x2500x128xi32, #tpu.memory_space<hbm>>
        %dma_wait3A_237 = tpu.memref_squeeze %dma_wait3A_236 : memref<1x2500x128xi32, #tpu.memory_space<hbm>> -> memref<2500x128xi32, #tpu.memory_space<hbm>>
        %dma_wait3A_238 = arith.constant 0 : i32
        %dma_wait3A_239 = tpu.memref_slice %dma_wait3A_237[%add3A_188, %dma_wait3A_238] : memref<2500x128xi32, #tpu.memory_space<hbm>> -> memref<38x128xi32, #tpu.memory_space<hbm>>
        tpu.wait_dma2 semaphore(%run_scoped3A : memref<!tpu.dma_semaphore, #tpu.memory_space<semaphore_mem>>) src(%dma_wait3A_239 : memref<38x128xi32, #tpu.memory_space<hbm>>) dst(%dma_wait3A_233 : memref<38x128xi32, #tpu.memory_space<vmem>>)
        tpu.yield
      }) : () -> ()
      %add3A_189 = arith.constant 40 : i32
      %add3A_190 = arith.addi %add3A_4, %add3A_189 : i32
      "tpu.region"() ({
        %run_scoped3A = tpu.sem_alloc : memref<!tpu.dma_semaphore, #tpu.memory_space<semaphore_mem>>
        %dma_start3A_204 = arith.constant 0 : i32
        %dma_start3A_205 = arith.constant 0 : i32
        %dma_start3A_206 = tpu.memref_slice %arg6[%dma_start3A_204, %dma_start3A_205] : memref<40x128xi32, #tpu.memory_space<vmem>> -> memref<38x128xi32, #tpu.memory_space<vmem>>
        %dma_start3A_207 = arith.constant 0 : i32
        %dma_start3A_208 = arith.constant 0 : i32
        %dma_start3A_209 = tpu.memref_slice %arg3[%cond3A_80, %dma_start3A_207, %dma_start3A_208] : memref<2x2500x128xi32, #tpu.memory_space<hbm>> -> memref<1x2500x128xi32, #tpu.memory_space<hbm>>
        %dma_start3A_210 = tpu.memref_squeeze %dma_start3A_209 : memref<1x2500x128xi32, #tpu.memory_space<hbm>> -> memref<2500x128xi32, #tpu.memory_space<hbm>>
        %dma_start3A_211 = arith.constant 0 : i32
        %dma_start3A_212 = tpu.memref_slice %dma_start3A_210[%add3A_190, %dma_start3A_211] : memref<2500x128xi32, #tpu.memory_space<hbm>> -> memref<38x128xi32, #tpu.memory_space<hbm>>
        %dma_start3A_213 = arith.constant 0 : i32
        %dma_start3A_214 = arith.constant 0 : i32
        %dma_start3A_215 = tpu.memref_slice %arg6[%dma_start3A_213, %dma_start3A_214] : memref<40x128xi32, #tpu.memory_space<vmem>> -> memref<38x128xi32, #tpu.memory_space<vmem>>
        %dma_start3A_216 = arith.constant 0 : i32
        %dma_start3A_217 = arith.constant 0 : i32
        %dma_start3A_218 = tpu.memref_slice %arg3[%cond3A_80, %dma_start3A_216, %dma_start3A_217] : memref<2x2500x128xi32, #tpu.memory_space<hbm>> -> memref<1x2500x128xi32, #tpu.memory_space<hbm>>
        %dma_start3A_219 = tpu.memref_squeeze %dma_start3A_218 : memref<1x2500x128xi32, #tpu.memory_space<hbm>> -> memref<2500x128xi32, #tpu.memory_space<hbm>>
        %dma_start3A_220 = arith.constant 0 : i32
        %dma_start3A_221 = tpu.memref_slice %dma_start3A_219[%add3A_190, %dma_start3A_220] : memref<2500x128xi32, #tpu.memory_space<hbm>> -> memref<38x128xi32, #tpu.memory_space<hbm>>
        tpu.enqueue_dma source(%dma_start3A_221 : memref<38x128xi32, #tpu.memory_space<hbm>>) target(%dma_start3A_215 : memref<38x128xi32, #tpu.memory_space<vmem>>) target_semaphore(%run_scoped3A : memref<!tpu.dma_semaphore, #tpu.memory_space<semaphore_mem>>)
        %dma_wait3A_222 = arith.constant 0 : i32
        %dma_wait3A_223 = arith.constant 0 : i32
        %dma_wait3A_224 = tpu.memref_slice %arg6[%dma_wait3A_222, %dma_wait3A_223] : memref<40x128xi32, #tpu.memory_space<vmem>> -> memref<38x128xi32, #tpu.memory_space<vmem>>
        %dma_wait3A_225 = arith.constant 0 : i32
        %dma_wait3A_226 = arith.constant 0 : i32
        %dma_wait3A_227 = tpu.memref_slice %arg3[%cond3A_80, %dma_wait3A_225, %dma_wait3A_226] : memref<2x2500x128xi32, #tpu.memory_space<hbm>> -> memref<1x2500x128xi32, #tpu.memory_space<hbm>>
        %dma_wait3A_228 = tpu.memref_squeeze %dma_wait3A_227 : memref<1x2500x128xi32, #tpu.memory_space<hbm>> -> memref<2500x128xi32, #tpu.memory_space<hbm>>
        %dma_wait3A_229 = arith.constant 0 : i32
        %dma_wait3A_230 = tpu.memref_slice %dma_wait3A_228[%add3A_190, %dma_wait3A_229] : memref<2500x128xi32, #tpu.memory_space<hbm>> -> memref<38x128xi32, #tpu.memory_space<hbm>>
        %dma_wait3A_231 = arith.constant 0 : i32
        %dma_wait3A_232 = arith.constant 0 : i32
        %dma_wait3A_233 = tpu.memref_slice %arg6[%dma_wait3A_231, %dma_wait3A_232] : memref<40x128xi32, #tpu.memory_space<vmem>> -> memref<38x128xi32, #tpu.memory_space<vmem>>
        %dma_wait3A_234 = arith.constant 0 : i32
        %dma_wait3A_235 = arith.constant 0 : i32
        %dma_wait3A_236 = tpu.memref_slice %arg3[%cond3A_80, %dma_wait3A_234, %dma_wait3A_235] : memref<2x2500x128xi32, #tpu.memory_space<hbm>> -> memref<1x2500x128xi32, #tpu.memory_space<hbm>>
        %dma_wait3A_237 = tpu.memref_squeeze %dma_wait3A_236 : memref<1x2500x128xi32, #tpu.memory_space<hbm>> -> memref<2500x128xi32, #tpu.memory_space<hbm>>
        %dma_wait3A_238 = arith.constant 0 : i32
        %dma_wait3A_239 = tpu.memref_slice %dma_wait3A_237[%add3A_190, %dma_wait3A_238] : memref<2500x128xi32, #tpu.memory_space<hbm>> -> memref<38x128xi32, #tpu.memory_space<hbm>>
        tpu.wait_dma2 semaphore(%run_scoped3A : memref<!tpu.dma_semaphore, #tpu.memory_space<semaphore_mem>>) src(%dma_wait3A_239 : memref<38x128xi32, #tpu.memory_space<hbm>>) dst(%dma_wait3A_233 : memref<38x128xi32, #tpu.memory_space<vmem>>)
        tpu.yield
      }) : () -> ()
      %dma_start3A_191 = arith.constant 0 : i32
      %dma_start3A_192 = arith.constant 0 : i32
      %dma_start3A_193 = tpu.memref_slice %arg5[%dma_start3A_191, %dma_start3A_192] : memref<40x128xi32, #tpu.memory_space<vmem>> -> memref<1x128xi32, #tpu.memory_space<vmem>>
      %dma_start3A_194 = tpu.memref_squeeze %dma_start3A_193 : memref<1x128xi32, #tpu.memory_space<vmem>> -> memref<128xi32, #tpu.memory_space<vmem>>
      %dma_start3A_195 = arith.constant 0 : i32
      %dma_start3A_196 = arith.constant 0 : i32
      %dma_start3A_197 = tpu.memref_slice %arg2[%dma_start3A_195, %dma_start3A_196] : memref<10000x128xf32, #tpu.memory_space<hbm>> -> memref<10000x128xf32, #tpu.memory_space<hbm>>
      tpu.enqueue_indirect_dma source(%dma_start3A_197 : memref<10000x128xf32, #tpu.memory_space<hbm>>) target(%arg7 : memref<128x128xf32, #tpu.memory_space<vmem>>) offsets(%dma_start3A_194 : memref<128xi32, #tpu.memory_space<vmem>>) semaphore(%arg10 : memref<!tpu.dma_semaphore, #tpu.memory_space<semaphore_mem>>)
      %scan3A_198 = arith.constant 0 : i32
      %scan3A_199 = arith.constant 0 : i32
      %scan3A_200 = arith.constant 19 : i32
      %scan3A_201 = arith.addi %scan3A_199, %scan3A_200 : i32
      %scan3A_202 = arith.constant 1 : i32
      scf.for %scan3A_204 = %scan3A_199 to %scan3A_201 step %scan3A_202  : i32 {
        %mul3A_205 = arith.constant 2 : i32
        %mul3A_206 = arith.muli %mul3A_205, %scan3A_204 : i32
        %add3A_207 = arith.constant 1 : i32
        %add3A_208 = arith.addi %mul3A_206, %add3A_207 : i32
        %dma_start3A_209 = arith.constant 0 : i32
        %dma_start3A_210 = tpu.memref_slice %arg5[%add3A_208, %dma_start3A_209] : memref<40x128xi32, #tpu.memory_space<vmem>> -> memref<1x128xi32, #tpu.memory_space<vmem>>
        %dma_start3A_211 = tpu.memref_squeeze %dma_start3A_210 : memref<1x128xi32, #tpu.memory_space<vmem>> -> memref<128xi32, #tpu.memory_space<vmem>>
        %dma_start3A_212 = arith.constant 0 : i32
        %dma_start3A_213 = arith.constant 0 : i32
        %dma_start3A_214 = tpu.memref_slice %arg2[%dma_start3A_212, %dma_start3A_213] : memref<10000x128xf32, #tpu.memory_space<hbm>> -> memref<10000x128xf32, #tpu.memory_space<hbm>>
        tpu.enqueue_indirect_dma source(%dma_start3A_214 : memref<10000x128xf32, #tpu.memory_space<hbm>>) target(%arg8 : memref<128x128xf32, #tpu.memory_space<vmem>>) offsets(%dma_start3A_211 : memref<128xi32, #tpu.memory_space<vmem>>) semaphore(%arg11 : memref<!tpu.dma_semaphore, #tpu.memory_space<semaphore_mem>>)
        %dma_wait3A_215 = arith.constant 0 : i32
        %dma_wait3A_216 = tpu.memref_slice %arg5[%mul3A_206, %dma_wait3A_215] : memref<40x128xi32, #tpu.memory_space<vmem>> -> memref<1x128xi32, #tpu.memory_space<vmem>>
        %dma_wait3A_217 = tpu.memref_squeeze %dma_wait3A_216 : memref<1x128xi32, #tpu.memory_space<vmem>> -> memref<128xi32, #tpu.memory_space<vmem>>
        %dma_wait3A_218 = arith.constant 0 : i32
        %dma_wait3A_219 = arith.constant 0 : i32
        %dma_wait3A_220 = tpu.memref_slice %arg2[%dma_wait3A_218, %dma_wait3A_219] : memref<10000x128xf32, #tpu.memory_space<hbm>> -> memref<10000x128xf32, #tpu.memory_space<hbm>>
        tpu.wait_indirect_dma semaphore(%arg10 : memref<!tpu.dma_semaphore, #tpu.memory_space<semaphore_mem>>) src(%dma_wait3A_220 : memref<10000x128xf32, #tpu.memory_space<hbm>>) dst(%arg7 : memref<128x128xf32, #tpu.memory_space<vmem>>)
        "tpu.region"() ({
          %run_scoped3A = tpu.sem_alloc : memref<!tpu.dma_semaphore, #tpu.memory_space<semaphore_mem>>
          %dma_start3A_238 = arith.constant 0 : i32
          %dma_start3A_239 = tpu.memref_slice %arg6[%mul3A_206, %dma_start3A_238] : memref<40x128xi32, #tpu.memory_space<vmem>> -> memref<1x128xi32, #tpu.memory_space<vmem>>
          %dma_start3A_240 = tpu.memref_squeeze %dma_start3A_239 : memref<1x128xi32, #tpu.memory_space<vmem>> -> memref<128xi32, #tpu.memory_space<vmem>>
          %dma_start3A_241 = arith.constant 0 : i32
          %dma_start3A_242 = arith.constant 0 : i32
          %dma_start3A_243 = tpu.memref_slice %arg9[%dma_start3A_241, %dma_start3A_242] : memref<10240x128xf32, #tpu.memory_space<vmem_shared>> -> memref<10240x128xf32, #tpu.memory_space<vmem_shared>>
          tpu.enqueue_indirect_dma source(%arg7 : memref<128x128xf32, #tpu.memory_space<vmem>>) target(%dma_start3A_243 : memref<10240x128xf32, #tpu.memory_space<vmem_shared>>) offsets(%dma_start3A_240 : memref<128xi32, #tpu.memory_space<vmem>>) semaphore(%run_scoped3A : memref<!tpu.dma_semaphore, #tpu.memory_space<semaphore_mem>>) {add = true}
          %dma_wait3A_244 = arith.constant 0 : i32
          %dma_wait3A_245 = tpu.memref_slice %arg6[%mul3A_206, %dma_wait3A_244] : memref<40x128xi32, #tpu.memory_space<vmem>> -> memref<1x128xi32, #tpu.memory_space<vmem>>
          %dma_wait3A_246 = tpu.memref_squeeze %dma_wait3A_245 : memref<1x128xi32, #tpu.memory_space<vmem>> -> memref<128xi32, #tpu.memory_space<vmem>>
          %dma_wait3A_247 = arith.constant 0 : i32
          %dma_wait3A_248 = arith.constant 0 : i32
          %dma_wait3A_249 = tpu.memref_slice %arg9[%dma_wait3A_247, %dma_wait3A_248] : memref<10240x128xf32, #tpu.memory_space<vmem_shared>> -> memref<10240x128xf32, #tpu.memory_space<vmem_shared>>
          tpu.wait_indirect_dma semaphore(%run_scoped3A : memref<!tpu.dma_semaphore, #tpu.memory_space<semaphore_mem>>) src(%arg7 : memref<128x128xf32, #tpu.memory_space<vmem>>) dst(%dma_wait3A_249 : memref<10240x128xf32, #tpu.memory_space<vmem_shared>>)
          tpu.yield
        }) : () -> ()
        %add3A_221 = arith.constant 2 : i32
        %add3A_222 = arith.addi %mul3A_206, %add3A_221 : i32
        %lt3A_223 = arith.constant 38 : i32
        %lt3A_224 = arith.cmpi slt, %add3A_222, %lt3A_223 : i32
        %convert_element_type3A_225 = arith.extui %lt3A_224 : i1 to i32
        %cond3A_226 = arith.constant 0 : i32
        %cond3A_227 = arith.cmpi ne, %convert_element_type3A_225, %cond3A_226 : i32
        scf.if %cond3A_227 {
          %add3A_238 = arith.constant 2 : i32
          %add3A_239 = arith.addi %mul3A_206, %add3A_238 : i32
          %dma_start3A_240 = arith.constant 0 : i32
          %dma_start3A_241 = tpu.memref_slice %arg5[%add3A_239, %dma_start3A_240] : memref<40x128xi32, #tpu.memory_space<vmem>> -> memref<1x128xi32, #tpu.memory_space<vmem>>
          %dma_start3A_242 = tpu.memref_squeeze %dma_start3A_241 : memref<1x128xi32, #tpu.memory_space<vmem>> -> memref<128xi32, #tpu.memory_space<vmem>>
          %dma_start3A_243 = arith.constant 0 : i32
          %dma_start3A_244 = arith.constant 0 : i32
          %dma_start3A_245 = tpu.memref_slice %arg2[%dma_start3A_243, %dma_start3A_244] : memref<10000x128xf32, #tpu.memory_space<hbm>> -> memref<10000x128xf32, #tpu.memory_space<hbm>>
          tpu.enqueue_indirect_dma source(%dma_start3A_245 : memref<10000x128xf32, #tpu.memory_space<hbm>>) target(%arg7 : memref<128x128xf32, #tpu.memory_space<vmem>>) offsets(%dma_start3A_242 : memref<128xi32, #tpu.memory_space<vmem>>) semaphore(%arg10 : memref<!tpu.dma_semaphore, #tpu.memory_space<semaphore_mem>>)
        } else {
        }
        %add3A_228 = arith.constant 1 : i32
        %add3A_229 = arith.addi %mul3A_206, %add3A_228 : i32
        %dma_wait3A_230 = arith.constant 0 : i32
        %dma_wait3A_231 = tpu.memref_slice %arg5[%add3A_229, %dma_wait3A_230] : memref<40x128xi32, #tpu.memory_space<vmem>> -> memref<1x128xi32, #tpu.memory_space<vmem>>
        %dma_wait3A_232 = tpu.memref_squeeze %dma_wait3A_231 : memref<1x128xi32, #tpu.memory_space<vmem>> -> memref<128xi32, #tpu.memory_space<vmem>>
        %dma_wait3A_233 = arith.constant 0 : i32
        %dma_wait3A_234 = arith.constant 0 : i32
        %dma_wait3A_235 = tpu.memref_slice %arg2[%dma_wait3A_233, %dma_wait3A_234] : memref<10000x128xf32, #tpu.memory_space<hbm>> -> memref<10000x128xf32, #tpu.memory_space<hbm>>
        tpu.wait_indirect_dma semaphore(%arg11 : memref<!tpu.dma_semaphore, #tpu.memory_space<semaphore_mem>>) src(%dma_wait3A_235 : memref<10000x128xf32, #tpu.memory_space<hbm>>) dst(%arg8 : memref<128x128xf32, #tpu.memory_space<vmem>>)
        %add3A_236 = arith.constant 1 : i32
        %add3A_237 = arith.addi %mul3A_206, %add3A_236 : i32
        "tpu.region"() ({
          %run_scoped3A = tpu.sem_alloc : memref<!tpu.dma_semaphore, #tpu.memory_space<semaphore_mem>>
          %dma_start3A_238 = arith.constant 0 : i32
          %dma_start3A_239 = tpu.memref_slice %arg6[%add3A_237, %dma_start3A_238] : memref<40x128xi32, #tpu.memory_space<vmem>> -> memref<1x128xi32, #tpu.memory_space<vmem>>
          %dma_start3A_240 = tpu.memref_squeeze %dma_start3A_239 : memref<1x128xi32, #tpu.memory_space<vmem>> -> memref<128xi32, #tpu.memory_space<vmem>>
          %dma_start3A_241 = arith.constant 0 : i32
          %dma_start3A_242 = arith.constant 0 : i32
          %dma_start3A_243 = tpu.memref_slice %arg9[%dma_start3A_241, %dma_start3A_242] : memref<10240x128xf32, #tpu.memory_space<vmem_shared>> -> memref<10240x128xf32, #tpu.memory_space<vmem_shared>>
          tpu.enqueue_indirect_dma source(%arg8 : memref<128x128xf32, #tpu.memory_space<vmem>>) target(%dma_start3A_243 : memref<10240x128xf32, #tpu.memory_space<vmem_shared>>) offsets(%dma_start3A_240 : memref<128xi32, #tpu.memory_space<vmem>>) semaphore(%run_scoped3A : memref<!tpu.dma_semaphore, #tpu.memory_space<semaphore_mem>>) {add = true}
          %dma_wait3A_244 = arith.constant 0 : i32
          %dma_wait3A_245 = tpu.memref_slice %arg6[%add3A_237, %dma_wait3A_244] : memref<40x128xi32, #tpu.memory_space<vmem>> -> memref<1x128xi32, #tpu.memory_space<vmem>>
          %dma_wait3A_246 = tpu.memref_squeeze %dma_wait3A_245 : memref<1x128xi32, #tpu.memory_space<vmem>> -> memref<128xi32, #tpu.memory_space<vmem>>
          %dma_wait3A_247 = arith.constant 0 : i32
          %dma_wait3A_248 = arith.constant 0 : i32
          %dma_wait3A_249 = tpu.memref_slice %arg9[%dma_wait3A_247, %dma_wait3A_248] : memref<10240x128xf32, #tpu.memory_space<vmem_shared>> -> memref<10240x128xf32, #tpu.memory_space<vmem_shared>>
          tpu.wait_indirect_dma semaphore(%run_scoped3A : memref<!tpu.dma_semaphore, #tpu.memory_space<semaphore_mem>>) src(%arg8 : memref<128x128xf32, #tpu.memory_space<vmem>>) dst(%dma_wait3A_249 : memref<10240x128xf32, #tpu.memory_space<vmem_shared>>)
          tpu.yield
        }) : () -> ()
      }
      %scan3A_203 = arith.constant 19 : i32
    } else {
    }
    %barrier3A_83 = arith.constant 0 : index
    tpu.barrier barrier_id(%barrier3A_83)
    %add3A_84 = arith.constant 0 : i32
    %add3A_85 = arith.addi %mul3A_37, %add3A_84 : i32
    "tpu.region"() ({
      %run_scoped3A = tpu.sem_alloc : memref<!tpu.dma_semaphore, #tpu.memory_space<semaphore_mem>>
      %dma_start3A_174 = arith.constant 0 : i32
      %dma_start3A_175 = tpu.memref_slice %arg9[%add3A_85, %dma_start3A_174] : memref<10240x128xf32, #tpu.memory_space<vmem_shared>> -> memref<128x128xf32, #tpu.memory_space<vmem_shared>>
      %dma_start3A_176 = arith.constant 0 : i32
      %dma_start3A_177 = tpu.memref_slice %arg9[%add3A_85, %dma_start3A_176] : memref<10240x128xf32, #tpu.memory_space<vmem_shared>> -> memref<128x128xf32, #tpu.memory_space<vmem_shared>>
      tpu.enqueue_dma source(%dma_start3A_177 : memref<128x128xf32, #tpu.memory_space<vmem_shared>>) target(%arg7 : memref<128x128xf32, #tpu.memory_space<vmem>>) target_semaphore(%run_scoped3A : memref<!tpu.dma_semaphore, #tpu.memory_space<semaphore_mem>>)
      %dma_wait3A_178 = arith.constant 0 : i32
      %dma_wait3A_179 = tpu.memref_slice %arg9[%add3A_85, %dma_wait3A_178] : memref<10240x128xf32, #tpu.memory_space<vmem_shared>> -> memref<128x128xf32, #tpu.memory_space<vmem_shared>>
      %dma_wait3A_180 = arith.constant 0 : i32
      %dma_wait3A_181 = tpu.memref_slice %arg9[%add3A_85, %dma_wait3A_180] : memref<10240x128xf32, #tpu.memory_space<vmem_shared>> -> memref<128x128xf32, #tpu.memory_space<vmem_shared>>
      tpu.wait_dma2 semaphore(%run_scoped3A : memref<!tpu.dma_semaphore, #tpu.memory_space<semaphore_mem>>) src(%dma_wait3A_181 : memref<128x128xf32, #tpu.memory_space<vmem_shared>>) dst(%arg7 : memref<128x128xf32, #tpu.memory_space<vmem>>)
      tpu.yield
    }) : () -> ()
    %add3A_86 = arith.constant 0 : i32
    %add3A_87 = arith.addi %mul3A_37, %add3A_86 : i32
    %dma_start3A_88 = arith.constant 0 : i32
    %dma_start3A_89 = tpu.memref_slice %arg4[%arg0, %add3A_87, %dma_start3A_88] : memref<2x10240x128xf32, #tpu.memory_space<hbm>> -> memref<1x128x128xf32, #tpu.memory_space<hbm>>
    %dma_start3A_90 = tpu.memref_squeeze %dma_start3A_89 : memref<1x128x128xf32, #tpu.memory_space<hbm>> -> memref<128x128xf32, #tpu.memory_space<hbm>>
    %dma_start3A_91 = arith.constant 0 : i32
    %dma_start3A_92 = tpu.memref_slice %arg4[%arg0, %add3A_87, %dma_start3A_91] : memref<2x10240x128xf32, #tpu.memory_space<hbm>> -> memref<1x128x128xf32, #tpu.memory_space<hbm>>
    %dma_start3A_93 = tpu.memref_squeeze %dma_start3A_92 : memref<1x128x128xf32, #tpu.memory_space<hbm>> -> memref<128x128xf32, #tpu.memory_space<hbm>>
    tpu.enqueue_dma source(%arg7 : memref<128x128xf32, #tpu.memory_space<vmem>>) target(%dma_start3A_93 : memref<128x128xf32, #tpu.memory_space<hbm>>) target_semaphore(%arg10 : memref<!tpu.dma_semaphore, #tpu.memory_space<semaphore_mem>>)
    %add3A_94 = arith.constant 128 : i32
    %add3A_95 = arith.addi %mul3A_37, %add3A_94 : i32
    "tpu.region"() ({
      %run_scoped3A = tpu.sem_alloc : memref<!tpu.dma_semaphore, #tpu.memory_space<semaphore_mem>>
      %dma_start3A_174 = arith.constant 0 : i32
      %dma_start3A_175 = tpu.memref_slice %arg9[%add3A_95, %dma_start3A_174] : memref<10240x128xf32, #tpu.memory_space<vmem_shared>> -> memref<128x128xf32, #tpu.memory_space<vmem_shared>>
      %dma_start3A_176 = arith.constant 0 : i32
      %dma_start3A_177 = tpu.memref_slice %arg9[%add3A_95, %dma_start3A_176] : memref<10240x128xf32, #tpu.memory_space<vmem_shared>> -> memref<128x128xf32, #tpu.memory_space<vmem_shared>>
      tpu.enqueue_dma source(%dma_start3A_177 : memref<128x128xf32, #tpu.memory_space<vmem_shared>>) target(%arg8 : memref<128x128xf32, #tpu.memory_space<vmem>>) target_semaphore(%run_scoped3A : memref<!tpu.dma_semaphore, #tpu.memory_space<semaphore_mem>>)
      %dma_wait3A_178 = arith.constant 0 : i32
      %dma_wait3A_179 = tpu.memref_slice %arg9[%add3A_95, %dma_wait3A_178] : memref<10240x128xf32, #tpu.memory_space<vmem_shared>> -> memref<128x128xf32, #tpu.memory_space<vmem_shared>>
      %dma_wait3A_180 = arith.constant 0 : i32
      %dma_wait3A_181 = tpu.memref_slice %arg9[%add3A_95, %dma_wait3A_180] : memref<10240x128xf32, #tpu.memory_space<vmem_shared>> -> memref<128x128xf32, #tpu.memory_space<vmem_shared>>
      tpu.wait_dma2 semaphore(%run_scoped3A : memref<!tpu.dma_semaphore, #tpu.memory_space<semaphore_mem>>) src(%dma_wait3A_181 : memref<128x128xf32, #tpu.memory_space<vmem_shared>>) dst(%arg8 : memref<128x128xf32, #tpu.memory_space<vmem>>)
      tpu.yield
    }) : () -> ()
    %add3A_96 = arith.constant 128 : i32
    %add3A_97 = arith.addi %mul3A_37, %add3A_96 : i32
    %dma_start3A_98 = arith.constant 0 : i32
    %dma_start3A_99 = tpu.memref_slice %arg4[%arg0, %add3A_97, %dma_start3A_98] : memref<2x10240x128xf32, #tpu.memory_space<hbm>> -> memref<1x128x128xf32, #tpu.memory_space<hbm>>
    %dma_start3A_100 = tpu.memref_squeeze %dma_start3A_99 : memref<1x128x128xf32, #tpu.memory_space<hbm>> -> memref<128x128xf32, #tpu.memory_space<hbm>>
    %dma_start3A_101 = arith.constant 0 : i32
    %dma_start3A_102 = tpu.memref_slice %arg4[%arg0, %add3A_97, %dma_start3A_101] : memref<2x10240x128xf32, #tpu.memory_space<hbm>> -> memref<1x128x128xf32, #tpu.memory_space<hbm>>
    %dma_start3A_103 = tpu.memref_squeeze %dma_start3A_102 : memref<1x128x128xf32, #tpu.memory_space<hbm>> -> memref<128x128xf32, #tpu.memory_space<hbm>>
    tpu.enqueue_dma source(%arg8 : memref<128x128xf32, #tpu.memory_space<vmem>>) target(%dma_start3A_103 : memref<128x128xf32, #tpu.memory_space<hbm>>) target_semaphore(%arg11 : memref<!tpu.dma_semaphore, #tpu.memory_space<semaphore_mem>>)
    %add3A_104 = arith.constant 0 : i32
    %add3A_105 = arith.addi %mul3A_37, %add3A_104 : i32
    %dma_wait3A_106 = arith.constant 0 : i32
    %dma_wait3A_107 = tpu.memref_slice %arg4[%arg0, %add3A_105, %dma_wait3A_106] : memref<2x10240x128xf32, #tpu.memory_space<hbm>> -> memref<1x128x128xf32, #tpu.memory_space<hbm>>
    %dma_wait3A_108 = tpu.memref_squeeze %dma_wait3A_107 : memref<1x128x128xf32, #tpu.memory_space<hbm>> -> memref<128x128xf32, #tpu.memory_space<hbm>>
    %dma_wait3A_109 = arith.constant 0 : i32
    %dma_wait3A_110 = tpu.memref_slice %arg4[%arg0, %add3A_105, %dma_wait3A_109] : memref<2x10240x128xf32, #tpu.memory_space<hbm>> -> memref<1x128x128xf32, #tpu.memory_space<hbm>>
    %dma_wait3A_111 = tpu.memref_squeeze %dma_wait3A_110 : memref<1x128x128xf32, #tpu.memory_space<hbm>> -> memref<128x128xf32, #tpu.memory_space<hbm>>
    tpu.wait_dma2 semaphore(%arg10 : memref<!tpu.dma_semaphore, #tpu.memory_space<semaphore_mem>>) src(%arg7 : memref<128x128xf32, #tpu.memory_space<vmem>>) dst(%dma_wait3A_111 : memref<128x128xf32, #tpu.memory_space<hbm>>)
    %add3A_112 = arith.constant 256 : i32
    %add3A_113 = arith.addi %mul3A_37, %add3A_112 : i32
    "tpu.region"() ({
      %run_scoped3A = tpu.sem_alloc : memref<!tpu.dma_semaphore, #tpu.memory_space<semaphore_mem>>
      %dma_start3A_174 = arith.constant 0 : i32
      %dma_start3A_175 = tpu.memref_slice %arg9[%add3A_113, %dma_start3A_174] : memref<10240x128xf32, #tpu.memory_space<vmem_shared>> -> memref<128x128xf32, #tpu.memory_space<vmem_shared>>
      %dma_start3A_176 = arith.constant 0 : i32
      %dma_start3A_177 = tpu.memref_slice %arg9[%add3A_113, %dma_start3A_176] : memref<10240x128xf32, #tpu.memory_space<vmem_shared>> -> memref<128x128xf32, #tpu.memory_space<vmem_shared>>
      tpu.enqueue_dma source(%dma_start3A_177 : memref<128x128xf32, #tpu.memory_space<vmem_shared>>) target(%arg7 : memref<128x128xf32, #tpu.memory_space<vmem>>) target_semaphore(%run_scoped3A : memref<!tpu.dma_semaphore, #tpu.memory_space<semaphore_mem>>)
      %dma_wait3A_178 = arith.constant 0 : i32
      %dma_wait3A_179 = tpu.memref_slice %arg9[%add3A_113, %dma_wait3A_178] : memref<10240x128xf32, #tpu.memory_space<vmem_shared>> -> memref<128x128xf32, #tpu.memory_space<vmem_shared>>
      %dma_wait3A_180 = arith.constant 0 : i32
      %dma_wait3A_181 = tpu.memref_slice %arg9[%add3A_113, %dma_wait3A_180] : memref<10240x128xf32, #tpu.memory_space<vmem_shared>> -> memref<128x128xf32, #tpu.memory_space<vmem_shared>>
      tpu.wait_dma2 semaphore(%run_scoped3A : memref<!tpu.dma_semaphore, #tpu.memory_space<semaphore_mem>>) src(%dma_wait3A_181 : memref<128x128xf32, #tpu.memory_space<vmem_shared>>) dst(%arg7 : memref<128x128xf32, #tpu.memory_space<vmem>>)
      tpu.yield
    }) : () -> ()
    %add3A_114 = arith.constant 256 : i32
    %add3A_115 = arith.addi %mul3A_37, %add3A_114 : i32
    %dma_start3A_116 = arith.constant 0 : i32
    %dma_start3A_117 = tpu.memref_slice %arg4[%arg0, %add3A_115, %dma_start3A_116] : memref<2x10240x128xf32, #tpu.memory_space<hbm>> -> memref<1x128x128xf32, #tpu.memory_space<hbm>>
    %dma_start3A_118 = tpu.memref_squeeze %dma_start3A_117 : memref<1x128x128xf32, #tpu.memory_space<hbm>> -> memref<128x128xf32, #tpu.memory_space<hbm>>
    %dma_start3A_119 = arith.constant 0 : i32
    %dma_start3A_120 = tpu.memref_slice %arg4[%arg0, %add3A_115, %dma_start3A_119] : memref<2x10240x128xf32, #tpu.memory_space<hbm>> -> memref<1x128x128xf32, #tpu.memory_space<hbm>>
    %dma_start3A_121 = tpu.memref_squeeze %dma_start3A_120 : memref<1x128x128xf32, #tpu.memory_space<hbm>> -> memref<128x128xf32, #tpu.memory_space<hbm>>
    tpu.enqueue_dma source(%arg7 : memref<128x128xf32, #tpu.memory_space<vmem>>) target(%dma_start3A_121 : memref<128x128xf32, #tpu.memory_space<hbm>>) target_semaphore(%arg10 : memref<!tpu.dma_semaphore, #tpu.memory_space<semaphore_mem>>)
    %add3A_122 = arith.constant 128 : i32
    %add3A_123 = arith.addi %mul3A_37, %add3A_122 : i32
    %dma_wait3A_124 = arith.constant 0 : i32
    %dma_wait3A_125 = tpu.memref_slice %arg4[%arg0, %add3A_123, %dma_wait3A_124] : memref<2x10240x128xf32, #tpu.memory_space<hbm>> -> memref<1x128x128xf32, #tpu.memory_space<hbm>>
    %dma_wait3A_126 = tpu.memref_squeeze %dma_wait3A_125 : memref<1x128x128xf32, #tpu.memory_space<hbm>> -> memref<128x128xf32, #tpu.memory_space<hbm>>
    %dma_wait3A_127 = arith.constant 0 : i32
    %dma_wait3A_128 = tpu.memref_slice %arg4[%arg0, %add3A_123, %dma_wait3A_127] : memref<2x10240x128xf32, #tpu.memory_space<hbm>> -> memref<1x128x128xf32, #tpu.memory_space<hbm>>
    %dma_wait3A_129 = tpu.memref_squeeze %dma_wait3A_128 : memref<1x128x128xf32, #tpu.memory_space<hbm>> -> memref<128x128xf32, #tpu.memory_space<hbm>>
    tpu.wait_dma2 semaphore(%arg11 : memref<!tpu.dma_semaphore, #tpu.memory_space<semaphore_mem>>) src(%arg8 : memref<128x128xf32, #tpu.memory_space<vmem>>) dst(%dma_wait3A_129 : memref<128x128xf32, #tpu.memory_space<hbm>>)
    %add3A_130 = arith.constant 384 : i32
    %add3A_131 = arith.addi %mul3A_37, %add3A_130 : i32
    "tpu.region"() ({
      %run_scoped3A = tpu.sem_alloc : memref<!tpu.dma_semaphore, #tpu.memory_space<semaphore_mem>>
      %dma_start3A_174 = arith.constant 0 : i32
      %dma_start3A_175 = tpu.memref_slice %arg9[%add3A_131, %dma_start3A_174] : memref<10240x128xf32, #tpu.memory_space<vmem_shared>> -> memref<128x128xf32, #tpu.memory_space<vmem_shared>>
      %dma_start3A_176 = arith.constant 0 : i32
      %dma_start3A_177 = tpu.memref_slice %arg9[%add3A_131, %dma_start3A_176] : memref<10240x128xf32, #tpu.memory_space<vmem_shared>> -> memref<128x128xf32, #tpu.memory_space<vmem_shared>>
      tpu.enqueue_dma source(%dma_start3A_177 : memref<128x128xf32, #tpu.memory_space<vmem_shared>>) target(%arg8 : memref<128x128xf32, #tpu.memory_space<vmem>>) target_semaphore(%run_scoped3A : memref<!tpu.dma_semaphore, #tpu.memory_space<semaphore_mem>>)
      %dma_wait3A_178 = arith.constant 0 : i32
      %dma_wait3A_179 = tpu.memref_slice %arg9[%add3A_131, %dma_wait3A_178] : memref<10240x128xf32, #tpu.memory_space<vmem_shared>> -> memref<128x128xf32, #tpu.memory_space<vmem_shared>>
      %dma_wait3A_180 = arith.constant 0 : i32
      %dma_wait3A_181 = tpu.memref_slice %arg9[%add3A_131, %dma_wait3A_180] : memref<10240x128xf32, #tpu.memory_space<vmem_shared>> -> memref<128x128xf32, #tpu.memory_space<vmem_shared>>
      tpu.wait_dma2 semaphore(%run_scoped3A : memref<!tpu.dma_semaphore, #tpu.memory_space<semaphore_mem>>) src(%dma_wait3A_181 : memref<128x128xf32, #tpu.memory_space<vmem_shared>>) dst(%arg8 : memref<128x128xf32, #tpu.memory_space<vmem>>)
      tpu.yield
    }) : () -> ()
    %add3A_132 = arith.constant 384 : i32
    %add3A_133 = arith.addi %mul3A_37, %add3A_132 : i32
    %dma_start3A_134 = arith.constant 0 : i32
    %dma_start3A_135 = tpu.memref_slice %arg4[%arg0, %add3A_133, %dma_start3A_134] : memref<2x10240x128xf32, #tpu.memory_space<hbm>> -> memref<1x128x128xf32, #tpu.memory_space<hbm>>
    %dma_start3A_136 = tpu.memref_squeeze %dma_start3A_135 : memref<1x128x128xf32, #tpu.memory_space<hbm>> -> memref<128x128xf32, #tpu.memory_space<hbm>>
    %dma_start3A_137 = arith.constant 0 : i32
    %dma_start3A_138 = tpu.memref_slice %arg4[%arg0, %add3A_133, %dma_start3A_137] : memref<2x10240x128xf32, #tpu.memory_space<hbm>> -> memref<1x128x128xf32, #tpu.memory_space<hbm>>
    %dma_start3A_139 = tpu.memref_squeeze %dma_start3A_138 : memref<1x128x128xf32, #tpu.memory_space<hbm>> -> memref<128x128xf32, #tpu.memory_space<hbm>>
    tpu.enqueue_dma source(%arg8 : memref<128x128xf32, #tpu.memory_space<vmem>>) target(%dma_start3A_139 : memref<128x128xf32, #tpu.memory_space<hbm>>) target_semaphore(%arg11 : memref<!tpu.dma_semaphore, #tpu.memory_space<semaphore_mem>>)
    %add3A_140 = arith.constant 256 : i32
    %add3A_141 = arith.addi %mul3A_37, %add3A_140 : i32
    %dma_wait3A_142 = arith.constant 0 : i32
    %dma_wait3A_143 = tpu.memref_slice %arg4[%arg0, %add3A_141, %dma_wait3A_142] : memref<2x10240x128xf32, #tpu.memory_space<hbm>> -> memref<1x128x128xf32, #tpu.memory_space<hbm>>
    %dma_wait3A_144 = tpu.memref_squeeze %dma_wait3A_143 : memref<1x128x128xf32, #tpu.memory_space<hbm>> -> memref<128x128xf32, #tpu.memory_space<hbm>>
    %dma_wait3A_145 = arith.constant 0 : i32
    %dma_wait3A_146 = tpu.memref_slice %arg4[%arg0, %add3A_141, %dma_wait3A_145] : memref<2x10240x128xf32, #tpu.memory_space<hbm>> -> memref<1x128x128xf32, #tpu.memory_space<hbm>>
    %dma_wait3A_147 = tpu.memref_squeeze %dma_wait3A_146 : memref<1x128x128xf32, #tpu.memory_space<hbm>> -> memref<128x128xf32, #tpu.memory_space<hbm>>
    tpu.wait_dma2 semaphore(%arg10 : memref<!tpu.dma_semaphore, #tpu.memory_space<semaphore_mem>>) src(%arg7 : memref<128x128xf32, #tpu.memory_space<vmem>>) dst(%dma_wait3A_147 : memref<128x128xf32, #tpu.memory_space<hbm>>)
    %add3A_148 = arith.constant 512 : i32
    %add3A_149 = arith.addi %mul3A_37, %add3A_148 : i32
    "tpu.region"() ({
      %run_scoped3A = tpu.sem_alloc : memref<!tpu.dma_semaphore, #tpu.memory_space<semaphore_mem>>
      %dma_start3A_174 = arith.constant 0 : i32
      %dma_start3A_175 = tpu.memref_slice %arg9[%add3A_149, %dma_start3A_174] : memref<10240x128xf32, #tpu.memory_space<vmem_shared>> -> memref<128x128xf32, #tpu.memory_space<vmem_shared>>
      %dma_start3A_176 = arith.constant 0 : i32
      %dma_start3A_177 = tpu.memref_slice %arg9[%add3A_149, %dma_start3A_176] : memref<10240x128xf32, #tpu.memory_space<vmem_shared>> -> memref<128x128xf32, #tpu.memory_space<vmem_shared>>
      tpu.enqueue_dma source(%dma_start3A_177 : memref<128x128xf32, #tpu.memory_space<vmem_shared>>) target(%arg7 : memref<128x128xf32, #tpu.memory_space<vmem>>) target_semaphore(%run_scoped3A : memref<!tpu.dma_semaphore, #tpu.memory_space<semaphore_mem>>)
      %dma_wait3A_178 = arith.constant 0 : i32
      %dma_wait3A_179 = tpu.memref_slice %arg9[%add3A_149, %dma_wait3A_178] : memref<10240x128xf32, #tpu.memory_space<vmem_shared>> -> memref<128x128xf32, #tpu.memory_space<vmem_shared>>
      %dma_wait3A_180 = arith.constant 0 : i32
      %dma_wait3A_181 = tpu.memref_slice %arg9[%add3A_149, %dma_wait3A_180] : memref<10240x128xf32, #tpu.memory_space<vmem_shared>> -> memref<128x128xf32, #tpu.memory_space<vmem_shared>>
      tpu.wait_dma2 semaphore(%run_scoped3A : memref<!tpu.dma_semaphore, #tpu.memory_space<semaphore_mem>>) src(%dma_wait3A_181 : memref<128x128xf32, #tpu.memory_space<vmem_shared>>) dst(%arg7 : memref<128x128xf32, #tpu.memory_space<vmem>>)
      tpu.yield
    }) : () -> ()
    %add3A_150 = arith.constant 512 : i32
    %add3A_151 = arith.addi %mul3A_37, %add3A_150 : i32
    %dma_start3A_152 = arith.constant 0 : i32
    %dma_start3A_153 = tpu.memref_slice %arg4[%arg0, %add3A_151, %dma_start3A_152] : memref<2x10240x128xf32, #tpu.memory_space<hbm>> -> memref<1x128x128xf32, #tpu.memory_space<hbm>>
    %dma_start3A_154 = tpu.memref_squeeze %dma_start3A_153 : memref<1x128x128xf32, #tpu.memory_space<hbm>> -> memref<128x128xf32, #tpu.memory_space<hbm>>
    %dma_start3A_155 = arith.constant 0 : i32
    %dma_start3A_156 = tpu.memref_slice %arg4[%arg0, %add3A_151, %dma_start3A_155] : memref<2x10240x128xf32, #tpu.memory_space<hbm>> -> memref<1x128x128xf32, #tpu.memory_space<hbm>>
    %dma_start3A_157 = tpu.memref_squeeze %dma_start3A_156 : memref<1x128x128xf32, #tpu.memory_space<hbm>> -> memref<128x128xf32, #tpu.memory_space<hbm>>
    tpu.enqueue_dma source(%arg7 : memref<128x128xf32, #tpu.memory_space<vmem>>) target(%dma_start3A_157 : memref<128x128xf32, #tpu.memory_space<hbm>>) target_semaphore(%arg10 : memref<!tpu.dma_semaphore, #tpu.memory_space<semaphore_mem>>)
    %add3A_158 = arith.constant 384 : i32
    %add3A_159 = arith.addi %mul3A_37, %add3A_158 : i32
    %dma_wait3A_160 = arith.constant 0 : i32
    %dma_wait3A_161 = tpu.memref_slice %arg4[%arg0, %add3A_159, %dma_wait3A_160] : memref<2x10240x128xf32, #tpu.memory_space<hbm>> -> memref<1x128x128xf32, #tpu.memory_space<hbm>>
    %dma_wait3A_162 = tpu.memref_squeeze %dma_wait3A_161 : memref<1x128x128xf32, #tpu.memory_space<hbm>> -> memref<128x128xf32, #tpu.memory_space<hbm>>
    %dma_wait3A_163 = arith.constant 0 : i32
    %dma_wait3A_164 = tpu.memref_slice %arg4[%arg0, %add3A_159, %dma_wait3A_163] : memref<2x10240x128xf32, #tpu.memory_space<hbm>> -> memref<1x128x128xf32, #tpu.memory_space<hbm>>
    %dma_wait3A_165 = tpu.memref_squeeze %dma_wait3A_164 : memref<1x128x128xf32, #tpu.memory_space<hbm>> -> memref<128x128xf32, #tpu.memory_space<hbm>>
    tpu.wait_dma2 semaphore(%arg11 : memref<!tpu.dma_semaphore, #tpu.memory_space<semaphore_mem>>) src(%arg8 : memref<128x128xf32, #tpu.memory_space<vmem>>) dst(%dma_wait3A_165 : memref<128x128xf32, #tpu.memory_space<hbm>>)
    %add3A_166 = arith.constant 512 : i32
    %add3A_167 = arith.addi %mul3A_37, %add3A_166 : i32
    %dma_wait3A_168 = arith.constant 0 : i32
    %dma_wait3A_169 = tpu.memref_slice %arg4[%arg0, %add3A_167, %dma_wait3A_168] : memref<2x10240x128xf32, #tpu.memory_space<hbm>> -> memref<1x128x128xf32, #tpu.memory_space<hbm>>
    %dma_wait3A_170 = tpu.memref_squeeze %dma_wait3A_169 : memref<1x128x128xf32, #tpu.memory_space<hbm>> -> memref<128x128xf32, #tpu.memory_space<hbm>>
    %dma_wait3A_171 = arith.constant 0 : i32
    %dma_wait3A_172 = tpu.memref_slice %arg4[%arg0, %add3A_167, %dma_wait3A_171] : memref<2x10240x128xf32, #tpu.memory_space<hbm>> -> memref<1x128x128xf32, #tpu.memory_space<hbm>>
    %dma_wait3A_173 = tpu.memref_squeeze %dma_wait3A_172 : memref<1x128x128xf32, #tpu.memory_space<hbm>> -> memref<128x128xf32, #tpu.memory_space<hbm>>
    tpu.wait_dma2 semaphore(%arg10 : memref<!tpu.dma_semaphore, #tpu.memory_space<semaphore_mem>>) src(%arg7 : memref<128x128xf32, #tpu.memory_space<vmem>>) dst(%dma_wait3A_173 : memref<128x128xf32, #tpu.memory_space<hbm>>)
    return
  }
}

#map = affine_map<(d0, d1) -> (0, 0)>
#map1 = affine_map<(d0, d1) -> (0, 0, 0)>
module attributes {stable_mosaic.version = 14 : i64} {
  func.func @spmm(%arg0: i32, %arg1: i32, %arg2: memref<10000x128xf32, #tpu.memory_space<hbm>>, %arg3: memref<2x2500x128xi32, #tpu.memory_space<hbm>>, %arg4: memref<2x10240x128xf32, #tpu.memory_space<hbm>>, %arg5: memref<40x128xi32, #tpu.memory_space<vmem>>, %arg6: memref<40x128xi32, #tpu.memory_space<vmem>>, %arg7: memref<128x128xf32, #tpu.memory_space<vmem>>, %arg8: memref<128x128xf32, #tpu.memory_space<vmem>>, %arg9: memref<10240x128xf32, #tpu.memory_space<vmem_shared>>, %arg10: memref<!tpu.dma_semaphore, #tpu.memory_space<semaphore_mem>>, %arg11: memref<!tpu.dma_semaphore, #tpu.memory_space<semaphore_mem>>) attributes {dimension_semantics = [#tpu.dimension_semantics<core_parallel>, #tpu.dimension_semantics<subcore_parallel>], iteration_bounds = array<i64: 2, 16>, scalar_prefetch = 0 : i64, scratch_operands = 7 : i64, tpu.core_type = #tpu.core_type<sc_vector_subcore>, window_params = [{transform_indices = #map}, {transform_indices = #map1}, {transform_indices = #map1}]} {
    %mul3A = arith.constant 16 : i32
    %mul3A_0 = arith.muli %arg0, %mul3A : i32
    %add3A = arith.addi %mul3A_0, %arg1 : i32
    %mul3A_1 = arith.constant 78 : i32
    %mul3A_2 = arith.muli %add3A, %mul3A_1 : i32
    %min3A = arith.constant 4 : i32
    %min3A_3 = arith.minsi %add3A, %min3A : i32
    %add3A_4 = arith.addi %mul3A_2, %min3A_3 : i32
    %dma_start3A = arith.constant 0 : i32
    %dma_start3A_5 = arith.constant 0 : i32
    %dma_start3A_6 = arith.constant 0 : i32
    %dma_start3A_7 = tpu.memref_slice %arg3[%dma_start3A, %dma_start3A_5, %dma_start3A_6] : memref<2x2500x128xi32, #tpu.memory_space<hbm>> -> memref<1x2500x128xi32, #tpu.memory_space<hbm>>
    %dma_start3A_8 = tpu.memref_squeeze %dma_start3A_7 : memref<1x2500x128xi32, #tpu.memory_space<hbm>> -> memref<2500x128xi32, #tpu.memory_space<hbm>>
    %dma_start3A_9 = arith.constant 0 : i32
    %dma_start3A_10 = tpu.memref_slice %dma_start3A_8[%add3A_4, %dma_start3A_9] : memref<2500x128xi32, #tpu.memory_space<hbm>> -> memref<40x128xi32, #tpu.memory_space<hbm>>
    %dma_start3A_11 = arith.constant 0 : i32
    %dma_start3A_12 = arith.constant 0 : i32
    %dma_start3A_13 = tpu.memref_slice %arg3[%dma_start3A, %dma_start3A_11, %dma_start3A_12] : memref<2x2500x128xi32, #tpu.memory_space<hbm>> -> memref<1x2500x128xi32, #tpu.memory_space<hbm>>
    %dma_start3A_14 = tpu.memref_squeeze %dma_start3A_13 : memref<1x2500x128xi32, #tpu.memory_space<hbm>> -> memref<2500x128xi32, #tpu.memory_space<hbm>>
    %dma_start3A_15 = arith.constant 0 : i32
    %dma_start3A_16 = tpu.memref_slice %dma_start3A_14[%add3A_4, %dma_start3A_15] : memref<2500x128xi32, #tpu.memory_space<hbm>> -> memref<40x128xi32, #tpu.memory_space<hbm>>
    tpu.enqueue_dma source(%dma_start3A_16 : memref<40x128xi32, #tpu.memory_space<hbm>>) target(%arg5 : memref<40x128xi32, #tpu.memory_space<vmem>>) target_semaphore(%arg10 : memref<!tpu.dma_semaphore, #tpu.memory_space<semaphore_mem>>)
    %dma_start3A_17 = arith.constant 1 : i32
    %dma_start3A_18 = arith.constant 0 : i32
    %dma_start3A_19 = arith.constant 0 : i32
    %dma_start3A_20 = tpu.memref_slice %arg3[%dma_start3A_17, %dma_start3A_18, %dma_start3A_19] : memref<2x2500x128xi32, #tpu.memory_space<hbm>> -> memref<1x2500x128xi32, #tpu.memory_space<hbm>>
    %dma_start3A_21 = tpu.memref_squeeze %dma_start3A_20 : memref<1x2500x128xi32, #tpu.memory_space<hbm>> -> memref<2500x128xi32, #tpu.memory_space<hbm>>
    %dma_start3A_22 = arith.constant 0 : i32
    %dma_start3A_23 = tpu.memref_slice %dma_start3A_21[%add3A_4, %dma_start3A_22] : memref<2500x128xi32, #tpu.memory_space<hbm>> -> memref<40x128xi32, #tpu.memory_space<hbm>>
    %dma_start3A_24 = arith.constant 0 : i32
    %dma_start3A_25 = arith.constant 0 : i32
    %dma_start3A_26 = tpu.memref_slice %arg3[%dma_start3A_17, %dma_start3A_24, %dma_start3A_25] : memref<2x2500x128xi32, #tpu.memory_space<hbm>> -> memref<1x2500x128xi32, #tpu.memory_space<hbm>>
    %dma_start3A_27 = tpu.memref_squeeze %dma_start3A_26 : memref<1x2500x128xi32, #tpu.memory_space<hbm>> -> memref<2500x128xi32, #tpu.memory_space<hbm>>
    %dma_start3A_28 = arith.constant 0 : i32
    %dma_start3A_29 = tpu.memref_slice %dma_start3A_27[%add3A_4, %dma_start3A_28] : memref<2500x128xi32, #tpu.memory_space<hbm>> -> memref<40x128xi32, #tpu.memory_space<hbm>>
    tpu.enqueue_dma source(%dma_start3A_29 : memref<40x128xi32, #tpu.memory_space<hbm>>) target(%arg6 : memref<40x128xi32, #tpu.memory_space<vmem>>) target_semaphore(%arg11 : memref<!tpu.dma_semaphore, #tpu.memory_space<semaphore_mem>>)
    %broadcast_in_dim3A = arith.constant 0.000000e+00 : f32
    %broadcast_in_dim3A_30 = vector.broadcast %broadcast_in_dim3A : f32 to vector<16xf32>
    %scan3A = arith.constant 0 : i32
    %scan3A_31 = arith.constant 0 : i32
    %scan3A_32 = arith.constant 128 : i32
    %scan3A_33 = arith.addi %scan3A_31, %scan3A_32 : i32
    %scan3A_34 = arith.constant 1 : i32
    scf.for %scan3A_174 = %scan3A_31 to %scan3A_33 step %scan3A_34  : i32 {
      %swap3A = arith.index_cast %scan3A_174 : i32 to index
      %swap3A_175 = arith.constant 0 : index
      %swap3A_176 = tpu.vector_load %arg7[%swap3A, %swap3A_175] {strides = array<i32>} : memref<128x128xf32, #tpu.memory_space<vmem>>, vector<1x16xf32>,
      %swap3A_177 = vector.shape_cast %swap3A_176 : vector<1x16xf32> to vector<16xf32>
      %swap3A_178 = vector.shape_cast %broadcast_in_dim3A_30 : vector<16xf32> to vector<1x16xf32>
      tpu.vector_store %arg7[%swap3A, %swap3A_175], %swap3A_178 {strides = array<i32>} : memref<128x128xf32, #tpu.memory_space<vmem>>, vector<1x16xf32>,
      %swap3A_179 = arith.index_cast %scan3A_174 : i32 to index
      %swap3A_180 = arith.constant 16 : index
      %swap3A_181 = tpu.vector_load %arg7[%swap3A_179, %swap3A_180] {strides = array<i32>} : memref<128x128xf32, #tpu.memory_space<vmem>>, vector<1x16xf32>,
      %swap3A_182 = vector.shape_cast %swap3A_181 : vector<1x16xf32> to vector<16xf32>
      %swap3A_183 = vector.shape_cast %broadcast_in_dim3A_30 : vector<16xf32> to vector<1x16xf32>
      tpu.vector_store %arg7[%swap3A_179, %swap3A_180], %swap3A_183 {strides = array<i32>} : memref<128x128xf32, #tpu.memory_space<vmem>>, vector<1x16xf32>,
      %swap3A_184 = arith.index_cast %scan3A_174 : i32 to index
      %swap3A_185 = arith.constant 32 : index
      %swap3A_186 = tpu.vector_load %arg7[%swap3A_184, %swap3A_185] {strides = array<i32>} : memref<128x128xf32, #tpu.memory_space<vmem>>, vector<1x16xf32>,
      %swap3A_187 = vector.shape_cast %swap3A_186 : vector<1x16xf32> to vector<16xf32>
      %swap3A_188 = vector.shape_cast %broadcast_in_dim3A_30 : vector<16xf32> to vector<1x16xf32>
      tpu.vector_store %arg7[%swap3A_184, %swap3A_185], %swap3A_188 {strides = array<i32>} : memref<128x128xf32, #tpu.memory_space<vmem>>, vector<1x16xf32>,
      %swap3A_189 = arith.index_cast %scan3A_174 : i32 to index
      %swap3A_190 = arith.constant 48 : index
      %swap3A_191 = tpu.vector_load %arg7[%swap3A_189, %swap3A_190] {strides = array<i32>} : memref<128x128xf32, #tpu.memory_space<vmem>>, vector<1x16xf32>,
      %swap3A_192 = vector.shape_cast %swap3A_191 : vector<1x16xf32> to vector<16xf32>
      %swap3A_193 = vector.shape_cast %broadcast_in_dim3A_30 : vector<16xf32> to vector<1x16xf32>
      tpu.vector_store %arg7[%swap3A_189, %swap3A_190], %swap3A_193 {strides = array<i32>} : memref<128x128xf32, #tpu.memory_space<vmem>>, vector<1x16xf32>,
      %swap3A_194 = arith.index_cast %scan3A_174 : i32 to index
      %swap3A_195 = arith.constant 64 : index
      %swap3A_196 = tpu.vector_load %arg7[%swap3A_194, %swap3A_195] {strides = array<i32>} : memref<128x128xf32, #tpu.memory_space<vmem>>, vector<1x16xf32>,
      %swap3A_197 = vector.shape_cast %swap3A_196 : vector<1x16xf32> to vector<16xf32>
      %swap3A_198 = vector.shape_cast %broadcast_in_dim3A_30 : vector<16xf32> to vector<1x16xf32>
      tpu.vector_store %arg7[%swap3A_194, %swap3A_195], %swap3A_198 {strides = array<i32>} : memref<128x128xf32, #tpu.memory_space<vmem>>, vector<1x16xf32>,
      %swap3A_199 = arith.index_cast %scan3A_174 : i32 to index
      %swap3A_200 = arith.constant 80 : index
      %swap3A_201 = tpu.vector_load %arg7[%swap3A_199, %swap3A_200] {strides = array<i32>} : memref<128x128xf32, #tpu.memory_space<vmem>>, vector<1x16xf32>,
      %swap3A_202 = vector.shape_cast %swap3A_201 : vector<1x16xf32> to vector<16xf32>
      %swap3A_203 = vector.shape_cast %broadcast_in_dim3A_30 : vector<16xf32> to vector<1x16xf32>
      tpu.vector_store %arg7[%swap3A_199, %swap3A_200], %swap3A_203 {strides = array<i32>} : memref<128x128xf32, #tpu.memory_space<vmem>>, vector<1x16xf32>,
      %swap3A_204 = arith.index_cast %scan3A_174 : i32 to index
      %swap3A_205 = arith.constant 96 : index
      %swap3A_206 = tpu.vector_load %arg7[%swap3A_204, %swap3A_205] {strides = array<i32>} : memref<128x128xf32, #tpu.memory_space<vmem>>, vector<1x16xf32>,
      %swap3A_207 = vector.shape_cast %swap3A_206 : vector<1x16xf32> to vector<16xf32>
      %swap3A_208 = vector.shape_cast %broadcast_in_dim3A_30 : vector<16xf32> to vector<1x16xf32>
      tpu.vector_store %arg7[%swap3A_204, %swap3A_205], %swap3A_208 {strides = array<i32>} : memref<128x128xf32, #tpu.memory_space<vmem>>, vector<1x16xf32>,
      %swap3A_209 = arith.index_cast %scan3A_174 : i32 to index
      %swap3A_210 = arith.constant 112 : index
      %swap3A_211 = tpu.vector_load %arg7[%swap3A_209, %swap3A_210] {strides = array<i32>} : memref<128x128xf32, #tpu.memory_space<vmem>>, vector<1x16xf32>,
      %swap3A_212 = vector.shape_cast %swap3A_211 : vector<1x16xf32> to vector<16xf32>
      %swap3A_213 = vector.shape_cast %broadcast_in_dim3A_30 : vector<16xf32> to vector<1x16xf32>
      tpu.vector_store %arg7[%swap3A_209, %swap3A_210], %swap3A_213 {strides = array<i32>} : memref<128x128xf32, #tpu.memory_space<vmem>>, vector<1x16xf32>,
    }
    %scan3A_35 = arith.constant 128 : i32
    %mul3A_36 = arith.constant 640 : i32
    %mul3A_37 = arith.muli %arg1, %mul3A_36 : i32
    %add3A_38 = arith.constant 0 : i32
    %add3A_39 = arith.addi %mul3A_37, %add3A_38 : i32
    "tpu.region"() ({
      %run_scoped3A = tpu.sem_alloc : memref<!tpu.dma_semaphore, #tpu.memory_space<semaphore_mem>>
      %dma_start3A_174 = arith.constant 0 : i32
      %dma_start3A_175 = tpu.memref_slice %arg9[%add3A_39, %dma_start3A_174] : memref<10240x128xf32, #tpu.memory_space<vmem_shared>> -> memref<128x128xf32, #tpu.memory_space<vmem_shared>>
      %dma_start3A_176 = arith.constant 0 : i32
      %dma_start3A_177 = tpu.memref_slice %arg9[%add3A_39, %dma_start3A_176] : memref<10240x128xf32, #tpu.memory_space<vmem_shared>> -> memref<128x128xf32, #tpu.memory_space<vmem_shared>>
      tpu.enqueue_dma source(%arg7 : memref<128x128xf32, #tpu.memory_space<vmem>>) target(%dma_start3A_177 : memref<128x128xf32, #tpu.memory_space<vmem_shared>>) target_semaphore(%run_scoped3A : memref<!tpu.dma_semaphore, #tpu.memory_space<semaphore_mem>>)
      %dma_wait3A_178 = arith.constant 0 : i32
      %dma_wait3A_179 = tpu.memref_slice %arg9[%add3A_39, %dma_wait3A_178] : memref<10240x128xf32, #tpu.memory_space<vmem_shared>> -> memref<128x128xf32, #tpu.memory_space<vmem_shared>>
      %dma_wait3A_180 = arith.constant 0 : i32
      %dma_wait3A_181 = tpu.memref_slice %arg9[%add3A_39, %dma_wait3A_180] : memref<10240x128xf32, #tpu.memory_space<vmem_shared>> -> memref<128x128xf32, #tpu.memory_space<vmem_shared>>
      tpu.wait_dma2 semaphore(%run_scoped3A : memref<!tpu.dma_semaphore, #tpu.memory_space<semaphore_mem>>) src(%arg7 : memref<128x128xf32, #tpu.memory_space<vmem>>) dst(%dma_wait3A_181 : memref<128x128xf32, #tpu.memory_space<vmem_shared>>)
      tpu.yield
    }) : () -> ()
    %add3A_40 = arith.constant 128 : i32
    %add3A_41 = arith.addi %mul3A_37, %add3A_40 : i32
    "tpu.region"() ({
      %run_scoped3A = tpu.sem_alloc : memref<!tpu.dma_semaphore, #tpu.memory_space<semaphore_mem>>
      %dma_start3A_174 = arith.constant 0 : i32
      %dma_start3A_175 = tpu.memref_slice %arg9[%add3A_41, %dma_start3A_174] : memref<10240x128xf32, #tpu.memory_space<vmem_shared>> -> memref<128x128xf32, #tpu.memory_space<vmem_shared>>
      %dma_start3A_176 = arith.constant 0 : i32
      %dma_start3A_177 = tpu.memref_slice %arg9[%add3A_41, %dma_start3A_176] : memref<10240x128xf32, #tpu.memory_space<vmem_shared>> -> memref<128x128xf32, #tpu.memory_space<vmem_shared>>
      tpu.enqueue_dma source(%arg7 : memref<128x128xf32, #tpu.memory_space<vmem>>) target(%dma_start3A_177 : memref<128x128xf32, #tpu.memory_space<vmem_shared>>) target_semaphore(%run_scoped3A : memref<!tpu.dma_semaphore, #tpu.memory_space<semaphore_mem>>)
      %dma_wait3A_178 = arith.constant 0 : i32
      %dma_wait3A_179 = tpu.memref_slice %arg9[%add3A_41, %dma_wait3A_178] : memref<10240x128xf32, #tpu.memory_space<vmem_shared>> -> memref<128x128xf32, #tpu.memory_space<vmem_shared>>
      %dma_wait3A_180 = arith.constant 0 : i32
      %dma_wait3A_181 = tpu.memref_slice %arg9[%add3A_41, %dma_wait3A_180] : memref<10240x128xf32, #tpu.memory_space<vmem_shared>> -> memref<128x128xf32, #tpu.memory_space<vmem_shared>>
      tpu.wait_dma2 semaphore(%run_scoped3A : memref<!tpu.dma_semaphore, #tpu.memory_space<semaphore_mem>>) src(%arg7 : memref<128x128xf32, #tpu.memory_space<vmem>>) dst(%dma_wait3A_181 : memref<128x128xf32, #tpu.memory_space<vmem_shared>>)
      tpu.yield
    }) : () -> ()
    %add3A_42 = arith.constant 256 : i32
    %add3A_43 = arith.addi %mul3A_37, %add3A_42 : i32
    "tpu.region"() ({
      %run_scoped3A = tpu.sem_alloc : memref<!tpu.dma_semaphore, #tpu.memory_space<semaphore_mem>>
      %dma_start3A_174 = arith.constant 0 : i32
      %dma_start3A_175 = tpu.memref_slice %arg9[%add3A_43, %dma_start3A_174] : memref<10240x128xf32, #tpu.memory_space<vmem_shared>> -> memref<128x128xf32, #tpu.memory_space<vmem_shared>>
      %dma_start3A_176 = arith.constant 0 : i32
      %dma_start3A_177 = tpu.memref_slice %arg9[%add3A_43, %dma_start3A_176] : memref<10240x128xf32, #tpu.memory_space<vmem_shared>> -> memref<128x128xf32, #tpu.memory_space<vmem_shared>>
      tpu.enqueue_dma source(%arg7 : memref<128x128xf32, #tpu.memory_space<vmem>>) target(%dma_start3A_177 : memref<128x128xf32, #tpu.memory_space<vmem_shared>>) target_semaphore(%run_scoped3A : memref<!tpu.dma_semaphore, #tpu.memory_space<semaphore_mem>>)
      %dma_wait3A_178 = arith.constant 0 : i32
      %dma_wait3A_179 = tpu.memref_slice %arg9[%add3A_43, %dma_wait3A_178] : memref<10240x128xf32, #tpu.memory_space<vmem_shared>> -> memref<128x128xf32, #tpu.memory_space<vmem_shared>>
      %dma_wait3A_180 = arith.constant 0 : i32
      %dma_wait3A_181 = tpu.memref_slice %arg9[%add3A_43, %dma_wait3A_180] : memref<10240x128xf32, #tpu.memory_space<vmem_shared>> -> memref<128x128xf32, #tpu.memory_space<vmem_shared>>
      tpu.wait_dma2 semaphore(%run_scoped3A : memref<!tpu.dma_semaphore, #tpu.memory_space<semaphore_mem>>) src(%arg7 : memref<128x128xf32, #tpu.memory_space<vmem>>) dst(%dma_wait3A_181 : memref<128x128xf32, #tpu.memory_space<vmem_shared>>)
      tpu.yield
    }) : () -> ()
    %add3A_44 = arith.constant 384 : i32
    %add3A_45 = arith.addi %mul3A_37, %add3A_44 : i32
    "tpu.region"() ({
      %run_scoped3A = tpu.sem_alloc : memref<!tpu.dma_semaphore, #tpu.memory_space<semaphore_mem>>
      %dma_start3A_174 = arith.constant 0 : i32
      %dma_start3A_175 = tpu.memref_slice %arg9[%add3A_45, %dma_start3A_174] : memref<10240x128xf32, #tpu.memory_space<vmem_shared>> -> memref<128x128xf32, #tpu.memory_space<vmem_shared>>
      %dma_start3A_176 = arith.constant 0 : i32
      %dma_start3A_177 = tpu.memref_slice %arg9[%add3A_45, %dma_start3A_176] : memref<10240x128xf32, #tpu.memory_space<vmem_shared>> -> memref<128x128xf32, #tpu.memory_space<vmem_shared>>
      tpu.enqueue_dma source(%arg7 : memref<128x128xf32, #tpu.memory_space<vmem>>) target(%dma_start3A_177 : memref<128x128xf32, #tpu.memory_space<vmem_shared>>) target_semaphore(%run_scoped3A : memref<!tpu.dma_semaphore, #tpu.memory_space<semaphore_mem>>)
      %dma_wait3A_178 = arith.constant 0 : i32
      %dma_wait3A_179 = tpu.memref_slice %arg9[%add3A_45, %dma_wait3A_178] : memref<10240x128xf32, #tpu.memory_space<vmem_shared>> -> memref<128x128xf32, #tpu.memory_space<vmem_shared>>
      %dma_wait3A_180 = arith.constant 0 : i32
      %dma_wait3A_181 = tpu.memref_slice %arg9[%add3A_45, %dma_wait3A_180] : memref<10240x128xf32, #tpu.memory_space<vmem_shared>> -> memref<128x128xf32, #tpu.memory_space<vmem_shared>>
      tpu.wait_dma2 semaphore(%run_scoped3A : memref<!tpu.dma_semaphore, #tpu.memory_space<semaphore_mem>>) src(%arg7 : memref<128x128xf32, #tpu.memory_space<vmem>>) dst(%dma_wait3A_181 : memref<128x128xf32, #tpu.memory_space<vmem_shared>>)
      tpu.yield
    }) : () -> ()
    %add3A_46 = arith.constant 512 : i32
    %add3A_47 = arith.addi %mul3A_37, %add3A_46 : i32
    "tpu.region"() ({
      %run_scoped3A = tpu.sem_alloc : memref<!tpu.dma_semaphore, #tpu.memory_space<semaphore_mem>>
      %dma_start3A_174 = arith.constant 0 : i32
      %dma_start3A_175 = tpu.memref_slice %arg9[%add3A_47, %dma_start3A_174] : memref<10240x128xf32, #tpu.memory_space<vmem_shared>> -> memref<128x128xf32, #tpu.memory_space<vmem_shared>>
      %dma_start3A_176 = arith.constant 0 : i32
      %dma_start3A_177 = tpu.memref_slice %arg9[%add3A_47, %dma_start3A_176] : memref<10240x128xf32, #tpu.memory_space<vmem_shared>> -> memref<128x128xf32, #tpu.memory_space<vmem_shared>>
      tpu.enqueue_dma source(%arg7 : memref<128x128xf32, #tpu.memory_space<vmem>>) target(%dma_start3A_177 : memref<128x128xf32, #tpu.memory_space<vmem_shared>>) target_semaphore(%run_scoped3A : memref<!tpu.dma_semaphore, #tpu.memory_space<semaphore_mem>>)
      %dma_wait3A_178 = arith.constant 0 : i32
      %dma_wait3A_179 = tpu.memref_slice %arg9[%add3A_47, %dma_wait3A_178] : memref<10240x128xf32, #tpu.memory_space<vmem_shared>> -> memref<128x128xf32, #tpu.memory_space<vmem_shared>>
      %dma_wait3A_180 = arith.constant 0 : i32
      %dma_wait3A_181 = tpu.memref_slice %arg9[%add3A_47, %dma_wait3A_180] : memref<10240x128xf32, #tpu.memory_space<vmem_shared>> -> memref<128x128xf32, #tpu.memory_space<vmem_shared>>
      tpu.wait_dma2 semaphore(%run_scoped3A : memref<!tpu.dma_semaphore, #tpu.memory_space<semaphore_mem>>) src(%arg7 : memref<128x128xf32, #tpu.memory_space<vmem>>) dst(%dma_wait3A_181 : memref<128x128xf32, #tpu.memory_space<vmem_shared>>)
      tpu.yield
    }) : () -> ()
    %dma_wait3A = arith.constant 0 : i32
    %dma_wait3A_48 = arith.constant 0 : i32
    %dma_wait3A_49 = arith.constant 0 : i32
    %dma_wait3A_50 = tpu.memref_slice %arg3[%dma_wait3A, %dma_wait3A_48, %dma_wait3A_49] : memref<2x2500x128xi32, #tpu.memory_space<hbm>> -> memref<1x2500x128xi32, #tpu.memory_space<hbm>>
    %dma_wait3A_51 = tpu.memref_squeeze %dma_wait3A_50 : memref<1x2500x128xi32, #tpu.memory_space<hbm>> -> memref<2500x128xi32, #tpu.memory_space<hbm>>
    %dma_wait3A_52 = arith.constant 0 : i32
    %dma_wait3A_53 = tpu.memref_slice %dma_wait3A_51[%add3A_4, %dma_wait3A_52] : memref<2500x128xi32, #tpu.memory_space<hbm>> -> memref<40x128xi32, #tpu.memory_space<hbm>>
    %dma_wait3A_54 = arith.constant 0 : i32
    %dma_wait3A_55 = arith.constant 0 : i32
    %dma_wait3A_56 = tpu.memref_slice %arg3[%dma_wait3A, %dma_wait3A_54, %dma_wait3A_55] : memref<2x2500x128xi32, #tpu.memory_space<hbm>> -> memref<1x2500x128xi32, #tpu.memory_space<hbm>>
    %dma_wait3A_57 = tpu.memref_squeeze %dma_wait3A_56 : memref<1x2500x128xi32, #tpu.memory_space<hbm>> -> memref<2500x128xi32, #tpu.memory_space<hbm>>
    %dma_wait3A_58 = arith.constant 0 : i32
    %dma_wait3A_59 = tpu.memref_slice %dma_wait3A_57[%add3A_4, %dma_wait3A_58] : memref<2500x128xi32, #tpu.memory_space<hbm>> -> memref<40x128xi32, #tpu.memory_space<hbm>>
    tpu.wait_dma2 semaphore(%arg10 : memref<!tpu.dma_semaphore, #tpu.memory_space<semaphore_mem>>) src(%dma_wait3A_59 : memref<40x128xi32, #tpu.memory_space<hbm>>) dst(%arg5 : memref<40x128xi32, #tpu.memory_space<vmem>>)
    %dma_wait3A_60 = arith.constant 1 : i32
    %dma_wait3A_61 = arith.constant 0 : i32
    %dma_wait3A_62 = arith.constant 0 : i32
    %dma_wait3A_63 = tpu.memref_slice %arg3[%dma_wait3A_60, %dma_wait3A_61, %dma_wait3A_62] : memref<2x2500x128xi32, #tpu.memory_space<hbm>> -> memref<1x2500x128xi32, #tpu.memory_space<hbm>>
    %dma_wait3A_64 = tpu.memref_squeeze %dma_wait3A_63 : memref<1x2500x128xi32, #tpu.memory_space<hbm>> -> memref<2500x128xi32, #tpu.memory_space<hbm>>
    %dma_wait3A_65 = arith.constant 0 : i32
    %dma_wait3A_66 = tpu.memref_slice %dma_wait3A_64[%add3A_4, %dma_wait3A_65] : memref<2500x128xi32, #tpu.memory_space<hbm>> -> memref<40x128xi32, #tpu.memory_space<hbm>>
    %dma_wait3A_67 = arith.constant 0 : i32
    %dma_wait3A_68 = arith.constant 0 : i32
    %dma_wait3A_69 = tpu.memref_slice %arg3[%dma_wait3A_60, %dma_wait3A_67, %dma_wait3A_68] : memref<2x2500x128xi32, #tpu.memory_space<hbm>> -> memref<1x2500x128xi32, #tpu.memory_space<hbm>>
    %dma_wait3A_70 = tpu.memref_squeeze %dma_wait3A_69 : memref<1x2500x128xi32, #tpu.memory_space<hbm>> -> memref<2500x128xi32, #tpu.memory_space<hbm>>
    %dma_wait3A_71 = arith.constant 0 : i32
    %dma_wait3A_72 = tpu.memref_slice %dma_wait3A_70[%add3A_4, %dma_wait3A_71] : memref<2500x128xi32, #tpu.memory_space<hbm>> -> memref<40x128xi32, #tpu.memory_space<hbm>>
    tpu.wait_dma2 semaphore(%arg11 : memref<!tpu.dma_semaphore, #tpu.memory_space<semaphore_mem>>) src(%dma_wait3A_72 : memref<40x128xi32, #tpu.memory_space<hbm>>) dst(%arg6 : memref<40x128xi32, #tpu.memory_space<vmem>>)
    %barrier3A = arith.constant 0 : index
    tpu.barrier barrier_id(%barrier3A)
    %lt3A = arith.constant 4 : i32
    %lt3A_73 = arith.cmpi slt, %add3A, %lt3A : i32
    %convert_element_type3A = arith.extui %lt3A_73 : i1 to i32
    %cond3A = arith.constant 0 : i32
    %cond3A_74 = arith.constant 1 : i32
    %cond3A_75 = arith.constant 0 : i32
    %cond3A_76 = arith.cmpi ne, %convert_element_type3A, %cond3A_75 : i32
    scf.if %cond3A_76 {
      %dma_start3A_174 = arith.constant 0 : i32
      %dma_start3A_175 = arith.constant 0 : i32
      %dma_start3A_176 = tpu.memref_slice %arg5[%dma_start3A_174, %dma_start3A_175] : memref<40x128xi32, #tpu.memory_space<vmem>> -> memref<1x128xi32, #tpu.memory_space<vmem>>
      %dma_start3A_177 = tpu.memref_squeeze %dma_start3A_176 : memref<1x128xi32, #tpu.memory_space<vmem>> -> memref<128xi32, #tpu.memory_space<vmem>>
      %dma_start3A_178 = arith.constant 0 : i32
      %dma_start3A_179 = arith.constant 0 : i32
      %dma_start3A_180 = tpu.memref_slice %arg2[%dma_start3A_178, %dma_start3A_179] : memref<10000x128xf32, #tpu.memory_space<hbm>> -> memref<10000x128xf32, #tpu.memory_space<hbm>>
      tpu.enqueue_indirect_dma source(%dma_start3A_180 : memref<10000x128xf32, #tpu.memory_space<hbm>>) target(%arg7 : memref<128x128xf32, #tpu.memory_space<vmem>>) offsets(%dma_start3A_177 : memref<128xi32, #tpu.memory_space<vmem>>) semaphore(%arg10 : memref<!tpu.dma_semaphore, #tpu.memory_space<semaphore_mem>>)
      %scan3A_181 = arith.constant 0 : i32
      %scan3A_182 = arith.constant 0 : i32
      %scan3A_183 = arith.constant 20 : i32
      %scan3A_184 = arith.addi %scan3A_182, %scan3A_183 : i32
      %scan3A_185 = arith.constant 1 : i32
      scf.for %scan3A_211 = %scan3A_182 to %scan3A_184 step %scan3A_185  : i32 {
        %mul3A_212 = arith.constant 2 : i32
        %mul3A_213 = arith.muli %mul3A_212, %scan3A_211 : i32
        %add3A_214 = arith.constant 1 : i32
        %add3A_215 = arith.addi %mul3A_213, %add3A_214 : i32
        %dma_start3A_216 = arith.constant 0 : i32
        %dma_start3A_217 = tpu.memref_slice %arg5[%add3A_215, %dma_start3A_216] : memref<40x128xi32, #tpu.memory_space<vmem>> -> memref<1x128xi32, #tpu.memory_space<vmem>>
        %dma_start3A_218 = tpu.memref_squeeze %dma_start3A_217 : memref<1x128xi32, #tpu.memory_space<vmem>> -> memref<128xi32, #tpu.memory_space<vmem>>
        %dma_start3A_219 = arith.constant 0 : i32
        %dma_start3A_220 = arith.constant 0 : i32
        %dma_start3A_221 = tpu.memref_slice %arg2[%dma_start3A_219, %dma_start3A_220] : memref<10000x128xf32, #tpu.memory_space<hbm>> -> memref<10000x128xf32, #tpu.memory_space<hbm>>
        tpu.enqueue_indirect_dma source(%dma_start3A_221 : memref<10000x128xf32, #tpu.memory_space<hbm>>) target(%arg8 : memref<128x128xf32, #tpu.memory_space<vmem>>) offsets(%dma_start3A_218 : memref<128xi32, #tpu.memory_space<vmem>>) semaphore(%arg11 : memref<!tpu.dma_semaphore, #tpu.memory_space<semaphore_mem>>)
        %dma_wait3A_222 = arith.constant 0 : i32
        %dma_wait3A_223 = tpu.memref_slice %arg5[%mul3A_213, %dma_wait3A_222] : memref<40x128xi32, #tpu.memory_space<vmem>> -> memref<1x128xi32, #tpu.memory_space<vmem>>
        %dma_wait3A_224 = tpu.memref_squeeze %dma_wait3A_223 : memref<1x128xi32, #tpu.memory_space<vmem>> -> memref<128xi32, #tpu.memory_space<vmem>>
        %dma_wait3A_225 = arith.constant 0 : i32
        %dma_wait3A_226 = arith.constant 0 : i32
        %dma_wait3A_227 = tpu.memref_slice %arg2[%dma_wait3A_225, %dma_wait3A_226] : memref<10000x128xf32, #tpu.memory_space<hbm>> -> memref<10000x128xf32, #tpu.memory_space<hbm>>
        tpu.wait_indirect_dma semaphore(%arg10 : memref<!tpu.dma_semaphore, #tpu.memory_space<semaphore_mem>>) src(%dma_wait3A_227 : memref<10000x128xf32, #tpu.memory_space<hbm>>) dst(%arg7 : memref<128x128xf32, #tpu.memory_space<vmem>>)
        "tpu.region"() ({
          %run_scoped3A_245 = tpu.sem_alloc : memref<!tpu.dma_semaphore, #tpu.memory_space<semaphore_mem>>
          %dma_start3A_246 = arith.constant 0 : i32
          %dma_start3A_247 = tpu.memref_slice %arg6[%mul3A_213, %dma_start3A_246] : memref<40x128xi32, #tpu.memory_space<vmem>> -> memref<1x128xi32, #tpu.memory_space<vmem>>
          %dma_start3A_248 = tpu.memref_squeeze %dma_start3A_247 : memref<1x128xi32, #tpu.memory_space<vmem>> -> memref<128xi32, #tpu.memory_space<vmem>>
          %dma_start3A_249 = arith.constant 0 : i32
          %dma_start3A_250 = arith.constant 0 : i32
          %dma_start3A_251 = tpu.memref_slice %arg9[%dma_start3A_249, %dma_start3A_250] : memref<10240x128xf32, #tpu.memory_space<vmem_shared>> -> memref<10240x128xf32, #tpu.memory_space<vmem_shared>>
          tpu.enqueue_indirect_dma source(%arg7 : memref<128x128xf32, #tpu.memory_space<vmem>>) target(%dma_start3A_251 : memref<10240x128xf32, #tpu.memory_space<vmem_shared>>) offsets(%dma_start3A_248 : memref<128xi32, #tpu.memory_space<vmem>>) semaphore(%run_scoped3A_245 : memref<!tpu.dma_semaphore, #tpu.memory_space<semaphore_mem>>) {add = true}
          %dma_wait3A_252 = arith.constant 0 : i32
          %dma_wait3A_253 = tpu.memref_slice %arg6[%mul3A_213, %dma_wait3A_252] : memref<40x128xi32, #tpu.memory_space<vmem>> -> memref<1x128xi32, #tpu.memory_space<vmem>>
          %dma_wait3A_254 = tpu.memref_squeeze %dma_wait3A_253 : memref<1x128xi32, #tpu.memory_space<vmem>> -> memref<128xi32, #tpu.memory_space<vmem>>
          %dma_wait3A_255 = arith.constant 0 : i32
          %dma_wait3A_256 = arith.constant 0 : i32
          %dma_wait3A_257 = tpu.memref_slice %arg9[%dma_wait3A_255, %dma_wait3A_256] : memref<10240x128xf32, #tpu.memory_space<vmem_shared>> -> memref<10240x128xf32, #tpu.memory_space<vmem_shared>>
          tpu.wait_indirect_dma semaphore(%run_scoped3A_245 : memref<!tpu.dma_semaphore, #tpu.memory_space<semaphore_mem>>) src(%arg7 : memref<128x128xf32, #tpu.memory_space<vmem>>) dst(%dma_wait3A_257 : memref<10240x128xf32, #tpu.memory_space<vmem_shared>>)
          tpu.yield
        }) : () -> ()
        %add3A_228 = arith.constant 2 : i32
        %add3A_229 = arith.addi %mul3A_213, %add3A_228 : i32
        %lt3A_230 = arith.constant 40 : i32
        %lt3A_231 = arith.cmpi slt, %add3A_229, %lt3A_230 : i32
        %convert_element_type3A_232 = arith.extui %lt3A_231 : i1 to i32
        %cond3A_233 = arith.constant 0 : i32
        %cond3A_234 = arith.cmpi ne, %convert_element_type3A_232, %cond3A_233 : i32
        scf.if %cond3A_234 {
          %add3A_245 = arith.constant 2 : i32
          %add3A_246 = arith.addi %mul3A_213, %add3A_245 : i32
          %dma_start3A_247 = arith.constant 0 : i32
          %dma_start3A_248 = tpu.memref_slice %arg5[%add3A_246, %dma_start3A_247] : memref<40x128xi32, #tpu.memory_space<vmem>> -> memref<1x128xi32, #tpu.memory_space<vmem>>
          %dma_start3A_249 = tpu.memref_squeeze %dma_start3A_248 : memref<1x128xi32, #tpu.memory_space<vmem>> -> memref<128xi32, #tpu.memory_space<vmem>>
          %dma_start3A_250 = arith.constant 0 : i32
          %dma_start3A_251 = arith.constant 0 : i32
          %dma_start3A_252 = tpu.memref_slice %arg2[%dma_start3A_250, %dma_start3A_251] : memref<10000x128xf32, #tpu.memory_space<hbm>> -> memref<10000x128xf32, #tpu.memory_space<hbm>>
          tpu.enqueue_indirect_dma source(%dma_start3A_252 : memref<10000x128xf32, #tpu.memory_space<hbm>>) target(%arg7 : memref<128x128xf32, #tpu.memory_space<vmem>>) offsets(%dma_start3A_249 : memref<128xi32, #tpu.memory_space<vmem>>) semaphore(%arg10 : memref<!tpu.dma_semaphore, #tpu.memory_space<semaphore_mem>>)
        } else {
        }
        %add3A_235 = arith.constant 1 : i32
        %add3A_236 = arith.addi %mul3A_213, %add3A_235 : i32
        %dma_wait3A_237 = arith.constant 0 : i32
        %dma_wait3A_238 = tpu.memref_slice %arg5[%add3A_236, %dma_wait3A_237] : memref<40x128xi32, #tpu.memory_space<vmem>> -> memref<1x128xi32, #tpu.memory_space<vmem>>
        %dma_wait3A_239 = tpu.memref_squeeze %dma_wait3A_238 : memref<1x128xi32, #tpu.memory_space<vmem>> -> memref<128xi32, #tpu.memory_space<vmem>>
        %dma_wait3A_240 = arith.constant 0 : i32
        %dma_wait3A_241 = arith.constant 0 : i32
        %dma_wait3A_242 = tpu.memref_slice %arg2[%dma_wait3A_240, %dma_wait3A_241] : memref<10000x128xf32, #tpu.memory_space<hbm>> -> memref<10000x128xf32, #tpu.memory_space<hbm>>
        tpu.wait_indirect_dma semaphore(%arg11 : memref<!tpu.dma_semaphore, #tpu.memory_space<semaphore_mem>>) src(%dma_wait3A_242 : memref<10000x128xf32, #tpu.memory_space<hbm>>) dst(%arg8 : memref<128x128xf32, #tpu.memory_space<vmem>>)
        %add3A_243 = arith.constant 1 : i32
        %add3A_244 = arith.addi %mul3A_213, %add3A_243 : i32
        "tpu.region"() ({
          %run_scoped3A_245 = tpu.sem_alloc : memref<!tpu.dma_semaphore, #tpu.memory_space<semaphore_mem>>
          %dma_start3A_246 = arith.constant 0 : i32
          %dma_start3A_247 = tpu.memref_slice %arg6[%add3A_244, %dma_start3A_246] : memref<40x128xi32, #tpu.memory_space<vmem>> -> memref<1x128xi32, #tpu.memory_space<vmem>>
          %dma_start3A_248 = tpu.memref_squeeze %dma_start3A_247 : memref<1x128xi32, #tpu.memory_space<vmem>> -> memref<128xi32, #tpu.memory_space<vmem>>
          %dma_start3A_249 = arith.constant 0 : i32
          %dma_start3A_250 = arith.constant 0 : i32
          %dma_start3A_251 = tpu.memref_slice %arg9[%dma_start3A_249, %dma_start3A_250] : memref<10240x128xf32, #tpu.memory_space<vmem_shared>> -> memref<10240x128xf32, #tpu.memory_space<vmem_shared>>
          tpu.enqueue_indirect_dma source(%arg8 : memref<128x128xf32, #tpu.memory_space<vmem>>) target(%dma_start3A_251 : memref<10240x128xf32, #tpu.memory_space<vmem_shared>>) offsets(%dma_start3A_248 : memref<128xi32, #tpu.memory_space<vmem>>) semaphore(%run_scoped3A_245 : memref<!tpu.dma_semaphore, #tpu.memory_space<semaphore_mem>>) {add = true}
          %dma_wait3A_252 = arith.constant 0 : i32
          %dma_wait3A_253 = tpu.memref_slice %arg6[%add3A_244, %dma_wait3A_252] : memref<40x128xi32, #tpu.memory_space<vmem>> -> memref<1x128xi32, #tpu.memory_space<vmem>>
          %dma_wait3A_254 = tpu.memref_squeeze %dma_wait3A_253 : memref<1x128xi32, #tpu.memory_space<vmem>> -> memref<128xi32, #tpu.memory_space<vmem>>
          %dma_wait3A_255 = arith.constant 0 : i32
          %dma_wait3A_256 = arith.constant 0 : i32
          %dma_wait3A_257 = tpu.memref_slice %arg9[%dma_wait3A_255, %dma_wait3A_256] : memref<10240x128xf32, #tpu.memory_space<vmem_shared>> -> memref<10240x128xf32, #tpu.memory_space<vmem_shared>>
          tpu.wait_indirect_dma semaphore(%run_scoped3A_245 : memref<!tpu.dma_semaphore, #tpu.memory_space<semaphore_mem>>) src(%arg8 : memref<128x128xf32, #tpu.memory_space<vmem>>) dst(%dma_wait3A_257 : memref<10240x128xf32, #tpu.memory_space<vmem_shared>>)
          tpu.yield
        }) : () -> ()
      }
      %scan3A_186 = arith.constant 20 : i32
      %add3A_187 = arith.constant 40 : i32
      %add3A_188 = arith.addi %add3A_4, %add3A_187 : i32
      "tpu.region"() ({
        %run_scoped3A_211 = tpu.sem_alloc : memref<!tpu.dma_semaphore, #tpu.memory_space<semaphore_mem>>
        %dma_start3A_212 = arith.constant 0 : i32
        %dma_start3A_213 = arith.constant 0 : i32
        %dma_start3A_214 = tpu.memref_slice %arg5[%dma_start3A_212, %dma_start3A_213] : memref<40x128xi32, #tpu.memory_space<vmem>> -> memref<39x128xi32, #tpu.memory_space<vmem>>
        %dma_start3A_215 = arith.constant 0 : i32
        %dma_start3A_216 = arith.constant 0 : i32
        %dma_start3A_217 = tpu.memref_slice %arg3[%cond3A, %dma_start3A_215, %dma_start3A_216] : memref<2x2500x128xi32, #tpu.memory_space<hbm>> -> memref<1x2500x128xi32, #tpu.memory_space<hbm>>
        %dma_start3A_218 = tpu.memref_squeeze %dma_start3A_217 : memref<1x2500x128xi32, #tpu.memory_space<hbm>> -> memref<2500x128xi32, #tpu.memory_space<hbm>>
        %dma_start3A_219 = arith.constant 0 : i32
        %dma_start3A_220 = tpu.memref_slice %dma_start3A_218[%add3A_188, %dma_start3A_219] : memref<2500x128xi32, #tpu.memory_space<hbm>> -> memref<39x128xi32, #tpu.memory_space<hbm>>
        %dma_start3A_221 = arith.constant 0 : i32
        %dma_start3A_222 = arith.constant 0 : i32
        %dma_start3A_223 = tpu.memref_slice %arg5[%dma_start3A_221, %dma_start3A_222] : memref<40x128xi32, #tpu.memory_space<vmem>> -> memref<39x128xi32, #tpu.memory_space<vmem>>
        %dma_start3A_224 = arith.constant 0 : i32
        %dma_start3A_225 = arith.constant 0 : i32
        %dma_start3A_226 = tpu.memref_slice %arg3[%cond3A, %dma_start3A_224, %dma_start3A_225] : memref<2x2500x128xi32, #tpu.memory_space<hbm>> -> memref<1x2500x128xi32, #tpu.memory_space<hbm>>
        %dma_start3A_227 = tpu.memref_squeeze %dma_start3A_226 : memref<1x2500x128xi32, #tpu.memory_space<hbm>> -> memref<2500x128xi32, #tpu.memory_space<hbm>>
        %dma_start3A_228 = arith.constant 0 : i32
        %dma_start3A_229 = tpu.memref_slice %dma_start3A_227[%add3A_188, %dma_start3A_228] : memref<2500x128xi32, #tpu.memory_space<hbm>> -> memref<39x128xi32, #tpu.memory_space<hbm>>
        tpu.enqueue_dma source(%dma_start3A_229 : memref<39x128xi32, #tpu.memory_space<hbm>>) target(%dma_start3A_223 : memref<39x128xi32, #tpu.memory_space<vmem>>) target_semaphore(%run_scoped3A_211 : memref<!tpu.dma_semaphore, #tpu.memory_space<semaphore_mem>>)
        %dma_wait3A_230 = arith.constant 0 : i32
        %dma_wait3A_231 = arith.constant 0 : i32
        %dma_wait3A_232 = tpu.memref_slice %arg5[%dma_wait3A_230, %dma_wait3A_231] : memref<40x128xi32, #tpu.memory_space<vmem>> -> memref<39x128xi32, #tpu.memory_space<vmem>>
        %dma_wait3A_233 = arith.constant 0 : i32
        %dma_wait3A_234 = arith.constant 0 : i32
        %dma_wait3A_235 = tpu.memref_slice %arg3[%cond3A, %dma_wait3A_233, %dma_wait3A_234] : memref<2x2500x128xi32, #tpu.memory_space<hbm>> -> memref<1x2500x128xi32, #tpu.memory_space<hbm>>
        %dma_wait3A_236 = tpu.memref_squeeze %dma_wait3A_235 : memref<1x2500x128xi32, #tpu.memory_space<hbm>> -> memref<2500x128xi32, #tpu.memory_space<hbm>>
        %dma_wait3A_237 = arith.constant 0 : i32
        %dma_wait3A_238 = tpu.memref_slice %dma_wait3A_236[%add3A_188, %dma_wait3A_237] : memref<2500x128xi32, #tpu.memory_space<hbm>> -> memref<39x128xi32, #tpu.memory_space<hbm>>
        %dma_wait3A_239 = arith.constant 0 : i32
        %dma_wait3A_240 = arith.constant 0 : i32
        %dma_wait3A_241 = tpu.memref_slice %arg5[%dma_wait3A_239, %dma_wait3A_240] : memref<40x128xi32, #tpu.memory_space<vmem>> -> memref<39x128xi32, #tpu.memory_space<vmem>>
        %dma_wait3A_242 = arith.constant 0 : i32
        %dma_wait3A_243 = arith.constant 0 : i32
        %dma_wait3A_244 = tpu.memref_slice %arg3[%cond3A, %dma_wait3A_242, %dma_wait3A_243] : memref<2x2500x128xi32, #tpu.memory_space<hbm>> -> memref<1x2500x128xi32, #tpu.memory_space<hbm>>
        %dma_wait3A_245 = tpu.memref_squeeze %dma_wait3A_244 : memref<1x2500x128xi32, #tpu.memory_space<hbm>> -> memref<2500x128xi32, #tpu.memory_space<hbm>>
        %dma_wait3A_246 = arith.constant 0 : i32
        %dma_wait3A_247 = tpu.memref_slice %dma_wait3A_245[%add3A_188, %dma_wait3A_246] : memref<2500x128xi32, #tpu.memory_space<hbm>> -> memref<39x128xi32, #tpu.memory_space<hbm>>
        tpu.wait_dma2 semaphore(%run_scoped3A_211 : memref<!tpu.dma_semaphore, #tpu.memory_space<semaphore_mem>>) src(%dma_wait3A_247 : memref<39x128xi32, #tpu.memory_space<hbm>>) dst(%dma_wait3A_241 : memref<39x128xi32, #tpu.memory_space<vmem>>)
        tpu.yield
      }) : () -> ()
      %add3A_189 = arith.constant 40 : i32
      %add3A_190 = arith.addi %add3A_4, %add3A_189 : i32
      "tpu.region"() ({
        %run_scoped3A_211 = tpu.sem_alloc : memref<!tpu.dma_semaphore, #tpu.memory_space<semaphore_mem>>
        %dma_start3A_212 = arith.constant 0 : i32
        %dma_start3A_213 = arith.constant 0 : i32
        %dma_start3A_214 = tpu.memref_slice %arg6[%dma_start3A_212, %dma_start3A_213] : memref<40x128xi32, #tpu.memory_space<vmem>> -> memref<39x128xi32, #tpu.memory_space<vmem>>
        %dma_start3A_215 = arith.constant 0 : i32
        %dma_start3A_216 = arith.constant 0 : i32
        %dma_start3A_217 = tpu.memref_slice %arg3[%cond3A_74, %dma_start3A_215, %dma_start3A_216] : memref<2x2500x128xi32, #tpu.memory_space<hbm>> -> memref<1x2500x128xi32, #tpu.memory_space<hbm>>
        %dma_start3A_218 = tpu.memref_squeeze %dma_start3A_217 : memref<1x2500x128xi32, #tpu.memory_space<hbm>> -> memref<2500x128xi32, #tpu.memory_space<hbm>>
        %dma_start3A_219 = arith.constant 0 : i32
        %dma_start3A_220 = tpu.memref_slice %dma_start3A_218[%add3A_190, %dma_start3A_219] : memref<2500x128xi32, #tpu.memory_space<hbm>> -> memref<39x128xi32, #tpu.memory_space<hbm>>
        %dma_start3A_221 = arith.constant 0 : i32
        %dma_start3A_222 = arith.constant 0 : i32
        %dma_start3A_223 = tpu.memref_slice %arg6[%dma_start3A_221, %dma_start3A_222] : memref<40x128xi32, #tpu.memory_space<vmem>> -> memref<39x128xi32, #tpu.memory_space<vmem>>
        %dma_start3A_224 = arith.constant 0 : i32
        %dma_start3A_225 = arith.constant 0 : i32
        %dma_start3A_226 = tpu.memref_slice %arg3[%cond3A_74, %dma_start3A_224, %dma_start3A_225] : memref<2x2500x128xi32, #tpu.memory_space<hbm>> -> memref<1x2500x128xi32, #tpu.memory_space<hbm>>
        %dma_start3A_227 = tpu.memref_squeeze %dma_start3A_226 : memref<1x2500x128xi32, #tpu.memory_space<hbm>> -> memref<2500x128xi32, #tpu.memory_space<hbm>>
        %dma_start3A_228 = arith.constant 0 : i32
        %dma_start3A_229 = tpu.memref_slice %dma_start3A_227[%add3A_190, %dma_start3A_228] : memref<2500x128xi32, #tpu.memory_space<hbm>> -> memref<39x128xi32, #tpu.memory_space<hbm>>
        tpu.enqueue_dma source(%dma_start3A_229 : memref<39x128xi32, #tpu.memory_space<hbm>>) target(%dma_start3A_223 : memref<39x128xi32, #tpu.memory_space<vmem>>) target_semaphore(%run_scoped3A_211 : memref<!tpu.dma_semaphore, #tpu.memory_space<semaphore_mem>>)
        %dma_wait3A_230 = arith.constant 0 : i32
        %dma_wait3A_231 = arith.constant 0 : i32
        %dma_wait3A_232 = tpu.memref_slice %arg6[%dma_wait3A_230, %dma_wait3A_231] : memref<40x128xi32, #tpu.memory_space<vmem>> -> memref<39x128xi32, #tpu.memory_space<vmem>>
        %dma_wait3A_233 = arith.constant 0 : i32
        %dma_wait3A_234 = arith.constant 0 : i32
        %dma_wait3A_235 = tpu.memref_slice %arg3[%cond3A_74, %dma_wait3A_233, %dma_wait3A_234] : memref<2x2500x128xi32, #tpu.memory_space<hbm>> -> memref<1x2500x128xi32, #tpu.memory_space<hbm>>
        %dma_wait3A_236 = tpu.memref_squeeze %dma_wait3A_235 : memref<1x2500x128xi32, #tpu.memory_space<hbm>> -> memref<2500x128xi32, #tpu.memory_space<hbm>>
        %dma_wait3A_237 = arith.constant 0 : i32
        %dma_wait3A_238 = tpu.memref_slice %dma_wait3A_236[%add3A_190, %dma_wait3A_237] : memref<2500x128xi32, #tpu.memory_space<hbm>> -> memref<39x128xi32, #tpu.memory_space<hbm>>
        %dma_wait3A_239 = arith.constant 0 : i32
        %dma_wait3A_240 = arith.constant 0 : i32
        %dma_wait3A_241 = tpu.memref_slice %arg6[%dma_wait3A_239, %dma_wait3A_240] : memref<40x128xi32, #tpu.memory_space<vmem>> -> memref<39x128xi32, #tpu.memory_space<vmem>>
        %dma_wait3A_242 = arith.constant 0 : i32
        %dma_wait3A_243 = arith.constant 0 : i32
        %dma_wait3A_244 = tpu.memref_slice %arg3[%cond3A_74, %dma_wait3A_242, %dma_wait3A_243] : memref<2x2500x128xi32, #tpu.memory_space<hbm>> -> memref<1x2500x128xi32, #tpu.memory_space<hbm>>
        %dma_wait3A_245 = tpu.memref_squeeze %dma_wait3A_244 : memref<1x2500x128xi32, #tpu.memory_space<hbm>> -> memref<2500x128xi32, #tpu.memory_space<hbm>>
        %dma_wait3A_246 = arith.constant 0 : i32
        %dma_wait3A_247 = tpu.memref_slice %dma_wait3A_245[%add3A_190, %dma_wait3A_246] : memref<2500x128xi32, #tpu.memory_space<hbm>> -> memref<39x128xi32, #tpu.memory_space<hbm>>
        tpu.wait_dma2 semaphore(%run_scoped3A_211 : memref<!tpu.dma_semaphore, #tpu.memory_space<semaphore_mem>>) src(%dma_wait3A_247 : memref<39x128xi32, #tpu.memory_space<hbm>>) dst(%dma_wait3A_241 : memref<39x128xi32, #tpu.memory_space<vmem>>)
        tpu.yield
      }) : () -> ()
      %dma_start3A_191 = arith.constant 0 : i32
      %dma_start3A_192 = arith.constant 0 : i32
      %dma_start3A_193 = tpu.memref_slice %arg5[%dma_start3A_191, %dma_start3A_192] : memref<40x128xi32, #tpu.memory_space<vmem>> -> memref<1x128xi32, #tpu.memory_space<vmem>>
      %dma_start3A_194 = tpu.memref_squeeze %dma_start3A_193 : memref<1x128xi32, #tpu.memory_space<vmem>> -> memref<128xi32, #tpu.memory_space<vmem>>
      %dma_start3A_195 = arith.constant 0 : i32
      %dma_start3A_196 = arith.constant 0 : i32
      %dma_start3A_197 = tpu.memref_slice %arg2[%dma_start3A_195, %dma_start3A_196] : memref<10000x128xf32, #tpu.memory_space<hbm>> -> memref<10000x128xf32, #tpu.memory_space<hbm>>
      tpu.enqueue_indirect_dma source(%dma_start3A_197 : memref<10000x128xf32, #tpu.memory_space<hbm>>) target(%arg7 : memref<128x128xf32, #tpu.memory_space<vmem>>) offsets(%dma_start3A_194 : memref<128xi32, #tpu.memory_space<vmem>>) semaphore(%arg10 : memref<!tpu.dma_semaphore, #tpu.memory_space<semaphore_mem>>)
      %scan3A_198 = arith.constant 0 : i32
      %scan3A_199 = arith.constant 0 : i32
      %scan3A_200 = arith.constant 19 : i32
      %scan3A_201 = arith.addi %scan3A_199, %scan3A_200 : i32
      %scan3A_202 = arith.constant 1 : i32
      scf.for %scan3A_211 = %scan3A_199 to %scan3A_201 step %scan3A_202  : i32 {
        %mul3A_212 = arith.constant 2 : i32
        %mul3A_213 = arith.muli %mul3A_212, %scan3A_211 : i32
        %add3A_214 = arith.constant 1 : i32
        %add3A_215 = arith.addi %mul3A_213, %add3A_214 : i32
        %dma_start3A_216 = arith.constant 0 : i32
        %dma_start3A_217 = tpu.memref_slice %arg5[%add3A_215, %dma_start3A_216] : memref<40x128xi32, #tpu.memory_space<vmem>> -> memref<1x128xi32, #tpu.memory_space<vmem>>
        %dma_start3A_218 = tpu.memref_squeeze %dma_start3A_217 : memref<1x128xi32, #tpu.memory_space<vmem>> -> memref<128xi32, #tpu.memory_space<vmem>>
        %dma_start3A_219 = arith.constant 0 : i32
        %dma_start3A_220 = arith.constant 0 : i32
        %dma_start3A_221 = tpu.memref_slice %arg2[%dma_start3A_219, %dma_start3A_220] : memref<10000x128xf32, #tpu.memory_space<hbm>> -> memref<10000x128xf32, #tpu.memory_space<hbm>>
        tpu.enqueue_indirect_dma source(%dma_start3A_221 : memref<10000x128xf32, #tpu.memory_space<hbm>>) target(%arg8 : memref<128x128xf32, #tpu.memory_space<vmem>>) offsets(%dma_start3A_218 : memref<128xi32, #tpu.memory_space<vmem>>) semaphore(%arg11 : memref<!tpu.dma_semaphore, #tpu.memory_space<semaphore_mem>>)
        %dma_wait3A_222 = arith.constant 0 : i32
        %dma_wait3A_223 = tpu.memref_slice %arg5[%mul3A_213, %dma_wait3A_222] : memref<40x128xi32, #tpu.memory_space<vmem>> -> memref<1x128xi32, #tpu.memory_space<vmem>>
        %dma_wait3A_224 = tpu.memref_squeeze %dma_wait3A_223 : memref<1x128xi32, #tpu.memory_space<vmem>> -> memref<128xi32, #tpu.memory_space<vmem>>
        %dma_wait3A_225 = arith.constant 0 : i32
        %dma_wait3A_226 = arith.constant 0 : i32
        %dma_wait3A_227 = tpu.memref_slice %arg2[%dma_wait3A_225, %dma_wait3A_226] : memref<10000x128xf32, #tpu.memory_space<hbm>> -> memref<10000x128xf32, #tpu.memory_space<hbm>>
        tpu.wait_indirect_dma semaphore(%arg10 : memref<!tpu.dma_semaphore, #tpu.memory_space<semaphore_mem>>) src(%dma_wait3A_227 : memref<10000x128xf32, #tpu.memory_space<hbm>>) dst(%arg7 : memref<128x128xf32, #tpu.memory_space<vmem>>)
        "tpu.region"() ({
          %run_scoped3A_245 = tpu.sem_alloc : memref<!tpu.dma_semaphore, #tpu.memory_space<semaphore_mem>>
          %dma_start3A_246 = arith.constant 0 : i32
          %dma_start3A_247 = tpu.memref_slice %arg6[%mul3A_213, %dma_start3A_246] : memref<40x128xi32, #tpu.memory_space<vmem>> -> memref<1x128xi32, #tpu.memory_space<vmem>>
          %dma_start3A_248 = tpu.memref_squeeze %dma_start3A_247 : memref<1x128xi32, #tpu.memory_space<vmem>> -> memref<128xi32, #tpu.memory_space<vmem>>
          %dma_start3A_249 = arith.constant 0 : i32
          %dma_start3A_250 = arith.constant 0 : i32
          %dma_start3A_251 = tpu.memref_slice %arg9[%dma_start3A_249, %dma_start3A_250] : memref<10240x128xf32, #tpu.memory_space<vmem_shared>> -> memref<10240x128xf32, #tpu.memory_space<vmem_shared>>
          tpu.enqueue_indirect_dma source(%arg7 : memref<128x128xf32, #tpu.memory_space<vmem>>) target(%dma_start3A_251 : memref<10240x128xf32, #tpu.memory_space<vmem_shared>>) offsets(%dma_start3A_248 : memref<128xi32, #tpu.memory_space<vmem>>) semaphore(%run_scoped3A_245 : memref<!tpu.dma_semaphore, #tpu.memory_space<semaphore_mem>>) {add = true}
          %dma_wait3A_252 = arith.constant 0 : i32
          %dma_wait3A_253 = tpu.memref_slice %arg6[%mul3A_213, %dma_wait3A_252] : memref<40x128xi32, #tpu.memory_space<vmem>> -> memref<1x128xi32, #tpu.memory_space<vmem>>
          %dma_wait3A_254 = tpu.memref_squeeze %dma_wait3A_253 : memref<1x128xi32, #tpu.memory_space<vmem>> -> memref<128xi32, #tpu.memory_space<vmem>>
          %dma_wait3A_255 = arith.constant 0 : i32
          %dma_wait3A_256 = arith.constant 0 : i32
          %dma_wait3A_257 = tpu.memref_slice %arg9[%dma_wait3A_255, %dma_wait3A_256] : memref<10240x128xf32, #tpu.memory_space<vmem_shared>> -> memref<10240x128xf32, #tpu.memory_space<vmem_shared>>
          tpu.wait_indirect_dma semaphore(%run_scoped3A_245 : memref<!tpu.dma_semaphore, #tpu.memory_space<semaphore_mem>>) src(%arg7 : memref<128x128xf32, #tpu.memory_space<vmem>>) dst(%dma_wait3A_257 : memref<10240x128xf32, #tpu.memory_space<vmem_shared>>)
          tpu.yield
        }) : () -> ()
        %add3A_228 = arith.constant 2 : i32
        %add3A_229 = arith.addi %mul3A_213, %add3A_228 : i32
        %lt3A_230 = arith.constant 39 : i32
        %lt3A_231 = arith.cmpi slt, %add3A_229, %lt3A_230 : i32
        %convert_element_type3A_232 = arith.extui %lt3A_231 : i1 to i32
        %cond3A_233 = arith.constant 0 : i32
        %cond3A_234 = arith.cmpi ne, %convert_element_type3A_232, %cond3A_233 : i32
        scf.if %cond3A_234 {
          %add3A_245 = arith.constant 2 : i32
          %add3A_246 = arith.addi %mul3A_213, %add3A_245 : i32
          %dma_start3A_247 = arith.constant 0 : i32
          %dma_start3A_248 = tpu.memref_slice %arg5[%add3A_246, %dma_start3A_247] : memref<40x128xi32, #tpu.memory_space<vmem>> -> memref<1x128xi32, #tpu.memory_space<vmem>>
          %dma_start3A_249 = tpu.memref_squeeze %dma_start3A_248 : memref<1x128xi32, #tpu.memory_space<vmem>> -> memref<128xi32, #tpu.memory_space<vmem>>
          %dma_start3A_250 = arith.constant 0 : i32
          %dma_start3A_251 = arith.constant 0 : i32
          %dma_start3A_252 = tpu.memref_slice %arg2[%dma_start3A_250, %dma_start3A_251] : memref<10000x128xf32, #tpu.memory_space<hbm>> -> memref<10000x128xf32, #tpu.memory_space<hbm>>
          tpu.enqueue_indirect_dma source(%dma_start3A_252 : memref<10000x128xf32, #tpu.memory_space<hbm>>) target(%arg7 : memref<128x128xf32, #tpu.memory_space<vmem>>) offsets(%dma_start3A_249 : memref<128xi32, #tpu.memory_space<vmem>>) semaphore(%arg10 : memref<!tpu.dma_semaphore, #tpu.memory_space<semaphore_mem>>)
        } else {
        }
        %add3A_235 = arith.constant 1 : i32
        %add3A_236 = arith.addi %mul3A_213, %add3A_235 : i32
        %dma_wait3A_237 = arith.constant 0 : i32
        %dma_wait3A_238 = tpu.memref_slice %arg5[%add3A_236, %dma_wait3A_237] : memref<40x128xi32, #tpu.memory_space<vmem>> -> memref<1x128xi32, #tpu.memory_space<vmem>>
        %dma_wait3A_239 = tpu.memref_squeeze %dma_wait3A_238 : memref<1x128xi32, #tpu.memory_space<vmem>> -> memref<128xi32, #tpu.memory_space<vmem>>
        %dma_wait3A_240 = arith.constant 0 : i32
        %dma_wait3A_241 = arith.constant 0 : i32
        %dma_wait3A_242 = tpu.memref_slice %arg2[%dma_wait3A_240, %dma_wait3A_241] : memref<10000x128xf32, #tpu.memory_space<hbm>> -> memref<10000x128xf32, #tpu.memory_space<hbm>>
        tpu.wait_indirect_dma semaphore(%arg11 : memref<!tpu.dma_semaphore, #tpu.memory_space<semaphore_mem>>) src(%dma_wait3A_242 : memref<10000x128xf32, #tpu.memory_space<hbm>>) dst(%arg8 : memref<128x128xf32, #tpu.memory_space<vmem>>)
        %add3A_243 = arith.constant 1 : i32
        %add3A_244 = arith.addi %mul3A_213, %add3A_243 : i32
        "tpu.region"() ({
          %run_scoped3A_245 = tpu.sem_alloc : memref<!tpu.dma_semaphore, #tpu.memory_space<semaphore_mem>>
          %dma_start3A_246 = arith.constant 0 : i32
          %dma_start3A_247 = tpu.memref_slice %arg6[%add3A_244, %dma_start3A_246] : memref<40x128xi32, #tpu.memory_space<vmem>> -> memref<1x128xi32, #tpu.memory_space<vmem>>
          %dma_start3A_248 = tpu.memref_squeeze %dma_start3A_247 : memref<1x128xi32, #tpu.memory_space<vmem>> -> memref<128xi32, #tpu.memory_space<vmem>>
          %dma_start3A_249 = arith.constant 0 : i32
          %dma_start3A_250 = arith.constant 0 : i32
          %dma_start3A_251 = tpu.memref_slice %arg9[%dma_start3A_249, %dma_start3A_250] : memref<10240x128xf32, #tpu.memory_space<vmem_shared>> -> memref<10240x128xf32, #tpu.memory_space<vmem_shared>>
          tpu.enqueue_indirect_dma source(%arg8 : memref<128x128xf32, #tpu.memory_space<vmem>>) target(%dma_start3A_251 : memref<10240x128xf32, #tpu.memory_space<vmem_shared>>) offsets(%dma_start3A_248 : memref<128xi32, #tpu.memory_space<vmem>>) semaphore(%run_scoped3A_245 : memref<!tpu.dma_semaphore, #tpu.memory_space<semaphore_mem>>) {add = true}
          %dma_wait3A_252 = arith.constant 0 : i32
          %dma_wait3A_253 = tpu.memref_slice %arg6[%add3A_244, %dma_wait3A_252] : memref<40x128xi32, #tpu.memory_space<vmem>> -> memref<1x128xi32, #tpu.memory_space<vmem>>
          %dma_wait3A_254 = tpu.memref_squeeze %dma_wait3A_253 : memref<1x128xi32, #tpu.memory_space<vmem>> -> memref<128xi32, #tpu.memory_space<vmem>>
          %dma_wait3A_255 = arith.constant 0 : i32
          %dma_wait3A_256 = arith.constant 0 : i32
          %dma_wait3A_257 = tpu.memref_slice %arg9[%dma_wait3A_255, %dma_wait3A_256] : memref<10240x128xf32, #tpu.memory_space<vmem_shared>> -> memref<10240x128xf32, #tpu.memory_space<vmem_shared>>
          tpu.wait_indirect_dma semaphore(%run_scoped3A_245 : memref<!tpu.dma_semaphore, #tpu.memory_space<semaphore_mem>>) src(%arg8 : memref<128x128xf32, #tpu.memory_space<vmem>>) dst(%dma_wait3A_257 : memref<10240x128xf32, #tpu.memory_space<vmem_shared>>)
          tpu.yield
        }) : () -> ()
      }
      %scan3A_203 = arith.constant 19 : i32
      %dma_wait3A_204 = arith.constant 38 : i32
      %dma_wait3A_205 = arith.constant 0 : i32
      %dma_wait3A_206 = tpu.memref_slice %arg5[%dma_wait3A_204, %dma_wait3A_205] : memref<40x128xi32, #tpu.memory_space<vmem>> -> memref<1x128xi32, #tpu.memory_space<vmem>>
      %dma_wait3A_207 = tpu.memref_squeeze %dma_wait3A_206 : memref<1x128xi32, #tpu.memory_space<vmem>> -> memref<128xi32, #tpu.memory_space<vmem>>
      %dma_wait3A_208 = arith.constant 0 : i32
      %dma_wait3A_209 = arith.constant 0 : i32
      %dma_wait3A_210 = tpu.memref_slice %arg2[%dma_wait3A_208, %dma_wait3A_209] : memref<10000x128xf32, #tpu.memory_space<hbm>> -> memref<10000x128xf32, #tpu.memory_space<hbm>>
      tpu.wait_indirect_dma semaphore(%arg10 : memref<!tpu.dma_semaphore, #tpu.memory_space<semaphore_mem>>) src(%dma_wait3A_210 : memref<10000x128xf32, #tpu.memory_space<hbm>>) dst(%arg7 : memref<128x128xf32, #tpu.memory_space<vmem>>)
      %run_scoped3A = arith.constant 38 : i32
      "tpu.region"() ({
        %run_scoped3A_211 = tpu.sem_alloc : memref<!tpu.dma_semaphore, #tpu.memory_space<semaphore_mem>>
        %dma_start3A_212 = arith.constant 0 : i32
        %dma_start3A_213 = tpu.memref_slice %arg6[%run_scoped3A, %dma_start3A_212] : memref<40x128xi32, #tpu.memory_space<vmem>> -> memref<1x128xi32, #tpu.memory_space<vmem>>
        %dma_start3A_214 = tpu.memref_squeeze %dma_start3A_213 : memref<1x128xi32, #tpu.memory_space<vmem>> -> memref<128xi32, #tpu.memory_space<vmem>>
        %dma_start3A_215 = arith.constant 0 : i32
        %dma_start3A_216 = arith.constant 0 : i32
        %dma_start3A_217 = tpu.memref_slice %arg9[%dma_start3A_215, %dma_start3A_216] : memref<10240x128xf32, #tpu.memory_space<vmem_shared>> -> memref<10240x128xf32, #tpu.memory_space<vmem_shared>>
        tpu.enqueue_indirect_dma source(%arg7 : memref<128x128xf32, #tpu.memory_space<vmem>>) target(%dma_start3A_217 : memref<10240x128xf32, #tpu.memory_space<vmem_shared>>) offsets(%dma_start3A_214 : memref<128xi32, #tpu.memory_space<vmem>>) semaphore(%run_scoped3A_211 : memref<!tpu.dma_semaphore, #tpu.memory_space<semaphore_mem>>) {add = true}
        %dma_wait3A_218 = arith.constant 0 : i32
        %dma_wait3A_219 = tpu.memref_slice %arg6[%run_scoped3A, %dma_wait3A_218] : memref<40x128xi32, #tpu.memory_space<vmem>> -> memref<1x128xi32, #tpu.memory_space<vmem>>
        %dma_wait3A_220 = tpu.memref_squeeze %dma_wait3A_219 : memref<1x128xi32, #tpu.memory_space<vmem>> -> memref<128xi32, #tpu.memory_space<vmem>>
        %dma_wait3A_221 = arith.constant 0 : i32
        %dma_wait3A_222 = arith.constant 0 : i32
        %dma_wait3A_223 = tpu.memref_slice %arg9[%dma_wait3A_221, %dma_wait3A_222] : memref<10240x128xf32, #tpu.memory_space<vmem_shared>> -> memref<10240x128xf32, #tpu.memory_space<vmem_shared>>
        tpu.wait_indirect_dma semaphore(%run_scoped3A_211 : memref<!tpu.dma_semaphore, #tpu.memory_space<semaphore_mem>>) src(%arg7 : memref<128x128xf32, #tpu.memory_space<vmem>>) dst(%dma_wait3A_223 : memref<10240x128xf32, #tpu.memory_space<vmem_shared>>)
        tpu.yield
      }) : () -> ()
    } else {
    }
    %ge3A = arith.constant 4 : i32
    %ge3A_77 = arith.cmpi sge, %add3A, %ge3A : i32
    %convert_element_type3A_78 = arith.extui %ge3A_77 : i1 to i32
    %cond3A_79 = arith.constant 0 : i32
    %cond3A_80 = arith.constant 1 : i32
    %cond3A_81 = arith.constant 0 : i32
    %cond3A_82 = arith.cmpi ne, %convert_element_type3A_78, %cond3A_81 : i32
    scf.if %cond3A_82 {
      %dma_start3A_174 = arith.constant 0 : i32
      %dma_start3A_175 = arith.constant 0 : i32
      %dma_start3A_176 = tpu.memref_slice %arg5[%dma_start3A_174, %dma_start3A_175] : memref<40x128xi32, #tpu.memory_space<vmem>> -> memref<1x128xi32, #tpu.memory_space<vmem>>
      %dma_start3A_177 = tpu.memref_squeeze %dma_start3A_176 : memref<1x128xi32, #tpu.memory_space<vmem>> -> memref<128xi32, #tpu.memory_space<vmem>>
      %dma_start3A_178 = arith.constant 0 : i32
      %dma_start3A_179 = arith.constant 0 : i32
      %dma_start3A_180 = tpu.memref_slice %arg2[%dma_start3A_178, %dma_start3A_179] : memref<10000x128xf32, #tpu.memory_space<hbm>> -> memref<10000x128xf32, #tpu.memory_space<hbm>>
      tpu.enqueue_indirect_dma source(%dma_start3A_180 : memref<10000x128xf32, #tpu.memory_space<hbm>>) target(%arg7 : memref<128x128xf32, #tpu.memory_space<vmem>>) offsets(%dma_start3A_177 : memref<128xi32, #tpu.memory_space<vmem>>) semaphore(%arg10 : memref<!tpu.dma_semaphore, #tpu.memory_space<semaphore_mem>>)
      %scan3A_181 = arith.constant 0 : i32
      %scan3A_182 = arith.constant 0 : i32
      %scan3A_183 = arith.constant 20 : i32
      %scan3A_184 = arith.addi %scan3A_182, %scan3A_183 : i32
      %scan3A_185 = arith.constant 1 : i32
      scf.for %scan3A_204 = %scan3A_182 to %scan3A_184 step %scan3A_185  : i32 {
        %mul3A_205 = arith.constant 2 : i32
        %mul3A_206 = arith.muli %mul3A_205, %scan3A_204 : i32
        %add3A_207 = arith.constant 1 : i32
        %add3A_208 = arith.addi %mul3A_206, %add3A_207 : i32
        %dma_start3A_209 = arith.constant 0 : i32
        %dma_start3A_210 = tpu.memref_slice %arg5[%add3A_208, %dma_start3A_209] : memref<40x128xi32, #tpu.memory_space<vmem>> -> memref<1x128xi32, #tpu.memory_space<vmem>>
        %dma_start3A_211 = tpu.memref_squeeze %dma_start3A_210 : memref<1x128xi32, #tpu.memory_space<vmem>> -> memref<128xi32, #tpu.memory_space<vmem>>
        %dma_start3A_212 = arith.constant 0 : i32
        %dma_start3A_213 = arith.constant 0 : i32
        %dma_start3A_214 = tpu.memref_slice %arg2[%dma_start3A_212, %dma_start3A_213] : memref<10000x128xf32, #tpu.memory_space<hbm>> -> memref<10000x128xf32, #tpu.memory_space<hbm>>
        tpu.enqueue_indirect_dma source(%dma_start3A_214 : memref<10000x128xf32, #tpu.memory_space<hbm>>) target(%arg8 : memref<128x128xf32, #tpu.memory_space<vmem>>) offsets(%dma_start3A_211 : memref<128xi32, #tpu.memory_space<vmem>>) semaphore(%arg11 : memref<!tpu.dma_semaphore, #tpu.memory_space<semaphore_mem>>)
        %dma_wait3A_215 = arith.constant 0 : i32
        %dma_wait3A_216 = tpu.memref_slice %arg5[%mul3A_206, %dma_wait3A_215] : memref<40x128xi32, #tpu.memory_space<vmem>> -> memref<1x128xi32, #tpu.memory_space<vmem>>
        %dma_wait3A_217 = tpu.memref_squeeze %dma_wait3A_216 : memref<1x128xi32, #tpu.memory_space<vmem>> -> memref<128xi32, #tpu.memory_space<vmem>>
        %dma_wait3A_218 = arith.constant 0 : i32
        %dma_wait3A_219 = arith.constant 0 : i32
        %dma_wait3A_220 = tpu.memref_slice %arg2[%dma_wait3A_218, %dma_wait3A_219] : memref<10000x128xf32, #tpu.memory_space<hbm>> -> memref<10000x128xf32, #tpu.memory_space<hbm>>
        tpu.wait_indirect_dma semaphore(%arg10 : memref<!tpu.dma_semaphore, #tpu.memory_space<semaphore_mem>>) src(%dma_wait3A_220 : memref<10000x128xf32, #tpu.memory_space<hbm>>) dst(%arg7 : memref<128x128xf32, #tpu.memory_space<vmem>>)
        "tpu.region"() ({
          %run_scoped3A = tpu.sem_alloc : memref<!tpu.dma_semaphore, #tpu.memory_space<semaphore_mem>>
          %dma_start3A_238 = arith.constant 0 : i32
          %dma_start3A_239 = tpu.memref_slice %arg6[%mul3A_206, %dma_start3A_238] : memref<40x128xi32, #tpu.memory_space<vmem>> -> memref<1x128xi32, #tpu.memory_space<vmem>>
          %dma_start3A_240 = tpu.memref_squeeze %dma_start3A_239 : memref<1x128xi32, #tpu.memory_space<vmem>> -> memref<128xi32, #tpu.memory_space<vmem>>
          %dma_start3A_241 = arith.constant 0 : i32
          %dma_start3A_242 = arith.constant 0 : i32
          %dma_start3A_243 = tpu.memref_slice %arg9[%dma_start3A_241, %dma_start3A_242] : memref<10240x128xf32, #tpu.memory_space<vmem_shared>> -> memref<10240x128xf32, #tpu.memory_space<vmem_shared>>
          tpu.enqueue_indirect_dma source(%arg7 : memref<128x128xf32, #tpu.memory_space<vmem>>) target(%dma_start3A_243 : memref<10240x128xf32, #tpu.memory_space<vmem_shared>>) offsets(%dma_start3A_240 : memref<128xi32, #tpu.memory_space<vmem>>) semaphore(%run_scoped3A : memref<!tpu.dma_semaphore, #tpu.memory_space<semaphore_mem>>) {add = true}
          %dma_wait3A_244 = arith.constant 0 : i32
          %dma_wait3A_245 = tpu.memref_slice %arg6[%mul3A_206, %dma_wait3A_244] : memref<40x128xi32, #tpu.memory_space<vmem>> -> memref<1x128xi32, #tpu.memory_space<vmem>>
          %dma_wait3A_246 = tpu.memref_squeeze %dma_wait3A_245 : memref<1x128xi32, #tpu.memory_space<vmem>> -> memref<128xi32, #tpu.memory_space<vmem>>
          %dma_wait3A_247 = arith.constant 0 : i32
          %dma_wait3A_248 = arith.constant 0 : i32
          %dma_wait3A_249 = tpu.memref_slice %arg9[%dma_wait3A_247, %dma_wait3A_248] : memref<10240x128xf32, #tpu.memory_space<vmem_shared>> -> memref<10240x128xf32, #tpu.memory_space<vmem_shared>>
          tpu.wait_indirect_dma semaphore(%run_scoped3A : memref<!tpu.dma_semaphore, #tpu.memory_space<semaphore_mem>>) src(%arg7 : memref<128x128xf32, #tpu.memory_space<vmem>>) dst(%dma_wait3A_249 : memref<10240x128xf32, #tpu.memory_space<vmem_shared>>)
          tpu.yield
        }) : () -> ()
        %add3A_221 = arith.constant 2 : i32
        %add3A_222 = arith.addi %mul3A_206, %add3A_221 : i32
        %lt3A_223 = arith.constant 40 : i32
        %lt3A_224 = arith.cmpi slt, %add3A_222, %lt3A_223 : i32
        %convert_element_type3A_225 = arith.extui %lt3A_224 : i1 to i32
        %cond3A_226 = arith.constant 0 : i32
        %cond3A_227 = arith.cmpi ne, %convert_element_type3A_225, %cond3A_226 : i32
        scf.if %cond3A_227 {
          %add3A_238 = arith.constant 2 : i32
          %add3A_239 = arith.addi %mul3A_206, %add3A_238 : i32
          %dma_start3A_240 = arith.constant 0 : i32
          %dma_start3A_241 = tpu.memref_slice %arg5[%add3A_239, %dma_start3A_240] : memref<40x128xi32, #tpu.memory_space<vmem>> -> memref<1x128xi32, #tpu.memory_space<vmem>>
          %dma_start3A_242 = tpu.memref_squeeze %dma_start3A_241 : memref<1x128xi32, #tpu.memory_space<vmem>> -> memref<128xi32, #tpu.memory_space<vmem>>
          %dma_start3A_243 = arith.constant 0 : i32
          %dma_start3A_244 = arith.constant 0 : i32
          %dma_start3A_245 = tpu.memref_slice %arg2[%dma_start3A_243, %dma_start3A_244] : memref<10000x128xf32, #tpu.memory_space<hbm>> -> memref<10000x128xf32, #tpu.memory_space<hbm>>
          tpu.enqueue_indirect_dma source(%dma_start3A_245 : memref<10000x128xf32, #tpu.memory_space<hbm>>) target(%arg7 : memref<128x128xf32, #tpu.memory_space<vmem>>) offsets(%dma_start3A_242 : memref<128xi32, #tpu.memory_space<vmem>>) semaphore(%arg10 : memref<!tpu.dma_semaphore, #tpu.memory_space<semaphore_mem>>)
        } else {
        }
        %add3A_228 = arith.constant 1 : i32
        %add3A_229 = arith.addi %mul3A_206, %add3A_228 : i32
        %dma_wait3A_230 = arith.constant 0 : i32
        %dma_wait3A_231 = tpu.memref_slice %arg5[%add3A_229, %dma_wait3A_230] : memref<40x128xi32, #tpu.memory_space<vmem>> -> memref<1x128xi32, #tpu.memory_space<vmem>>
        %dma_wait3A_232 = tpu.memref_squeeze %dma_wait3A_231 : memref<1x128xi32, #tpu.memory_space<vmem>> -> memref<128xi32, #tpu.memory_space<vmem>>
        %dma_wait3A_233 = arith.constant 0 : i32
        %dma_wait3A_234 = arith.constant 0 : i32
        %dma_wait3A_235 = tpu.memref_slice %arg2[%dma_wait3A_233, %dma_wait3A_234] : memref<10000x128xf32, #tpu.memory_space<hbm>> -> memref<10000x128xf32, #tpu.memory_space<hbm>>
        tpu.wait_indirect_dma semaphore(%arg11 : memref<!tpu.dma_semaphore, #tpu.memory_space<semaphore_mem>>) src(%dma_wait3A_235 : memref<10000x128xf32, #tpu.memory_space<hbm>>) dst(%arg8 : memref<128x128xf32, #tpu.memory_space<vmem>>)
        %add3A_236 = arith.constant 1 : i32
        %add3A_237 = arith.addi %mul3A_206, %add3A_236 : i32
        "tpu.region"() ({
          %run_scoped3A = tpu.sem_alloc : memref<!tpu.dma_semaphore, #tpu.memory_space<semaphore_mem>>
          %dma_start3A_238 = arith.constant 0 : i32
          %dma_start3A_239 = tpu.memref_slice %arg6[%add3A_237, %dma_start3A_238] : memref<40x128xi32, #tpu.memory_space<vmem>> -> memref<1x128xi32, #tpu.memory_space<vmem>>
          %dma_start3A_240 = tpu.memref_squeeze %dma_start3A_239 : memref<1x128xi32, #tpu.memory_space<vmem>> -> memref<128xi32, #tpu.memory_space<vmem>>
          %dma_start3A_241 = arith.constant 0 : i32
          %dma_start3A_242 = arith.constant 0 : i32
          %dma_start3A_243 = tpu.memref_slice %arg9[%dma_start3A_241, %dma_start3A_242] : memref<10240x128xf32, #tpu.memory_space<vmem_shared>> -> memref<10240x128xf32, #tpu.memory_space<vmem_shared>>
          tpu.enqueue_indirect_dma source(%arg8 : memref<128x128xf32, #tpu.memory_space<vmem>>) target(%dma_start3A_243 : memref<10240x128xf32, #tpu.memory_space<vmem_shared>>) offsets(%dma_start3A_240 : memref<128xi32, #tpu.memory_space<vmem>>) semaphore(%run_scoped3A : memref<!tpu.dma_semaphore, #tpu.memory_space<semaphore_mem>>) {add = true}
          %dma_wait3A_244 = arith.constant 0 : i32
          %dma_wait3A_245 = tpu.memref_slice %arg6[%add3A_237, %dma_wait3A_244] : memref<40x128xi32, #tpu.memory_space<vmem>> -> memref<1x128xi32, #tpu.memory_space<vmem>>
          %dma_wait3A_246 = tpu.memref_squeeze %dma_wait3A_245 : memref<1x128xi32, #tpu.memory_space<vmem>> -> memref<128xi32, #tpu.memory_space<vmem>>
          %dma_wait3A_247 = arith.constant 0 : i32
          %dma_wait3A_248 = arith.constant 0 : i32
          %dma_wait3A_249 = tpu.memref_slice %arg9[%dma_wait3A_247, %dma_wait3A_248] : memref<10240x128xf32, #tpu.memory_space<vmem_shared>> -> memref<10240x128xf32, #tpu.memory_space<vmem_shared>>
          tpu.wait_indirect_dma semaphore(%run_scoped3A : memref<!tpu.dma_semaphore, #tpu.memory_space<semaphore_mem>>) src(%arg8 : memref<128x128xf32, #tpu.memory_space<vmem>>) dst(%dma_wait3A_249 : memref<10240x128xf32, #tpu.memory_space<vmem_shared>>)
          tpu.yield
        }) : () -> ()
      }
      %scan3A_186 = arith.constant 20 : i32
      %add3A_187 = arith.constant 40 : i32
      %add3A_188 = arith.addi %add3A_4, %add3A_187 : i32
      "tpu.region"() ({
        %run_scoped3A = tpu.sem_alloc : memref<!tpu.dma_semaphore, #tpu.memory_space<semaphore_mem>>
        %dma_start3A_204 = arith.constant 0 : i32
        %dma_start3A_205 = arith.constant 0 : i32
        %dma_start3A_206 = tpu.memref_slice %arg5[%dma_start3A_204, %dma_start3A_205] : memref<40x128xi32, #tpu.memory_space<vmem>> -> memref<38x128xi32, #tpu.memory_space<vmem>>
        %dma_start3A_207 = arith.constant 0 : i32
        %dma_start3A_208 = arith.constant 0 : i32
        %dma_start3A_209 = tpu.memref_slice %arg3[%cond3A_79, %dma_start3A_207, %dma_start3A_208] : memref<2x2500x128xi32, #tpu.memory_space<hbm>> -> memref<1x2500x128xi32, #tpu.memory_space<hbm>>
        %dma_start3A_210 = tpu.memref_squeeze %dma_start3A_209 : memref<1x2500x128xi32, #tpu.memory_space<hbm>> -> memref<2500x128xi32, #tpu.memory_space<hbm>>
        %dma_start3A_211 = arith.constant 0 : i32
        %dma_start3A_212 = tpu.memref_slice %dma_start3A_210[%add3A_188, %dma_start3A_211] : memref<2500x128xi32, #tpu.memory_space<hbm>> -> memref<38x128xi32, #tpu.memory_space<hbm>>
        %dma_start3A_213 = arith.constant 0 : i32
        %dma_start3A_214 = arith.constant 0 : i32
        %dma_start3A_215 = tpu.memref_slice %arg5[%dma_start3A_213, %dma_start3A_214] : memref<40x128xi32, #tpu.memory_space<vmem>> -> memref<38x128xi32, #tpu.memory_space<vmem>>
        %dma_start3A_216 = arith.constant 0 : i32
        %dma_start3A_217 = arith.constant 0 : i32
        %dma_start3A_218 = tpu.memref_slice %arg3[%cond3A_79, %dma_start3A_216, %dma_start3A_217] : memref<2x2500x128xi32, #tpu.memory_space<hbm>> -> memref<1x2500x128xi32, #tpu.memory_space<hbm>>
        %dma_start3A_219 = tpu.memref_squeeze %dma_start3A_218 : memref<1x2500x128xi32, #tpu.memory_space<hbm>> -> memref<2500x128xi32, #tpu.memory_space<hbm>>
        %dma_start3A_220 = arith.constant 0 : i32
        %dma_start3A_221 = tpu.memref_slice %dma_start3A_219[%add3A_188, %dma_start3A_220] : memref<2500x128xi32, #tpu.memory_space<hbm>> -> memref<38x128xi32, #tpu.memory_space<hbm>>
        tpu.enqueue_dma source(%dma_start3A_221 : memref<38x128xi32, #tpu.memory_space<hbm>>) target(%dma_start3A_215 : memref<38x128xi32, #tpu.memory_space<vmem>>) target_semaphore(%run_scoped3A : memref<!tpu.dma_semaphore, #tpu.memory_space<semaphore_mem>>)
        %dma_wait3A_222 = arith.constant 0 : i32
        %dma_wait3A_223 = arith.constant 0 : i32
        %dma_wait3A_224 = tpu.memref_slice %arg5[%dma_wait3A_222, %dma_wait3A_223] : memref<40x128xi32, #tpu.memory_space<vmem>> -> memref<38x128xi32, #tpu.memory_space<vmem>>
        %dma_wait3A_225 = arith.constant 0 : i32
        %dma_wait3A_226 = arith.constant 0 : i32
        %dma_wait3A_227 = tpu.memref_slice %arg3[%cond3A_79, %dma_wait3A_225, %dma_wait3A_226] : memref<2x2500x128xi32, #tpu.memory_space<hbm>> -> memref<1x2500x128xi32, #tpu.memory_space<hbm>>
        %dma_wait3A_228 = tpu.memref_squeeze %dma_wait3A_227 : memref<1x2500x128xi32, #tpu.memory_space<hbm>> -> memref<2500x128xi32, #tpu.memory_space<hbm>>
        %dma_wait3A_229 = arith.constant 0 : i32
        %dma_wait3A_230 = tpu.memref_slice %dma_wait3A_228[%add3A_188, %dma_wait3A_229] : memref<2500x128xi32, #tpu.memory_space<hbm>> -> memref<38x128xi32, #tpu.memory_space<hbm>>
        %dma_wait3A_231 = arith.constant 0 : i32
        %dma_wait3A_232 = arith.constant 0 : i32
        %dma_wait3A_233 = tpu.memref_slice %arg5[%dma_wait3A_231, %dma_wait3A_232] : memref<40x128xi32, #tpu.memory_space<vmem>> -> memref<38x128xi32, #tpu.memory_space<vmem>>
        %dma_wait3A_234 = arith.constant 0 : i32
        %dma_wait3A_235 = arith.constant 0 : i32
        %dma_wait3A_236 = tpu.memref_slice %arg3[%cond3A_79, %dma_wait3A_234, %dma_wait3A_235] : memref<2x2500x128xi32, #tpu.memory_space<hbm>> -> memref<1x2500x128xi32, #tpu.memory_space<hbm>>
        %dma_wait3A_237 = tpu.memref_squeeze %dma_wait3A_236 : memref<1x2500x128xi32, #tpu.memory_space<hbm>> -> memref<2500x128xi32, #tpu.memory_space<hbm>>
        %dma_wait3A_238 = arith.constant 0 : i32
        %dma_wait3A_239 = tpu.memref_slice %dma_wait3A_237[%add3A_188, %dma_wait3A_238] : memref<2500x128xi32, #tpu.memory_space<hbm>> -> memref<38x128xi32, #tpu.memory_space<hbm>>
        tpu.wait_dma2 semaphore(%run_scoped3A : memref<!tpu.dma_semaphore, #tpu.memory_space<semaphore_mem>>) src(%dma_wait3A_239 : memref<38x128xi32, #tpu.memory_space<hbm>>) dst(%dma_wait3A_233 : memref<38x128xi32, #tpu.memory_space<vmem>>)
        tpu.yield
      }) : () -> ()
      %add3A_189 = arith.constant 40 : i32
      %add3A_190 = arith.addi %add3A_4, %add3A_189 : i32
      "tpu.region"() ({
        %run_scoped3A = tpu.sem_alloc : memref<!tpu.dma_semaphore, #tpu.memory_space<semaphore_mem>>
        %dma_start3A_204 = arith.constant 0 : i32
        %dma_start3A_205 = arith.constant 0 : i32
        %dma_start3A_206 = tpu.memref_slice %arg6[%dma_start3A_204, %dma_start3A_205] : memref<40x128xi32, #tpu.memory_space<vmem>> -> memref<38x128xi32, #tpu.memory_space<vmem>>
        %dma_start3A_207 = arith.constant 0 : i32
        %dma_start3A_208 = arith.constant 0 : i32
        %dma_start3A_209 = tpu.memref_slice %arg3[%cond3A_80, %dma_start3A_207, %dma_start3A_208] : memref<2x2500x128xi32, #tpu.memory_space<hbm>> -> memref<1x2500x128xi32, #tpu.memory_space<hbm>>
        %dma_start3A_210 = tpu.memref_squeeze %dma_start3A_209 : memref<1x2500x128xi32, #tpu.memory_space<hbm>> -> memref<2500x128xi32, #tpu.memory_space<hbm>>
        %dma_start3A_211 = arith.constant 0 : i32
        %dma_start3A_212 = tpu.memref_slice %dma_start3A_210[%add3A_190, %dma_start3A_211] : memref<2500x128xi32, #tpu.memory_space<hbm>> -> memref<38x128xi32, #tpu.memory_space<hbm>>
        %dma_start3A_213 = arith.constant 0 : i32
        %dma_start3A_214 = arith.constant 0 : i32
        %dma_start3A_215 = tpu.memref_slice %arg6[%dma_start3A_213, %dma_start3A_214] : memref<40x128xi32, #tpu.memory_space<vmem>> -> memref<38x128xi32, #tpu.memory_space<vmem>>
        %dma_start3A_216 = arith.constant 0 : i32
        %dma_start3A_217 = arith.constant 0 : i32
        %dma_start3A_218 = tpu.memref_slice %arg3[%cond3A_80, %dma_start3A_216, %dma_start3A_217] : memref<2x2500x128xi32, #tpu.memory_space<hbm>> -> memref<1x2500x128xi32, #tpu.memory_space<hbm>>
        %dma_start3A_219 = tpu.memref_squeeze %dma_start3A_218 : memref<1x2500x128xi32, #tpu.memory_space<hbm>> -> memref<2500x128xi32, #tpu.memory_space<hbm>>
        %dma_start3A_220 = arith.constant 0 : i32
        %dma_start3A_221 = tpu.memref_slice %dma_start3A_219[%add3A_190, %dma_start3A_220] : memref<2500x128xi32, #tpu.memory_space<hbm>> -> memref<38x128xi32, #tpu.memory_space<hbm>>
        tpu.enqueue_dma source(%dma_start3A_221 : memref<38x128xi32, #tpu.memory_space<hbm>>) target(%dma_start3A_215 : memref<38x128xi32, #tpu.memory_space<vmem>>) target_semaphore(%run_scoped3A : memref<!tpu.dma_semaphore, #tpu.memory_space<semaphore_mem>>)
        %dma_wait3A_222 = arith.constant 0 : i32
        %dma_wait3A_223 = arith.constant 0 : i32
        %dma_wait3A_224 = tpu.memref_slice %arg6[%dma_wait3A_222, %dma_wait3A_223] : memref<40x128xi32, #tpu.memory_space<vmem>> -> memref<38x128xi32, #tpu.memory_space<vmem>>
        %dma_wait3A_225 = arith.constant 0 : i32
        %dma_wait3A_226 = arith.constant 0 : i32
        %dma_wait3A_227 = tpu.memref_slice %arg3[%cond3A_80, %dma_wait3A_225, %dma_wait3A_226] : memref<2x2500x128xi32, #tpu.memory_space<hbm>> -> memref<1x2500x128xi32, #tpu.memory_space<hbm>>
        %dma_wait3A_228 = tpu.memref_squeeze %dma_wait3A_227 : memref<1x2500x128xi32, #tpu.memory_space<hbm>> -> memref<2500x128xi32, #tpu.memory_space<hbm>>
        %dma_wait3A_229 = arith.constant 0 : i32
        %dma_wait3A_230 = tpu.memref_slice %dma_wait3A_228[%add3A_190, %dma_wait3A_229] : memref<2500x128xi32, #tpu.memory_space<hbm>> -> memref<38x128xi32, #tpu.memory_space<hbm>>
        %dma_wait3A_231 = arith.constant 0 : i32
        %dma_wait3A_232 = arith.constant 0 : i32
        %dma_wait3A_233 = tpu.memref_slice %arg6[%dma_wait3A_231, %dma_wait3A_232] : memref<40x128xi32, #tpu.memory_space<vmem>> -> memref<38x128xi32, #tpu.memory_space<vmem>>
        %dma_wait3A_234 = arith.constant 0 : i32
        %dma_wait3A_235 = arith.constant 0 : i32
        %dma_wait3A_236 = tpu.memref_slice %arg3[%cond3A_80, %dma_wait3A_234, %dma_wait3A_235] : memref<2x2500x128xi32, #tpu.memory_space<hbm>> -> memref<1x2500x128xi32, #tpu.memory_space<hbm>>
        %dma_wait3A_237 = tpu.memref_squeeze %dma_wait3A_236 : memref<1x2500x128xi32, #tpu.memory_space<hbm>> -> memref<2500x128xi32, #tpu.memory_space<hbm>>
        %dma_wait3A_238 = arith.constant 0 : i32
        %dma_wait3A_239 = tpu.memref_slice %dma_wait3A_237[%add3A_190, %dma_wait3A_238] : memref<2500x128xi32, #tpu.memory_space<hbm>> -> memref<38x128xi32, #tpu.memory_space<hbm>>
        tpu.wait_dma2 semaphore(%run_scoped3A : memref<!tpu.dma_semaphore, #tpu.memory_space<semaphore_mem>>) src(%dma_wait3A_239 : memref<38x128xi32, #tpu.memory_space<hbm>>) dst(%dma_wait3A_233 : memref<38x128xi32, #tpu.memory_space<vmem>>)
        tpu.yield
      }) : () -> ()
      %dma_start3A_191 = arith.constant 0 : i32
      %dma_start3A_192 = arith.constant 0 : i32
      %dma_start3A_193 = tpu.memref_slice %arg5[%dma_start3A_191, %dma_start3A_192] : memref<40x128xi32, #tpu.memory_space<vmem>> -> memref<1x128xi32, #tpu.memory_space<vmem>>
      %dma_start3A_194 = tpu.memref_squeeze %dma_start3A_193 : memref<1x128xi32, #tpu.memory_space<vmem>> -> memref<128xi32, #tpu.memory_space<vmem>>
      %dma_start3A_195 = arith.constant 0 : i32
      %dma_start3A_196 = arith.constant 0 : i32
      %dma_start3A_197 = tpu.memref_slice %arg2[%dma_start3A_195, %dma_start3A_196] : memref<10000x128xf32, #tpu.memory_space<hbm>> -> memref<10000x128xf32, #tpu.memory_space<hbm>>
      tpu.enqueue_indirect_dma source(%dma_start3A_197 : memref<10000x128xf32, #tpu.memory_space<hbm>>) target(%arg7 : memref<128x128xf32, #tpu.memory_space<vmem>>) offsets(%dma_start3A_194 : memref<128xi32, #tpu.memory_space<vmem>>) semaphore(%arg10 : memref<!tpu.dma_semaphore, #tpu.memory_space<semaphore_mem>>)
      %scan3A_198 = arith.constant 0 : i32
      %scan3A_199 = arith.constant 0 : i32
      %scan3A_200 = arith.constant 19 : i32
      %scan3A_201 = arith.addi %scan3A_199, %scan3A_200 : i32
      %scan3A_202 = arith.constant 1 : i32
      scf.for %scan3A_204 = %scan3A_199 to %scan3A_201 step %scan3A_202  : i32 {
        %mul3A_205 = arith.constant 2 : i32
        %mul3A_206 = arith.muli %mul3A_205, %scan3A_204 : i32
        %add3A_207 = arith.constant 1 : i32
        %add3A_208 = arith.addi %mul3A_206, %add3A_207 : i32
        %dma_start3A_209 = arith.constant 0 : i32
        %dma_start3A_210 = tpu.memref_slice %arg5[%add3A_208, %dma_start3A_209] : memref<40x128xi32, #tpu.memory_space<vmem>> -> memref<1x128xi32, #tpu.memory_space<vmem>>
        %dma_start3A_211 = tpu.memref_squeeze %dma_start3A_210 : memref<1x128xi32, #tpu.memory_space<vmem>> -> memref<128xi32, #tpu.memory_space<vmem>>
        %dma_start3A_212 = arith.constant 0 : i32
        %dma_start3A_213 = arith.constant 0 : i32
        %dma_start3A_214 = tpu.memref_slice %arg2[%dma_start3A_212, %dma_start3A_213] : memref<10000x128xf32, #tpu.memory_space<hbm>> -> memref<10000x128xf32, #tpu.memory_space<hbm>>
        tpu.enqueue_indirect_dma source(%dma_start3A_214 : memref<10000x128xf32, #tpu.memory_space<hbm>>) target(%arg8 : memref<128x128xf32, #tpu.memory_space<vmem>>) offsets(%dma_start3A_211 : memref<128xi32, #tpu.memory_space<vmem>>) semaphore(%arg11 : memref<!tpu.dma_semaphore, #tpu.memory_space<semaphore_mem>>)
        %dma_wait3A_215 = arith.constant 0 : i32
        %dma_wait3A_216 = tpu.memref_slice %arg5[%mul3A_206, %dma_wait3A_215] : memref<40x128xi32, #tpu.memory_space<vmem>> -> memref<1x128xi32, #tpu.memory_space<vmem>>
        %dma_wait3A_217 = tpu.memref_squeeze %dma_wait3A_216 : memref<1x128xi32, #tpu.memory_space<vmem>> -> memref<128xi32, #tpu.memory_space<vmem>>
        %dma_wait3A_218 = arith.constant 0 : i32
        %dma_wait3A_219 = arith.constant 0 : i32
        %dma_wait3A_220 = tpu.memref_slice %arg2[%dma_wait3A_218, %dma_wait3A_219] : memref<10000x128xf32, #tpu.memory_space<hbm>> -> memref<10000x128xf32, #tpu.memory_space<hbm>>
        tpu.wait_indirect_dma semaphore(%arg10 : memref<!tpu.dma_semaphore, #tpu.memory_space<semaphore_mem>>) src(%dma_wait3A_220 : memref<10000x128xf32, #tpu.memory_space<hbm>>) dst(%arg7 : memref<128x128xf32, #tpu.memory_space<vmem>>)
        "tpu.region"() ({
          %run_scoped3A = tpu.sem_alloc : memref<!tpu.dma_semaphore, #tpu.memory_space<semaphore_mem>>
          %dma_start3A_238 = arith.constant 0 : i32
          %dma_start3A_239 = tpu.memref_slice %arg6[%mul3A_206, %dma_start3A_238] : memref<40x128xi32, #tpu.memory_space<vmem>> -> memref<1x128xi32, #tpu.memory_space<vmem>>
          %dma_start3A_240 = tpu.memref_squeeze %dma_start3A_239 : memref<1x128xi32, #tpu.memory_space<vmem>> -> memref<128xi32, #tpu.memory_space<vmem>>
          %dma_start3A_241 = arith.constant 0 : i32
          %dma_start3A_242 = arith.constant 0 : i32
          %dma_start3A_243 = tpu.memref_slice %arg9[%dma_start3A_241, %dma_start3A_242] : memref<10240x128xf32, #tpu.memory_space<vmem_shared>> -> memref<10240x128xf32, #tpu.memory_space<vmem_shared>>
          tpu.enqueue_indirect_dma source(%arg7 : memref<128x128xf32, #tpu.memory_space<vmem>>) target(%dma_start3A_243 : memref<10240x128xf32, #tpu.memory_space<vmem_shared>>) offsets(%dma_start3A_240 : memref<128xi32, #tpu.memory_space<vmem>>) semaphore(%run_scoped3A : memref<!tpu.dma_semaphore, #tpu.memory_space<semaphore_mem>>) {add = true}
          %dma_wait3A_244 = arith.constant 0 : i32
          %dma_wait3A_245 = tpu.memref_slice %arg6[%mul3A_206, %dma_wait3A_244] : memref<40x128xi32, #tpu.memory_space<vmem>> -> memref<1x128xi32, #tpu.memory_space<vmem>>
          %dma_wait3A_246 = tpu.memref_squeeze %dma_wait3A_245 : memref<1x128xi32, #tpu.memory_space<vmem>> -> memref<128xi32, #tpu.memory_space<vmem>>
          %dma_wait3A_247 = arith.constant 0 : i32
          %dma_wait3A_248 = arith.constant 0 : i32
          %dma_wait3A_249 = tpu.memref_slice %arg9[%dma_wait3A_247, %dma_wait3A_248] : memref<10240x128xf32, #tpu.memory_space<vmem_shared>> -> memref<10240x128xf32, #tpu.memory_space<vmem_shared>>
          tpu.wait_indirect_dma semaphore(%run_scoped3A : memref<!tpu.dma_semaphore, #tpu.memory_space<semaphore_mem>>) src(%arg7 : memref<128x128xf32, #tpu.memory_space<vmem>>) dst(%dma_wait3A_249 : memref<10240x128xf32, #tpu.memory_space<vmem_shared>>)
          tpu.yield
        }) : () -> ()
        %add3A_221 = arith.constant 2 : i32
        %add3A_222 = arith.addi %mul3A_206, %add3A_221 : i32
        %lt3A_223 = arith.constant 38 : i32
        %lt3A_224 = arith.cmpi slt, %add3A_222, %lt3A_223 : i32
        %convert_element_type3A_225 = arith.extui %lt3A_224 : i1 to i32
        %cond3A_226 = arith.constant 0 : i32
        %cond3A_227 = arith.cmpi ne, %convert_element_type3A_225, %cond3A_226 : i32
        scf.if %cond3A_227 {
          %add3A_238 = arith.constant 2 : i32
          %add3A_239 = arith.addi %mul3A_206, %add3A_238 : i32
          %dma_start3A_240 = arith.constant 0 : i32
          %dma_start3A_241 = tpu.memref_slice %arg5[%add3A_239, %dma_start3A_240] : memref<40x128xi32, #tpu.memory_space<vmem>> -> memref<1x128xi32, #tpu.memory_space<vmem>>
          %dma_start3A_242 = tpu.memref_squeeze %dma_start3A_241 : memref<1x128xi32, #tpu.memory_space<vmem>> -> memref<128xi32, #tpu.memory_space<vmem>>
          %dma_start3A_243 = arith.constant 0 : i32
          %dma_start3A_244 = arith.constant 0 : i32
          %dma_start3A_245 = tpu.memref_slice %arg2[%dma_start3A_243, %dma_start3A_244] : memref<10000x128xf32, #tpu.memory_space<hbm>> -> memref<10000x128xf32, #tpu.memory_space<hbm>>
          tpu.enqueue_indirect_dma source(%dma_start3A_245 : memref<10000x128xf32, #tpu.memory_space<hbm>>) target(%arg7 : memref<128x128xf32, #tpu.memory_space<vmem>>) offsets(%dma_start3A_242 : memref<128xi32, #tpu.memory_space<vmem>>) semaphore(%arg10 : memref<!tpu.dma_semaphore, #tpu.memory_space<semaphore_mem>>)
        } else {
        }
        %add3A_228 = arith.constant 1 : i32
        %add3A_229 = arith.addi %mul3A_206, %add3A_228 : i32
        %dma_wait3A_230 = arith.constant 0 : i32
        %dma_wait3A_231 = tpu.memref_slice %arg5[%add3A_229, %dma_wait3A_230] : memref<40x128xi32, #tpu.memory_space<vmem>> -> memref<1x128xi32, #tpu.memory_space<vmem>>
        %dma_wait3A_232 = tpu.memref_squeeze %dma_wait3A_231 : memref<1x128xi32, #tpu.memory_space<vmem>> -> memref<128xi32, #tpu.memory_space<vmem>>
        %dma_wait3A_233 = arith.constant 0 : i32
        %dma_wait3A_234 = arith.constant 0 : i32
        %dma_wait3A_235 = tpu.memref_slice %arg2[%dma_wait3A_233, %dma_wait3A_234] : memref<10000x128xf32, #tpu.memory_space<hbm>> -> memref<10000x128xf32, #tpu.memory_space<hbm>>
        tpu.wait_indirect_dma semaphore(%arg11 : memref<!tpu.dma_semaphore, #tpu.memory_space<semaphore_mem>>) src(%dma_wait3A_235 : memref<10000x128xf32, #tpu.memory_space<hbm>>) dst(%arg8 : memref<128x128xf32, #tpu.memory_space<vmem>>)
        %add3A_236 = arith.constant 1 : i32
        %add3A_237 = arith.addi %mul3A_206, %add3A_236 : i32
        "tpu.region"() ({
          %run_scoped3A = tpu.sem_alloc : memref<!tpu.dma_semaphore, #tpu.memory_space<semaphore_mem>>
          %dma_start3A_238 = arith.constant 0 : i32
          %dma_start3A_239 = tpu.memref_slice %arg6[%add3A_237, %dma_start3A_238] : memref<40x128xi32, #tpu.memory_space<vmem>> -> memref<1x128xi32, #tpu.memory_space<vmem>>
          %dma_start3A_240 = tpu.memref_squeeze %dma_start3A_239 : memref<1x128xi32, #tpu.memory_space<vmem>> -> memref<128xi32, #tpu.memory_space<vmem>>
          %dma_start3A_241 = arith.constant 0 : i32
          %dma_start3A_242 = arith.constant 0 : i32
          %dma_start3A_243 = tpu.memref_slice %arg9[%dma_start3A_241, %dma_start3A_242] : memref<10240x128xf32, #tpu.memory_space<vmem_shared>> -> memref<10240x128xf32, #tpu.memory_space<vmem_shared>>
          tpu.enqueue_indirect_dma source(%arg8 : memref<128x128xf32, #tpu.memory_space<vmem>>) target(%dma_start3A_243 : memref<10240x128xf32, #tpu.memory_space<vmem_shared>>) offsets(%dma_start3A_240 : memref<128xi32, #tpu.memory_space<vmem>>) semaphore(%run_scoped3A : memref<!tpu.dma_semaphore, #tpu.memory_space<semaphore_mem>>) {add = true}
          %dma_wait3A_244 = arith.constant 0 : i32
          %dma_wait3A_245 = tpu.memref_slice %arg6[%add3A_237, %dma_wait3A_244] : memref<40x128xi32, #tpu.memory_space<vmem>> -> memref<1x128xi32, #tpu.memory_space<vmem>>
          %dma_wait3A_246 = tpu.memref_squeeze %dma_wait3A_245 : memref<1x128xi32, #tpu.memory_space<vmem>> -> memref<128xi32, #tpu.memory_space<vmem>>
          %dma_wait3A_247 = arith.constant 0 : i32
          %dma_wait3A_248 = arith.constant 0 : i32
          %dma_wait3A_249 = tpu.memref_slice %arg9[%dma_wait3A_247, %dma_wait3A_248] : memref<10240x128xf32, #tpu.memory_space<vmem_shared>> -> memref<10240x128xf32, #tpu.memory_space<vmem_shared>>
          tpu.wait_indirect_dma semaphore(%run_scoped3A : memref<!tpu.dma_semaphore, #tpu.memory_space<semaphore_mem>>) src(%arg8 : memref<128x128xf32, #tpu.memory_space<vmem>>) dst(%dma_wait3A_249 : memref<10240x128xf32, #tpu.memory_space<vmem_shared>>)
          tpu.yield
        }) : () -> ()
      }
      %scan3A_203 = arith.constant 19 : i32
    } else {
    }
    %barrier3A_83 = arith.constant 0 : index
    tpu.barrier barrier_id(%barrier3A_83)
    %add3A_84 = arith.constant 0 : i32
    %add3A_85 = arith.addi %mul3A_37, %add3A_84 : i32
    "tpu.region"() ({
      %run_scoped3A = tpu.sem_alloc : memref<!tpu.dma_semaphore, #tpu.memory_space<semaphore_mem>>
      %dma_start3A_174 = arith.constant 0 : i32
      %dma_start3A_175 = tpu.memref_slice %arg9[%add3A_85, %dma_start3A_174] : memref<10240x128xf32, #tpu.memory_space<vmem_shared>> -> memref<128x128xf32, #tpu.memory_space<vmem_shared>>
      %dma_start3A_176 = arith.constant 0 : i32
      %dma_start3A_177 = tpu.memref_slice %arg9[%add3A_85, %dma_start3A_176] : memref<10240x128xf32, #tpu.memory_space<vmem_shared>> -> memref<128x128xf32, #tpu.memory_space<vmem_shared>>
      tpu.enqueue_dma source(%dma_start3A_177 : memref<128x128xf32, #tpu.memory_space<vmem_shared>>) target(%arg7 : memref<128x128xf32, #tpu.memory_space<vmem>>) target_semaphore(%run_scoped3A : memref<!tpu.dma_semaphore, #tpu.memory_space<semaphore_mem>>)
      %dma_wait3A_178 = arith.constant 0 : i32
      %dma_wait3A_179 = tpu.memref_slice %arg9[%add3A_85, %dma_wait3A_178] : memref<10240x128xf32, #tpu.memory_space<vmem_shared>> -> memref<128x128xf32, #tpu.memory_space<vmem_shared>>
      %dma_wait3A_180 = arith.constant 0 : i32
      %dma_wait3A_181 = tpu.memref_slice %arg9[%add3A_85, %dma_wait3A_180] : memref<10240x128xf32, #tpu.memory_space<vmem_shared>> -> memref<128x128xf32, #tpu.memory_space<vmem_shared>>
      tpu.wait_dma2 semaphore(%run_scoped3A : memref<!tpu.dma_semaphore, #tpu.memory_space<semaphore_mem>>) src(%dma_wait3A_181 : memref<128x128xf32, #tpu.memory_space<vmem_shared>>) dst(%arg7 : memref<128x128xf32, #tpu.memory_space<vmem>>)
      tpu.yield
    }) : () -> ()
    %add3A_86 = arith.constant 0 : i32
    %add3A_87 = arith.addi %mul3A_37, %add3A_86 : i32
    %dma_start3A_88 = arith.constant 0 : i32
    %dma_start3A_89 = tpu.memref_slice %arg4[%arg0, %add3A_87, %dma_start3A_88] : memref<2x10240x128xf32, #tpu.memory_space<hbm>> -> memref<1x128x128xf32, #tpu.memory_space<hbm>>
    %dma_start3A_90 = tpu.memref_squeeze %dma_start3A_89 : memref<1x128x128xf32, #tpu.memory_space<hbm>> -> memref<128x128xf32, #tpu.memory_space<hbm>>
    %dma_start3A_91 = arith.constant 0 : i32
    %dma_start3A_92 = tpu.memref_slice %arg4[%arg0, %add3A_87, %dma_start3A_91] : memref<2x10240x128xf32, #tpu.memory_space<hbm>> -> memref<1x128x128xf32, #tpu.memory_space<hbm>>
    %dma_start3A_93 = tpu.memref_squeeze %dma_start3A_92 : memref<1x128x128xf32, #tpu.memory_space<hbm>> -> memref<128x128xf32, #tpu.memory_space<hbm>>
    tpu.enqueue_dma source(%arg7 : memref<128x128xf32, #tpu.memory_space<vmem>>) target(%dma_start3A_93 : memref<128x128xf32, #tpu.memory_space<hbm>>) target_semaphore(%arg10 : memref<!tpu.dma_semaphore, #tpu.memory_space<semaphore_mem>>)
    %add3A_94 = arith.constant 128 : i32
    %add3A_95 = arith.addi %mul3A_37, %add3A_94 : i32
    "tpu.region"() ({
      %run_scoped3A = tpu.sem_alloc : memref<!tpu.dma_semaphore, #tpu.memory_space<semaphore_mem>>
      %dma_start3A_174 = arith.constant 0 : i32
      %dma_start3A_175 = tpu.memref_slice %arg9[%add3A_95, %dma_start3A_174] : memref<10240x128xf32, #tpu.memory_space<vmem_shared>> -> memref<128x128xf32, #tpu.memory_space<vmem_shared>>
      %dma_start3A_176 = arith.constant 0 : i32
      %dma_start3A_177 = tpu.memref_slice %arg9[%add3A_95, %dma_start3A_176] : memref<10240x128xf32, #tpu.memory_space<vmem_shared>> -> memref<128x128xf32, #tpu.memory_space<vmem_shared>>
      tpu.enqueue_dma source(%dma_start3A_177 : memref<128x128xf32, #tpu.memory_space<vmem_shared>>) target(%arg8 : memref<128x128xf32, #tpu.memory_space<vmem>>) target_semaphore(%run_scoped3A : memref<!tpu.dma_semaphore, #tpu.memory_space<semaphore_mem>>)
      %dma_wait3A_178 = arith.constant 0 : i32
      %dma_wait3A_179 = tpu.memref_slice %arg9[%add3A_95, %dma_wait3A_178] : memref<10240x128xf32, #tpu.memory_space<vmem_shared>> -> memref<128x128xf32, #tpu.memory_space<vmem_shared>>
      %dma_wait3A_180 = arith.constant 0 : i32
      %dma_wait3A_181 = tpu.memref_slice %arg9[%add3A_95, %dma_wait3A_180] : memref<10240x128xf32, #tpu.memory_space<vmem_shared>> -> memref<128x128xf32, #tpu.memory_space<vmem_shared>>
      tpu.wait_dma2 semaphore(%run_scoped3A : memref<!tpu.dma_semaphore, #tpu.memory_space<semaphore_mem>>) src(%dma_wait3A_181 : memref<128x128xf32, #tpu.memory_space<vmem_shared>>) dst(%arg8 : memref<128x128xf32, #tpu.memory_space<vmem>>)
      tpu.yield
    }) : () -> ()
    %add3A_96 = arith.constant 128 : i32
    %add3A_97 = arith.addi %mul3A_37, %add3A_96 : i32
    %dma_start3A_98 = arith.constant 0 : i32
    %dma_start3A_99 = tpu.memref_slice %arg4[%arg0, %add3A_97, %dma_start3A_98] : memref<2x10240x128xf32, #tpu.memory_space<hbm>> -> memref<1x128x128xf32, #tpu.memory_space<hbm>>
    %dma_start3A_100 = tpu.memref_squeeze %dma_start3A_99 : memref<1x128x128xf32, #tpu.memory_space<hbm>> -> memref<128x128xf32, #tpu.memory_space<hbm>>
    %dma_start3A_101 = arith.constant 0 : i32
    %dma_start3A_102 = tpu.memref_slice %arg4[%arg0, %add3A_97, %dma_start3A_101] : memref<2x10240x128xf32, #tpu.memory_space<hbm>> -> memref<1x128x128xf32, #tpu.memory_space<hbm>>
    %dma_start3A_103 = tpu.memref_squeeze %dma_start3A_102 : memref<1x128x128xf32, #tpu.memory_space<hbm>> -> memref<128x128xf32, #tpu.memory_space<hbm>>
    tpu.enqueue_dma source(%arg8 : memref<128x128xf32, #tpu.memory_space<vmem>>) target(%dma_start3A_103 : memref<128x128xf32, #tpu.memory_space<hbm>>) target_semaphore(%arg11 : memref<!tpu.dma_semaphore, #tpu.memory_space<semaphore_mem>>)
    %add3A_104 = arith.constant 0 : i32
    %add3A_105 = arith.addi %mul3A_37, %add3A_104 : i32
    %dma_wait3A_106 = arith.constant 0 : i32
    %dma_wait3A_107 = tpu.memref_slice %arg4[%arg0, %add3A_105, %dma_wait3A_106] : memref<2x10240x128xf32, #tpu.memory_space<hbm>> -> memref<1x128x128xf32, #tpu.memory_space<hbm>>
    %dma_wait3A_108 = tpu.memref_squeeze %dma_wait3A_107 : memref<1x128x128xf32, #tpu.memory_space<hbm>> -> memref<128x128xf32, #tpu.memory_space<hbm>>
    %dma_wait3A_109 = arith.constant 0 : i32
    %dma_wait3A_110 = tpu.memref_slice %arg4[%arg0, %add3A_105, %dma_wait3A_109] : memref<2x10240x128xf32, #tpu.memory_space<hbm>> -> memref<1x128x128xf32, #tpu.memory_space<hbm>>
    %dma_wait3A_111 = tpu.memref_squeeze %dma_wait3A_110 : memref<1x128x128xf32, #tpu.memory_space<hbm>> -> memref<128x128xf32, #tpu.memory_space<hbm>>
    tpu.wait_dma2 semaphore(%arg10 : memref<!tpu.dma_semaphore, #tpu.memory_space<semaphore_mem>>) src(%arg7 : memref<128x128xf32, #tpu.memory_space<vmem>>) dst(%dma_wait3A_111 : memref<128x128xf32, #tpu.memory_space<hbm>>)
    %add3A_112 = arith.constant 256 : i32
    %add3A_113 = arith.addi %mul3A_37, %add3A_112 : i32
    "tpu.region"() ({
      %run_scoped3A = tpu.sem_alloc : memref<!tpu.dma_semaphore, #tpu.memory_space<semaphore_mem>>
      %dma_start3A_174 = arith.constant 0 : i32
      %dma_start3A_175 = tpu.memref_slice %arg9[%add3A_113, %dma_start3A_174] : memref<10240x128xf32, #tpu.memory_space<vmem_shared>> -> memref<128x128xf32, #tpu.memory_space<vmem_shared>>
      %dma_start3A_176 = arith.constant 0 : i32
      %dma_start3A_177 = tpu.memref_slice %arg9[%add3A_113, %dma_start3A_176] : memref<10240x128xf32, #tpu.memory_space<vmem_shared>> -> memref<128x128xf32, #tpu.memory_space<vmem_shared>>
      tpu.enqueue_dma source(%dma_start3A_177 : memref<128x128xf32, #tpu.memory_space<vmem_shared>>) target(%arg7 : memref<128x128xf32, #tpu.memory_space<vmem>>) target_semaphore(%run_scoped3A : memref<!tpu.dma_semaphore, #tpu.memory_space<semaphore_mem>>)
      %dma_wait3A_178 = arith.constant 0 : i32
      %dma_wait3A_179 = tpu.memref_slice %arg9[%add3A_113, %dma_wait3A_178] : memref<10240x128xf32, #tpu.memory_space<vmem_shared>> -> memref<128x128xf32, #tpu.memory_space<vmem_shared>>
      %dma_wait3A_180 = arith.constant 0 : i32
      %dma_wait3A_181 = tpu.memref_slice %arg9[%add3A_113, %dma_wait3A_180] : memref<10240x128xf32, #tpu.memory_space<vmem_shared>> -> memref<128x128xf32, #tpu.memory_space<vmem_shared>>
      tpu.wait_dma2 semaphore(%run_scoped3A : memref<!tpu.dma_semaphore, #tpu.memory_space<semaphore_mem>>) src(%dma_wait3A_181 : memref<128x128xf32, #tpu.memory_space<vmem_shared>>) dst(%arg7 : memref<128x128xf32, #tpu.memory_space<vmem>>)
      tpu.yield
    }) : () -> ()
    %add3A_114 = arith.constant 256 : i32
    %add3A_115 = arith.addi %mul3A_37, %add3A_114 : i32
    %dma_start3A_116 = arith.constant 0 : i32
    %dma_start3A_117 = tpu.memref_slice %arg4[%arg0, %add3A_115, %dma_start3A_116] : memref<2x10240x128xf32, #tpu.memory_space<hbm>> -> memref<1x128x128xf32, #tpu.memory_space<hbm>>
    %dma_start3A_118 = tpu.memref_squeeze %dma_start3A_117 : memref<1x128x128xf32, #tpu.memory_space<hbm>> -> memref<128x128xf32, #tpu.memory_space<hbm>>
    %dma_start3A_119 = arith.constant 0 : i32
    %dma_start3A_120 = tpu.memref_slice %arg4[%arg0, %add3A_115, %dma_start3A_119] : memref<2x10240x128xf32, #tpu.memory_space<hbm>> -> memref<1x128x128xf32, #tpu.memory_space<hbm>>
    %dma_start3A_121 = tpu.memref_squeeze %dma_start3A_120 : memref<1x128x128xf32, #tpu.memory_space<hbm>> -> memref<128x128xf32, #tpu.memory_space<hbm>>
    tpu.enqueue_dma source(%arg7 : memref<128x128xf32, #tpu.memory_space<vmem>>) target(%dma_start3A_121 : memref<128x128xf32, #tpu.memory_space<hbm>>) target_semaphore(%arg10 : memref<!tpu.dma_semaphore, #tpu.memory_space<semaphore_mem>>)
    %add3A_122 = arith.constant 128 : i32
    %add3A_123 = arith.addi %mul3A_37, %add3A_122 : i32
    %dma_wait3A_124 = arith.constant 0 : i32
    %dma_wait3A_125 = tpu.memref_slice %arg4[%arg0, %add3A_123, %dma_wait3A_124] : memref<2x10240x128xf32, #tpu.memory_space<hbm>> -> memref<1x128x128xf32, #tpu.memory_space<hbm>>
    %dma_wait3A_126 = tpu.memref_squeeze %dma_wait3A_125 : memref<1x128x128xf32, #tpu.memory_space<hbm>> -> memref<128x128xf32, #tpu.memory_space<hbm>>
    %dma_wait3A_127 = arith.constant 0 : i32
    %dma_wait3A_128 = tpu.memref_slice %arg4[%arg0, %add3A_123, %dma_wait3A_127] : memref<2x10240x128xf32, #tpu.memory_space<hbm>> -> memref<1x128x128xf32, #tpu.memory_space<hbm>>
    %dma_wait3A_129 = tpu.memref_squeeze %dma_wait3A_128 : memref<1x128x128xf32, #tpu.memory_space<hbm>> -> memref<128x128xf32, #tpu.memory_space<hbm>>
    tpu.wait_dma2 semaphore(%arg11 : memref<!tpu.dma_semaphore, #tpu.memory_space<semaphore_mem>>) src(%arg8 : memref<128x128xf32, #tpu.memory_space<vmem>>) dst(%dma_wait3A_129 : memref<128x128xf32, #tpu.memory_space<hbm>>)
    %add3A_130 = arith.constant 384 : i32
    %add3A_131 = arith.addi %mul3A_37, %add3A_130 : i32
    "tpu.region"() ({
      %run_scoped3A = tpu.sem_alloc : memref<!tpu.dma_semaphore, #tpu.memory_space<semaphore_mem>>
      %dma_start3A_174 = arith.constant 0 : i32
      %dma_start3A_175 = tpu.memref_slice %arg9[%add3A_131, %dma_start3A_174] : memref<10240x128xf32, #tpu.memory_space<vmem_shared>> -> memref<128x128xf32, #tpu.memory_space<vmem_shared>>
      %dma_start3A_176 = arith.constant 0 : i32
      %dma_start3A_177 = tpu.memref_slice %arg9[%add3A_131, %dma_start3A_176] : memref<10240x128xf32, #tpu.memory_space<vmem_shared>> -> memref<128x128xf32, #tpu.memory_space<vmem_shared>>
      tpu.enqueue_dma source(%dma_start3A_177 : memref<128x128xf32, #tpu.memory_space<vmem_shared>>) target(%arg8 : memref<128x128xf32, #tpu.memory_space<vmem>>) target_semaphore(%run_scoped3A : memref<!tpu.dma_semaphore, #tpu.memory_space<semaphore_mem>>)
      %dma_wait3A_178 = arith.constant 0 : i32
      %dma_wait3A_179 = tpu.memref_slice %arg9[%add3A_131, %dma_wait3A_178] : memref<10240x128xf32, #tpu.memory_space<vmem_shared>> -> memref<128x128xf32, #tpu.memory_space<vmem_shared>>
      %dma_wait3A_180 = arith.constant 0 : i32
      %dma_wait3A_181 = tpu.memref_slice %arg9[%add3A_131, %dma_wait3A_180] : memref<10240x128xf32, #tpu.memory_space<vmem_shared>> -> memref<128x128xf32, #tpu.memory_space<vmem_shared>>
      tpu.wait_dma2 semaphore(%run_scoped3A : memref<!tpu.dma_semaphore, #tpu.memory_space<semaphore_mem>>) src(%dma_wait3A_181 : memref<128x128xf32, #tpu.memory_space<vmem_shared>>) dst(%arg8 : memref<128x128xf32, #tpu.memory_space<vmem>>)
      tpu.yield
    }) : () -> ()
    %add3A_132 = arith.constant 384 : i32
    %add3A_133 = arith.addi %mul3A_37, %add3A_132 : i32
    %dma_start3A_134 = arith.constant 0 : i32
    %dma_start3A_135 = tpu.memref_slice %arg4[%arg0, %add3A_133, %dma_start3A_134] : memref<2x10240x128xf32, #tpu.memory_space<hbm>> -> memref<1x128x128xf32, #tpu.memory_space<hbm>>
    %dma_start3A_136 = tpu.memref_squeeze %dma_start3A_135 : memref<1x128x128xf32, #tpu.memory_space<hbm>> -> memref<128x128xf32, #tpu.memory_space<hbm>>
    %dma_start3A_137 = arith.constant 0 : i32
    %dma_start3A_138 = tpu.memref_slice %arg4[%arg0, %add3A_133, %dma_start3A_137] : memref<2x10240x128xf32, #tpu.memory_space<hbm>> -> memref<1x128x128xf32, #tpu.memory_space<hbm>>
    %dma_start3A_139 = tpu.memref_squeeze %dma_start3A_138 : memref<1x128x128xf32, #tpu.memory_space<hbm>> -> memref<128x128xf32, #tpu.memory_space<hbm>>
    tpu.enqueue_dma source(%arg8 : memref<128x128xf32, #tpu.memory_space<vmem>>) target(%dma_start3A_139 : memref<128x128xf32, #tpu.memory_space<hbm>>) target_semaphore(%arg11 : memref<!tpu.dma_semaphore, #tpu.memory_space<semaphore_mem>>)
    %add3A_140 = arith.constant 256 : i32
    %add3A_141 = arith.addi %mul3A_37, %add3A_140 : i32
    %dma_wait3A_142 = arith.constant 0 : i32
    %dma_wait3A_143 = tpu.memref_slice %arg4[%arg0, %add3A_141, %dma_wait3A_142] : memref<2x10240x128xf32, #tpu.memory_space<hbm>> -> memref<1x128x128xf32, #tpu.memory_space<hbm>>
    %dma_wait3A_144 = tpu.memref_squeeze %dma_wait3A_143 : memref<1x128x128xf32, #tpu.memory_space<hbm>> -> memref<128x128xf32, #tpu.memory_space<hbm>>
    %dma_wait3A_145 = arith.constant 0 : i32
    %dma_wait3A_146 = tpu.memref_slice %arg4[%arg0, %add3A_141, %dma_wait3A_145] : memref<2x10240x128xf32, #tpu.memory_space<hbm>> -> memref<1x128x128xf32, #tpu.memory_space<hbm>>
    %dma_wait3A_147 = tpu.memref_squeeze %dma_wait3A_146 : memref<1x128x128xf32, #tpu.memory_space<hbm>> -> memref<128x128xf32, #tpu.memory_space<hbm>>
    tpu.wait_dma2 semaphore(%arg10 : memref<!tpu.dma_semaphore, #tpu.memory_space<semaphore_mem>>) src(%arg7 : memref<128x128xf32, #tpu.memory_space<vmem>>) dst(%dma_wait3A_147 : memref<128x128xf32, #tpu.memory_space<hbm>>)
    %add3A_148 = arith.constant 512 : i32
    %add3A_149 = arith.addi %mul3A_37, %add3A_148 : i32
    "tpu.region"() ({
      %run_scoped3A = tpu.sem_alloc : memref<!tpu.dma_semaphore, #tpu.memory_space<semaphore_mem>>
      %dma_start3A_174 = arith.constant 0 : i32
      %dma_start3A_175 = tpu.memref_slice %arg9[%add3A_149, %dma_start3A_174] : memref<10240x128xf32, #tpu.memory_space<vmem_shared>> -> memref<128x128xf32, #tpu.memory_space<vmem_shared>>
      %dma_start3A_176 = arith.constant 0 : i32
      %dma_start3A_177 = tpu.memref_slice %arg9[%add3A_149, %dma_start3A_176] : memref<10240x128xf32, #tpu.memory_space<vmem_shared>> -> memref<128x128xf32, #tpu.memory_space<vmem_shared>>
      tpu.enqueue_dma source(%dma_start3A_177 : memref<128x128xf32, #tpu.memory_space<vmem_shared>>) target(%arg7 : memref<128x128xf32, #tpu.memory_space<vmem>>) target_semaphore(%run_scoped3A : memref<!tpu.dma_semaphore, #tpu.memory_space<semaphore_mem>>)
      %dma_wait3A_178 = arith.constant 0 : i32
      %dma_wait3A_179 = tpu.memref_slice %arg9[%add3A_149, %dma_wait3A_178] : memref<10240x128xf32, #tpu.memory_space<vmem_shared>> -> memref<128x128xf32, #tpu.memory_space<vmem_shared>>
      %dma_wait3A_180 = arith.constant 0 : i32
      %dma_wait3A_181 = tpu.memref_slice %arg9[%add3A_149, %dma_wait3A_180] : memref<10240x128xf32, #tpu.memory_space<vmem_shared>> -> memref<128x128xf32, #tpu.memory_space<vmem_shared>>
      tpu.wait_dma2 semaphore(%run_scoped3A : memref<!tpu.dma_semaphore, #tpu.memory_space<semaphore_mem>>) src(%dma_wait3A_181 : memref<128x128xf32, #tpu.memory_space<vmem_shared>>) dst(%arg7 : memref<128x128xf32, #tpu.memory_space<vmem>>)
      tpu.yield
    }) : () -> ()
    %add3A_150 = arith.constant 512 : i32
    %add3A_151 = arith.addi %mul3A_37, %add3A_150 : i32
    %dma_start3A_152 = arith.constant 0 : i32
    %dma_start3A_153 = tpu.memref_slice %arg4[%arg0, %add3A_151, %dma_start3A_152] : memref<2x10240x128xf32, #tpu.memory_space<hbm>> -> memref<1x128x128xf32, #tpu.memory_space<hbm>>
    %dma_start3A_154 = tpu.memref_squeeze %dma_start3A_153 : memref<1x128x128xf32, #tpu.memory_space<hbm>> -> memref<128x128xf32, #tpu.memory_space<hbm>>
    %dma_start3A_155 = arith.constant 0 : i32
    %dma_start3A_156 = tpu.memref_slice %arg4[%arg0, %add3A_151, %dma_start3A_155] : memref<2x10240x128xf32, #tpu.memory_space<hbm>> -> memref<1x128x128xf32, #tpu.memory_space<hbm>>
    %dma_start3A_157 = tpu.memref_squeeze %dma_start3A_156 : memref<1x128x128xf32, #tpu.memory_space<hbm>> -> memref<128x128xf32, #tpu.memory_space<hbm>>
    tpu.enqueue_dma source(%arg7 : memref<128x128xf32, #tpu.memory_space<vmem>>) target(%dma_start3A_157 : memref<128x128xf32, #tpu.memory_space<hbm>>) target_semaphore(%arg10 : memref<!tpu.dma_semaphore, #tpu.memory_space<semaphore_mem>>)
    %add3A_158 = arith.constant 384 : i32
    %add3A_159 = arith.addi %mul3A_37, %add3A_158 : i32
    %dma_wait3A_160 = arith.constant 0 : i32
    %dma_wait3A_161 = tpu.memref_slice %arg4[%arg0, %add3A_159, %dma_wait3A_160] : memref<2x10240x128xf32, #tpu.memory_space<hbm>> -> memref<1x128x128xf32, #tpu.memory_space<hbm>>
    %dma_wait3A_162 = tpu.memref_squeeze %dma_wait3A_161 : memref<1x128x128xf32, #tpu.memory_space<hbm>> -> memref<128x128xf32, #tpu.memory_space<hbm>>
    %dma_wait3A_163 = arith.constant 0 : i32
    %dma_wait3A_164 = tpu.memref_slice %arg4[%arg0, %add3A_159, %dma_wait3A_163] : memref<2x10240x128xf32, #tpu.memory_space<hbm>> -> memref<1x128x128xf32, #tpu.memory_space<hbm>>
    %dma_wait3A_165 = tpu.memref_squeeze %dma_wait3A_164 : memref<1x128x128xf32, #tpu.memory_space<hbm>> -> memref<128x128xf32, #tpu.memory_space<hbm>>
    tpu.wait_dma2 semaphore(%arg11 : memref<!tpu.dma_semaphore, #tpu.memory_space<semaphore_mem>>) src(%arg8 : memref<128x128xf32, #tpu.memory_space<vmem>>) dst(%dma_wait3A_165 : memref<128x128xf32, #tpu.memory_space<hbm>>)
    %add3A_166 = arith.constant 512 : i32
    %add3A_167 = arith.addi %mul3A_37, %add3A_166 : i32
    %dma_wait3A_168 = arith.constant 0 : i32
    %dma_wait3A_169 = tpu.memref_slice %arg4[%arg0, %add3A_167, %dma_wait3A_168] : memref<2x10240x128xf32, #tpu.memory_space<hbm>> -> memref<1x128x128xf32, #tpu.memory_space<hbm>>
    %dma_wait3A_170 = tpu.memref_squeeze %dma_wait3A_169 : memref<1x128x128xf32, #tpu.memory_space<hbm>> -> memref<128x128xf32, #tpu.memory_space<hbm>>
    %dma_wait3A_171 = arith.constant 0 : i32
    %dma_wait3A_172 = tpu.memref_slice %arg4[%arg0, %add3A_167, %dma_wait3A_171] : memref<2x10240x128xf32, #tpu.memory_space<hbm>> -> memref<1x128x128xf32, #tpu.memory_space<hbm>>
    %dma_wait3A_173 = tpu.memref_squeeze %dma_wait3A_172 : memref<1x128x128xf32, #tpu.memory_space<hbm>> -> memref<128x128xf32, #tpu.memory_space<hbm>>
    tpu.wait_dma2 semaphore(%arg10 : memref<!tpu.dma_semaphore, #tpu.memory_space<semaphore_mem>>) src(%arg7 : memref<128x128xf32, #tpu.memory_space<vmem>>) dst(%dma_wait3A_173 : memref<128x128xf32, #tpu.memory_space<hbm>>)
    return
  }
}

#map = affine_map<(d0, d1) -> (0, 0)>
#map1 = affine_map<(d0, d1) -> (0, 0, 0)>
module attributes {stable_mosaic.version = 14 : i64} {
  func.func @spmm(%arg0: i32, %arg1: i32, %arg2: memref<10000x64xf32, #tpu.memory_space<hbm>>, %arg3: memref<2x2500x128xi32, #tpu.memory_space<hbm>>, %arg4: memref<2x10240x64xf32, #tpu.memory_space<hbm>>, %arg5: memref<40x128xi32, #tpu.memory_space<vmem>>, %arg6: memref<40x128xi32, #tpu.memory_space<vmem>>, %arg7: memref<128x64xf32, #tpu.memory_space<vmem>>, %arg8: memref<128x64xf32, #tpu.memory_space<vmem>>, %arg9: memref<10240x64xf32, #tpu.memory_space<vmem_shared>>, %arg10: memref<!tpu.dma_semaphore, #tpu.memory_space<semaphore_mem>>, %arg11: memref<!tpu.dma_semaphore, #tpu.memory_space<semaphore_mem>>) attributes {dimension_semantics = [#tpu.dimension_semantics<core_parallel>, #tpu.dimension_semantics<subcore_parallel>], iteration_bounds = array<i64: 2, 16>, scalar_prefetch = 0 : i64, scratch_operands = 7 : i64, tpu.core_type = #tpu.core_type<sc_vector_subcore>, window_params = [{transform_indices = #map}, {transform_indices = #map1}, {transform_indices = #map1}]} {
    %mul3A = arith.constant 16 : i32
    %mul3A_0 = arith.muli %arg0, %mul3A : i32
    %add3A = arith.addi %mul3A_0, %arg1 : i32
    %mul3A_1 = arith.constant 78 : i32
    %mul3A_2 = arith.muli %add3A, %mul3A_1 : i32
    %min3A = arith.constant 4 : i32
    %min3A_3 = arith.minsi %add3A, %min3A : i32
    %add3A_4 = arith.addi %mul3A_2, %min3A_3 : i32
    %dma_start3A = arith.constant 0 : i32
    %dma_start3A_5 = arith.constant 0 : i32
    %dma_start3A_6 = arith.constant 0 : i32
    %dma_start3A_7 = tpu.memref_slice %arg3[%dma_start3A, %dma_start3A_5, %dma_start3A_6] : memref<2x2500x128xi32, #tpu.memory_space<hbm>> -> memref<1x2500x128xi32, #tpu.memory_space<hbm>>
    %dma_start3A_8 = tpu.memref_squeeze %dma_start3A_7 : memref<1x2500x128xi32, #tpu.memory_space<hbm>> -> memref<2500x128xi32, #tpu.memory_space<hbm>>
    %dma_start3A_9 = arith.constant 0 : i32
    %dma_start3A_10 = tpu.memref_slice %dma_start3A_8[%add3A_4, %dma_start3A_9] : memref<2500x128xi32, #tpu.memory_space<hbm>> -> memref<40x128xi32, #tpu.memory_space<hbm>>
    %dma_start3A_11 = arith.constant 0 : i32
    %dma_start3A_12 = arith.constant 0 : i32
    %dma_start3A_13 = tpu.memref_slice %arg3[%dma_start3A, %dma_start3A_11, %dma_start3A_12] : memref<2x2500x128xi32, #tpu.memory_space<hbm>> -> memref<1x2500x128xi32, #tpu.memory_space<hbm>>
    %dma_start3A_14 = tpu.memref_squeeze %dma_start3A_13 : memref<1x2500x128xi32, #tpu.memory_space<hbm>> -> memref<2500x128xi32, #tpu.memory_space<hbm>>
    %dma_start3A_15 = arith.constant 0 : i32
    %dma_start3A_16 = tpu.memref_slice %dma_start3A_14[%add3A_4, %dma_start3A_15] : memref<2500x128xi32, #tpu.memory_space<hbm>> -> memref<40x128xi32, #tpu.memory_space<hbm>>
    tpu.enqueue_dma source(%dma_start3A_16 : memref<40x128xi32, #tpu.memory_space<hbm>>) target(%arg5 : memref<40x128xi32, #tpu.memory_space<vmem>>) target_semaphore(%arg10 : memref<!tpu.dma_semaphore, #tpu.memory_space<semaphore_mem>>)
    %dma_start3A_17 = arith.constant 1 : i32
    %dma_start3A_18 = arith.constant 0 : i32
    %dma_start3A_19 = arith.constant 0 : i32
    %dma_start3A_20 = tpu.memref_slice %arg3[%dma_start3A_17, %dma_start3A_18, %dma_start3A_19] : memref<2x2500x128xi32, #tpu.memory_space<hbm>> -> memref<1x2500x128xi32, #tpu.memory_space<hbm>>
    %dma_start3A_21 = tpu.memref_squeeze %dma_start3A_20 : memref<1x2500x128xi32, #tpu.memory_space<hbm>> -> memref<2500x128xi32, #tpu.memory_space<hbm>>
    %dma_start3A_22 = arith.constant 0 : i32
    %dma_start3A_23 = tpu.memref_slice %dma_start3A_21[%add3A_4, %dma_start3A_22] : memref<2500x128xi32, #tpu.memory_space<hbm>> -> memref<40x128xi32, #tpu.memory_space<hbm>>
    %dma_start3A_24 = arith.constant 0 : i32
    %dma_start3A_25 = arith.constant 0 : i32
    %dma_start3A_26 = tpu.memref_slice %arg3[%dma_start3A_17, %dma_start3A_24, %dma_start3A_25] : memref<2x2500x128xi32, #tpu.memory_space<hbm>> -> memref<1x2500x128xi32, #tpu.memory_space<hbm>>
    %dma_start3A_27 = tpu.memref_squeeze %dma_start3A_26 : memref<1x2500x128xi32, #tpu.memory_space<hbm>> -> memref<2500x128xi32, #tpu.memory_space<hbm>>
    %dma_start3A_28 = arith.constant 0 : i32
    %dma_start3A_29 = tpu.memref_slice %dma_start3A_27[%add3A_4, %dma_start3A_28] : memref<2500x128xi32, #tpu.memory_space<hbm>> -> memref<40x128xi32, #tpu.memory_space<hbm>>
    tpu.enqueue_dma source(%dma_start3A_29 : memref<40x128xi32, #tpu.memory_space<hbm>>) target(%arg6 : memref<40x128xi32, #tpu.memory_space<vmem>>) target_semaphore(%arg11 : memref<!tpu.dma_semaphore, #tpu.memory_space<semaphore_mem>>)
    %broadcast_in_dim3A = arith.constant 0.000000e+00 : f32
    %broadcast_in_dim3A_30 = vector.broadcast %broadcast_in_dim3A : f32 to vector<16xf32>
    %scan3A = arith.constant 0 : i32
    %scan3A_31 = arith.constant 0 : i32
    %scan3A_32 = arith.constant 128 : i32
    %scan3A_33 = arith.addi %scan3A_31, %scan3A_32 : i32
    %scan3A_34 = arith.constant 1 : i32
    scf.for %scan3A_174 = %scan3A_31 to %scan3A_33 step %scan3A_34  : i32 {
      %swap3A = arith.index_cast %scan3A_174 : i32 to index
      %swap3A_175 = arith.constant 0 : index
      %swap3A_176 = tpu.vector_load %arg7[%swap3A, %swap3A_175] {strides = array<i32>} : memref<128x64xf32, #tpu.memory_space<vmem>>, vector<1x16xf32>,
      %swap3A_177 = vector.shape_cast %swap3A_176 : vector<1x16xf32> to vector<16xf32>
      %swap3A_178 = vector.shape_cast %broadcast_in_dim3A_30 : vector<16xf32> to vector<1x16xf32>
      tpu.vector_store %arg7[%swap3A, %swap3A_175], %swap3A_178 {strides = array<i32>} : memref<128x64xf32, #tpu.memory_space<vmem>>, vector<1x16xf32>,
      %swap3A_179 = arith.index_cast %scan3A_174 : i32 to index
      %swap3A_180 = arith.constant 16 : index
      %swap3A_181 = tpu.vector_load %arg7[%swap3A_179, %swap3A_180] {strides = array<i32>} : memref<128x64xf32, #tpu.memory_space<vmem>>, vector<1x16xf32>,
      %swap3A_182 = vector.shape_cast %swap3A_181 : vector<1x16xf32> to vector<16xf32>
      %swap3A_183 = vector.shape_cast %broadcast_in_dim3A_30 : vector<16xf32> to vector<1x16xf32>
      tpu.vector_store %arg7[%swap3A_179, %swap3A_180], %swap3A_183 {strides = array<i32>} : memref<128x64xf32, #tpu.memory_space<vmem>>, vector<1x16xf32>,
      %swap3A_184 = arith.index_cast %scan3A_174 : i32 to index
      %swap3A_185 = arith.constant 32 : index
      %swap3A_186 = tpu.vector_load %arg7[%swap3A_184, %swap3A_185] {strides = array<i32>} : memref<128x64xf32, #tpu.memory_space<vmem>>, vector<1x16xf32>,
      %swap3A_187 = vector.shape_cast %swap3A_186 : vector<1x16xf32> to vector<16xf32>
      %swap3A_188 = vector.shape_cast %broadcast_in_dim3A_30 : vector<16xf32> to vector<1x16xf32>
      tpu.vector_store %arg7[%swap3A_184, %swap3A_185], %swap3A_188 {strides = array<i32>} : memref<128x64xf32, #tpu.memory_space<vmem>>, vector<1x16xf32>,
      %swap3A_189 = arith.index_cast %scan3A_174 : i32 to index
      %swap3A_190 = arith.constant 48 : index
      %swap3A_191 = tpu.vector_load %arg7[%swap3A_189, %swap3A_190] {strides = array<i32>} : memref<128x64xf32, #tpu.memory_space<vmem>>, vector<1x16xf32>,
      %swap3A_192 = vector.shape_cast %swap3A_191 : vector<1x16xf32> to vector<16xf32>
      %swap3A_193 = vector.shape_cast %broadcast_in_dim3A_30 : vector<16xf32> to vector<1x16xf32>
      tpu.vector_store %arg7[%swap3A_189, %swap3A_190], %swap3A_193 {strides = array<i32>} : memref<128x64xf32, #tpu.memory_space<vmem>>, vector<1x16xf32>,
    }
    %scan3A_35 = arith.constant 128 : i32
    %mul3A_36 = arith.constant 640 : i32
    %mul3A_37 = arith.muli %arg1, %mul3A_36 : i32
    %add3A_38 = arith.constant 0 : i32
    %add3A_39 = arith.addi %mul3A_37, %add3A_38 : i32
    "tpu.region"() ({
      %run_scoped3A = tpu.sem_alloc : memref<!tpu.dma_semaphore, #tpu.memory_space<semaphore_mem>>
      %dma_start3A_174 = arith.constant 0 : i32
      %dma_start3A_175 = tpu.memref_slice %arg9[%add3A_39, %dma_start3A_174] : memref<10240x64xf32, #tpu.memory_space<vmem_shared>> -> memref<128x64xf32, #tpu.memory_space<vmem_shared>>
      %dma_start3A_176 = arith.constant 0 : i32
      %dma_start3A_177 = tpu.memref_slice %arg9[%add3A_39, %dma_start3A_176] : memref<10240x64xf32, #tpu.memory_space<vmem_shared>> -> memref<128x64xf32, #tpu.memory_space<vmem_shared>>
      tpu.enqueue_dma source(%arg7 : memref<128x64xf32, #tpu.memory_space<vmem>>) target(%dma_start3A_177 : memref<128x64xf32, #tpu.memory_space<vmem_shared>>) target_semaphore(%run_scoped3A : memref<!tpu.dma_semaphore, #tpu.memory_space<semaphore_mem>>)
      %dma_wait3A_178 = arith.constant 0 : i32
      %dma_wait3A_179 = tpu.memref_slice %arg9[%add3A_39, %dma_wait3A_178] : memref<10240x64xf32, #tpu.memory_space<vmem_shared>> -> memref<128x64xf32, #tpu.memory_space<vmem_shared>>
      %dma_wait3A_180 = arith.constant 0 : i32
      %dma_wait3A_181 = tpu.memref_slice %arg9[%add3A_39, %dma_wait3A_180] : memref<10240x64xf32, #tpu.memory_space<vmem_shared>> -> memref<128x64xf32, #tpu.memory_space<vmem_shared>>
      tpu.wait_dma2 semaphore(%run_scoped3A : memref<!tpu.dma_semaphore, #tpu.memory_space<semaphore_mem>>) src(%arg7 : memref<128x64xf32, #tpu.memory_space<vmem>>) dst(%dma_wait3A_181 : memref<128x64xf32, #tpu.memory_space<vmem_shared>>)
      tpu.yield
    }) : () -> ()
    %add3A_40 = arith.constant 128 : i32
    %add3A_41 = arith.addi %mul3A_37, %add3A_40 : i32
    "tpu.region"() ({
      %run_scoped3A = tpu.sem_alloc : memref<!tpu.dma_semaphore, #tpu.memory_space<semaphore_mem>>
      %dma_start3A_174 = arith.constant 0 : i32
      %dma_start3A_175 = tpu.memref_slice %arg9[%add3A_41, %dma_start3A_174] : memref<10240x64xf32, #tpu.memory_space<vmem_shared>> -> memref<128x64xf32, #tpu.memory_space<vmem_shared>>
      %dma_start3A_176 = arith.constant 0 : i32
      %dma_start3A_177 = tpu.memref_slice %arg9[%add3A_41, %dma_start3A_176] : memref<10240x64xf32, #tpu.memory_space<vmem_shared>> -> memref<128x64xf32, #tpu.memory_space<vmem_shared>>
      tpu.enqueue_dma source(%arg7 : memref<128x64xf32, #tpu.memory_space<vmem>>) target(%dma_start3A_177 : memref<128x64xf32, #tpu.memory_space<vmem_shared>>) target_semaphore(%run_scoped3A : memref<!tpu.dma_semaphore, #tpu.memory_space<semaphore_mem>>)
      %dma_wait3A_178 = arith.constant 0 : i32
      %dma_wait3A_179 = tpu.memref_slice %arg9[%add3A_41, %dma_wait3A_178] : memref<10240x64xf32, #tpu.memory_space<vmem_shared>> -> memref<128x64xf32, #tpu.memory_space<vmem_shared>>
      %dma_wait3A_180 = arith.constant 0 : i32
      %dma_wait3A_181 = tpu.memref_slice %arg9[%add3A_41, %dma_wait3A_180] : memref<10240x64xf32, #tpu.memory_space<vmem_shared>> -> memref<128x64xf32, #tpu.memory_space<vmem_shared>>
      tpu.wait_dma2 semaphore(%run_scoped3A : memref<!tpu.dma_semaphore, #tpu.memory_space<semaphore_mem>>) src(%arg7 : memref<128x64xf32, #tpu.memory_space<vmem>>) dst(%dma_wait3A_181 : memref<128x64xf32, #tpu.memory_space<vmem_shared>>)
      tpu.yield
    }) : () -> ()
    %add3A_42 = arith.constant 256 : i32
    %add3A_43 = arith.addi %mul3A_37, %add3A_42 : i32
    "tpu.region"() ({
      %run_scoped3A = tpu.sem_alloc : memref<!tpu.dma_semaphore, #tpu.memory_space<semaphore_mem>>
      %dma_start3A_174 = arith.constant 0 : i32
      %dma_start3A_175 = tpu.memref_slice %arg9[%add3A_43, %dma_start3A_174] : memref<10240x64xf32, #tpu.memory_space<vmem_shared>> -> memref<128x64xf32, #tpu.memory_space<vmem_shared>>
      %dma_start3A_176 = arith.constant 0 : i32
      %dma_start3A_177 = tpu.memref_slice %arg9[%add3A_43, %dma_start3A_176] : memref<10240x64xf32, #tpu.memory_space<vmem_shared>> -> memref<128x64xf32, #tpu.memory_space<vmem_shared>>
      tpu.enqueue_dma source(%arg7 : memref<128x64xf32, #tpu.memory_space<vmem>>) target(%dma_start3A_177 : memref<128x64xf32, #tpu.memory_space<vmem_shared>>) target_semaphore(%run_scoped3A : memref<!tpu.dma_semaphore, #tpu.memory_space<semaphore_mem>>)
      %dma_wait3A_178 = arith.constant 0 : i32
      %dma_wait3A_179 = tpu.memref_slice %arg9[%add3A_43, %dma_wait3A_178] : memref<10240x64xf32, #tpu.memory_space<vmem_shared>> -> memref<128x64xf32, #tpu.memory_space<vmem_shared>>
      %dma_wait3A_180 = arith.constant 0 : i32
      %dma_wait3A_181 = tpu.memref_slice %arg9[%add3A_43, %dma_wait3A_180] : memref<10240x64xf32, #tpu.memory_space<vmem_shared>> -> memref<128x64xf32, #tpu.memory_space<vmem_shared>>
      tpu.wait_dma2 semaphore(%run_scoped3A : memref<!tpu.dma_semaphore, #tpu.memory_space<semaphore_mem>>) src(%arg7 : memref<128x64xf32, #tpu.memory_space<vmem>>) dst(%dma_wait3A_181 : memref<128x64xf32, #tpu.memory_space<vmem_shared>>)
      tpu.yield
    }) : () -> ()
    %add3A_44 = arith.constant 384 : i32
    %add3A_45 = arith.addi %mul3A_37, %add3A_44 : i32
    "tpu.region"() ({
      %run_scoped3A = tpu.sem_alloc : memref<!tpu.dma_semaphore, #tpu.memory_space<semaphore_mem>>
      %dma_start3A_174 = arith.constant 0 : i32
      %dma_start3A_175 = tpu.memref_slice %arg9[%add3A_45, %dma_start3A_174] : memref<10240x64xf32, #tpu.memory_space<vmem_shared>> -> memref<128x64xf32, #tpu.memory_space<vmem_shared>>
      %dma_start3A_176 = arith.constant 0 : i32
      %dma_start3A_177 = tpu.memref_slice %arg9[%add3A_45, %dma_start3A_176] : memref<10240x64xf32, #tpu.memory_space<vmem_shared>> -> memref<128x64xf32, #tpu.memory_space<vmem_shared>>
      tpu.enqueue_dma source(%arg7 : memref<128x64xf32, #tpu.memory_space<vmem>>) target(%dma_start3A_177 : memref<128x64xf32, #tpu.memory_space<vmem_shared>>) target_semaphore(%run_scoped3A : memref<!tpu.dma_semaphore, #tpu.memory_space<semaphore_mem>>)
      %dma_wait3A_178 = arith.constant 0 : i32
      %dma_wait3A_179 = tpu.memref_slice %arg9[%add3A_45, %dma_wait3A_178] : memref<10240x64xf32, #tpu.memory_space<vmem_shared>> -> memref<128x64xf32, #tpu.memory_space<vmem_shared>>
      %dma_wait3A_180 = arith.constant 0 : i32
      %dma_wait3A_181 = tpu.memref_slice %arg9[%add3A_45, %dma_wait3A_180] : memref<10240x64xf32, #tpu.memory_space<vmem_shared>> -> memref<128x64xf32, #tpu.memory_space<vmem_shared>>
      tpu.wait_dma2 semaphore(%run_scoped3A : memref<!tpu.dma_semaphore, #tpu.memory_space<semaphore_mem>>) src(%arg7 : memref<128x64xf32, #tpu.memory_space<vmem>>) dst(%dma_wait3A_181 : memref<128x64xf32, #tpu.memory_space<vmem_shared>>)
      tpu.yield
    }) : () -> ()
    %add3A_46 = arith.constant 512 : i32
    %add3A_47 = arith.addi %mul3A_37, %add3A_46 : i32
    "tpu.region"() ({
      %run_scoped3A = tpu.sem_alloc : memref<!tpu.dma_semaphore, #tpu.memory_space<semaphore_mem>>
      %dma_start3A_174 = arith.constant 0 : i32
      %dma_start3A_175 = tpu.memref_slice %arg9[%add3A_47, %dma_start3A_174] : memref<10240x64xf32, #tpu.memory_space<vmem_shared>> -> memref<128x64xf32, #tpu.memory_space<vmem_shared>>
      %dma_start3A_176 = arith.constant 0 : i32
      %dma_start3A_177 = tpu.memref_slice %arg9[%add3A_47, %dma_start3A_176] : memref<10240x64xf32, #tpu.memory_space<vmem_shared>> -> memref<128x64xf32, #tpu.memory_space<vmem_shared>>
      tpu.enqueue_dma source(%arg7 : memref<128x64xf32, #tpu.memory_space<vmem>>) target(%dma_start3A_177 : memref<128x64xf32, #tpu.memory_space<vmem_shared>>) target_semaphore(%run_scoped3A : memref<!tpu.dma_semaphore, #tpu.memory_space<semaphore_mem>>)
      %dma_wait3A_178 = arith.constant 0 : i32
      %dma_wait3A_179 = tpu.memref_slice %arg9[%add3A_47, %dma_wait3A_178] : memref<10240x64xf32, #tpu.memory_space<vmem_shared>> -> memref<128x64xf32, #tpu.memory_space<vmem_shared>>
      %dma_wait3A_180 = arith.constant 0 : i32
      %dma_wait3A_181 = tpu.memref_slice %arg9[%add3A_47, %dma_wait3A_180] : memref<10240x64xf32, #tpu.memory_space<vmem_shared>> -> memref<128x64xf32, #tpu.memory_space<vmem_shared>>
      tpu.wait_dma2 semaphore(%run_scoped3A : memref<!tpu.dma_semaphore, #tpu.memory_space<semaphore_mem>>) src(%arg7 : memref<128x64xf32, #tpu.memory_space<vmem>>) dst(%dma_wait3A_181 : memref<128x64xf32, #tpu.memory_space<vmem_shared>>)
      tpu.yield
    }) : () -> ()
    %dma_wait3A = arith.constant 0 : i32
    %dma_wait3A_48 = arith.constant 0 : i32
    %dma_wait3A_49 = arith.constant 0 : i32
    %dma_wait3A_50 = tpu.memref_slice %arg3[%dma_wait3A, %dma_wait3A_48, %dma_wait3A_49] : memref<2x2500x128xi32, #tpu.memory_space<hbm>> -> memref<1x2500x128xi32, #tpu.memory_space<hbm>>
    %dma_wait3A_51 = tpu.memref_squeeze %dma_wait3A_50 : memref<1x2500x128xi32, #tpu.memory_space<hbm>> -> memref<2500x128xi32, #tpu.memory_space<hbm>>
    %dma_wait3A_52 = arith.constant 0 : i32
    %dma_wait3A_53 = tpu.memref_slice %dma_wait3A_51[%add3A_4, %dma_wait3A_52] : memref<2500x128xi32, #tpu.memory_space<hbm>> -> memref<40x128xi32, #tpu.memory_space<hbm>>
    %dma_wait3A_54 = arith.constant 0 : i32
    %dma_wait3A_55 = arith.constant 0 : i32
    %dma_wait3A_56 = tpu.memref_slice %arg3[%dma_wait3A, %dma_wait3A_54, %dma_wait3A_55] : memref<2x2500x128xi32, #tpu.memory_space<hbm>> -> memref<1x2500x128xi32, #tpu.memory_space<hbm>>
    %dma_wait3A_57 = tpu.memref_squeeze %dma_wait3A_56 : memref<1x2500x128xi32, #tpu.memory_space<hbm>> -> memref<2500x128xi32, #tpu.memory_space<hbm>>
    %dma_wait3A_58 = arith.constant 0 : i32
    %dma_wait3A_59 = tpu.memref_slice %dma_wait3A_57[%add3A_4, %dma_wait3A_58] : memref<2500x128xi32, #tpu.memory_space<hbm>> -> memref<40x128xi32, #tpu.memory_space<hbm>>
    tpu.wait_dma2 semaphore(%arg10 : memref<!tpu.dma_semaphore, #tpu.memory_space<semaphore_mem>>) src(%dma_wait3A_59 : memref<40x128xi32, #tpu.memory_space<hbm>>) dst(%arg5 : memref<40x128xi32, #tpu.memory_space<vmem>>)
    %dma_wait3A_60 = arith.constant 1 : i32
    %dma_wait3A_61 = arith.constant 0 : i32
    %dma_wait3A_62 = arith.constant 0 : i32
    %dma_wait3A_63 = tpu.memref_slice %arg3[%dma_wait3A_60, %dma_wait3A_61, %dma_wait3A_62] : memref<2x2500x128xi32, #tpu.memory_space<hbm>> -> memref<1x2500x128xi32, #tpu.memory_space<hbm>>
    %dma_wait3A_64 = tpu.memref_squeeze %dma_wait3A_63 : memref<1x2500x128xi32, #tpu.memory_space<hbm>> -> memref<2500x128xi32, #tpu.memory_space<hbm>>
    %dma_wait3A_65 = arith.constant 0 : i32
    %dma_wait3A_66 = tpu.memref_slice %dma_wait3A_64[%add3A_4, %dma_wait3A_65] : memref<2500x128xi32, #tpu.memory_space<hbm>> -> memref<40x128xi32, #tpu.memory_space<hbm>>
    %dma_wait3A_67 = arith.constant 0 : i32
    %dma_wait3A_68 = arith.constant 0 : i32
    %dma_wait3A_69 = tpu.memref_slice %arg3[%dma_wait3A_60, %dma_wait3A_67, %dma_wait3A_68] : memref<2x2500x128xi32, #tpu.memory_space<hbm>> -> memref<1x2500x128xi32, #tpu.memory_space<hbm>>
    %dma_wait3A_70 = tpu.memref_squeeze %dma_wait3A_69 : memref<1x2500x128xi32, #tpu.memory_space<hbm>> -> memref<2500x128xi32, #tpu.memory_space<hbm>>
    %dma_wait3A_71 = arith.constant 0 : i32
    %dma_wait3A_72 = tpu.memref_slice %dma_wait3A_70[%add3A_4, %dma_wait3A_71] : memref<2500x128xi32, #tpu.memory_space<hbm>> -> memref<40x128xi32, #tpu.memory_space<hbm>>
    tpu.wait_dma2 semaphore(%arg11 : memref<!tpu.dma_semaphore, #tpu.memory_space<semaphore_mem>>) src(%dma_wait3A_72 : memref<40x128xi32, #tpu.memory_space<hbm>>) dst(%arg6 : memref<40x128xi32, #tpu.memory_space<vmem>>)
    %barrier3A = arith.constant 0 : index
    tpu.barrier barrier_id(%barrier3A)
    %lt3A = arith.constant 4 : i32
    %lt3A_73 = arith.cmpi slt, %add3A, %lt3A : i32
    %convert_element_type3A = arith.extui %lt3A_73 : i1 to i32
    %cond3A = arith.constant 0 : i32
    %cond3A_74 = arith.constant 1 : i32
    %cond3A_75 = arith.constant 0 : i32
    %cond3A_76 = arith.cmpi ne, %convert_element_type3A, %cond3A_75 : i32
    scf.if %cond3A_76 {
      %dma_start3A_174 = arith.constant 0 : i32
      %dma_start3A_175 = arith.constant 0 : i32
      %dma_start3A_176 = tpu.memref_slice %arg5[%dma_start3A_174, %dma_start3A_175] : memref<40x128xi32, #tpu.memory_space<vmem>> -> memref<1x128xi32, #tpu.memory_space<vmem>>
      %dma_start3A_177 = tpu.memref_squeeze %dma_start3A_176 : memref<1x128xi32, #tpu.memory_space<vmem>> -> memref<128xi32, #tpu.memory_space<vmem>>
      %dma_start3A_178 = arith.constant 0 : i32
      %dma_start3A_179 = arith.constant 0 : i32
      %dma_start3A_180 = tpu.memref_slice %arg2[%dma_start3A_178, %dma_start3A_179] : memref<10000x64xf32, #tpu.memory_space<hbm>> -> memref<10000x64xf32, #tpu.memory_space<hbm>>
      tpu.enqueue_indirect_dma source(%dma_start3A_180 : memref<10000x64xf32, #tpu.memory_space<hbm>>) target(%arg7 : memref<128x64xf32, #tpu.memory_space<vmem>>) offsets(%dma_start3A_177 : memref<128xi32, #tpu.memory_space<vmem>>) semaphore(%arg10 : memref<!tpu.dma_semaphore, #tpu.memory_space<semaphore_mem>>)
      %scan3A_181 = arith.constant 0 : i32
      %scan3A_182 = arith.constant 0 : i32
      %scan3A_183 = arith.constant 20 : i32
      %scan3A_184 = arith.addi %scan3A_182, %scan3A_183 : i32
      %scan3A_185 = arith.constant 1 : i32
      scf.for %scan3A_211 = %scan3A_182 to %scan3A_184 step %scan3A_185  : i32 {
        %mul3A_212 = arith.constant 2 : i32
        %mul3A_213 = arith.muli %mul3A_212, %scan3A_211 : i32
        %add3A_214 = arith.constant 1 : i32
        %add3A_215 = arith.addi %mul3A_213, %add3A_214 : i32
        %dma_start3A_216 = arith.constant 0 : i32
        %dma_start3A_217 = tpu.memref_slice %arg5[%add3A_215, %dma_start3A_216] : memref<40x128xi32, #tpu.memory_space<vmem>> -> memref<1x128xi32, #tpu.memory_space<vmem>>
        %dma_start3A_218 = tpu.memref_squeeze %dma_start3A_217 : memref<1x128xi32, #tpu.memory_space<vmem>> -> memref<128xi32, #tpu.memory_space<vmem>>
        %dma_start3A_219 = arith.constant 0 : i32
        %dma_start3A_220 = arith.constant 0 : i32
        %dma_start3A_221 = tpu.memref_slice %arg2[%dma_start3A_219, %dma_start3A_220] : memref<10000x64xf32, #tpu.memory_space<hbm>> -> memref<10000x64xf32, #tpu.memory_space<hbm>>
        tpu.enqueue_indirect_dma source(%dma_start3A_221 : memref<10000x64xf32, #tpu.memory_space<hbm>>) target(%arg8 : memref<128x64xf32, #tpu.memory_space<vmem>>) offsets(%dma_start3A_218 : memref<128xi32, #tpu.memory_space<vmem>>) semaphore(%arg11 : memref<!tpu.dma_semaphore, #tpu.memory_space<semaphore_mem>>)
        %dma_wait3A_222 = arith.constant 0 : i32
        %dma_wait3A_223 = tpu.memref_slice %arg5[%mul3A_213, %dma_wait3A_222] : memref<40x128xi32, #tpu.memory_space<vmem>> -> memref<1x128xi32, #tpu.memory_space<vmem>>
        %dma_wait3A_224 = tpu.memref_squeeze %dma_wait3A_223 : memref<1x128xi32, #tpu.memory_space<vmem>> -> memref<128xi32, #tpu.memory_space<vmem>>
        %dma_wait3A_225 = arith.constant 0 : i32
        %dma_wait3A_226 = arith.constant 0 : i32
        %dma_wait3A_227 = tpu.memref_slice %arg2[%dma_wait3A_225, %dma_wait3A_226] : memref<10000x64xf32, #tpu.memory_space<hbm>> -> memref<10000x64xf32, #tpu.memory_space<hbm>>
        tpu.wait_indirect_dma semaphore(%arg10 : memref<!tpu.dma_semaphore, #tpu.memory_space<semaphore_mem>>) src(%dma_wait3A_227 : memref<10000x64xf32, #tpu.memory_space<hbm>>) dst(%arg7 : memref<128x64xf32, #tpu.memory_space<vmem>>)
        "tpu.region"() ({
          %run_scoped3A_245 = tpu.sem_alloc : memref<!tpu.dma_semaphore, #tpu.memory_space<semaphore_mem>>
          %dma_start3A_246 = arith.constant 0 : i32
          %dma_start3A_247 = tpu.memref_slice %arg6[%mul3A_213, %dma_start3A_246] : memref<40x128xi32, #tpu.memory_space<vmem>> -> memref<1x128xi32, #tpu.memory_space<vmem>>
          %dma_start3A_248 = tpu.memref_squeeze %dma_start3A_247 : memref<1x128xi32, #tpu.memory_space<vmem>> -> memref<128xi32, #tpu.memory_space<vmem>>
          %dma_start3A_249 = arith.constant 0 : i32
          %dma_start3A_250 = arith.constant 0 : i32
          %dma_start3A_251 = tpu.memref_slice %arg9[%dma_start3A_249, %dma_start3A_250] : memref<10240x64xf32, #tpu.memory_space<vmem_shared>> -> memref<10240x64xf32, #tpu.memory_space<vmem_shared>>
          tpu.enqueue_indirect_dma source(%arg7 : memref<128x64xf32, #tpu.memory_space<vmem>>) target(%dma_start3A_251 : memref<10240x64xf32, #tpu.memory_space<vmem_shared>>) offsets(%dma_start3A_248 : memref<128xi32, #tpu.memory_space<vmem>>) semaphore(%run_scoped3A_245 : memref<!tpu.dma_semaphore, #tpu.memory_space<semaphore_mem>>) {add = true}
          %dma_wait3A_252 = arith.constant 0 : i32
          %dma_wait3A_253 = tpu.memref_slice %arg6[%mul3A_213, %dma_wait3A_252] : memref<40x128xi32, #tpu.memory_space<vmem>> -> memref<1x128xi32, #tpu.memory_space<vmem>>
          %dma_wait3A_254 = tpu.memref_squeeze %dma_wait3A_253 : memref<1x128xi32, #tpu.memory_space<vmem>> -> memref<128xi32, #tpu.memory_space<vmem>>
          %dma_wait3A_255 = arith.constant 0 : i32
          %dma_wait3A_256 = arith.constant 0 : i32
          %dma_wait3A_257 = tpu.memref_slice %arg9[%dma_wait3A_255, %dma_wait3A_256] : memref<10240x64xf32, #tpu.memory_space<vmem_shared>> -> memref<10240x64xf32, #tpu.memory_space<vmem_shared>>
          tpu.wait_indirect_dma semaphore(%run_scoped3A_245 : memref<!tpu.dma_semaphore, #tpu.memory_space<semaphore_mem>>) src(%arg7 : memref<128x64xf32, #tpu.memory_space<vmem>>) dst(%dma_wait3A_257 : memref<10240x64xf32, #tpu.memory_space<vmem_shared>>)
          tpu.yield
        }) : () -> ()
        %add3A_228 = arith.constant 2 : i32
        %add3A_229 = arith.addi %mul3A_213, %add3A_228 : i32
        %lt3A_230 = arith.constant 40 : i32
        %lt3A_231 = arith.cmpi slt, %add3A_229, %lt3A_230 : i32
        %convert_element_type3A_232 = arith.extui %lt3A_231 : i1 to i32
        %cond3A_233 = arith.constant 0 : i32
        %cond3A_234 = arith.cmpi ne, %convert_element_type3A_232, %cond3A_233 : i32
        scf.if %cond3A_234 {
          %add3A_245 = arith.constant 2 : i32
          %add3A_246 = arith.addi %mul3A_213, %add3A_245 : i32
          %dma_start3A_247 = arith.constant 0 : i32
          %dma_start3A_248 = tpu.memref_slice %arg5[%add3A_246, %dma_start3A_247] : memref<40x128xi32, #tpu.memory_space<vmem>> -> memref<1x128xi32, #tpu.memory_space<vmem>>
          %dma_start3A_249 = tpu.memref_squeeze %dma_start3A_248 : memref<1x128xi32, #tpu.memory_space<vmem>> -> memref<128xi32, #tpu.memory_space<vmem>>
          %dma_start3A_250 = arith.constant 0 : i32
          %dma_start3A_251 = arith.constant 0 : i32
          %dma_start3A_252 = tpu.memref_slice %arg2[%dma_start3A_250, %dma_start3A_251] : memref<10000x64xf32, #tpu.memory_space<hbm>> -> memref<10000x64xf32, #tpu.memory_space<hbm>>
          tpu.enqueue_indirect_dma source(%dma_start3A_252 : memref<10000x64xf32, #tpu.memory_space<hbm>>) target(%arg7 : memref<128x64xf32, #tpu.memory_space<vmem>>) offsets(%dma_start3A_249 : memref<128xi32, #tpu.memory_space<vmem>>) semaphore(%arg10 : memref<!tpu.dma_semaphore, #tpu.memory_space<semaphore_mem>>)
        } else {
        }
        %add3A_235 = arith.constant 1 : i32
        %add3A_236 = arith.addi %mul3A_213, %add3A_235 : i32
        %dma_wait3A_237 = arith.constant 0 : i32
        %dma_wait3A_238 = tpu.memref_slice %arg5[%add3A_236, %dma_wait3A_237] : memref<40x128xi32, #tpu.memory_space<vmem>> -> memref<1x128xi32, #tpu.memory_space<vmem>>
        %dma_wait3A_239 = tpu.memref_squeeze %dma_wait3A_238 : memref<1x128xi32, #tpu.memory_space<vmem>> -> memref<128xi32, #tpu.memory_space<vmem>>
        %dma_wait3A_240 = arith.constant 0 : i32
        %dma_wait3A_241 = arith.constant 0 : i32
        %dma_wait3A_242 = tpu.memref_slice %arg2[%dma_wait3A_240, %dma_wait3A_241] : memref<10000x64xf32, #tpu.memory_space<hbm>> -> memref<10000x64xf32, #tpu.memory_space<hbm>>
        tpu.wait_indirect_dma semaphore(%arg11 : memref<!tpu.dma_semaphore, #tpu.memory_space<semaphore_mem>>) src(%dma_wait3A_242 : memref<10000x64xf32, #tpu.memory_space<hbm>>) dst(%arg8 : memref<128x64xf32, #tpu.memory_space<vmem>>)
        %add3A_243 = arith.constant 1 : i32
        %add3A_244 = arith.addi %mul3A_213, %add3A_243 : i32
        "tpu.region"() ({
          %run_scoped3A_245 = tpu.sem_alloc : memref<!tpu.dma_semaphore, #tpu.memory_space<semaphore_mem>>
          %dma_start3A_246 = arith.constant 0 : i32
          %dma_start3A_247 = tpu.memref_slice %arg6[%add3A_244, %dma_start3A_246] : memref<40x128xi32, #tpu.memory_space<vmem>> -> memref<1x128xi32, #tpu.memory_space<vmem>>
          %dma_start3A_248 = tpu.memref_squeeze %dma_start3A_247 : memref<1x128xi32, #tpu.memory_space<vmem>> -> memref<128xi32, #tpu.memory_space<vmem>>
          %dma_start3A_249 = arith.constant 0 : i32
          %dma_start3A_250 = arith.constant 0 : i32
          %dma_start3A_251 = tpu.memref_slice %arg9[%dma_start3A_249, %dma_start3A_250] : memref<10240x64xf32, #tpu.memory_space<vmem_shared>> -> memref<10240x64xf32, #tpu.memory_space<vmem_shared>>
          tpu.enqueue_indirect_dma source(%arg8 : memref<128x64xf32, #tpu.memory_space<vmem>>) target(%dma_start3A_251 : memref<10240x64xf32, #tpu.memory_space<vmem_shared>>) offsets(%dma_start3A_248 : memref<128xi32, #tpu.memory_space<vmem>>) semaphore(%run_scoped3A_245 : memref<!tpu.dma_semaphore, #tpu.memory_space<semaphore_mem>>) {add = true}
          %dma_wait3A_252 = arith.constant 0 : i32
          %dma_wait3A_253 = tpu.memref_slice %arg6[%add3A_244, %dma_wait3A_252] : memref<40x128xi32, #tpu.memory_space<vmem>> -> memref<1x128xi32, #tpu.memory_space<vmem>>
          %dma_wait3A_254 = tpu.memref_squeeze %dma_wait3A_253 : memref<1x128xi32, #tpu.memory_space<vmem>> -> memref<128xi32, #tpu.memory_space<vmem>>
          %dma_wait3A_255 = arith.constant 0 : i32
          %dma_wait3A_256 = arith.constant 0 : i32
          %dma_wait3A_257 = tpu.memref_slice %arg9[%dma_wait3A_255, %dma_wait3A_256] : memref<10240x64xf32, #tpu.memory_space<vmem_shared>> -> memref<10240x64xf32, #tpu.memory_space<vmem_shared>>
          tpu.wait_indirect_dma semaphore(%run_scoped3A_245 : memref<!tpu.dma_semaphore, #tpu.memory_space<semaphore_mem>>) src(%arg8 : memref<128x64xf32, #tpu.memory_space<vmem>>) dst(%dma_wait3A_257 : memref<10240x64xf32, #tpu.memory_space<vmem_shared>>)
          tpu.yield
        }) : () -> ()
      }
      %scan3A_186 = arith.constant 20 : i32
      %add3A_187 = arith.constant 40 : i32
      %add3A_188 = arith.addi %add3A_4, %add3A_187 : i32
      "tpu.region"() ({
        %run_scoped3A_211 = tpu.sem_alloc : memref<!tpu.dma_semaphore, #tpu.memory_space<semaphore_mem>>
        %dma_start3A_212 = arith.constant 0 : i32
        %dma_start3A_213 = arith.constant 0 : i32
        %dma_start3A_214 = tpu.memref_slice %arg5[%dma_start3A_212, %dma_start3A_213] : memref<40x128xi32, #tpu.memory_space<vmem>> -> memref<39x128xi32, #tpu.memory_space<vmem>>
        %dma_start3A_215 = arith.constant 0 : i32
        %dma_start3A_216 = arith.constant 0 : i32
        %dma_start3A_217 = tpu.memref_slice %arg3[%cond3A, %dma_start3A_215, %dma_start3A_216] : memref<2x2500x128xi32, #tpu.memory_space<hbm>> -> memref<1x2500x128xi32, #tpu.memory_space<hbm>>
        %dma_start3A_218 = tpu.memref_squeeze %dma_start3A_217 : memref<1x2500x128xi32, #tpu.memory_space<hbm>> -> memref<2500x128xi32, #tpu.memory_space<hbm>>
        %dma_start3A_219 = arith.constant 0 : i32
        %dma_start3A_220 = tpu.memref_slice %dma_start3A_218[%add3A_188, %dma_start3A_219] : memref<2500x128xi32, #tpu.memory_space<hbm>> -> memref<39x128xi32, #tpu.memory_space<hbm>>
        %dma_start3A_221 = arith.constant 0 : i32
        %dma_start3A_222 = arith.constant 0 : i32
        %dma_start3A_223 = tpu.memref_slice %arg5[%dma_start3A_221, %dma_start3A_222] : memref<40x128xi32, #tpu.memory_space<vmem>> -> memref<39x128xi32, #tpu.memory_space<vmem>>
        %dma_start3A_224 = arith.constant 0 : i32
        %dma_start3A_225 = arith.constant 0 : i32
        %dma_start3A_226 = tpu.memref_slice %arg3[%cond3A, %dma_start3A_224, %dma_start3A_225] : memref<2x2500x128xi32, #tpu.memory_space<hbm>> -> memref<1x2500x128xi32, #tpu.memory_space<hbm>>
        %dma_start3A_227 = tpu.memref_squeeze %dma_start3A_226 : memref<1x2500x128xi32, #tpu.memory_space<hbm>> -> memref<2500x128xi32, #tpu.memory_space<hbm>>
        %dma_start3A_228 = arith.constant 0 : i32
        %dma_start3A_229 = tpu.memref_slice %dma_start3A_227[%add3A_188, %dma_start3A_228] : memref<2500x128xi32, #tpu.memory_space<hbm>> -> memref<39x128xi32, #tpu.memory_space<hbm>>
        tpu.enqueue_dma source(%dma_start3A_229 : memref<39x128xi32, #tpu.memory_space<hbm>>) target(%dma_start3A_223 : memref<39x128xi32, #tpu.memory_space<vmem>>) target_semaphore(%run_scoped3A_211 : memref<!tpu.dma_semaphore, #tpu.memory_space<semaphore_mem>>)
        %dma_wait3A_230 = arith.constant 0 : i32
        %dma_wait3A_231 = arith.constant 0 : i32
        %dma_wait3A_232 = tpu.memref_slice %arg5[%dma_wait3A_230, %dma_wait3A_231] : memref<40x128xi32, #tpu.memory_space<vmem>> -> memref<39x128xi32, #tpu.memory_space<vmem>>
        %dma_wait3A_233 = arith.constant 0 : i32
        %dma_wait3A_234 = arith.constant 0 : i32
        %dma_wait3A_235 = tpu.memref_slice %arg3[%cond3A, %dma_wait3A_233, %dma_wait3A_234] : memref<2x2500x128xi32, #tpu.memory_space<hbm>> -> memref<1x2500x128xi32, #tpu.memory_space<hbm>>
        %dma_wait3A_236 = tpu.memref_squeeze %dma_wait3A_235 : memref<1x2500x128xi32, #tpu.memory_space<hbm>> -> memref<2500x128xi32, #tpu.memory_space<hbm>>
        %dma_wait3A_237 = arith.constant 0 : i32
        %dma_wait3A_238 = tpu.memref_slice %dma_wait3A_236[%add3A_188, %dma_wait3A_237] : memref<2500x128xi32, #tpu.memory_space<hbm>> -> memref<39x128xi32, #tpu.memory_space<hbm>>
        %dma_wait3A_239 = arith.constant 0 : i32
        %dma_wait3A_240 = arith.constant 0 : i32
        %dma_wait3A_241 = tpu.memref_slice %arg5[%dma_wait3A_239, %dma_wait3A_240] : memref<40x128xi32, #tpu.memory_space<vmem>> -> memref<39x128xi32, #tpu.memory_space<vmem>>
        %dma_wait3A_242 = arith.constant 0 : i32
        %dma_wait3A_243 = arith.constant 0 : i32
        %dma_wait3A_244 = tpu.memref_slice %arg3[%cond3A, %dma_wait3A_242, %dma_wait3A_243] : memref<2x2500x128xi32, #tpu.memory_space<hbm>> -> memref<1x2500x128xi32, #tpu.memory_space<hbm>>
        %dma_wait3A_245 = tpu.memref_squeeze %dma_wait3A_244 : memref<1x2500x128xi32, #tpu.memory_space<hbm>> -> memref<2500x128xi32, #tpu.memory_space<hbm>>
        %dma_wait3A_246 = arith.constant 0 : i32
        %dma_wait3A_247 = tpu.memref_slice %dma_wait3A_245[%add3A_188, %dma_wait3A_246] : memref<2500x128xi32, #tpu.memory_space<hbm>> -> memref<39x128xi32, #tpu.memory_space<hbm>>
        tpu.wait_dma2 semaphore(%run_scoped3A_211 : memref<!tpu.dma_semaphore, #tpu.memory_space<semaphore_mem>>) src(%dma_wait3A_247 : memref<39x128xi32, #tpu.memory_space<hbm>>) dst(%dma_wait3A_241 : memref<39x128xi32, #tpu.memory_space<vmem>>)
        tpu.yield
      }) : () -> ()
      %add3A_189 = arith.constant 40 : i32
      %add3A_190 = arith.addi %add3A_4, %add3A_189 : i32
      "tpu.region"() ({
        %run_scoped3A_211 = tpu.sem_alloc : memref<!tpu.dma_semaphore, #tpu.memory_space<semaphore_mem>>
        %dma_start3A_212 = arith.constant 0 : i32
        %dma_start3A_213 = arith.constant 0 : i32
        %dma_start3A_214 = tpu.memref_slice %arg6[%dma_start3A_212, %dma_start3A_213] : memref<40x128xi32, #tpu.memory_space<vmem>> -> memref<39x128xi32, #tpu.memory_space<vmem>>
        %dma_start3A_215 = arith.constant 0 : i32
        %dma_start3A_216 = arith.constant 0 : i32
        %dma_start3A_217 = tpu.memref_slice %arg3[%cond3A_74, %dma_start3A_215, %dma_start3A_216] : memref<2x2500x128xi32, #tpu.memory_space<hbm>> -> memref<1x2500x128xi32, #tpu.memory_space<hbm>>
        %dma_start3A_218 = tpu.memref_squeeze %dma_start3A_217 : memref<1x2500x128xi32, #tpu.memory_space<hbm>> -> memref<2500x128xi32, #tpu.memory_space<hbm>>
        %dma_start3A_219 = arith.constant 0 : i32
        %dma_start3A_220 = tpu.memref_slice %dma_start3A_218[%add3A_190, %dma_start3A_219] : memref<2500x128xi32, #tpu.memory_space<hbm>> -> memref<39x128xi32, #tpu.memory_space<hbm>>
        %dma_start3A_221 = arith.constant 0 : i32
        %dma_start3A_222 = arith.constant 0 : i32
        %dma_start3A_223 = tpu.memref_slice %arg6[%dma_start3A_221, %dma_start3A_222] : memref<40x128xi32, #tpu.memory_space<vmem>> -> memref<39x128xi32, #tpu.memory_space<vmem>>
        %dma_start3A_224 = arith.constant 0 : i32
        %dma_start3A_225 = arith.constant 0 : i32
        %dma_start3A_226 = tpu.memref_slice %arg3[%cond3A_74, %dma_start3A_224, %dma_start3A_225] : memref<2x2500x128xi32, #tpu.memory_space<hbm>> -> memref<1x2500x128xi32, #tpu.memory_space<hbm>>
        %dma_start3A_227 = tpu.memref_squeeze %dma_start3A_226 : memref<1x2500x128xi32, #tpu.memory_space<hbm>> -> memref<2500x128xi32, #tpu.memory_space<hbm>>
        %dma_start3A_228 = arith.constant 0 : i32
        %dma_start3A_229 = tpu.memref_slice %dma_start3A_227[%add3A_190, %dma_start3A_228] : memref<2500x128xi32, #tpu.memory_space<hbm>> -> memref<39x128xi32, #tpu.memory_space<hbm>>
        tpu.enqueue_dma source(%dma_start3A_229 : memref<39x128xi32, #tpu.memory_space<hbm>>) target(%dma_start3A_223 : memref<39x128xi32, #tpu.memory_space<vmem>>) target_semaphore(%run_scoped3A_211 : memref<!tpu.dma_semaphore, #tpu.memory_space<semaphore_mem>>)
        %dma_wait3A_230 = arith.constant 0 : i32
        %dma_wait3A_231 = arith.constant 0 : i32
        %dma_wait3A_232 = tpu.memref_slice %arg6[%dma_wait3A_230, %dma_wait3A_231] : memref<40x128xi32, #tpu.memory_space<vmem>> -> memref<39x128xi32, #tpu.memory_space<vmem>>
        %dma_wait3A_233 = arith.constant 0 : i32
        %dma_wait3A_234 = arith.constant 0 : i32
        %dma_wait3A_235 = tpu.memref_slice %arg3[%cond3A_74, %dma_wait3A_233, %dma_wait3A_234] : memref<2x2500x128xi32, #tpu.memory_space<hbm>> -> memref<1x2500x128xi32, #tpu.memory_space<hbm>>
        %dma_wait3A_236 = tpu.memref_squeeze %dma_wait3A_235 : memref<1x2500x128xi32, #tpu.memory_space<hbm>> -> memref<2500x128xi32, #tpu.memory_space<hbm>>
        %dma_wait3A_237 = arith.constant 0 : i32
        %dma_wait3A_238 = tpu.memref_slice %dma_wait3A_236[%add3A_190, %dma_wait3A_237] : memref<2500x128xi32, #tpu.memory_space<hbm>> -> memref<39x128xi32, #tpu.memory_space<hbm>>
        %dma_wait3A_239 = arith.constant 0 : i32
        %dma_wait3A_240 = arith.constant 0 : i32
        %dma_wait3A_241 = tpu.memref_slice %arg6[%dma_wait3A_239, %dma_wait3A_240] : memref<40x128xi32, #tpu.memory_space<vmem>> -> memref<39x128xi32, #tpu.memory_space<vmem>>
        %dma_wait3A_242 = arith.constant 0 : i32
        %dma_wait3A_243 = arith.constant 0 : i32
        %dma_wait3A_244 = tpu.memref_slice %arg3[%cond3A_74, %dma_wait3A_242, %dma_wait3A_243] : memref<2x2500x128xi32, #tpu.memory_space<hbm>> -> memref<1x2500x128xi32, #tpu.memory_space<hbm>>
        %dma_wait3A_245 = tpu.memref_squeeze %dma_wait3A_244 : memref<1x2500x128xi32, #tpu.memory_space<hbm>> -> memref<2500x128xi32, #tpu.memory_space<hbm>>
        %dma_wait3A_246 = arith.constant 0 : i32
        %dma_wait3A_247 = tpu.memref_slice %dma_wait3A_245[%add3A_190, %dma_wait3A_246] : memref<2500x128xi32, #tpu.memory_space<hbm>> -> memref<39x128xi32, #tpu.memory_space<hbm>>
        tpu.wait_dma2 semaphore(%run_scoped3A_211 : memref<!tpu.dma_semaphore, #tpu.memory_space<semaphore_mem>>) src(%dma_wait3A_247 : memref<39x128xi32, #tpu.memory_space<hbm>>) dst(%dma_wait3A_241 : memref<39x128xi32, #tpu.memory_space<vmem>>)
        tpu.yield
      }) : () -> ()
      %dma_start3A_191 = arith.constant 0 : i32
      %dma_start3A_192 = arith.constant 0 : i32
      %dma_start3A_193 = tpu.memref_slice %arg5[%dma_start3A_191, %dma_start3A_192] : memref<40x128xi32, #tpu.memory_space<vmem>> -> memref<1x128xi32, #tpu.memory_space<vmem>>
      %dma_start3A_194 = tpu.memref_squeeze %dma_start3A_193 : memref<1x128xi32, #tpu.memory_space<vmem>> -> memref<128xi32, #tpu.memory_space<vmem>>
      %dma_start3A_195 = arith.constant 0 : i32
      %dma_start3A_196 = arith.constant 0 : i32
      %dma_start3A_197 = tpu.memref_slice %arg2[%dma_start3A_195, %dma_start3A_196] : memref<10000x64xf32, #tpu.memory_space<hbm>> -> memref<10000x64xf32, #tpu.memory_space<hbm>>
      tpu.enqueue_indirect_dma source(%dma_start3A_197 : memref<10000x64xf32, #tpu.memory_space<hbm>>) target(%arg7 : memref<128x64xf32, #tpu.memory_space<vmem>>) offsets(%dma_start3A_194 : memref<128xi32, #tpu.memory_space<vmem>>) semaphore(%arg10 : memref<!tpu.dma_semaphore, #tpu.memory_space<semaphore_mem>>)
      %scan3A_198 = arith.constant 0 : i32
      %scan3A_199 = arith.constant 0 : i32
      %scan3A_200 = arith.constant 19 : i32
      %scan3A_201 = arith.addi %scan3A_199, %scan3A_200 : i32
      %scan3A_202 = arith.constant 1 : i32
      scf.for %scan3A_211 = %scan3A_199 to %scan3A_201 step %scan3A_202  : i32 {
        %mul3A_212 = arith.constant 2 : i32
        %mul3A_213 = arith.muli %mul3A_212, %scan3A_211 : i32
        %add3A_214 = arith.constant 1 : i32
        %add3A_215 = arith.addi %mul3A_213, %add3A_214 : i32
        %dma_start3A_216 = arith.constant 0 : i32
        %dma_start3A_217 = tpu.memref_slice %arg5[%add3A_215, %dma_start3A_216] : memref<40x128xi32, #tpu.memory_space<vmem>> -> memref<1x128xi32, #tpu.memory_space<vmem>>
        %dma_start3A_218 = tpu.memref_squeeze %dma_start3A_217 : memref<1x128xi32, #tpu.memory_space<vmem>> -> memref<128xi32, #tpu.memory_space<vmem>>
        %dma_start3A_219 = arith.constant 0 : i32
        %dma_start3A_220 = arith.constant 0 : i32
        %dma_start3A_221 = tpu.memref_slice %arg2[%dma_start3A_219, %dma_start3A_220] : memref<10000x64xf32, #tpu.memory_space<hbm>> -> memref<10000x64xf32, #tpu.memory_space<hbm>>
        tpu.enqueue_indirect_dma source(%dma_start3A_221 : memref<10000x64xf32, #tpu.memory_space<hbm>>) target(%arg8 : memref<128x64xf32, #tpu.memory_space<vmem>>) offsets(%dma_start3A_218 : memref<128xi32, #tpu.memory_space<vmem>>) semaphore(%arg11 : memref<!tpu.dma_semaphore, #tpu.memory_space<semaphore_mem>>)
        %dma_wait3A_222 = arith.constant 0 : i32
        %dma_wait3A_223 = tpu.memref_slice %arg5[%mul3A_213, %dma_wait3A_222] : memref<40x128xi32, #tpu.memory_space<vmem>> -> memref<1x128xi32, #tpu.memory_space<vmem>>
        %dma_wait3A_224 = tpu.memref_squeeze %dma_wait3A_223 : memref<1x128xi32, #tpu.memory_space<vmem>> -> memref<128xi32, #tpu.memory_space<vmem>>
        %dma_wait3A_225 = arith.constant 0 : i32
        %dma_wait3A_226 = arith.constant 0 : i32
        %dma_wait3A_227 = tpu.memref_slice %arg2[%dma_wait3A_225, %dma_wait3A_226] : memref<10000x64xf32, #tpu.memory_space<hbm>> -> memref<10000x64xf32, #tpu.memory_space<hbm>>
        tpu.wait_indirect_dma semaphore(%arg10 : memref<!tpu.dma_semaphore, #tpu.memory_space<semaphore_mem>>) src(%dma_wait3A_227 : memref<10000x64xf32, #tpu.memory_space<hbm>>) dst(%arg7 : memref<128x64xf32, #tpu.memory_space<vmem>>)
        "tpu.region"() ({
          %run_scoped3A_245 = tpu.sem_alloc : memref<!tpu.dma_semaphore, #tpu.memory_space<semaphore_mem>>
          %dma_start3A_246 = arith.constant 0 : i32
          %dma_start3A_247 = tpu.memref_slice %arg6[%mul3A_213, %dma_start3A_246] : memref<40x128xi32, #tpu.memory_space<vmem>> -> memref<1x128xi32, #tpu.memory_space<vmem>>
          %dma_start3A_248 = tpu.memref_squeeze %dma_start3A_247 : memref<1x128xi32, #tpu.memory_space<vmem>> -> memref<128xi32, #tpu.memory_space<vmem>>
          %dma_start3A_249 = arith.constant 0 : i32
          %dma_start3A_250 = arith.constant 0 : i32
          %dma_start3A_251 = tpu.memref_slice %arg9[%dma_start3A_249, %dma_start3A_250] : memref<10240x64xf32, #tpu.memory_space<vmem_shared>> -> memref<10240x64xf32, #tpu.memory_space<vmem_shared>>
          tpu.enqueue_indirect_dma source(%arg7 : memref<128x64xf32, #tpu.memory_space<vmem>>) target(%dma_start3A_251 : memref<10240x64xf32, #tpu.memory_space<vmem_shared>>) offsets(%dma_start3A_248 : memref<128xi32, #tpu.memory_space<vmem>>) semaphore(%run_scoped3A_245 : memref<!tpu.dma_semaphore, #tpu.memory_space<semaphore_mem>>) {add = true}
          %dma_wait3A_252 = arith.constant 0 : i32
          %dma_wait3A_253 = tpu.memref_slice %arg6[%mul3A_213, %dma_wait3A_252] : memref<40x128xi32, #tpu.memory_space<vmem>> -> memref<1x128xi32, #tpu.memory_space<vmem>>
          %dma_wait3A_254 = tpu.memref_squeeze %dma_wait3A_253 : memref<1x128xi32, #tpu.memory_space<vmem>> -> memref<128xi32, #tpu.memory_space<vmem>>
          %dma_wait3A_255 = arith.constant 0 : i32
          %dma_wait3A_256 = arith.constant 0 : i32
          %dma_wait3A_257 = tpu.memref_slice %arg9[%dma_wait3A_255, %dma_wait3A_256] : memref<10240x64xf32, #tpu.memory_space<vmem_shared>> -> memref<10240x64xf32, #tpu.memory_space<vmem_shared>>
          tpu.wait_indirect_dma semaphore(%run_scoped3A_245 : memref<!tpu.dma_semaphore, #tpu.memory_space<semaphore_mem>>) src(%arg7 : memref<128x64xf32, #tpu.memory_space<vmem>>) dst(%dma_wait3A_257 : memref<10240x64xf32, #tpu.memory_space<vmem_shared>>)
          tpu.yield
        }) : () -> ()
        %add3A_228 = arith.constant 2 : i32
        %add3A_229 = arith.addi %mul3A_213, %add3A_228 : i32
        %lt3A_230 = arith.constant 39 : i32
        %lt3A_231 = arith.cmpi slt, %add3A_229, %lt3A_230 : i32
        %convert_element_type3A_232 = arith.extui %lt3A_231 : i1 to i32
        %cond3A_233 = arith.constant 0 : i32
        %cond3A_234 = arith.cmpi ne, %convert_element_type3A_232, %cond3A_233 : i32
        scf.if %cond3A_234 {
          %add3A_245 = arith.constant 2 : i32
          %add3A_246 = arith.addi %mul3A_213, %add3A_245 : i32
          %dma_start3A_247 = arith.constant 0 : i32
          %dma_start3A_248 = tpu.memref_slice %arg5[%add3A_246, %dma_start3A_247] : memref<40x128xi32, #tpu.memory_space<vmem>> -> memref<1x128xi32, #tpu.memory_space<vmem>>
          %dma_start3A_249 = tpu.memref_squeeze %dma_start3A_248 : memref<1x128xi32, #tpu.memory_space<vmem>> -> memref<128xi32, #tpu.memory_space<vmem>>
          %dma_start3A_250 = arith.constant 0 : i32
          %dma_start3A_251 = arith.constant 0 : i32
          %dma_start3A_252 = tpu.memref_slice %arg2[%dma_start3A_250, %dma_start3A_251] : memref<10000x64xf32, #tpu.memory_space<hbm>> -> memref<10000x64xf32, #tpu.memory_space<hbm>>
          tpu.enqueue_indirect_dma source(%dma_start3A_252 : memref<10000x64xf32, #tpu.memory_space<hbm>>) target(%arg7 : memref<128x64xf32, #tpu.memory_space<vmem>>) offsets(%dma_start3A_249 : memref<128xi32, #tpu.memory_space<vmem>>) semaphore(%arg10 : memref<!tpu.dma_semaphore, #tpu.memory_space<semaphore_mem>>)
        } else {
        }
        %add3A_235 = arith.constant 1 : i32
        %add3A_236 = arith.addi %mul3A_213, %add3A_235 : i32
        %dma_wait3A_237 = arith.constant 0 : i32
        %dma_wait3A_238 = tpu.memref_slice %arg5[%add3A_236, %dma_wait3A_237] : memref<40x128xi32, #tpu.memory_space<vmem>> -> memref<1x128xi32, #tpu.memory_space<vmem>>
        %dma_wait3A_239 = tpu.memref_squeeze %dma_wait3A_238 : memref<1x128xi32, #tpu.memory_space<vmem>> -> memref<128xi32, #tpu.memory_space<vmem>>
        %dma_wait3A_240 = arith.constant 0 : i32
        %dma_wait3A_241 = arith.constant 0 : i32
        %dma_wait3A_242 = tpu.memref_slice %arg2[%dma_wait3A_240, %dma_wait3A_241] : memref<10000x64xf32, #tpu.memory_space<hbm>> -> memref<10000x64xf32, #tpu.memory_space<hbm>>
        tpu.wait_indirect_dma semaphore(%arg11 : memref<!tpu.dma_semaphore, #tpu.memory_space<semaphore_mem>>) src(%dma_wait3A_242 : memref<10000x64xf32, #tpu.memory_space<hbm>>) dst(%arg8 : memref<128x64xf32, #tpu.memory_space<vmem>>)
        %add3A_243 = arith.constant 1 : i32
        %add3A_244 = arith.addi %mul3A_213, %add3A_243 : i32
        "tpu.region"() ({
          %run_scoped3A_245 = tpu.sem_alloc : memref<!tpu.dma_semaphore, #tpu.memory_space<semaphore_mem>>
          %dma_start3A_246 = arith.constant 0 : i32
          %dma_start3A_247 = tpu.memref_slice %arg6[%add3A_244, %dma_start3A_246] : memref<40x128xi32, #tpu.memory_space<vmem>> -> memref<1x128xi32, #tpu.memory_space<vmem>>
          %dma_start3A_248 = tpu.memref_squeeze %dma_start3A_247 : memref<1x128xi32, #tpu.memory_space<vmem>> -> memref<128xi32, #tpu.memory_space<vmem>>
          %dma_start3A_249 = arith.constant 0 : i32
          %dma_start3A_250 = arith.constant 0 : i32
          %dma_start3A_251 = tpu.memref_slice %arg9[%dma_start3A_249, %dma_start3A_250] : memref<10240x64xf32, #tpu.memory_space<vmem_shared>> -> memref<10240x64xf32, #tpu.memory_space<vmem_shared>>
          tpu.enqueue_indirect_dma source(%arg8 : memref<128x64xf32, #tpu.memory_space<vmem>>) target(%dma_start3A_251 : memref<10240x64xf32, #tpu.memory_space<vmem_shared>>) offsets(%dma_start3A_248 : memref<128xi32, #tpu.memory_space<vmem>>) semaphore(%run_scoped3A_245 : memref<!tpu.dma_semaphore, #tpu.memory_space<semaphore_mem>>) {add = true}
          %dma_wait3A_252 = arith.constant 0 : i32
          %dma_wait3A_253 = tpu.memref_slice %arg6[%add3A_244, %dma_wait3A_252] : memref<40x128xi32, #tpu.memory_space<vmem>> -> memref<1x128xi32, #tpu.memory_space<vmem>>
          %dma_wait3A_254 = tpu.memref_squeeze %dma_wait3A_253 : memref<1x128xi32, #tpu.memory_space<vmem>> -> memref<128xi32, #tpu.memory_space<vmem>>
          %dma_wait3A_255 = arith.constant 0 : i32
          %dma_wait3A_256 = arith.constant 0 : i32
          %dma_wait3A_257 = tpu.memref_slice %arg9[%dma_wait3A_255, %dma_wait3A_256] : memref<10240x64xf32, #tpu.memory_space<vmem_shared>> -> memref<10240x64xf32, #tpu.memory_space<vmem_shared>>
          tpu.wait_indirect_dma semaphore(%run_scoped3A_245 : memref<!tpu.dma_semaphore, #tpu.memory_space<semaphore_mem>>) src(%arg8 : memref<128x64xf32, #tpu.memory_space<vmem>>) dst(%dma_wait3A_257 : memref<10240x64xf32, #tpu.memory_space<vmem_shared>>)
          tpu.yield
        }) : () -> ()
      }
      %scan3A_203 = arith.constant 19 : i32
      %dma_wait3A_204 = arith.constant 38 : i32
      %dma_wait3A_205 = arith.constant 0 : i32
      %dma_wait3A_206 = tpu.memref_slice %arg5[%dma_wait3A_204, %dma_wait3A_205] : memref<40x128xi32, #tpu.memory_space<vmem>> -> memref<1x128xi32, #tpu.memory_space<vmem>>
      %dma_wait3A_207 = tpu.memref_squeeze %dma_wait3A_206 : memref<1x128xi32, #tpu.memory_space<vmem>> -> memref<128xi32, #tpu.memory_space<vmem>>
      %dma_wait3A_208 = arith.constant 0 : i32
      %dma_wait3A_209 = arith.constant 0 : i32
      %dma_wait3A_210 = tpu.memref_slice %arg2[%dma_wait3A_208, %dma_wait3A_209] : memref<10000x64xf32, #tpu.memory_space<hbm>> -> memref<10000x64xf32, #tpu.memory_space<hbm>>
      tpu.wait_indirect_dma semaphore(%arg10 : memref<!tpu.dma_semaphore, #tpu.memory_space<semaphore_mem>>) src(%dma_wait3A_210 : memref<10000x64xf32, #tpu.memory_space<hbm>>) dst(%arg7 : memref<128x64xf32, #tpu.memory_space<vmem>>)
      %run_scoped3A = arith.constant 38 : i32
      "tpu.region"() ({
        %run_scoped3A_211 = tpu.sem_alloc : memref<!tpu.dma_semaphore, #tpu.memory_space<semaphore_mem>>
        %dma_start3A_212 = arith.constant 0 : i32
        %dma_start3A_213 = tpu.memref_slice %arg6[%run_scoped3A, %dma_start3A_212] : memref<40x128xi32, #tpu.memory_space<vmem>> -> memref<1x128xi32, #tpu.memory_space<vmem>>
        %dma_start3A_214 = tpu.memref_squeeze %dma_start3A_213 : memref<1x128xi32, #tpu.memory_space<vmem>> -> memref<128xi32, #tpu.memory_space<vmem>>
        %dma_start3A_215 = arith.constant 0 : i32
        %dma_start3A_216 = arith.constant 0 : i32
        %dma_start3A_217 = tpu.memref_slice %arg9[%dma_start3A_215, %dma_start3A_216] : memref<10240x64xf32, #tpu.memory_space<vmem_shared>> -> memref<10240x64xf32, #tpu.memory_space<vmem_shared>>
        tpu.enqueue_indirect_dma source(%arg7 : memref<128x64xf32, #tpu.memory_space<vmem>>) target(%dma_start3A_217 : memref<10240x64xf32, #tpu.memory_space<vmem_shared>>) offsets(%dma_start3A_214 : memref<128xi32, #tpu.memory_space<vmem>>) semaphore(%run_scoped3A_211 : memref<!tpu.dma_semaphore, #tpu.memory_space<semaphore_mem>>) {add = true}
        %dma_wait3A_218 = arith.constant 0 : i32
        %dma_wait3A_219 = tpu.memref_slice %arg6[%run_scoped3A, %dma_wait3A_218] : memref<40x128xi32, #tpu.memory_space<vmem>> -> memref<1x128xi32, #tpu.memory_space<vmem>>
        %dma_wait3A_220 = tpu.memref_squeeze %dma_wait3A_219 : memref<1x128xi32, #tpu.memory_space<vmem>> -> memref<128xi32, #tpu.memory_space<vmem>>
        %dma_wait3A_221 = arith.constant 0 : i32
        %dma_wait3A_222 = arith.constant 0 : i32
        %dma_wait3A_223 = tpu.memref_slice %arg9[%dma_wait3A_221, %dma_wait3A_222] : memref<10240x64xf32, #tpu.memory_space<vmem_shared>> -> memref<10240x64xf32, #tpu.memory_space<vmem_shared>>
        tpu.wait_indirect_dma semaphore(%run_scoped3A_211 : memref<!tpu.dma_semaphore, #tpu.memory_space<semaphore_mem>>) src(%arg7 : memref<128x64xf32, #tpu.memory_space<vmem>>) dst(%dma_wait3A_223 : memref<10240x64xf32, #tpu.memory_space<vmem_shared>>)
        tpu.yield
      }) : () -> ()
    } else {
    }
    %ge3A = arith.constant 4 : i32
    %ge3A_77 = arith.cmpi sge, %add3A, %ge3A : i32
    %convert_element_type3A_78 = arith.extui %ge3A_77 : i1 to i32
    %cond3A_79 = arith.constant 0 : i32
    %cond3A_80 = arith.constant 1 : i32
    %cond3A_81 = arith.constant 0 : i32
    %cond3A_82 = arith.cmpi ne, %convert_element_type3A_78, %cond3A_81 : i32
    scf.if %cond3A_82 {
      %dma_start3A_174 = arith.constant 0 : i32
      %dma_start3A_175 = arith.constant 0 : i32
      %dma_start3A_176 = tpu.memref_slice %arg5[%dma_start3A_174, %dma_start3A_175] : memref<40x128xi32, #tpu.memory_space<vmem>> -> memref<1x128xi32, #tpu.memory_space<vmem>>
      %dma_start3A_177 = tpu.memref_squeeze %dma_start3A_176 : memref<1x128xi32, #tpu.memory_space<vmem>> -> memref<128xi32, #tpu.memory_space<vmem>>
      %dma_start3A_178 = arith.constant 0 : i32
      %dma_start3A_179 = arith.constant 0 : i32
      %dma_start3A_180 = tpu.memref_slice %arg2[%dma_start3A_178, %dma_start3A_179] : memref<10000x64xf32, #tpu.memory_space<hbm>> -> memref<10000x64xf32, #tpu.memory_space<hbm>>
      tpu.enqueue_indirect_dma source(%dma_start3A_180 : memref<10000x64xf32, #tpu.memory_space<hbm>>) target(%arg7 : memref<128x64xf32, #tpu.memory_space<vmem>>) offsets(%dma_start3A_177 : memref<128xi32, #tpu.memory_space<vmem>>) semaphore(%arg10 : memref<!tpu.dma_semaphore, #tpu.memory_space<semaphore_mem>>)
      %scan3A_181 = arith.constant 0 : i32
      %scan3A_182 = arith.constant 0 : i32
      %scan3A_183 = arith.constant 20 : i32
      %scan3A_184 = arith.addi %scan3A_182, %scan3A_183 : i32
      %scan3A_185 = arith.constant 1 : i32
      scf.for %scan3A_204 = %scan3A_182 to %scan3A_184 step %scan3A_185  : i32 {
        %mul3A_205 = arith.constant 2 : i32
        %mul3A_206 = arith.muli %mul3A_205, %scan3A_204 : i32
        %add3A_207 = arith.constant 1 : i32
        %add3A_208 = arith.addi %mul3A_206, %add3A_207 : i32
        %dma_start3A_209 = arith.constant 0 : i32
        %dma_start3A_210 = tpu.memref_slice %arg5[%add3A_208, %dma_start3A_209] : memref<40x128xi32, #tpu.memory_space<vmem>> -> memref<1x128xi32, #tpu.memory_space<vmem>>
        %dma_start3A_211 = tpu.memref_squeeze %dma_start3A_210 : memref<1x128xi32, #tpu.memory_space<vmem>> -> memref<128xi32, #tpu.memory_space<vmem>>
        %dma_start3A_212 = arith.constant 0 : i32
        %dma_start3A_213 = arith.constant 0 : i32
        %dma_start3A_214 = tpu.memref_slice %arg2[%dma_start3A_212, %dma_start3A_213] : memref<10000x64xf32, #tpu.memory_space<hbm>> -> memref<10000x64xf32, #tpu.memory_space<hbm>>
        tpu.enqueue_indirect_dma source(%dma_start3A_214 : memref<10000x64xf32, #tpu.memory_space<hbm>>) target(%arg8 : memref<128x64xf32, #tpu.memory_space<vmem>>) offsets(%dma_start3A_211 : memref<128xi32, #tpu.memory_space<vmem>>) semaphore(%arg11 : memref<!tpu.dma_semaphore, #tpu.memory_space<semaphore_mem>>)
        %dma_wait3A_215 = arith.constant 0 : i32
        %dma_wait3A_216 = tpu.memref_slice %arg5[%mul3A_206, %dma_wait3A_215] : memref<40x128xi32, #tpu.memory_space<vmem>> -> memref<1x128xi32, #tpu.memory_space<vmem>>
        %dma_wait3A_217 = tpu.memref_squeeze %dma_wait3A_216 : memref<1x128xi32, #tpu.memory_space<vmem>> -> memref<128xi32, #tpu.memory_space<vmem>>
        %dma_wait3A_218 = arith.constant 0 : i32
        %dma_wait3A_219 = arith.constant 0 : i32
        %dma_wait3A_220 = tpu.memref_slice %arg2[%dma_wait3A_218, %dma_wait3A_219] : memref<10000x64xf32, #tpu.memory_space<hbm>> -> memref<10000x64xf32, #tpu.memory_space<hbm>>
        tpu.wait_indirect_dma semaphore(%arg10 : memref<!tpu.dma_semaphore, #tpu.memory_space<semaphore_mem>>) src(%dma_wait3A_220 : memref<10000x64xf32, #tpu.memory_space<hbm>>) dst(%arg7 : memref<128x64xf32, #tpu.memory_space<vmem>>)
        "tpu.region"() ({
          %run_scoped3A = tpu.sem_alloc : memref<!tpu.dma_semaphore, #tpu.memory_space<semaphore_mem>>
          %dma_start3A_238 = arith.constant 0 : i32
          %dma_start3A_239 = tpu.memref_slice %arg6[%mul3A_206, %dma_start3A_238] : memref<40x128xi32, #tpu.memory_space<vmem>> -> memref<1x128xi32, #tpu.memory_space<vmem>>
          %dma_start3A_240 = tpu.memref_squeeze %dma_start3A_239 : memref<1x128xi32, #tpu.memory_space<vmem>> -> memref<128xi32, #tpu.memory_space<vmem>>
          %dma_start3A_241 = arith.constant 0 : i32
          %dma_start3A_242 = arith.constant 0 : i32
          %dma_start3A_243 = tpu.memref_slice %arg9[%dma_start3A_241, %dma_start3A_242] : memref<10240x64xf32, #tpu.memory_space<vmem_shared>> -> memref<10240x64xf32, #tpu.memory_space<vmem_shared>>
          tpu.enqueue_indirect_dma source(%arg7 : memref<128x64xf32, #tpu.memory_space<vmem>>) target(%dma_start3A_243 : memref<10240x64xf32, #tpu.memory_space<vmem_shared>>) offsets(%dma_start3A_240 : memref<128xi32, #tpu.memory_space<vmem>>) semaphore(%run_scoped3A : memref<!tpu.dma_semaphore, #tpu.memory_space<semaphore_mem>>) {add = true}
          %dma_wait3A_244 = arith.constant 0 : i32
          %dma_wait3A_245 = tpu.memref_slice %arg6[%mul3A_206, %dma_wait3A_244] : memref<40x128xi32, #tpu.memory_space<vmem>> -> memref<1x128xi32, #tpu.memory_space<vmem>>
          %dma_wait3A_246 = tpu.memref_squeeze %dma_wait3A_245 : memref<1x128xi32, #tpu.memory_space<vmem>> -> memref<128xi32, #tpu.memory_space<vmem>>
          %dma_wait3A_247 = arith.constant 0 : i32
          %dma_wait3A_248 = arith.constant 0 : i32
          %dma_wait3A_249 = tpu.memref_slice %arg9[%dma_wait3A_247, %dma_wait3A_248] : memref<10240x64xf32, #tpu.memory_space<vmem_shared>> -> memref<10240x64xf32, #tpu.memory_space<vmem_shared>>
          tpu.wait_indirect_dma semaphore(%run_scoped3A : memref<!tpu.dma_semaphore, #tpu.memory_space<semaphore_mem>>) src(%arg7 : memref<128x64xf32, #tpu.memory_space<vmem>>) dst(%dma_wait3A_249 : memref<10240x64xf32, #tpu.memory_space<vmem_shared>>)
          tpu.yield
        }) : () -> ()
        %add3A_221 = arith.constant 2 : i32
        %add3A_222 = arith.addi %mul3A_206, %add3A_221 : i32
        %lt3A_223 = arith.constant 40 : i32
        %lt3A_224 = arith.cmpi slt, %add3A_222, %lt3A_223 : i32
        %convert_element_type3A_225 = arith.extui %lt3A_224 : i1 to i32
        %cond3A_226 = arith.constant 0 : i32
        %cond3A_227 = arith.cmpi ne, %convert_element_type3A_225, %cond3A_226 : i32
        scf.if %cond3A_227 {
          %add3A_238 = arith.constant 2 : i32
          %add3A_239 = arith.addi %mul3A_206, %add3A_238 : i32
          %dma_start3A_240 = arith.constant 0 : i32
          %dma_start3A_241 = tpu.memref_slice %arg5[%add3A_239, %dma_start3A_240] : memref<40x128xi32, #tpu.memory_space<vmem>> -> memref<1x128xi32, #tpu.memory_space<vmem>>
          %dma_start3A_242 = tpu.memref_squeeze %dma_start3A_241 : memref<1x128xi32, #tpu.memory_space<vmem>> -> memref<128xi32, #tpu.memory_space<vmem>>
          %dma_start3A_243 = arith.constant 0 : i32
          %dma_start3A_244 = arith.constant 0 : i32
          %dma_start3A_245 = tpu.memref_slice %arg2[%dma_start3A_243, %dma_start3A_244] : memref<10000x64xf32, #tpu.memory_space<hbm>> -> memref<10000x64xf32, #tpu.memory_space<hbm>>
          tpu.enqueue_indirect_dma source(%dma_start3A_245 : memref<10000x64xf32, #tpu.memory_space<hbm>>) target(%arg7 : memref<128x64xf32, #tpu.memory_space<vmem>>) offsets(%dma_start3A_242 : memref<128xi32, #tpu.memory_space<vmem>>) semaphore(%arg10 : memref<!tpu.dma_semaphore, #tpu.memory_space<semaphore_mem>>)
        } else {
        }
        %add3A_228 = arith.constant 1 : i32
        %add3A_229 = arith.addi %mul3A_206, %add3A_228 : i32
        %dma_wait3A_230 = arith.constant 0 : i32
        %dma_wait3A_231 = tpu.memref_slice %arg5[%add3A_229, %dma_wait3A_230] : memref<40x128xi32, #tpu.memory_space<vmem>> -> memref<1x128xi32, #tpu.memory_space<vmem>>
        %dma_wait3A_232 = tpu.memref_squeeze %dma_wait3A_231 : memref<1x128xi32, #tpu.memory_space<vmem>> -> memref<128xi32, #tpu.memory_space<vmem>>
        %dma_wait3A_233 = arith.constant 0 : i32
        %dma_wait3A_234 = arith.constant 0 : i32
        %dma_wait3A_235 = tpu.memref_slice %arg2[%dma_wait3A_233, %dma_wait3A_234] : memref<10000x64xf32, #tpu.memory_space<hbm>> -> memref<10000x64xf32, #tpu.memory_space<hbm>>
        tpu.wait_indirect_dma semaphore(%arg11 : memref<!tpu.dma_semaphore, #tpu.memory_space<semaphore_mem>>) src(%dma_wait3A_235 : memref<10000x64xf32, #tpu.memory_space<hbm>>) dst(%arg8 : memref<128x64xf32, #tpu.memory_space<vmem>>)
        %add3A_236 = arith.constant 1 : i32
        %add3A_237 = arith.addi %mul3A_206, %add3A_236 : i32
        "tpu.region"() ({
          %run_scoped3A = tpu.sem_alloc : memref<!tpu.dma_semaphore, #tpu.memory_space<semaphore_mem>>
          %dma_start3A_238 = arith.constant 0 : i32
          %dma_start3A_239 = tpu.memref_slice %arg6[%add3A_237, %dma_start3A_238] : memref<40x128xi32, #tpu.memory_space<vmem>> -> memref<1x128xi32, #tpu.memory_space<vmem>>
          %dma_start3A_240 = tpu.memref_squeeze %dma_start3A_239 : memref<1x128xi32, #tpu.memory_space<vmem>> -> memref<128xi32, #tpu.memory_space<vmem>>
          %dma_start3A_241 = arith.constant 0 : i32
          %dma_start3A_242 = arith.constant 0 : i32
          %dma_start3A_243 = tpu.memref_slice %arg9[%dma_start3A_241, %dma_start3A_242] : memref<10240x64xf32, #tpu.memory_space<vmem_shared>> -> memref<10240x64xf32, #tpu.memory_space<vmem_shared>>
          tpu.enqueue_indirect_dma source(%arg8 : memref<128x64xf32, #tpu.memory_space<vmem>>) target(%dma_start3A_243 : memref<10240x64xf32, #tpu.memory_space<vmem_shared>>) offsets(%dma_start3A_240 : memref<128xi32, #tpu.memory_space<vmem>>) semaphore(%run_scoped3A : memref<!tpu.dma_semaphore, #tpu.memory_space<semaphore_mem>>) {add = true}
          %dma_wait3A_244 = arith.constant 0 : i32
          %dma_wait3A_245 = tpu.memref_slice %arg6[%add3A_237, %dma_wait3A_244] : memref<40x128xi32, #tpu.memory_space<vmem>> -> memref<1x128xi32, #tpu.memory_space<vmem>>
          %dma_wait3A_246 = tpu.memref_squeeze %dma_wait3A_245 : memref<1x128xi32, #tpu.memory_space<vmem>> -> memref<128xi32, #tpu.memory_space<vmem>>
          %dma_wait3A_247 = arith.constant 0 : i32
          %dma_wait3A_248 = arith.constant 0 : i32
          %dma_wait3A_249 = tpu.memref_slice %arg9[%dma_wait3A_247, %dma_wait3A_248] : memref<10240x64xf32, #tpu.memory_space<vmem_shared>> -> memref<10240x64xf32, #tpu.memory_space<vmem_shared>>
          tpu.wait_indirect_dma semaphore(%run_scoped3A : memref<!tpu.dma_semaphore, #tpu.memory_space<semaphore_mem>>) src(%arg8 : memref<128x64xf32, #tpu.memory_space<vmem>>) dst(%dma_wait3A_249 : memref<10240x64xf32, #tpu.memory_space<vmem_shared>>)
          tpu.yield
        }) : () -> ()
      }
      %scan3A_186 = arith.constant 20 : i32
      %add3A_187 = arith.constant 40 : i32
      %add3A_188 = arith.addi %add3A_4, %add3A_187 : i32
      "tpu.region"() ({
        %run_scoped3A = tpu.sem_alloc : memref<!tpu.dma_semaphore, #tpu.memory_space<semaphore_mem>>
        %dma_start3A_204 = arith.constant 0 : i32
        %dma_start3A_205 = arith.constant 0 : i32
        %dma_start3A_206 = tpu.memref_slice %arg5[%dma_start3A_204, %dma_start3A_205] : memref<40x128xi32, #tpu.memory_space<vmem>> -> memref<38x128xi32, #tpu.memory_space<vmem>>
        %dma_start3A_207 = arith.constant 0 : i32
        %dma_start3A_208 = arith.constant 0 : i32
        %dma_start3A_209 = tpu.memref_slice %arg3[%cond3A_79, %dma_start3A_207, %dma_start3A_208] : memref<2x2500x128xi32, #tpu.memory_space<hbm>> -> memref<1x2500x128xi32, #tpu.memory_space<hbm>>
        %dma_start3A_210 = tpu.memref_squeeze %dma_start3A_209 : memref<1x2500x128xi32, #tpu.memory_space<hbm>> -> memref<2500x128xi32, #tpu.memory_space<hbm>>
        %dma_start3A_211 = arith.constant 0 : i32
        %dma_start3A_212 = tpu.memref_slice %dma_start3A_210[%add3A_188, %dma_start3A_211] : memref<2500x128xi32, #tpu.memory_space<hbm>> -> memref<38x128xi32, #tpu.memory_space<hbm>>
        %dma_start3A_213 = arith.constant 0 : i32
        %dma_start3A_214 = arith.constant 0 : i32
        %dma_start3A_215 = tpu.memref_slice %arg5[%dma_start3A_213, %dma_start3A_214] : memref<40x128xi32, #tpu.memory_space<vmem>> -> memref<38x128xi32, #tpu.memory_space<vmem>>
        %dma_start3A_216 = arith.constant 0 : i32
        %dma_start3A_217 = arith.constant 0 : i32
        %dma_start3A_218 = tpu.memref_slice %arg3[%cond3A_79, %dma_start3A_216, %dma_start3A_217] : memref<2x2500x128xi32, #tpu.memory_space<hbm>> -> memref<1x2500x128xi32, #tpu.memory_space<hbm>>
        %dma_start3A_219 = tpu.memref_squeeze %dma_start3A_218 : memref<1x2500x128xi32, #tpu.memory_space<hbm>> -> memref<2500x128xi32, #tpu.memory_space<hbm>>
        %dma_start3A_220 = arith.constant 0 : i32
        %dma_start3A_221 = tpu.memref_slice %dma_start3A_219[%add3A_188, %dma_start3A_220] : memref<2500x128xi32, #tpu.memory_space<hbm>> -> memref<38x128xi32, #tpu.memory_space<hbm>>
        tpu.enqueue_dma source(%dma_start3A_221 : memref<38x128xi32, #tpu.memory_space<hbm>>) target(%dma_start3A_215 : memref<38x128xi32, #tpu.memory_space<vmem>>) target_semaphore(%run_scoped3A : memref<!tpu.dma_semaphore, #tpu.memory_space<semaphore_mem>>)
        %dma_wait3A_222 = arith.constant 0 : i32
        %dma_wait3A_223 = arith.constant 0 : i32
        %dma_wait3A_224 = tpu.memref_slice %arg5[%dma_wait3A_222, %dma_wait3A_223] : memref<40x128xi32, #tpu.memory_space<vmem>> -> memref<38x128xi32, #tpu.memory_space<vmem>>
        %dma_wait3A_225 = arith.constant 0 : i32
        %dma_wait3A_226 = arith.constant 0 : i32
        %dma_wait3A_227 = tpu.memref_slice %arg3[%cond3A_79, %dma_wait3A_225, %dma_wait3A_226] : memref<2x2500x128xi32, #tpu.memory_space<hbm>> -> memref<1x2500x128xi32, #tpu.memory_space<hbm>>
        %dma_wait3A_228 = tpu.memref_squeeze %dma_wait3A_227 : memref<1x2500x128xi32, #tpu.memory_space<hbm>> -> memref<2500x128xi32, #tpu.memory_space<hbm>>
        %dma_wait3A_229 = arith.constant 0 : i32
        %dma_wait3A_230 = tpu.memref_slice %dma_wait3A_228[%add3A_188, %dma_wait3A_229] : memref<2500x128xi32, #tpu.memory_space<hbm>> -> memref<38x128xi32, #tpu.memory_space<hbm>>
        %dma_wait3A_231 = arith.constant 0 : i32
        %dma_wait3A_232 = arith.constant 0 : i32
        %dma_wait3A_233 = tpu.memref_slice %arg5[%dma_wait3A_231, %dma_wait3A_232] : memref<40x128xi32, #tpu.memory_space<vmem>> -> memref<38x128xi32, #tpu.memory_space<vmem>>
        %dma_wait3A_234 = arith.constant 0 : i32
        %dma_wait3A_235 = arith.constant 0 : i32
        %dma_wait3A_236 = tpu.memref_slice %arg3[%cond3A_79, %dma_wait3A_234, %dma_wait3A_235] : memref<2x2500x128xi32, #tpu.memory_space<hbm>> -> memref<1x2500x128xi32, #tpu.memory_space<hbm>>
        %dma_wait3A_237 = tpu.memref_squeeze %dma_wait3A_236 : memref<1x2500x128xi32, #tpu.memory_space<hbm>> -> memref<2500x128xi32, #tpu.memory_space<hbm>>
        %dma_wait3A_238 = arith.constant 0 : i32
        %dma_wait3A_239 = tpu.memref_slice %dma_wait3A_237[%add3A_188, %dma_wait3A_238] : memref<2500x128xi32, #tpu.memory_space<hbm>> -> memref<38x128xi32, #tpu.memory_space<hbm>>
        tpu.wait_dma2 semaphore(%run_scoped3A : memref<!tpu.dma_semaphore, #tpu.memory_space<semaphore_mem>>) src(%dma_wait3A_239 : memref<38x128xi32, #tpu.memory_space<hbm>>) dst(%dma_wait3A_233 : memref<38x128xi32, #tpu.memory_space<vmem>>)
        tpu.yield
      }) : () -> ()
      %add3A_189 = arith.constant 40 : i32
      %add3A_190 = arith.addi %add3A_4, %add3A_189 : i32
      "tpu.region"() ({
        %run_scoped3A = tpu.sem_alloc : memref<!tpu.dma_semaphore, #tpu.memory_space<semaphore_mem>>
        %dma_start3A_204 = arith.constant 0 : i32
        %dma_start3A_205 = arith.constant 0 : i32
        %dma_start3A_206 = tpu.memref_slice %arg6[%dma_start3A_204, %dma_start3A_205] : memref<40x128xi32, #tpu.memory_space<vmem>> -> memref<38x128xi32, #tpu.memory_space<vmem>>
        %dma_start3A_207 = arith.constant 0 : i32
        %dma_start3A_208 = arith.constant 0 : i32
        %dma_start3A_209 = tpu.memref_slice %arg3[%cond3A_80, %dma_start3A_207, %dma_start3A_208] : memref<2x2500x128xi32, #tpu.memory_space<hbm>> -> memref<1x2500x128xi32, #tpu.memory_space<hbm>>
        %dma_start3A_210 = tpu.memref_squeeze %dma_start3A_209 : memref<1x2500x128xi32, #tpu.memory_space<hbm>> -> memref<2500x128xi32, #tpu.memory_space<hbm>>
        %dma_start3A_211 = arith.constant 0 : i32
        %dma_start3A_212 = tpu.memref_slice %dma_start3A_210[%add3A_190, %dma_start3A_211] : memref<2500x128xi32, #tpu.memory_space<hbm>> -> memref<38x128xi32, #tpu.memory_space<hbm>>
        %dma_start3A_213 = arith.constant 0 : i32
        %dma_start3A_214 = arith.constant 0 : i32
        %dma_start3A_215 = tpu.memref_slice %arg6[%dma_start3A_213, %dma_start3A_214] : memref<40x128xi32, #tpu.memory_space<vmem>> -> memref<38x128xi32, #tpu.memory_space<vmem>>
        %dma_start3A_216 = arith.constant 0 : i32
        %dma_start3A_217 = arith.constant 0 : i32
        %dma_start3A_218 = tpu.memref_slice %arg3[%cond3A_80, %dma_start3A_216, %dma_start3A_217] : memref<2x2500x128xi32, #tpu.memory_space<hbm>> -> memref<1x2500x128xi32, #tpu.memory_space<hbm>>
        %dma_start3A_219 = tpu.memref_squeeze %dma_start3A_218 : memref<1x2500x128xi32, #tpu.memory_space<hbm>> -> memref<2500x128xi32, #tpu.memory_space<hbm>>
        %dma_start3A_220 = arith.constant 0 : i32
        %dma_start3A_221 = tpu.memref_slice %dma_start3A_219[%add3A_190, %dma_start3A_220] : memref<2500x128xi32, #tpu.memory_space<hbm>> -> memref<38x128xi32, #tpu.memory_space<hbm>>
        tpu.enqueue_dma source(%dma_start3A_221 : memref<38x128xi32, #tpu.memory_space<hbm>>) target(%dma_start3A_215 : memref<38x128xi32, #tpu.memory_space<vmem>>) target_semaphore(%run_scoped3A : memref<!tpu.dma_semaphore, #tpu.memory_space<semaphore_mem>>)
        %dma_wait3A_222 = arith.constant 0 : i32
        %dma_wait3A_223 = arith.constant 0 : i32
        %dma_wait3A_224 = tpu.memref_slice %arg6[%dma_wait3A_222, %dma_wait3A_223] : memref<40x128xi32, #tpu.memory_space<vmem>> -> memref<38x128xi32, #tpu.memory_space<vmem>>
        %dma_wait3A_225 = arith.constant 0 : i32
        %dma_wait3A_226 = arith.constant 0 : i32
        %dma_wait3A_227 = tpu.memref_slice %arg3[%cond3A_80, %dma_wait3A_225, %dma_wait3A_226] : memref<2x2500x128xi32, #tpu.memory_space<hbm>> -> memref<1x2500x128xi32, #tpu.memory_space<hbm>>
        %dma_wait3A_228 = tpu.memref_squeeze %dma_wait3A_227 : memref<1x2500x128xi32, #tpu.memory_space<hbm>> -> memref<2500x128xi32, #tpu.memory_space<hbm>>
        %dma_wait3A_229 = arith.constant 0 : i32
        %dma_wait3A_230 = tpu.memref_slice %dma_wait3A_228[%add3A_190, %dma_wait3A_229] : memref<2500x128xi32, #tpu.memory_space<hbm>> -> memref<38x128xi32, #tpu.memory_space<hbm>>
        %dma_wait3A_231 = arith.constant 0 : i32
        %dma_wait3A_232 = arith.constant 0 : i32
        %dma_wait3A_233 = tpu.memref_slice %arg6[%dma_wait3A_231, %dma_wait3A_232] : memref<40x128xi32, #tpu.memory_space<vmem>> -> memref<38x128xi32, #tpu.memory_space<vmem>>
        %dma_wait3A_234 = arith.constant 0 : i32
        %dma_wait3A_235 = arith.constant 0 : i32
        %dma_wait3A_236 = tpu.memref_slice %arg3[%cond3A_80, %dma_wait3A_234, %dma_wait3A_235] : memref<2x2500x128xi32, #tpu.memory_space<hbm>> -> memref<1x2500x128xi32, #tpu.memory_space<hbm>>
        %dma_wait3A_237 = tpu.memref_squeeze %dma_wait3A_236 : memref<1x2500x128xi32, #tpu.memory_space<hbm>> -> memref<2500x128xi32, #tpu.memory_space<hbm>>
        %dma_wait3A_238 = arith.constant 0 : i32
        %dma_wait3A_239 = tpu.memref_slice %dma_wait3A_237[%add3A_190, %dma_wait3A_238] : memref<2500x128xi32, #tpu.memory_space<hbm>> -> memref<38x128xi32, #tpu.memory_space<hbm>>
        tpu.wait_dma2 semaphore(%run_scoped3A : memref<!tpu.dma_semaphore, #tpu.memory_space<semaphore_mem>>) src(%dma_wait3A_239 : memref<38x128xi32, #tpu.memory_space<hbm>>) dst(%dma_wait3A_233 : memref<38x128xi32, #tpu.memory_space<vmem>>)
        tpu.yield
      }) : () -> ()
      %dma_start3A_191 = arith.constant 0 : i32
      %dma_start3A_192 = arith.constant 0 : i32
      %dma_start3A_193 = tpu.memref_slice %arg5[%dma_start3A_191, %dma_start3A_192] : memref<40x128xi32, #tpu.memory_space<vmem>> -> memref<1x128xi32, #tpu.memory_space<vmem>>
      %dma_start3A_194 = tpu.memref_squeeze %dma_start3A_193 : memref<1x128xi32, #tpu.memory_space<vmem>> -> memref<128xi32, #tpu.memory_space<vmem>>
      %dma_start3A_195 = arith.constant 0 : i32
      %dma_start3A_196 = arith.constant 0 : i32
      %dma_start3A_197 = tpu.memref_slice %arg2[%dma_start3A_195, %dma_start3A_196] : memref<10000x64xf32, #tpu.memory_space<hbm>> -> memref<10000x64xf32, #tpu.memory_space<hbm>>
      tpu.enqueue_indirect_dma source(%dma_start3A_197 : memref<10000x64xf32, #tpu.memory_space<hbm>>) target(%arg7 : memref<128x64xf32, #tpu.memory_space<vmem>>) offsets(%dma_start3A_194 : memref<128xi32, #tpu.memory_space<vmem>>) semaphore(%arg10 : memref<!tpu.dma_semaphore, #tpu.memory_space<semaphore_mem>>)
      %scan3A_198 = arith.constant 0 : i32
      %scan3A_199 = arith.constant 0 : i32
      %scan3A_200 = arith.constant 19 : i32
      %scan3A_201 = arith.addi %scan3A_199, %scan3A_200 : i32
      %scan3A_202 = arith.constant 1 : i32
      scf.for %scan3A_204 = %scan3A_199 to %scan3A_201 step %scan3A_202  : i32 {
        %mul3A_205 = arith.constant 2 : i32
        %mul3A_206 = arith.muli %mul3A_205, %scan3A_204 : i32
        %add3A_207 = arith.constant 1 : i32
        %add3A_208 = arith.addi %mul3A_206, %add3A_207 : i32
        %dma_start3A_209 = arith.constant 0 : i32
        %dma_start3A_210 = tpu.memref_slice %arg5[%add3A_208, %dma_start3A_209] : memref<40x128xi32, #tpu.memory_space<vmem>> -> memref<1x128xi32, #tpu.memory_space<vmem>>
        %dma_start3A_211 = tpu.memref_squeeze %dma_start3A_210 : memref<1x128xi32, #tpu.memory_space<vmem>> -> memref<128xi32, #tpu.memory_space<vmem>>
        %dma_start3A_212 = arith.constant 0 : i32
        %dma_start3A_213 = arith.constant 0 : i32
        %dma_start3A_214 = tpu.memref_slice %arg2[%dma_start3A_212, %dma_start3A_213] : memref<10000x64xf32, #tpu.memory_space<hbm>> -> memref<10000x64xf32, #tpu.memory_space<hbm>>
        tpu.enqueue_indirect_dma source(%dma_start3A_214 : memref<10000x64xf32, #tpu.memory_space<hbm>>) target(%arg8 : memref<128x64xf32, #tpu.memory_space<vmem>>) offsets(%dma_start3A_211 : memref<128xi32, #tpu.memory_space<vmem>>) semaphore(%arg11 : memref<!tpu.dma_semaphore, #tpu.memory_space<semaphore_mem>>)
        %dma_wait3A_215 = arith.constant 0 : i32
        %dma_wait3A_216 = tpu.memref_slice %arg5[%mul3A_206, %dma_wait3A_215] : memref<40x128xi32, #tpu.memory_space<vmem>> -> memref<1x128xi32, #tpu.memory_space<vmem>>
        %dma_wait3A_217 = tpu.memref_squeeze %dma_wait3A_216 : memref<1x128xi32, #tpu.memory_space<vmem>> -> memref<128xi32, #tpu.memory_space<vmem>>
        %dma_wait3A_218 = arith.constant 0 : i32
        %dma_wait3A_219 = arith.constant 0 : i32
        %dma_wait3A_220 = tpu.memref_slice %arg2[%dma_wait3A_218, %dma_wait3A_219] : memref<10000x64xf32, #tpu.memory_space<hbm>> -> memref<10000x64xf32, #tpu.memory_space<hbm>>
        tpu.wait_indirect_dma semaphore(%arg10 : memref<!tpu.dma_semaphore, #tpu.memory_space<semaphore_mem>>) src(%dma_wait3A_220 : memref<10000x64xf32, #tpu.memory_space<hbm>>) dst(%arg7 : memref<128x64xf32, #tpu.memory_space<vmem>>)
        "tpu.region"() ({
          %run_scoped3A = tpu.sem_alloc : memref<!tpu.dma_semaphore, #tpu.memory_space<semaphore_mem>>
          %dma_start3A_238 = arith.constant 0 : i32
          %dma_start3A_239 = tpu.memref_slice %arg6[%mul3A_206, %dma_start3A_238] : memref<40x128xi32, #tpu.memory_space<vmem>> -> memref<1x128xi32, #tpu.memory_space<vmem>>
          %dma_start3A_240 = tpu.memref_squeeze %dma_start3A_239 : memref<1x128xi32, #tpu.memory_space<vmem>> -> memref<128xi32, #tpu.memory_space<vmem>>
          %dma_start3A_241 = arith.constant 0 : i32
          %dma_start3A_242 = arith.constant 0 : i32
          %dma_start3A_243 = tpu.memref_slice %arg9[%dma_start3A_241, %dma_start3A_242] : memref<10240x64xf32, #tpu.memory_space<vmem_shared>> -> memref<10240x64xf32, #tpu.memory_space<vmem_shared>>
          tpu.enqueue_indirect_dma source(%arg7 : memref<128x64xf32, #tpu.memory_space<vmem>>) target(%dma_start3A_243 : memref<10240x64xf32, #tpu.memory_space<vmem_shared>>) offsets(%dma_start3A_240 : memref<128xi32, #tpu.memory_space<vmem>>) semaphore(%run_scoped3A : memref<!tpu.dma_semaphore, #tpu.memory_space<semaphore_mem>>) {add = true}
          %dma_wait3A_244 = arith.constant 0 : i32
          %dma_wait3A_245 = tpu.memref_slice %arg6[%mul3A_206, %dma_wait3A_244] : memref<40x128xi32, #tpu.memory_space<vmem>> -> memref<1x128xi32, #tpu.memory_space<vmem>>
          %dma_wait3A_246 = tpu.memref_squeeze %dma_wait3A_245 : memref<1x128xi32, #tpu.memory_space<vmem>> -> memref<128xi32, #tpu.memory_space<vmem>>
          %dma_wait3A_247 = arith.constant 0 : i32
          %dma_wait3A_248 = arith.constant 0 : i32
          %dma_wait3A_249 = tpu.memref_slice %arg9[%dma_wait3A_247, %dma_wait3A_248] : memref<10240x64xf32, #tpu.memory_space<vmem_shared>> -> memref<10240x64xf32, #tpu.memory_space<vmem_shared>>
          tpu.wait_indirect_dma semaphore(%run_scoped3A : memref<!tpu.dma_semaphore, #tpu.memory_space<semaphore_mem>>) src(%arg7 : memref<128x64xf32, #tpu.memory_space<vmem>>) dst(%dma_wait3A_249 : memref<10240x64xf32, #tpu.memory_space<vmem_shared>>)
          tpu.yield
        }) : () -> ()
        %add3A_221 = arith.constant 2 : i32
        %add3A_222 = arith.addi %mul3A_206, %add3A_221 : i32
        %lt3A_223 = arith.constant 38 : i32
        %lt3A_224 = arith.cmpi slt, %add3A_222, %lt3A_223 : i32
        %convert_element_type3A_225 = arith.extui %lt3A_224 : i1 to i32
        %cond3A_226 = arith.constant 0 : i32
        %cond3A_227 = arith.cmpi ne, %convert_element_type3A_225, %cond3A_226 : i32
        scf.if %cond3A_227 {
          %add3A_238 = arith.constant 2 : i32
          %add3A_239 = arith.addi %mul3A_206, %add3A_238 : i32
          %dma_start3A_240 = arith.constant 0 : i32
          %dma_start3A_241 = tpu.memref_slice %arg5[%add3A_239, %dma_start3A_240] : memref<40x128xi32, #tpu.memory_space<vmem>> -> memref<1x128xi32, #tpu.memory_space<vmem>>
          %dma_start3A_242 = tpu.memref_squeeze %dma_start3A_241 : memref<1x128xi32, #tpu.memory_space<vmem>> -> memref<128xi32, #tpu.memory_space<vmem>>
          %dma_start3A_243 = arith.constant 0 : i32
          %dma_start3A_244 = arith.constant 0 : i32
          %dma_start3A_245 = tpu.memref_slice %arg2[%dma_start3A_243, %dma_start3A_244] : memref<10000x64xf32, #tpu.memory_space<hbm>> -> memref<10000x64xf32, #tpu.memory_space<hbm>>
          tpu.enqueue_indirect_dma source(%dma_start3A_245 : memref<10000x64xf32, #tpu.memory_space<hbm>>) target(%arg7 : memref<128x64xf32, #tpu.memory_space<vmem>>) offsets(%dma_start3A_242 : memref<128xi32, #tpu.memory_space<vmem>>) semaphore(%arg10 : memref<!tpu.dma_semaphore, #tpu.memory_space<semaphore_mem>>)
        } else {
        }
        %add3A_228 = arith.constant 1 : i32
        %add3A_229 = arith.addi %mul3A_206, %add3A_228 : i32
        %dma_wait3A_230 = arith.constant 0 : i32
        %dma_wait3A_231 = tpu.memref_slice %arg5[%add3A_229, %dma_wait3A_230] : memref<40x128xi32, #tpu.memory_space<vmem>> -> memref<1x128xi32, #tpu.memory_space<vmem>>
        %dma_wait3A_232 = tpu.memref_squeeze %dma_wait3A_231 : memref<1x128xi32, #tpu.memory_space<vmem>> -> memref<128xi32, #tpu.memory_space<vmem>>
        %dma_wait3A_233 = arith.constant 0 : i32
        %dma_wait3A_234 = arith.constant 0 : i32
        %dma_wait3A_235 = tpu.memref_slice %arg2[%dma_wait3A_233, %dma_wait3A_234] : memref<10000x64xf32, #tpu.memory_space<hbm>> -> memref<10000x64xf32, #tpu.memory_space<hbm>>
        tpu.wait_indirect_dma semaphore(%arg11 : memref<!tpu.dma_semaphore, #tpu.memory_space<semaphore_mem>>) src(%dma_wait3A_235 : memref<10000x64xf32, #tpu.memory_space<hbm>>) dst(%arg8 : memref<128x64xf32, #tpu.memory_space<vmem>>)
        %add3A_236 = arith.constant 1 : i32
        %add3A_237 = arith.addi %mul3A_206, %add3A_236 : i32
        "tpu.region"() ({
          %run_scoped3A = tpu.sem_alloc : memref<!tpu.dma_semaphore, #tpu.memory_space<semaphore_mem>>
          %dma_start3A_238 = arith.constant 0 : i32
          %dma_start3A_239 = tpu.memref_slice %arg6[%add3A_237, %dma_start3A_238] : memref<40x128xi32, #tpu.memory_space<vmem>> -> memref<1x128xi32, #tpu.memory_space<vmem>>
          %dma_start3A_240 = tpu.memref_squeeze %dma_start3A_239 : memref<1x128xi32, #tpu.memory_space<vmem>> -> memref<128xi32, #tpu.memory_space<vmem>>
          %dma_start3A_241 = arith.constant 0 : i32
          %dma_start3A_242 = arith.constant 0 : i32
          %dma_start3A_243 = tpu.memref_slice %arg9[%dma_start3A_241, %dma_start3A_242] : memref<10240x64xf32, #tpu.memory_space<vmem_shared>> -> memref<10240x64xf32, #tpu.memory_space<vmem_shared>>
          tpu.enqueue_indirect_dma source(%arg8 : memref<128x64xf32, #tpu.memory_space<vmem>>) target(%dma_start3A_243 : memref<10240x64xf32, #tpu.memory_space<vmem_shared>>) offsets(%dma_start3A_240 : memref<128xi32, #tpu.memory_space<vmem>>) semaphore(%run_scoped3A : memref<!tpu.dma_semaphore, #tpu.memory_space<semaphore_mem>>) {add = true}
          %dma_wait3A_244 = arith.constant 0 : i32
          %dma_wait3A_245 = tpu.memref_slice %arg6[%add3A_237, %dma_wait3A_244] : memref<40x128xi32, #tpu.memory_space<vmem>> -> memref<1x128xi32, #tpu.memory_space<vmem>>
          %dma_wait3A_246 = tpu.memref_squeeze %dma_wait3A_245 : memref<1x128xi32, #tpu.memory_space<vmem>> -> memref<128xi32, #tpu.memory_space<vmem>>
          %dma_wait3A_247 = arith.constant 0 : i32
          %dma_wait3A_248 = arith.constant 0 : i32
          %dma_wait3A_249 = tpu.memref_slice %arg9[%dma_wait3A_247, %dma_wait3A_248] : memref<10240x64xf32, #tpu.memory_space<vmem_shared>> -> memref<10240x64xf32, #tpu.memory_space<vmem_shared>>
          tpu.wait_indirect_dma semaphore(%run_scoped3A : memref<!tpu.dma_semaphore, #tpu.memory_space<semaphore_mem>>) src(%arg8 : memref<128x64xf32, #tpu.memory_space<vmem>>) dst(%dma_wait3A_249 : memref<10240x64xf32, #tpu.memory_space<vmem_shared>>)
          tpu.yield
        }) : () -> ()
      }
      %scan3A_203 = arith.constant 19 : i32
    } else {
    }
    %barrier3A_83 = arith.constant 0 : index
    tpu.barrier barrier_id(%barrier3A_83)
    %add3A_84 = arith.constant 0 : i32
    %add3A_85 = arith.addi %mul3A_37, %add3A_84 : i32
    "tpu.region"() ({
      %run_scoped3A = tpu.sem_alloc : memref<!tpu.dma_semaphore, #tpu.memory_space<semaphore_mem>>
      %dma_start3A_174 = arith.constant 0 : i32
      %dma_start3A_175 = tpu.memref_slice %arg9[%add3A_85, %dma_start3A_174] : memref<10240x64xf32, #tpu.memory_space<vmem_shared>> -> memref<128x64xf32, #tpu.memory_space<vmem_shared>>
      %dma_start3A_176 = arith.constant 0 : i32
      %dma_start3A_177 = tpu.memref_slice %arg9[%add3A_85, %dma_start3A_176] : memref<10240x64xf32, #tpu.memory_space<vmem_shared>> -> memref<128x64xf32, #tpu.memory_space<vmem_shared>>
      tpu.enqueue_dma source(%dma_start3A_177 : memref<128x64xf32, #tpu.memory_space<vmem_shared>>) target(%arg7 : memref<128x64xf32, #tpu.memory_space<vmem>>) target_semaphore(%run_scoped3A : memref<!tpu.dma_semaphore, #tpu.memory_space<semaphore_mem>>)
      %dma_wait3A_178 = arith.constant 0 : i32
      %dma_wait3A_179 = tpu.memref_slice %arg9[%add3A_85, %dma_wait3A_178] : memref<10240x64xf32, #tpu.memory_space<vmem_shared>> -> memref<128x64xf32, #tpu.memory_space<vmem_shared>>
      %dma_wait3A_180 = arith.constant 0 : i32
      %dma_wait3A_181 = tpu.memref_slice %arg9[%add3A_85, %dma_wait3A_180] : memref<10240x64xf32, #tpu.memory_space<vmem_shared>> -> memref<128x64xf32, #tpu.memory_space<vmem_shared>>
      tpu.wait_dma2 semaphore(%run_scoped3A : memref<!tpu.dma_semaphore, #tpu.memory_space<semaphore_mem>>) src(%dma_wait3A_181 : memref<128x64xf32, #tpu.memory_space<vmem_shared>>) dst(%arg7 : memref<128x64xf32, #tpu.memory_space<vmem>>)
      tpu.yield
    }) : () -> ()
    %add3A_86 = arith.constant 0 : i32
    %add3A_87 = arith.addi %mul3A_37, %add3A_86 : i32
    %dma_start3A_88 = arith.constant 0 : i32
    %dma_start3A_89 = tpu.memref_slice %arg4[%arg0, %add3A_87, %dma_start3A_88] : memref<2x10240x64xf32, #tpu.memory_space<hbm>> -> memref<1x128x64xf32, #tpu.memory_space<hbm>>
    %dma_start3A_90 = tpu.memref_squeeze %dma_start3A_89 : memref<1x128x64xf32, #tpu.memory_space<hbm>> -> memref<128x64xf32, #tpu.memory_space<hbm>>
    %dma_start3A_91 = arith.constant 0 : i32
    %dma_start3A_92 = tpu.memref_slice %arg4[%arg0, %add3A_87, %dma_start3A_91] : memref<2x10240x64xf32, #tpu.memory_space<hbm>> -> memref<1x128x64xf32, #tpu.memory_space<hbm>>
    %dma_start3A_93 = tpu.memref_squeeze %dma_start3A_92 : memref<1x128x64xf32, #tpu.memory_space<hbm>> -> memref<128x64xf32, #tpu.memory_space<hbm>>
    tpu.enqueue_dma source(%arg7 : memref<128x64xf32, #tpu.memory_space<vmem>>) target(%dma_start3A_93 : memref<128x64xf32, #tpu.memory_space<hbm>>) target_semaphore(%arg10 : memref<!tpu.dma_semaphore, #tpu.memory_space<semaphore_mem>>)
    %add3A_94 = arith.constant 128 : i32
    %add3A_95 = arith.addi %mul3A_37, %add3A_94 : i32
    "tpu.region"() ({
      %run_scoped3A = tpu.sem_alloc : memref<!tpu.dma_semaphore, #tpu.memory_space<semaphore_mem>>
      %dma_start3A_174 = arith.constant 0 : i32
      %dma_start3A_175 = tpu.memref_slice %arg9[%add3A_95, %dma_start3A_174] : memref<10240x64xf32, #tpu.memory_space<vmem_shared>> -> memref<128x64xf32, #tpu.memory_space<vmem_shared>>
      %dma_start3A_176 = arith.constant 0 : i32
      %dma_start3A_177 = tpu.memref_slice %arg9[%add3A_95, %dma_start3A_176] : memref<10240x64xf32, #tpu.memory_space<vmem_shared>> -> memref<128x64xf32, #tpu.memory_space<vmem_shared>>
      tpu.enqueue_dma source(%dma_start3A_177 : memref<128x64xf32, #tpu.memory_space<vmem_shared>>) target(%arg8 : memref<128x64xf32, #tpu.memory_space<vmem>>) target_semaphore(%run_scoped3A : memref<!tpu.dma_semaphore, #tpu.memory_space<semaphore_mem>>)
      %dma_wait3A_178 = arith.constant 0 : i32
      %dma_wait3A_179 = tpu.memref_slice %arg9[%add3A_95, %dma_wait3A_178] : memref<10240x64xf32, #tpu.memory_space<vmem_shared>> -> memref<128x64xf32, #tpu.memory_space<vmem_shared>>
      %dma_wait3A_180 = arith.constant 0 : i32
      %dma_wait3A_181 = tpu.memref_slice %arg9[%add3A_95, %dma_wait3A_180] : memref<10240x64xf32, #tpu.memory_space<vmem_shared>> -> memref<128x64xf32, #tpu.memory_space<vmem_shared>>
      tpu.wait_dma2 semaphore(%run_scoped3A : memref<!tpu.dma_semaphore, #tpu.memory_space<semaphore_mem>>) src(%dma_wait3A_181 : memref<128x64xf32, #tpu.memory_space<vmem_shared>>) dst(%arg8 : memref<128x64xf32, #tpu.memory_space<vmem>>)
      tpu.yield
    }) : () -> ()
    %add3A_96 = arith.constant 128 : i32
    %add3A_97 = arith.addi %mul3A_37, %add3A_96 : i32
    %dma_start3A_98 = arith.constant 0 : i32
    %dma_start3A_99 = tpu.memref_slice %arg4[%arg0, %add3A_97, %dma_start3A_98] : memref<2x10240x64xf32, #tpu.memory_space<hbm>> -> memref<1x128x64xf32, #tpu.memory_space<hbm>>
    %dma_start3A_100 = tpu.memref_squeeze %dma_start3A_99 : memref<1x128x64xf32, #tpu.memory_space<hbm>> -> memref<128x64xf32, #tpu.memory_space<hbm>>
    %dma_start3A_101 = arith.constant 0 : i32
    %dma_start3A_102 = tpu.memref_slice %arg4[%arg0, %add3A_97, %dma_start3A_101] : memref<2x10240x64xf32, #tpu.memory_space<hbm>> -> memref<1x128x64xf32, #tpu.memory_space<hbm>>
    %dma_start3A_103 = tpu.memref_squeeze %dma_start3A_102 : memref<1x128x64xf32, #tpu.memory_space<hbm>> -> memref<128x64xf32, #tpu.memory_space<hbm>>
    tpu.enqueue_dma source(%arg8 : memref<128x64xf32, #tpu.memory_space<vmem>>) target(%dma_start3A_103 : memref<128x64xf32, #tpu.memory_space<hbm>>) target_semaphore(%arg11 : memref<!tpu.dma_semaphore, #tpu.memory_space<semaphore_mem>>)
    %add3A_104 = arith.constant 0 : i32
    %add3A_105 = arith.addi %mul3A_37, %add3A_104 : i32
    %dma_wait3A_106 = arith.constant 0 : i32
    %dma_wait3A_107 = tpu.memref_slice %arg4[%arg0, %add3A_105, %dma_wait3A_106] : memref<2x10240x64xf32, #tpu.memory_space<hbm>> -> memref<1x128x64xf32, #tpu.memory_space<hbm>>
    %dma_wait3A_108 = tpu.memref_squeeze %dma_wait3A_107 : memref<1x128x64xf32, #tpu.memory_space<hbm>> -> memref<128x64xf32, #tpu.memory_space<hbm>>
    %dma_wait3A_109 = arith.constant 0 : i32
    %dma_wait3A_110 = tpu.memref_slice %arg4[%arg0, %add3A_105, %dma_wait3A_109] : memref<2x10240x64xf32, #tpu.memory_space<hbm>> -> memref<1x128x64xf32, #tpu.memory_space<hbm>>
    %dma_wait3A_111 = tpu.memref_squeeze %dma_wait3A_110 : memref<1x128x64xf32, #tpu.memory_space<hbm>> -> memref<128x64xf32, #tpu.memory_space<hbm>>
    tpu.wait_dma2 semaphore(%arg10 : memref<!tpu.dma_semaphore, #tpu.memory_space<semaphore_mem>>) src(%arg7 : memref<128x64xf32, #tpu.memory_space<vmem>>) dst(%dma_wait3A_111 : memref<128x64xf32, #tpu.memory_space<hbm>>)
    %add3A_112 = arith.constant 256 : i32
    %add3A_113 = arith.addi %mul3A_37, %add3A_112 : i32
    "tpu.region"() ({
      %run_scoped3A = tpu.sem_alloc : memref<!tpu.dma_semaphore, #tpu.memory_space<semaphore_mem>>
      %dma_start3A_174 = arith.constant 0 : i32
      %dma_start3A_175 = tpu.memref_slice %arg9[%add3A_113, %dma_start3A_174] : memref<10240x64xf32, #tpu.memory_space<vmem_shared>> -> memref<128x64xf32, #tpu.memory_space<vmem_shared>>
      %dma_start3A_176 = arith.constant 0 : i32
      %dma_start3A_177 = tpu.memref_slice %arg9[%add3A_113, %dma_start3A_176] : memref<10240x64xf32, #tpu.memory_space<vmem_shared>> -> memref<128x64xf32, #tpu.memory_space<vmem_shared>>
      tpu.enqueue_dma source(%dma_start3A_177 : memref<128x64xf32, #tpu.memory_space<vmem_shared>>) target(%arg7 : memref<128x64xf32, #tpu.memory_space<vmem>>) target_semaphore(%run_scoped3A : memref<!tpu.dma_semaphore, #tpu.memory_space<semaphore_mem>>)
      %dma_wait3A_178 = arith.constant 0 : i32
      %dma_wait3A_179 = tpu.memref_slice %arg9[%add3A_113, %dma_wait3A_178] : memref<10240x64xf32, #tpu.memory_space<vmem_shared>> -> memref<128x64xf32, #tpu.memory_space<vmem_shared>>
      %dma_wait3A_180 = arith.constant 0 : i32
      %dma_wait3A_181 = tpu.memref_slice %arg9[%add3A_113, %dma_wait3A_180] : memref<10240x64xf32, #tpu.memory_space<vmem_shared>> -> memref<128x64xf32, #tpu.memory_space<vmem_shared>>
      tpu.wait_dma2 semaphore(%run_scoped3A : memref<!tpu.dma_semaphore, #tpu.memory_space<semaphore_mem>>) src(%dma_wait3A_181 : memref<128x64xf32, #tpu.memory_space<vmem_shared>>) dst(%arg7 : memref<128x64xf32, #tpu.memory_space<vmem>>)
      tpu.yield
    }) : () -> ()
    %add3A_114 = arith.constant 256 : i32
    %add3A_115 = arith.addi %mul3A_37, %add3A_114 : i32
    %dma_start3A_116 = arith.constant 0 : i32
    %dma_start3A_117 = tpu.memref_slice %arg4[%arg0, %add3A_115, %dma_start3A_116] : memref<2x10240x64xf32, #tpu.memory_space<hbm>> -> memref<1x128x64xf32, #tpu.memory_space<hbm>>
    %dma_start3A_118 = tpu.memref_squeeze %dma_start3A_117 : memref<1x128x64xf32, #tpu.memory_space<hbm>> -> memref<128x64xf32, #tpu.memory_space<hbm>>
    %dma_start3A_119 = arith.constant 0 : i32
    %dma_start3A_120 = tpu.memref_slice %arg4[%arg0, %add3A_115, %dma_start3A_119] : memref<2x10240x64xf32, #tpu.memory_space<hbm>> -> memref<1x128x64xf32, #tpu.memory_space<hbm>>
    %dma_start3A_121 = tpu.memref_squeeze %dma_start3A_120 : memref<1x128x64xf32, #tpu.memory_space<hbm>> -> memref<128x64xf32, #tpu.memory_space<hbm>>
    tpu.enqueue_dma source(%arg7 : memref<128x64xf32, #tpu.memory_space<vmem>>) target(%dma_start3A_121 : memref<128x64xf32, #tpu.memory_space<hbm>>) target_semaphore(%arg10 : memref<!tpu.dma_semaphore, #tpu.memory_space<semaphore_mem>>)
    %add3A_122 = arith.constant 128 : i32
    %add3A_123 = arith.addi %mul3A_37, %add3A_122 : i32
    %dma_wait3A_124 = arith.constant 0 : i32
    %dma_wait3A_125 = tpu.memref_slice %arg4[%arg0, %add3A_123, %dma_wait3A_124] : memref<2x10240x64xf32, #tpu.memory_space<hbm>> -> memref<1x128x64xf32, #tpu.memory_space<hbm>>
    %dma_wait3A_126 = tpu.memref_squeeze %dma_wait3A_125 : memref<1x128x64xf32, #tpu.memory_space<hbm>> -> memref<128x64xf32, #tpu.memory_space<hbm>>
    %dma_wait3A_127 = arith.constant 0 : i32
    %dma_wait3A_128 = tpu.memref_slice %arg4[%arg0, %add3A_123, %dma_wait3A_127] : memref<2x10240x64xf32, #tpu.memory_space<hbm>> -> memref<1x128x64xf32, #tpu.memory_space<hbm>>
    %dma_wait3A_129 = tpu.memref_squeeze %dma_wait3A_128 : memref<1x128x64xf32, #tpu.memory_space<hbm>> -> memref<128x64xf32, #tpu.memory_space<hbm>>
    tpu.wait_dma2 semaphore(%arg11 : memref<!tpu.dma_semaphore, #tpu.memory_space<semaphore_mem>>) src(%arg8 : memref<128x64xf32, #tpu.memory_space<vmem>>) dst(%dma_wait3A_129 : memref<128x64xf32, #tpu.memory_space<hbm>>)
    %add3A_130 = arith.constant 384 : i32
    %add3A_131 = arith.addi %mul3A_37, %add3A_130 : i32
    "tpu.region"() ({
      %run_scoped3A = tpu.sem_alloc : memref<!tpu.dma_semaphore, #tpu.memory_space<semaphore_mem>>
      %dma_start3A_174 = arith.constant 0 : i32
      %dma_start3A_175 = tpu.memref_slice %arg9[%add3A_131, %dma_start3A_174] : memref<10240x64xf32, #tpu.memory_space<vmem_shared>> -> memref<128x64xf32, #tpu.memory_space<vmem_shared>>
      %dma_start3A_176 = arith.constant 0 : i32
      %dma_start3A_177 = tpu.memref_slice %arg9[%add3A_131, %dma_start3A_176] : memref<10240x64xf32, #tpu.memory_space<vmem_shared>> -> memref<128x64xf32, #tpu.memory_space<vmem_shared>>
      tpu.enqueue_dma source(%dma_start3A_177 : memref<128x64xf32, #tpu.memory_space<vmem_shared>>) target(%arg8 : memref<128x64xf32, #tpu.memory_space<vmem>>) target_semaphore(%run_scoped3A : memref<!tpu.dma_semaphore, #tpu.memory_space<semaphore_mem>>)
      %dma_wait3A_178 = arith.constant 0 : i32
      %dma_wait3A_179 = tpu.memref_slice %arg9[%add3A_131, %dma_wait3A_178] : memref<10240x64xf32, #tpu.memory_space<vmem_shared>> -> memref<128x64xf32, #tpu.memory_space<vmem_shared>>
      %dma_wait3A_180 = arith.constant 0 : i32
      %dma_wait3A_181 = tpu.memref_slice %arg9[%add3A_131, %dma_wait3A_180] : memref<10240x64xf32, #tpu.memory_space<vmem_shared>> -> memref<128x64xf32, #tpu.memory_space<vmem_shared>>
      tpu.wait_dma2 semaphore(%run_scoped3A : memref<!tpu.dma_semaphore, #tpu.memory_space<semaphore_mem>>) src(%dma_wait3A_181 : memref<128x64xf32, #tpu.memory_space<vmem_shared>>) dst(%arg8 : memref<128x64xf32, #tpu.memory_space<vmem>>)
      tpu.yield
    }) : () -> ()
    %add3A_132 = arith.constant 384 : i32
    %add3A_133 = arith.addi %mul3A_37, %add3A_132 : i32
    %dma_start3A_134 = arith.constant 0 : i32
    %dma_start3A_135 = tpu.memref_slice %arg4[%arg0, %add3A_133, %dma_start3A_134] : memref<2x10240x64xf32, #tpu.memory_space<hbm>> -> memref<1x128x64xf32, #tpu.memory_space<hbm>>
    %dma_start3A_136 = tpu.memref_squeeze %dma_start3A_135 : memref<1x128x64xf32, #tpu.memory_space<hbm>> -> memref<128x64xf32, #tpu.memory_space<hbm>>
    %dma_start3A_137 = arith.constant 0 : i32
    %dma_start3A_138 = tpu.memref_slice %arg4[%arg0, %add3A_133, %dma_start3A_137] : memref<2x10240x64xf32, #tpu.memory_space<hbm>> -> memref<1x128x64xf32, #tpu.memory_space<hbm>>
    %dma_start3A_139 = tpu.memref_squeeze %dma_start3A_138 : memref<1x128x64xf32, #tpu.memory_space<hbm>> -> memref<128x64xf32, #tpu.memory_space<hbm>>
    tpu.enqueue_dma source(%arg8 : memref<128x64xf32, #tpu.memory_space<vmem>>) target(%dma_start3A_139 : memref<128x64xf32, #tpu.memory_space<hbm>>) target_semaphore(%arg11 : memref<!tpu.dma_semaphore, #tpu.memory_space<semaphore_mem>>)
    %add3A_140 = arith.constant 256 : i32
    %add3A_141 = arith.addi %mul3A_37, %add3A_140 : i32
    %dma_wait3A_142 = arith.constant 0 : i32
    %dma_wait3A_143 = tpu.memref_slice %arg4[%arg0, %add3A_141, %dma_wait3A_142] : memref<2x10240x64xf32, #tpu.memory_space<hbm>> -> memref<1x128x64xf32, #tpu.memory_space<hbm>>
    %dma_wait3A_144 = tpu.memref_squeeze %dma_wait3A_143 : memref<1x128x64xf32, #tpu.memory_space<hbm>> -> memref<128x64xf32, #tpu.memory_space<hbm>>
    %dma_wait3A_145 = arith.constant 0 : i32
    %dma_wait3A_146 = tpu.memref_slice %arg4[%arg0, %add3A_141, %dma_wait3A_145] : memref<2x10240x64xf32, #tpu.memory_space<hbm>> -> memref<1x128x64xf32, #tpu.memory_space<hbm>>
    %dma_wait3A_147 = tpu.memref_squeeze %dma_wait3A_146 : memref<1x128x64xf32, #tpu.memory_space<hbm>> -> memref<128x64xf32, #tpu.memory_space<hbm>>
    tpu.wait_dma2 semaphore(%arg10 : memref<!tpu.dma_semaphore, #tpu.memory_space<semaphore_mem>>) src(%arg7 : memref<128x64xf32, #tpu.memory_space<vmem>>) dst(%dma_wait3A_147 : memref<128x64xf32, #tpu.memory_space<hbm>>)
    %add3A_148 = arith.constant 512 : i32
    %add3A_149 = arith.addi %mul3A_37, %add3A_148 : i32
    "tpu.region"() ({
      %run_scoped3A = tpu.sem_alloc : memref<!tpu.dma_semaphore, #tpu.memory_space<semaphore_mem>>
      %dma_start3A_174 = arith.constant 0 : i32
      %dma_start3A_175 = tpu.memref_slice %arg9[%add3A_149, %dma_start3A_174] : memref<10240x64xf32, #tpu.memory_space<vmem_shared>> -> memref<128x64xf32, #tpu.memory_space<vmem_shared>>
      %dma_start3A_176 = arith.constant 0 : i32
      %dma_start3A_177 = tpu.memref_slice %arg9[%add3A_149, %dma_start3A_176] : memref<10240x64xf32, #tpu.memory_space<vmem_shared>> -> memref<128x64xf32, #tpu.memory_space<vmem_shared>>
      tpu.enqueue_dma source(%dma_start3A_177 : memref<128x64xf32, #tpu.memory_space<vmem_shared>>) target(%arg7 : memref<128x64xf32, #tpu.memory_space<vmem>>) target_semaphore(%run_scoped3A : memref<!tpu.dma_semaphore, #tpu.memory_space<semaphore_mem>>)
      %dma_wait3A_178 = arith.constant 0 : i32
      %dma_wait3A_179 = tpu.memref_slice %arg9[%add3A_149, %dma_wait3A_178] : memref<10240x64xf32, #tpu.memory_space<vmem_shared>> -> memref<128x64xf32, #tpu.memory_space<vmem_shared>>
      %dma_wait3A_180 = arith.constant 0 : i32
      %dma_wait3A_181 = tpu.memref_slice %arg9[%add3A_149, %dma_wait3A_180] : memref<10240x64xf32, #tpu.memory_space<vmem_shared>> -> memref<128x64xf32, #tpu.memory_space<vmem_shared>>
      tpu.wait_dma2 semaphore(%run_scoped3A : memref<!tpu.dma_semaphore, #tpu.memory_space<semaphore_mem>>) src(%dma_wait3A_181 : memref<128x64xf32, #tpu.memory_space<vmem_shared>>) dst(%arg7 : memref<128x64xf32, #tpu.memory_space<vmem>>)
      tpu.yield
    }) : () -> ()
    %add3A_150 = arith.constant 512 : i32
    %add3A_151 = arith.addi %mul3A_37, %add3A_150 : i32
    %dma_start3A_152 = arith.constant 0 : i32
    %dma_start3A_153 = tpu.memref_slice %arg4[%arg0, %add3A_151, %dma_start3A_152] : memref<2x10240x64xf32, #tpu.memory_space<hbm>> -> memref<1x128x64xf32, #tpu.memory_space<hbm>>
    %dma_start3A_154 = tpu.memref_squeeze %dma_start3A_153 : memref<1x128x64xf32, #tpu.memory_space<hbm>> -> memref<128x64xf32, #tpu.memory_space<hbm>>
    %dma_start3A_155 = arith.constant 0 : i32
    %dma_start3A_156 = tpu.memref_slice %arg4[%arg0, %add3A_151, %dma_start3A_155] : memref<2x10240x64xf32, #tpu.memory_space<hbm>> -> memref<1x128x64xf32, #tpu.memory_space<hbm>>
    %dma_start3A_157 = tpu.memref_squeeze %dma_start3A_156 : memref<1x128x64xf32, #tpu.memory_space<hbm>> -> memref<128x64xf32, #tpu.memory_space<hbm>>
    tpu.enqueue_dma source(%arg7 : memref<128x64xf32, #tpu.memory_space<vmem>>) target(%dma_start3A_157 : memref<128x64xf32, #tpu.memory_space<hbm>>) target_semaphore(%arg10 : memref<!tpu.dma_semaphore, #tpu.memory_space<semaphore_mem>>)
    %add3A_158 = arith.constant 384 : i32
    %add3A_159 = arith.addi %mul3A_37, %add3A_158 : i32
    %dma_wait3A_160 = arith.constant 0 : i32
    %dma_wait3A_161 = tpu.memref_slice %arg4[%arg0, %add3A_159, %dma_wait3A_160] : memref<2x10240x64xf32, #tpu.memory_space<hbm>> -> memref<1x128x64xf32, #tpu.memory_space<hbm>>
    %dma_wait3A_162 = tpu.memref_squeeze %dma_wait3A_161 : memref<1x128x64xf32, #tpu.memory_space<hbm>> -> memref<128x64xf32, #tpu.memory_space<hbm>>
    %dma_wait3A_163 = arith.constant 0 : i32
    %dma_wait3A_164 = tpu.memref_slice %arg4[%arg0, %add3A_159, %dma_wait3A_163] : memref<2x10240x64xf32, #tpu.memory_space<hbm>> -> memref<1x128x64xf32, #tpu.memory_space<hbm>>
    %dma_wait3A_165 = tpu.memref_squeeze %dma_wait3A_164 : memref<1x128x64xf32, #tpu.memory_space<hbm>> -> memref<128x64xf32, #tpu.memory_space<hbm>>
    tpu.wait_dma2 semaphore(%arg11 : memref<!tpu.dma_semaphore, #tpu.memory_space<semaphore_mem>>) src(%arg8 : memref<128x64xf32, #tpu.memory_space<vmem>>) dst(%dma_wait3A_165 : memref<128x64xf32, #tpu.memory_space<hbm>>)
    %add3A_166 = arith.constant 512 : i32
    %add3A_167 = arith.addi %mul3A_37, %add3A_166 : i32
    %dma_wait3A_168 = arith.constant 0 : i32
    %dma_wait3A_169 = tpu.memref_slice %arg4[%arg0, %add3A_167, %dma_wait3A_168] : memref<2x10240x64xf32, #tpu.memory_space<hbm>> -> memref<1x128x64xf32, #tpu.memory_space<hbm>>
    %dma_wait3A_170 = tpu.memref_squeeze %dma_wait3A_169 : memref<1x128x64xf32, #tpu.memory_space<hbm>> -> memref<128x64xf32, #tpu.memory_space<hbm>>
    %dma_wait3A_171 = arith.constant 0 : i32
    %dma_wait3A_172 = tpu.memref_slice %arg4[%arg0, %add3A_167, %dma_wait3A_171] : memref<2x10240x64xf32, #tpu.memory_space<hbm>> -> memref<1x128x64xf32, #tpu.memory_space<hbm>>
    %dma_wait3A_173 = tpu.memref_squeeze %dma_wait3A_172 : memref<1x128x64xf32, #tpu.memory_space<hbm>> -> memref<128x64xf32, #tpu.memory_space<hbm>>
    tpu.wait_dma2 semaphore(%arg10 : memref<!tpu.dma_semaphore, #tpu.memory_space<semaphore_mem>>) src(%arg7 : memref<128x64xf32, #tpu.memory_space<vmem>>) dst(%dma_wait3A_173 : memref<128x64xf32, #tpu.memory_space<hbm>>)
    return
  }
}

module attributes {stable_mosaic.version = 14 : i64} {
  func.func @body(%arg0: i32, %arg1: memref<2x1000x128xf32, #tpu.memory_space<vmem>>, %arg2: memref<1x128xf32, #tpu.memory_space<vmem>>, %arg3: memref<128x128xf32, #tpu.memory_space<vmem>>, %arg4: memref<1000x128xf32, #tpu.memory_space<vmem>>) attributes {dimension_semantics = [#tpu.dimension_semantics<arbitrary>], iteration_bounds = array<i64: 10>, scalar_prefetch = 0 : i64, scratch_operands = 0 : i64, tpu.core_type = #tpu.core_type<tc>, window_params = [{transform_indices = @transform_0, window_bounds = array<i64: 2, 1000, 128>}, {pipeline_mode = #tpu.pipeline_mode<synchronous>, transform_indices = @transform_1, window_bounds = array<i64: 1, 128>}, {pipeline_mode = #tpu.pipeline_mode<synchronous>, transform_indices = @transform_2, window_bounds = array<i64: 128, 128>}, {transform_indices = @transform_3, window_bounds = array<i64: 1000, 128>}]} {
    %get3A = arith.constant 0 : index
    %get3A_0 = arith.constant 0 : index
    %get3A_1 = arith.constant 0 : index
    %get3A_2 = vector.load %arg1[%get3A, %get3A_0, %get3A_1] : memref<2x1000x128xf32, #tpu.memory_space<vmem>>, vector<1x1000x128xf32>
    %get3A_3 = vector.shape_cast %get3A_2 : vector<1x1000x128xf32> to vector<1000x128xf32>
    %get3A_4 = arith.constant 1 : index
    %get3A_5 = arith.constant 0 : index
    %get3A_6 = arith.constant 0 : index
    %get3A_7 = vector.load %arg1[%get3A_4, %get3A_5, %get3A_6] : memref<2x1000x128xf32, #tpu.memory_space<vmem>>, vector<1x1000x128xf32>
    %get3A_8 = vector.shape_cast %get3A_7 : vector<1x1000x128xf32> to vector<1000x128xf32>
    %add3A = arith.addf %get3A_3, %get3A_8 : vector<1000x128xf32>
    %get3A_9 = arith.constant 0 : index
    %get3A_10 = arith.constant 0 : index
    %get3A_11 = vector.load %arg2[%get3A_9, %get3A_10] : memref<1x128xf32, #tpu.memory_space<vmem>>, vector<1x128xf32>
    %add3A_12 = vector.broadcast %get3A_11 : vector<1x128xf32> to vector<1000x128xf32>
    %add3A_13 = arith.addf %add3A, %add3A_12 : vector<1000x128xf32>
    %get3A_14 = arith.constant 0 : index
    %get3A_15 = arith.constant 0 : index
    %get3A_16 = vector.load %arg3[%get3A_14, %get3A_15] : memref<128x128xf32, #tpu.memory_space<vmem>>, vector<128x128xf32>
    %dot_general3A = arith.constant dense<0.000000e+00> : vector<1000x128xf32>
    %dot_general3A_17 = tpu.matmul %add3A_13, %get3A_16, %dot_general3A {dimension_numbers = #tpu.dot_dimension_numbers<[1], [0], [0], [1], [0, 0, 1, 1], [], []>, transpose_lhs_hint = false} : vector<1000x128xf32>, vector<128x128xf32>, vector<1000x128xf32> -> vector<1000x128xf32>
    %swap3A = arith.constant 0 : index
    %swap3A_18 = arith.constant 0 : index
    %swap3A_19 = vector.load %arg4[%swap3A, %swap3A_18] : memref<1000x128xf32, #tpu.memory_space<vmem>>, vector<1000x128xf32>
    tpu.vector_store %arg4[%swap3A, %swap3A_18], %dot_general3A_17 {strides = array<i32>} : memref<1000x128xf32, #tpu.memory_space<vmem>>, vector<1000x128xf32>,
    return
  }
  func.func @transform_0(%arg0: i32) -> (i32, i32, i32) {
    %c0_i32 = arith.constant 0 : i32
    %c0_i32_0 = arith.constant 0 : i32
    %c0_i32_1 = arith.constant 0 : i32
    return %c0_i32, %arg0, %c0_i32_0 : i32, i32, i32
  }
  func.func @transform_1(%arg0: i32) -> (i32, i32) {
    %c0_i32 = arith.constant 0 : i32
    %c0_i32_0 = arith.constant 0 : i32
    %c0_i32_1 = arith.constant 0 : i32
    return %c0_i32, %c0_i32_0 : i32, i32
  }
  func.func @transform_2(%arg0: i32) -> (i32, i32) {
    %c0_i32 = arith.constant 0 : i32
    %c0_i32_0 = arith.constant 0 : i32
    %c0_i32_1 = arith.constant 0 : i32
    return %c0_i32, %c0_i32_0 : i32, i32
  }
  func.func @transform_3(%arg0: i32) -> (i32, i32) {
    %c0_i32 = arith.constant 0 : i32
    %c0_i32_0 = arith.constant 0 : i32
    return %arg0, %c0_i32 : i32, i32
  }
}

module attributes {stable_mosaic.version = 14 : i64} {
  func.func @body(%arg0: i32, %arg1: memref<1000x128xf32, #tpu.memory_space<vmem>>, %arg2: memref<128x128xf32, #tpu.memory_space<vmem>>, %arg3: memref<1000x128xf32, #tpu.memory_space<vmem>>) attributes {dimension_semantics = [#tpu.dimension_semantics<arbitrary>], iteration_bounds = array<i64: 10>, scalar_prefetch = 0 : i64, scratch_operands = 0 : i64, tpu.core_type = #tpu.core_type<tc>, window_params = [{transform_indices = @transform_0, window_bounds = array<i64: 1000, 128>}, {pipeline_mode = #tpu.pipeline_mode<synchronous>, transform_indices = @transform_1, window_bounds = array<i64: 128, 128>}, {transform_indices = @transform_2, window_bounds = array<i64: 1000, 128>}]} {
    %get3A = arith.constant 0 : index
    %get3A_0 = arith.constant 0 : index
    %get3A_1 = vector.load %arg1[%get3A, %get3A_0] : memref<1000x128xf32, #tpu.memory_space<vmem>>, vector<1000x128xf32>
    %get3A_2 = arith.constant 0 : index
    %get3A_3 = arith.constant 0 : index
    %get3A_4 = vector.load %arg2[%get3A_2, %get3A_3] : memref<128x128xf32, #tpu.memory_space<vmem>>, vector<128x128xf32>
    %dot_general3A = arith.constant dense<0.000000e+00> : vector<1000x128xf32>
    %dot_general3A_5 = tpu.matmul %get3A_1, %get3A_4, %dot_general3A {dimension_numbers = #tpu.dot_dimension_numbers<[1], [0], [0], [1], [0, 0, 1, 1], [], []>, transpose_lhs_hint = false} : vector<1000x128xf32>, vector<128x128xf32>, vector<1000x128xf32> -> vector<1000x128xf32>
    %swap3A = arith.constant 0 : index
    %swap3A_6 = arith.constant 0 : index
    %swap3A_7 = vector.load %arg3[%swap3A, %swap3A_6] : memref<1000x128xf32, #tpu.memory_space<vmem>>, vector<1000x128xf32>
    tpu.vector_store %arg3[%swap3A, %swap3A_6], %dot_general3A_5 {strides = array<i32>} : memref<1000x128xf32, #tpu.memory_space<vmem>>, vector<1000x128xf32>,
    return
  }
  func.func @transform_0(%arg0: i32) -> (i32, i32) {
    %c0_i32 = arith.constant 0 : i32
    %c0_i32_0 = arith.constant 0 : i32
    return %arg0, %c0_i32 : i32, i32
  }
  func.func @transform_1(%arg0: i32) -> (i32, i32) {
    %c0_i32 = arith.constant 0 : i32
    %c0_i32_0 = arith.constant 0 : i32
    %c0_i32_1 = arith.constant 0 : i32
    return %c0_i32, %c0_i32_0 : i32, i32
  }
  func.func @transform_2(%arg0: i32) -> (i32, i32) {
    %c0_i32 = arith.constant 0 : i32
    %c0_i32_0 = arith.constant 0 : i32
    return %arg0, %c0_i32 : i32, i32
  }
}

module attributes {stable_mosaic.version = 14 : i64} {
  func.func @body(%arg0: i32, %arg1: memref<2x1000x128xf32, #tpu.memory_space<vmem>>, %arg2: memref<1x128xf32, #tpu.memory_space<vmem>>, %arg3: memref<128x64xf32, #tpu.memory_space<vmem>>, %arg4: memref<1000x64xf32, #tpu.memory_space<vmem>>) attributes {dimension_semantics = [#tpu.dimension_semantics<arbitrary>], iteration_bounds = array<i64: 10>, scalar_prefetch = 0 : i64, scratch_operands = 0 : i64, tpu.core_type = #tpu.core_type<tc>, window_params = [{transform_indices = @transform_0, window_bounds = array<i64: 2, 1000, 128>}, {pipeline_mode = #tpu.pipeline_mode<synchronous>, transform_indices = @transform_1, window_bounds = array<i64: 1, 128>}, {pipeline_mode = #tpu.pipeline_mode<synchronous>, transform_indices = @transform_2, window_bounds = array<i64: 128, 64>}, {transform_indices = @transform_3, window_bounds = array<i64: 1000, 64>}]} {
    %get3A = arith.constant 0 : index
    %get3A_0 = arith.constant 0 : index
    %get3A_1 = arith.constant 0 : index
    %get3A_2 = vector.load %arg1[%get3A, %get3A_0, %get3A_1] : memref<2x1000x128xf32, #tpu.memory_space<vmem>>, vector<1x1000x128xf32>
    %get3A_3 = vector.shape_cast %get3A_2 : vector<1x1000x128xf32> to vector<1000x128xf32>
    %get3A_4 = arith.constant 1 : index
    %get3A_5 = arith.constant 0 : index
    %get3A_6 = arith.constant 0 : index
    %get3A_7 = vector.load %arg1[%get3A_4, %get3A_5, %get3A_6] : memref<2x1000x128xf32, #tpu.memory_space<vmem>>, vector<1x1000x128xf32>
    %get3A_8 = vector.shape_cast %get3A_7 : vector<1x1000x128xf32> to vector<1000x128xf32>
    %add3A = arith.addf %get3A_3, %get3A_8 : vector<1000x128xf32>
    %get3A_9 = arith.constant 0 : index
    %get3A_10 = arith.constant 0 : index
    %get3A_11 = vector.load %arg2[%get3A_9, %get3A_10] : memref<1x128xf32, #tpu.memory_space<vmem>>, vector<1x128xf32>
    %add3A_12 = vector.broadcast %get3A_11 : vector<1x128xf32> to vector<1000x128xf32>
    %add3A_13 = arith.addf %add3A, %add3A_12 : vector<1000x128xf32>
    %get3A_14 = arith.constant 0 : index
    %get3A_15 = arith.constant 0 : index
    %get3A_16 = vector.load %arg3[%get3A_14, %get3A_15] : memref<128x64xf32, #tpu.memory_space<vmem>>, vector<128x64xf32>
    %dot_general3A = arith.constant dense<0.000000e+00> : vector<1000x64xf32>
    %dot_general3A_17 = tpu.matmul %add3A_13, %get3A_16, %dot_general3A {dimension_numbers = #tpu.dot_dimension_numbers<[1], [0], [0], [1], [0, 0, 1, 1], [], []>, transpose_lhs_hint = false} : vector<1000x128xf32>, vector<128x64xf32>, vector<1000x64xf32> -> vector<1000x64xf32>
    %swap3A = arith.constant 0 : index
    %swap3A_18 = arith.constant 0 : index
    %swap3A_19 = vector.load %arg4[%swap3A, %swap3A_18] : memref<1000x64xf32, #tpu.memory_space<vmem>>, vector<1000x64xf32>
    tpu.vector_store %arg4[%swap3A, %swap3A_18], %dot_general3A_17 {strides = array<i32>} : memref<1000x64xf32, #tpu.memory_space<vmem>>, vector<1000x64xf32>,
    return
  }
  func.func @transform_0(%arg0: i32) -> (i32, i32, i32) {
    %c0_i32 = arith.constant 0 : i32
    %c0_i32_0 = arith.constant 0 : i32
    %c0_i32_1 = arith.constant 0 : i32
    return %c0_i32, %arg0, %c0_i32_0 : i32, i32, i32
  }
  func.func @transform_1(%arg0: i32) -> (i32, i32) {
    %c0_i32 = arith.constant 0 : i32
    %c0_i32_0 = arith.constant 0 : i32
    %c0_i32_1 = arith.constant 0 : i32
    return %c0_i32, %c0_i32_0 : i32, i32
  }
  func.func @transform_2(%arg0: i32) -> (i32, i32) {
    %c0_i32 = arith.constant 0 : i32
    %c0_i32_0 = arith.constant 0 : i32
    %c0_i32_1 = arith.constant 0 : i32
    return %c0_i32, %c0_i32_0 : i32, i32
  }
  func.func @transform_3(%arg0: i32) -> (i32, i32) {
    %c0_i32 = arith.constant 0 : i32
    %c0_i32_0 = arith.constant 0 : i32
    return %arg0, %c0_i32 : i32, i32
  }
}

module attributes {stable_mosaic.version = 14 : i64} {
  func.func @body(%arg0: i32, %arg1: memref<2x1000x64xf32, #tpu.memory_space<vmem>>, %arg2: memref<1x64xf32, #tpu.memory_space<vmem>>, %arg3: memref<1000x64xf32, #tpu.memory_space<vmem>>) attributes {dimension_semantics = [#tpu.dimension_semantics<arbitrary>], iteration_bounds = array<i64: 10>, scalar_prefetch = 0 : i64, scratch_operands = 0 : i64, tpu.core_type = #tpu.core_type<tc>, window_params = [{transform_indices = @transform_0, window_bounds = array<i64: 2, 1000, 64>}, {pipeline_mode = #tpu.pipeline_mode<synchronous>, transform_indices = @transform_1, window_bounds = array<i64: 1, 64>}, {transform_indices = @transform_2, window_bounds = array<i64: 1000, 64>}]} {
    %get3A = arith.constant 0 : index
    %get3A_0 = arith.constant 0 : index
    %get3A_1 = arith.constant 0 : index
    %get3A_2 = vector.load %arg1[%get3A, %get3A_0, %get3A_1] : memref<2x1000x64xf32, #tpu.memory_space<vmem>>, vector<1x1000x64xf32>
    %get3A_3 = vector.shape_cast %get3A_2 : vector<1x1000x64xf32> to vector<1000x64xf32>
    %get3A_4 = arith.constant 1 : index
    %get3A_5 = arith.constant 0 : index
    %get3A_6 = arith.constant 0 : index
    %get3A_7 = vector.load %arg1[%get3A_4, %get3A_5, %get3A_6] : memref<2x1000x64xf32, #tpu.memory_space<vmem>>, vector<1x1000x64xf32>
    %get3A_8 = vector.shape_cast %get3A_7 : vector<1x1000x64xf32> to vector<1000x64xf32>
    %add3A = arith.addf %get3A_3, %get3A_8 : vector<1000x64xf32>
    %get3A_9 = arith.constant 0 : index
    %get3A_10 = arith.constant 0 : index
    %get3A_11 = vector.load %arg2[%get3A_9, %get3A_10] : memref<1x64xf32, #tpu.memory_space<vmem>>, vector<1x64xf32>
    %add3A_12 = vector.broadcast %get3A_11 : vector<1x64xf32> to vector<1000x64xf32>
    %add3A_13 = arith.addf %add3A, %add3A_12 : vector<1000x64xf32>
    %reduce_max3A = arith.constant dense<0xFF800000> : vector<1000xf32>
    %reduce_max3A_14 = vector.multi_reduction <maximumf>, %add3A_13, %reduce_max3A [1] : vector<1000x64xf32> to vector<1000xf32>
    %broadcast_in_dim3A = vector.shape_cast %reduce_max3A_14 : vector<1000xf32> to vector<1000x1xf32>
    %sub3A = vector.broadcast %broadcast_in_dim3A : vector<1000x1xf32> to vector<1000x64xf32>
    %sub3A_15 = arith.subf %add3A_13, %sub3A : vector<1000x64xf32>
    %exp3A = math.exp %sub3A_15 : vector<1000x64xf32>
    %reduce_sum3A = arith.constant dense<0.000000e+00> : vector<1000xf32>
    %reduce_sum3A_16 = vector.multi_reduction <add>, %exp3A, %reduce_sum3A [1] : vector<1000x64xf32> to vector<1000xf32>
    %broadcast_in_dim3A_17 = vector.shape_cast %reduce_sum3A_16 : vector<1000xf32> to vector<1000x1xf32>
    %div3A = vector.broadcast %broadcast_in_dim3A_17 : vector<1000x1xf32> to vector<1000x64xf32>
    %div3A_18 = arith.divf %exp3A, %div3A : vector<1000x64xf32>
    %swap3A = arith.constant 0 : index
    %swap3A_19 = arith.constant 0 : index
    %swap3A_20 = vector.load %arg3[%swap3A, %swap3A_19] : memref<1000x64xf32, #tpu.memory_space<vmem>>, vector<1000x64xf32>
    tpu.vector_store %arg3[%swap3A, %swap3A_19], %div3A_18 {strides = array<i32>} : memref<1000x64xf32, #tpu.memory_space<vmem>>, vector<1000x64xf32>,
    return
  }
  func.func @transform_0(%arg0: i32) -> (i32, i32, i32) {
    %c0_i32 = arith.constant 0 : i32
    %c0_i32_0 = arith.constant 0 : i32
    %c0_i32_1 = arith.constant 0 : i32
    return %c0_i32, %arg0, %c0_i32_0 : i32, i32, i32
  }
  func.func @transform_1(%arg0: i32) -> (i32, i32) {
    %c0_i32 = arith.constant 0 : i32
    %c0_i32_0 = arith.constant 0 : i32
    %c0_i32_1 = arith.constant 0 : i32
    return %c0_i32, %c0_i32_0 : i32, i32
  }
  func.func @transform_2(%arg0: i32) -> (i32, i32) {
    %c0_i32 = arith.constant 0 : i32
    %c0_i32_0 = arith.constant 0 : i32
    return %arg0, %c0_i32 : i32, i32
  }
}

</mosaic_0001>

<sc_bundles>
// kernel: kernel.12.cloned.1.call-start
scs
__scs_entry_jumppad:
0x0: {  	(pc) =	sbr.rel $0x88, $3  }
0x1: {  	(tag) =	ssettag $0x0;
	lr =	simm.s32 $0x1  }
0x2: {  	[smem:$0x3F99] =	sst lr;
	_ =	strace $0xD0000000  }
0x3: {  	_ = 	snop  }
0x4: {  	_ = 	snop  }
0x5: {  	_ = 	snop  }
0x6: {  	_ = 	snop  }
0x7: {  	_ = 	snop  }
__scs_overlays_trampoline_lowered:
0x8: {  	[smem:$0x3FA8] =	sst s0  }
0x9: {  	[smem:$0x3FA9] =	sst s1  }
0xa: {  	[smem:$0x3FAA] =	sst s2  }
0xb: {  	[smem:$0x3FAB] =	sst s3  }
0xc: {  	[smem:$0x3FAC] =	sst s4  }
0xd: {  	[smem:$0x3FAD] =	sst s5  }
0xe: {  	[smem:$0x3FAE] =	sst s6  }
0xf: {  	[smem:$0x3FAF] =	sst s7  }
0x10: {  	[smem:$0x3FB0] =	sst s8  }
0x11: {  	[smem:$0x3FB1] =	sst s9;
	s0 =	simm.s32 @!p0 $0x0  }
0x12: {  	s1 =	sld [smem:$0x3F97];
	s0 =	simm.s32 @p0 $0x1  }
0x13: {  	[smem:$0x3FB2] =	sst s0;
	s0 =	simm.s32 @!p1 $0x0  }
0x14: {  	s2 =	sld [smem:$0x3F96];
	s0 =	simm.s32 @p1 $0x1  }
0x15: {  	[smem:$0x3FB3] =	sst s0;
	s0 =	simm.s32 @!p2 $0x0  }
0x16: {  	s3 =	sld [smem:$0x3FDB];
	s0 =	simm.s32 @p2 $0x1  }
0x17: {  	s4 =	simm.s32 $0x1BF5;
	[smem:$0x3FB5] =	sst s0  }
0x18: {  	s0 =	sld [smem:$0x3F98];
	_ =	swait.ge [sflag:s4], $0x0  }
0x19: {  	s7 =	sld [smem:$0x3F99]  }
0x1a: {  	s8 =	sadd.s32 $0xFFFFE003, lr  }
0x1b: {  	s9 =	sadd.s32 $0xFFFFFEF7, lr;
	s5 =	simm.s32 $0xFFFFFFFF;
	p2 =	slt.u32 s8, $0xFFFFF086  }
0x1c: {  	p1 =	slt.u32 s9, $0xF7A;
	s5 =	simm.s32 @!p2 $0x0  }
0x1d: {  	s5 =	simm.s32 @p1 $0x1;
	p0 =	seq.s32 s7, s2  }
0x1e: {  	s7 =	smul.u32 @!p0 $0xF7A, s2;
	p2 =	seq.s32 @!p0 s5, $0x0  }
0x1f: {  	s9 =	smul.u32 $0xF7A, s1;
	s8 =	simm.s32 @!p0 $0x1BF5;
	p2 =	por !p2, p0  }
0x20: {  	[sflag:s8] =	ssyncset.s32 @!p0 $0xFFFFF086;
	s6 =	sadd.s32 @!p0 s3, s7;
	s7 =	simm.s32 @!p0 $0x108  }
0x21: {  	s3 =	sadd.s32 s3, s9;
	s6 =	sadd.s32 @!p0 $0x88, s6;
	s7 =	simm.s32 @p2 $0x1082  }
0x22: {  	[simem:s7], [sflag:s8] =	dma.local @!p0 [hbm:s6], $0xF7A  }
0x23: {  	s9 =	sor.u32 $0xD0000000, s2;
	s6 =	simm.s32 $0x108;
	_ =	swait.ge @!p0 [sflag:s8], $0x0  }
0x24: {  	s3 =	sadd.s32 $0x88, s3;
	s6 =	simm.s32 @!p1 $0x1082;
	[sflag:s4] =	ssyncset.s32 $0xFFFFF086  }
0x25: {  	[simem:s6], [sflag:s4] =	dma.local [hbm:s3], $0xF7A  }
0x26: {  	[smem:$0x3F99] =	sst s1;
	(tag) =	ssettag s2;
	_ =	strace s9  }
0x27: {  	s1 =	sld [smem:$0x3FA9]  }
0x28: {  	s2 =	sld [smem:$0x3FAA]  }
0x29: {  	s4 =	sld [smem:$0x3FAC]  }
0x2a: {  	p0 =	seq.s32 s5, $0x0;
	s5 =	sld [smem:$0x3FAD]  }
0x2b: {  	s6 =	sld [smem:$0x3FAE]  }
0x2c: {  	s7 =	sld [smem:$0x3FAF]  }
0x2d: {  	s3 =	simm.s32 $0x108;
	s8 =	sld [smem:$0x3FB0]  }
0x2e: {  	s3 =	simm.s32 @!p0 $0x1082;
	s9 =	sld [smem:$0x3FB1]  }
0x2f: {  	lr =	sadd.s32 s0, s3;
	s0 =	sld [smem:$0x3FA8]  }
0x30: {  	s3 =	sld [smem:$0x3FAB]  }
0x31: {  	[smem:$0x3FB4] =	sst s10  }
0x32: {  	s10 =	sld [smem:$0x3FB2];
	_ =	sdelay $0x3  }
0x33: {  	p0 =	seq.s32 s10, $0x1;
	s10 =	sld [smem:$0x3FB4];
	_ =	sdelay $0x3  }
0x34: {  	[smem:$0x3FB4] =	sst s10  }
0x35: {  	s10 =	sld [smem:$0x3FB3];
	_ =	sdelay $0x3  }
0x36: {  	p1 =	seq.s32 s10, $0x1;
	s10 =	sld [smem:$0x3FB4];
	_ =	sdelay $0x3  }
0x37: {  	[smem:$0x3FB4] =	sst s10  }
0x38: {  	s10 =	sld [smem:$0x3FB5]  }
0x39: {  	_ = 	snop;
	(pc) =	sbr.ind lr, $3  }
0x3a: {  	_ = 	snop  }
0x3b: {  	_ = 	snop  }
0x3c: {  	p2 =	seq.s32 s10, $0x1;
	s10 =	sld [smem:$0x3FB4]  }
0x3d: {  	_ =	shalt  }
0x3e: {  	_ =	shalt  }
0x3f: {  	_ =	shalt  }
0x40: {  	_ =	shalt  }
0x41: {  	_ =	shalt  }
0x42: {  	_ =	shalt  }
0x43: {  	_ =	shalt  }
0x44: {  	_ =	shalt  }
0x45: {  	_ =	shalt  }
0x46: {  	_ =	shalt  }
0x47: {  	_ =	shalt  }
0x48: {  	_ =	shalt  }
0x49: {  	_ =	shalt  }
0x4a: {  	_ =	shalt  }
0x4b: {  	_ =	shalt  }
0x4c: {  	_ =	shalt  }
0x4d: {  	_ =	shalt  }
0x4e: {  	_ =	shalt  }
0x4f: {  	_ =	shalt  }
0x50: {  	_ =	shalt  }
0x51: {  	_ =	shalt  }
0x52: {  	_ =	shalt  }
0x53: {  	_ =	shalt  }
0x54: {  	_ =	shalt  }
0x55: {  	_ =	shalt  }
0x56: {  	_ =	shalt  }
0x57: {  	_ =	shalt  }
0x58: {  	_ =	shalt  }
0x59: {  	_ =	shalt  }
0x5a: {  	_ =	shalt  }
0x5b: {  	_ =	shalt  }
0x5c: {  	_ =	shalt  }
0x5d: {  	_ =	shalt  }
0x5e: {  	_ =	shalt  }
0x5f: {  	_ =	shalt  }
0x60: {  	_ =	shalt  }
0x61: {  	_ =	shalt  }
0x62: {  	_ =	shalt  }
0x63: {  	_ =	shalt  }
0x64: {  	_ =	shalt  }
0x65: {  	_ =	shalt  }
0x66: {  	_ =	shalt  }
0x67: {  	_ =	shalt  }
0x68: {  	_ =	shalt  }
0x69: {  	_ =	shalt  }
0x6a: {  	_ =	shalt  }
0x6b: {  	_ =	shalt  }
0x6c: {  	_ =	shalt  }
0x6d: {  	_ =	shalt  }
0x6e: {  	_ =	shalt  }
0x6f: {  	_ =	shalt  }
0x70: {  	_ =	shalt  }
0x71: {  	_ =	shalt  }
0x72: {  	_ =	shalt  }
0x73: {  	_ =	shalt  }
0x74: {  	_ =	shalt  }
0x75: {  	_ =	shalt  }
0x76: {  	_ =	shalt  }
0x77: {  	_ =	shalt  }
0x78: {  	_ =	shalt  }
0x79: {  	_ =	shalt  }
0x7a: {  	_ =	shalt  }
0x7b: {  	_ =	shalt  }
0x7c: {  	_ =	shalt  }
0x7d: {  	_ =	shalt  }
0x7e: {  	_ =	shalt  }
0x7f: {  	_ =	shalt  }
0x80: {  	_ =	shalt  }
0x81: {  	_ =	shalt  }
0x82: {  	_ =	shalt  }
0x83: {  	_ =	shalt  }
0x84: {  	_ =	shalt  }
0x85: {  	_ =	shalt  }
0x86: {  	_ =	shalt  }
0x87: {  	_ =	shalt  }
.Lfunc_end0:
.L_simem_size_0:
called_computation.1_lowered:
.L_overlay_start_0:
0x88: {  	s2 =	sld [smem:$0x3FD9]  }
0x89: {  	s3 =	sld [smem:$0x3FFE];
	_ =	sdelay $0x1  }
0x8a: {  	s1 =	srdreg.scid  }
0x8b: {  	s0 =	sand.u32 $0x1, s1  }
0x8c: {  	s17 =	sshll.u32 s0, $0xA;
	s2 =	sadd.s32 s3, s2  }
0x8d: {  	s2 =	sadd.s32 s2, s17  }
0x8e: {  	[smem:$0x3FC0] =	sst s2  }
0x8f: {  	_ = 	snop  }
0x90: {  	s2 =	sld [smem:$0x3FD0];
	(tm) =	ssettm $0x1  }
0x91: {  	s18 =	sld [smem:$0x3FFB];
	_ =	sdelay $0x3  }
0x92: {  	_ =	strace s18  }
0x93: {  	s3 =	sld [smem:$0x3FFC];
	_ =	sdelay $0x3  }
0x94: {  	_ =	strace s3  }
0x95: {  	s3 =	sld [smem:$0x3FFD];
	_ =	sdelay $0x3  }
0x96: {  	_ =	strace s3  }
0x97: {  	_ =	strace $0x8FFFFFFF  }
0x98: {  	s19 =	sld [smem:$0x3FDB];
	_ =	sdelay $0x1  }
0x99: {  	s4 =	simm.s32 $_scs_section_size  }
0x9a: {  	s5 =	simm.s32 $_size__tile_overlayer_lowered;
	s6 =	simm.s32 $_tile_overlayer_lowered  }
0x9b: {  	s22 =	simm.s32 $0x1BFF;
	s21 =	sshll.u32 s6, $0x1;
	s3 =	sadd.s32 s4, s19  }
0x9c: {  	s7 =	simm.s32 $0x0;
	s20 =	sshll.u32 s5, $0x1;
	s5 =	sadd.s32 s21, s3  }
0x9d: {  	[timem:s7], [sflag:s22] =	dma.local [hbm:s5], s20  }
0x9e: {  	_ =	swait.ge [sflag:s22], s20  }
0x9f: {  	s4 =	ssub.s32 $0x0, s20;
	[sflag:s22] =	ssyncset.done $0x0  }
0xa0: {  	[sflag:s22] =	ssyncadd.s32 s4;
	_ =	sdelay $0x1  }
0xa1: {  	s23 =	simm.s32 $0x1B8B  }
0xa2: {  	_ =	swait.ge [sflag:s23], $0x1  }
0xa3: {  	[sflag:s23] =	ssyncset.done $0x0  }
0xa4: {  	s25 =	simm.s32 $0x1B8E;
	s24 =	sld [smem:$0x3FFE];
	[sflag:s23] =	ssyncadd.s32 $0xFFFFFFFF  }
0xa5: {  	s26 =	simm.s32 $execute0_lowered;
	[smem:$0x3FD2] =	sst s25  }
0xa6: {  	s5 =	sshll.u32 s26, $0x1;
	_ =	strace $0x80000049;
	[dreg:$0x1] =	wrdreg $0xFFFFFFFF  }
0xa7: {  	s28 =	simm.s32 $_size_execute0_lowered;
	s3 =	sadd.s32 s3, s5;
	[dreg:$0x0] =	wrdreg $0x0  }
0xa8: {  	s5 =	sshll.u32 s28, $0x1;
	[dreg:$0x2] =	wrdreg s3  }
0xa9: {  	[dreg:$0x3] =	wrdreg s5  }
0xaa: {  	[dreg:$0x4] =	wrdreg $0xC0  }
0xab: {  	_ =	task [dreg:s7], $0x5FFFF  }
0xac: {  	[dreg:$0x1] =	wrdreg $0xFFFFFFFF  }
0xad: {  	[dreg:$0x0] =	wrdreg $0x60  }
0xae: {  	[dreg:$0x2] =	wrdreg s24  }
0xaf: {  	[dreg:$0x3] =	wrdreg s2  }
0xb0: {  	[dreg:$0x4] =	wrdreg $0xA8000  }
0xb1: {  	[dreg:$0x5] =	wrdreg $0x9  }
0xb2: {  	_ =	task.clear_ibuf [dreg:s7], $0x6FFFF;
	_ =	strace $0x90000049  }
0xb3: {  	s29 =	simm.s32 $0x9;
	_ =	strace $0x8000004B  }
0xb4: {  	_ =	swait.ge [sflag:s29], $0x1  }
0xb5: {  	[sflag:s29] =	ssyncadd.s32 $0xFFFFFFFF  }
0xb6: {  	_ =	strace $0x9000004B  }
0xb7: {  	_ =	sfence  }
0xb8: {  	s30 =	sld [smem:$0x0];
	_ =	sdelay $0x2  }
0xb9: {  	s31 =	sshll.u32 s1, $0xD;
	s1 =	sshrl.u32 s1, $0x2  }
0xba: {  	s3 =	sand.u32 $0x4000, s31;
	s1 =	sadd.s32 s1, s30  }
0xbb: {  	s0 =	sor.u32 s3, s0;
	s1 =	sshll.u32 s1, $0x11  }
0xbc: {  	s0 =	sor.u32 s1, s0  }
0xbd: {  	s0 =	sadd.s32 $0x8F2B, s0  }
0xbe: {  	[sflag:s0] =	ssyncadd.remote.s32 $0x1  }
0xbf: {  	_ =	sfence.sel $0xFFFF  }
0xc0: {  	[dreg:$0x0] =	wrdreg $0xFFFFFFFF;
	(pc) =	sbr.abs _section_cstart, $3  }
0xc1: {  	[dreg:$0x1] =	wrdreg $0xFFFFFFFF  }
0xc2: {  	_ =	task.clear_ibuf [dreg:s7], $0x2FFFF;
	_ =	strace $0x9FFFFFFF  }
0xc3: {  	(tm) =	ssettm $0x7FFFFFFF  }
tec
execute0_lowered:
.L_overlay_start_1:
0x0: {  	(tag) =	ssettag $0x1  }
0x1: {  	s0 =	rddreg [dreg:$0x0]  }
0x2: {  	s1 =	srdreg.scid;
	s12 =	rddreg [dreg:$0x1]  }
0x3: {  	s2 =	rddreg [dreg:$0x2];
	s8 =	stileid.u32;
	s3 =	simm.s32 $0x0  }
0x4: {  	s22 =	simm.s32 $0x3;
	s23 =	simm.s32 $0x1;
	s24 =	simm.s32 $0x2  }
0x5: {  	s25 =	simm.s32 $0x80;
	s31 =	simm.s32 $0x0;
	s1 =	sand.u32 $0x1, s1  }
0x6: {  	[smem:$0x7FF] =	sst s3;
	s14 =	smul.u32 $0x14000, s8;
	s15 =	sadd.s32 $0x9C40, s12  }
0x7: {  	s4 =	sshll.u32 s1, $0x4;
	_ =	strace $0x8000004A;
	s7 =	ssub.s32 $0x2, s1  }
0x8: {  	s1 =	smul.u32 $0x140000, s1;
	s21 =	sor.u32 s8, s4;
	s4 =	sadd.s32 $0x2200, s0  }
0x9: {  	s0 =	sadd.s32 $0x29400, s0;
	s26 =	sshrl.u32 s7, $0x1;
	s16 =	sadd.s32 $0x4000, s14  }
0xa: {  	s17 =	sadd.s32 $0x8000, s14;
	s18 =	sadd.s32 $0xC000, s14;
	s20 =	sadd.s32 $0x10000, s14  }
0xb: {  	s5 =	smul.u32 $0x4E, s21;
	s6 =	smin.u32 s21, $0x4;
	s19 =	ssub.s32 s7, s26  }
0xc: {  	s7 =	sadd.s32 s14, s2;
	s8 =	sadd.s32 s16, s2;
	s9 =	sadd.s32 s17, s2  }
0xd: {  	s10 =	sadd.s32 s18, s2;
	s11 =	sadd.s32 s20, s2;
	s14 =	sadd.s32 s14, s1  }
0xe: {  	s16 =	sadd.s32 s1, s16;
	s29 =	sadd.s32 s1, s17;
	s30 =	sadd.s32 s1, s18  }
0xf: {  	s1 =	sadd.s32 s1, s20;
	s20 =	simm.s32 $0x1400;
	p0 =	sgt.u32 s21, $0x3  }
0x10: {  	s21 =	simm.s32 $0x2800;
	s26 =	simm.s32 $0x6800;
	s14 =	sshrl.u32 s14, $0x3  }
0x11: {  	s28 =	sshrl.u32 s16, $0x3;
	s16 =	sshrl.u32 s29, $0x3;
	s17 =	sshrl.u32 s30, $0x3  }
.Ltmp0:
0x12: {  	s1 =	sshrl.u32 s1, $0x3;
	s19 =	smax.u32 s19, $0x1;
	(pc) =	sbr.rel .LBB2_1-.Ltmp0, $4  }
0x13: {  	s5 =	sadd.s32 s6, s5;
	s14 =	sadd.s32 s0, s14;
	s16 =	sadd.s32 s0, s16  }
0x14: {  	s17 =	sadd.s32 s0, s17;
	s18 =	sadd.s32 s0, s1;
	s13 =	sshll.u32 s5, $0x4  }
0x15: {  	s5 =	sadd.s32 s12, s13;
	s6 =	sadd.s32 s13, s15;
	s13 =	sadd.s32 $0x280, s13  }
0x16: {  	v0 =	vimm.f32 $0.0e+00;
	s12 =	sadd.s32 s12, s13;
	s13 =	sadd.s32 s13, s15;
	s15 =	sadd.s32 s0, s28  }
.LBB2_13:
0x17: {  	s1 =	sadd.s32 $0x80, s0;
	[sflag:s22] =	ssyncadd.s32 $0xFFFFC000  }
0x18: {  	[tilespmem:s26], [sflag:$0x2] =	stream.indirect.gather [hbm4b:s4+s25], $0x80, s1, s25, $0xb8;
	[tilespmem:$0x1E800] =	vst v63  }
0x19: {  	_ =	swait.ge [sflag:s23], $0x4000  }
0x1a: {  	[sflag:s23] =	ssyncset.done $0x0  }
0x1b: {  	s29 =	sadd.s32 $0x1400, s0;
	[sflag:s23] =	ssyncadd.s32 $0xFFFFC000  }
0x1c: {  	[spmem:s2] =	stream.indirect.scatter.add.f32 [tilespmem:s21], [sflag:$0x3], $0x80, s29, s25, $0xb8;
	[tilespmem:$0x1E800] =	vst v63  }
0x1d: {  	_ =	swait.ge [sflag:s22], $0x4000  }
0x1e: {  	[sflag:s22] =	ssyncset.done $0x0  }
0x1f: {  	s30 =	sadd.s32 $0x100, s0;
	[sflag:s22] =	ssyncadd.s32 $0xFFFFC000  }
0x20: {  	[tilespmem:s21], [sflag:$0x1] =	stream.indirect.gather [hbm4b:s4+s25], $0x80, s30, s25, $0xb8;
	[tilespmem:$0x1E800] =	vst v63  }
0x21: {  	_ =	swait.ge [sflag:s24], $0x4000  }
0x22: {  	[sflag:s24] =	ssyncset.done $0x0  }
0x23: {  	s1 =	sadd.s32 $0x1480, s0;
	[sflag:s24] =	ssyncadd.s32 $0xFFFFC000  }
0x24: {  	[spmem:s2] =	stream.indirect.scatter.add.f32 [tilespmem:s26], [sflag:$0x3], $0x80, s1, s25, $0xb8;
	[tilespmem:$0x1E800] =	vst v63  }
0x25: {  	_ =	swait.ge [sflag:s22], $0x4000  }
0x26: {  	[sflag:s22] =	ssyncset.done $0x0  }
0x27: {  	s28 =	simm.s32 $0x1280;
	[sflag:s22] =	ssyncadd.s32 $0xFFFFC000  }
0x28: {  	[tilespmem:s26], [sflag:$0x2] =	stream.indirect.gather [hbm4b:s4+s25], $0x80, s28, s25, $0xb8;
	[tilespmem:$0x1E800] =	vst v63  }
0x29: {  	_ =	swait.ge [sflag:s23], $0x4000  }
0x2a: {  	[sflag:s23] =	ssyncset.done $0x0  }
0x2b: {  	s29 =	simm.s32 $0x2600;
	[sflag:s23] =	ssyncadd.s32 $0xFFFFC000  }
0x2c: {  	[spmem:s2] =	stream.indirect.scatter.add.f32 [tilespmem:s21], [sflag:$0x3], $0x80, s29, s25, $0xb8;
	[tilespmem:$0x1E800] =	vst v63  }
0x2d: {  	_ =	swait.ge [sflag:s22], $0x4000  }
0x2e: {  	[sflag:s22] =	ssyncset.done $0x0  }
0x2f: {  	[sflag:s22] =	ssyncadd.s32 $0xFFFFC000  }
0x30: {  	_ =	swait.ge [sflag:s24], $0x4000  }
0x31: {  	[sflag:s24] =	ssyncset.done $0x0  }
0x32: {  	s30 =	simm.s32 $0x2680;
	[sflag:s24] =	ssyncadd.s32 $0xFFFFC000  }
0x33: {  	[spmem:s2] =	stream.indirect.scatter.add.f32 [tilespmem:s26], [sflag:$0x3], $0x80, s30, s25, $0xb8;
	[tilespmem:$0x1E800] =	vst v63  }
.LBB2_14:
0x34: {  	_ =	swait.ge [sflag:s22], $0x4000  }
0x35: {  	[sflag:s22] =	ssyncset.done $0x0  }
0x36: {  	[sflag:s22] =	ssyncadd.s32 $0xFFFFC000  }
0x37: {  	[bflag:$0x0] =	sbarrier.arrive $0xFFFF  }
0x38: {  	[tilespmem:s21], [sflag:$0x3] =	stream.linear.gather [spmem:s7], $0x4000, $0x38;
	[tilespmem:$0x1E800] =	vst v63  }
0x39: {  	_ =	swait.ge [sflag:s22], $0x4000  }
0x3a: {  	[sflag:s22] =	ssyncset.done $0x0  }
0x3b: {  	[sflag:s22] =	ssyncadd.s32 $0xFFFFC000  }
0x3c: {  	[hbm4b:s14+s3] =	stream.linear.scatter [tilespmem:s21], [sflag:$0x1], $0x4000, $0x38;
	[tilespmem:$0x1E800] =	vst v63  }
0x3d: {  	_ = 	snop  }
0x3e: {  	[tilespmem:s26], [sflag:$0x3] =	stream.linear.gather [spmem:s8], $0x4000, $0x38;
	[tilespmem:$0x1E800] =	vst v63  }
0x3f: {  	_ =	swait.ge [sflag:s22], $0x4000  }
0x40: {  	[sflag:s22] =	ssyncset.done $0x0  }
0x41: {  	[sflag:s22] =	ssyncadd.s32 $0xFFFFC000  }
0x42: {  	[hbm4b:s15+s3] =	stream.linear.scatter [tilespmem:s26], [sflag:$0x2], $0x4000, $0x38;
	[tilespmem:$0x1E800] =	vst v63  }
0x43: {  	_ =	swait.ge [sflag:s23], $0x4000  }
0x44: {  	[sflag:s23] =	ssyncset.done $0x0  }
0x45: {  	[sflag:s23] =	ssyncadd.s32 $0xFFFFC000  }
0x46: {  	[tilespmem:s21], [sflag:$0x3] =	stream.linear.gather [spmem:s9], $0x4000, $0x38;
	[tilespmem:$0x1E800] =	vst v63  }
0x47: {  	_ =	swait.ge [sflag:s22], $0x4000  }
0x48: {  	[sflag:s22] =	ssyncset.done $0x0  }
0x49: {  	[sflag:s22] =	ssyncadd.s32 $0xFFFFC000  }
0x4a: {  	[hbm4b:s16+s3] =	stream.linear.scatter [tilespmem:s21], [sflag:$0x1], $0x4000, $0x38;
	[tilespmem:$0x1E800] =	vst v63  }
0x4b: {  	_ =	swait.ge [sflag:s24], $0x4000  }
0x4c: {  	[sflag:s24] =	ssyncset.done $0x0  }
0x4d: {  	[sflag:s24] =	ssyncadd.s32 $0xFFFFC000  }
0x4e: {  	[tilespmem:s26], [sflag:$0x3] =	stream.linear.gather [spmem:s10], $0x4000, $0x38;
	[tilespmem:$0x1E800] =	vst v63  }
0x4f: {  	_ =	swait.ge [sflag:s22], $0x4000  }
0x50: {  	[sflag:s22] =	ssyncset.done $0x0  }
0x51: {  	[sflag:s22] =	ssyncadd.s32 $0xFFFFC000  }
0x52: {  	[hbm4b:s17+s3] =	stream.linear.scatter [tilespmem:s26], [sflag:$0x2], $0x4000, $0x38;
	[tilespmem:$0x1E800] =	vst v63  }
0x53: {  	_ =	swait.ge [sflag:s23], $0x4000  }
0x54: {  	[sflag:s23] =	ssyncset.done $0x0  }
0x55: {  	[sflag:s23] =	ssyncadd.s32 $0xFFFFC000  }
0x56: {  	[tilespmem:s21], [sflag:$0x3] =	stream.linear.gather [spmem:s11], $0x4000, $0x38;
	[tilespmem:$0x1E800] =	vst v63  }
0x57: {  	_ =	swait.ge [sflag:s22], $0x4000  }
0x58: {  	[sflag:s22] =	ssyncset.done $0x0  }
0x59: {  	s31 =	sadd.s32 $0x1, s31;
	[sflag:s22] =	ssyncadd.s32 $0xFFFFC000  }
0x5a: {  	[hbm4b:s18+s3] =	stream.linear.scatter [tilespmem:s21], [sflag:$0x1], $0x4000, $0x38;
	[tilespmem:$0x1E800] =	vst v63  }
0x5b: {  	p1 =	sne.s32 s31, s19;
	_ =	swait.ge [sflag:s24], $0x4000  }
.Ltmp1:
0x5c: {  	[sflag:s24] =	ssyncset.done $0x0;
	(pc) =	sbr.rel @!p1 .LBB2_15-.Ltmp1, $4  }
0x5d: {  	[sflag:s24] =	ssyncadd.s32 $0xFFFFC000  }
0x5e: {  	_ =	swait.ge [sflag:s23], $0x4000  }
0x5f: {  	[sflag:s23] =	ssyncset.done $0x0  }
0x60: {  	[sflag:s23] =	ssyncadd.s32 $0xFFFFC000  }
.LBB2_1:
0x61: {  	[tilespmem:s3], [sflag:$0x1] =	stream.linear.gather [hbm4b:s5+s3], $0x1400, $0x38;
	[tilespmem:$0x1E800] =	vst v63  }
0x62: {  	s0 =	simm.s32 $0x0;
	s1 =	simm.s32 $0x200  }
0x63: {  	[tilespmem:s20], [sflag:$0x2] =	stream.linear.gather [hbm4b:s6+s3], $0x1400, $0x38;
	[tilespmem:$0x1E800] =	vst v63  }
.LBB2_2:
0x64: {  	p1 =	sne.s32 s1, $0xFE00;
	[tilespmem:s0+$0x2870] =	vst v0  }
0x65: {  	[tilespmem:s0+$0x2800] =	vst v0  }
0x66: {  	[tilespmem:s0+$0x2810] =	vst v0  }
.Ltmp2:
0x67: {  	[tilespmem:s0+$0x2820] =	vst v0;
	(pc) =	sbr.rel @p1 .LBB2_2-.Ltmp2, $4  }
0x68: {  	[tilespmem:s0+$0x2830] =	vst v0  }
0x69: {  	[tilespmem:s0+$0x2840] =	vst v0  }
0x6a: {  	[tilespmem:s0+$0x2850] =	vst v0  }
0x6b: {  	[tilespmem:s0+$0x2860] =	vst v0;
	s0 =	sshra.s32 s1, $0x2;
	s1 =	sadd.s32 $0x200, s1  }
0x6c: {  	[tilespmem:s0+$0x2870] =	vst v0  }
0x6d: {  	[tilespmem:s0+$0x2800] =	vst v0  }
0x6e: {  	[tilespmem:s0+$0x2810] =	vst v0  }
0x6f: {  	[tilespmem:s0+$0x2820] =	vst v0  }
0x70: {  	[tilespmem:s0+$0x2830] =	vst v0  }
0x71: {  	[tilespmem:s0+$0x2840] =	vst v0  }
0x72: {  	[tilespmem:s0+$0x2850] =	vst v0  }
0x73: {  	[tilespmem:s0+$0x2860] =	vst v0  }
0x74: {  	[spmem:s7] =	stream.linear.scatter [tilespmem:s21], [sflag:$0x3], $0x4000, $0x38;
	[tilespmem:$0x1E800] =	vst v63  }
0x75: {  	_ =	swait.ge [sflag:s22], $0x4000  }
0x76: {  	[sflag:s22] =	ssyncset.done $0x0  }
0x77: {  	[sflag:s22] =	ssyncadd.s32 $0xFFFFC000  }
0x78: {  	[spmem:s8] =	stream.linear.scatter [tilespmem:s21], [sflag:$0x3], $0x4000, $0x38;
	[tilespmem:$0x1E800] =	vst v63  }
0x79: {  	_ =	swait.ge [sflag:s22], $0x4000  }
0x7a: {  	[sflag:s22] =	ssyncset.done $0x0  }
0x7b: {  	[sflag:s22] =	ssyncadd.s32 $0xFFFFC000  }
0x7c: {  	[spmem:s9] =	stream.linear.scatter [tilespmem:s21], [sflag:$0x3], $0x4000, $0x38;
	[tilespmem:$0x1E800] =	vst v63  }
0x7d: {  	_ =	swait.ge [sflag:s22], $0x4000  }
0x7e: {  	[sflag:s22] =	ssyncset.done $0x0  }
0x7f: {  	[sflag:s22] =	ssyncadd.s32 $0xFFFFC000  }
0x80: {  	[spmem:s10] =	stream.linear.scatter [tilespmem:s21], [sflag:$0x3], $0x4000, $0x38;
	[tilespmem:$0x1E800] =	vst v63  }
0x81: {  	_ =	swait.ge [sflag:s22], $0x4000  }
0x82: {  	[sflag:s22] =	ssyncset.done $0x0  }
0x83: {  	[sflag:s22] =	ssyncadd.s32 $0xFFFFC000  }
0x84: {  	[spmem:s11] =	stream.linear.scatter [tilespmem:s21], [sflag:$0x3], $0x4000, $0x38;
	[tilespmem:$0x1E800] =	vst v63  }
0x85: {  	_ =	swait.ge [sflag:s22], $0x4000  }
0x86: {  	[sflag:s22] =	ssyncset.done $0x0  }
0x87: {  	[sflag:s22] =	ssyncadd.s32 $0xFFFFC000  }
0x88: {  	_ =	swait.ge [sflag:s23], $0x1400  }
0x89: {  	[sflag:s23] =	ssyncset.done $0x0  }
0x8a: {  	[sflag:s23] =	ssyncadd.s32 $0xFFFFEC00  }
.Ltmp3:
0x8b: {  	_ =	swait.ge [sflag:s24], $0x1400;
	(pc) =	sbr.rel @p0 .LBB2_9-.Ltmp3, $4  }
0x8c: {  	[sflag:s24] =	ssyncset.done $0x0  }
0x8d: {  	[sflag:s24] =	ssyncadd.s32 $0xFFFFEC00  }
0x8e: {  	s30 =	simm.s32 $0x0;
	s0 =	simm.s32 $0x80;
	[bflag:$0x0] =	sbarrier.arrive $0xFFFF  }
0x8f: {  	[tilespmem:s21], [sflag:$0x1] =	stream.indirect.gather [hbm4b:s4+s25], $0x80, s30, s25, $0xb8;
	[tilespmem:$0x1E800] =	vst v63  }
0x90: {  	[tilespmem:s26], [sflag:$0x2] =	stream.indirect.gather [hbm4b:s4+s25], $0x80, s0, s25, $0xb8;
	[tilespmem:$0x1E800] =	vst v63  }
0x91: {  	_ =	swait.ge [sflag:s23], $0x4000  }
0x92: {  	[sflag:s23] =	ssyncset.done $0x0  }
0x93: {  	s28 =	simm.s32 $0x1400;
	[sflag:s23] =	ssyncadd.s32 $0xFFFFC000  }
0x94: {  	[spmem:s2] =	stream.indirect.scatter.add.f32 [tilespmem:s21], [sflag:$0x3], $0x80, s28, s25, $0xb8;
	[tilespmem:$0x1E800] =	vst v63  }
0x95: {  	_ =	swait.ge [sflag:s22], $0x4000  }
0x96: {  	[sflag:s22] =	ssyncset.done $0x0  }
0x97: {  	s29 =	simm.s32 $0x100;
	[sflag:s22] =	ssyncadd.s32 $0xFFFFC000  }
0x98: {  	[tilespmem:s21], [sflag:$0x1] =	stream.indirect.gather [hbm4b:s4+s25], $0x80, s29, s25, $0xb8;
	[tilespmem:$0x1E800] =	vst v63  }
0x99: {  	_ =	swait.ge [sflag:s24], $0x4000  }
0x9a: {  	[sflag:s24] =	ssyncset.done $0x0  }
0x9b: {  	s30 =	simm.s32 $0x1480;
	[sflag:s24] =	ssyncadd.s32 $0xFFFFC000  }
0x9c: {  	[spmem:s2] =	stream.indirect.scatter.add.f32 [tilespmem:s26], [sflag:$0x3], $0x80, s30, s25, $0xb8;
	[tilespmem:$0x1E800] =	vst v63  }
0x9d: {  	_ =	swait.ge [sflag:s22], $0x4000  }
0x9e: {  	s1 =	simm.s32 $0x800;
	s0 =	simm.s32 $0x100;
	[sflag:s22] =	ssyncset.done $0x0  }
.LBB2_5:
0x9f: {  	s28 =	sadd.s32 $0x80, s0  }
0xa0: {  	[sflag:s22] =	ssyncadd.s32 $0xFFFFC000;
	s30 =	smov.u32 s1;
	s29 =	sadd.s32 $0x400, s1  }
0xa1: {  	[tilespmem:s26], [sflag:$0x2] =	stream.indirect.gather [hbm4b:s4+s25], $0x80, s28, s25, $0xb8;
	[tilespmem:$0x1E800] =	vst v63  }
0xa2: {  	p1 =	sne.s32 s1, $0x4800;
	_ =	swait.ge [sflag:s23], $0x4000  }
0xa3: {  	[sflag:s23] =	ssyncset.done $0x0  }
0xa4: {  	s1 =	sadd.s32 $0x1400, s0;
	[sflag:s23] =	ssyncadd.s32 $0xFFFFC000  }
0xa5: {  	[spmem:s2] =	stream.indirect.scatter.add.f32 [tilespmem:s21], [sflag:$0x3], $0x80, s1, s25, $0xb8;
	[tilespmem:$0x1E800] =	vst v63  }
0xa6: {  	_ =	swait.ge [sflag:s22], $0x4000  }
0xa7: {  	[sflag:s22] =	ssyncset.done $0x0  }
0xa8: {  	s1 =	sadd.s32 $0x100, s0;
	[sflag:s22] =	ssyncadd.s32 $0xFFFFC000  }
0xa9: {  	[tilespmem:s21], [sflag:$0x1] =	stream.indirect.gather [hbm4b:s4+s25], $0x80, s1, s25, $0xb8;
	[tilespmem:$0x1E800] =	vst v63  }
0xaa: {  	_ =	swait.ge [sflag:s24], $0x4000  }
.Ltmp4:
0xab: {  	[sflag:s24] =	ssyncset.done $0x0;
	(pc) =	sbr.rel @p1 .LBB2_5-.Ltmp4, $4  }
0xac: {  	s0 =	sadd.s32 $0x1480, s0;
	[sflag:s24] =	ssyncadd.s32 $0xFFFFC000  }
0xad: {  	[spmem:s2] =	stream.indirect.scatter.add.f32 [tilespmem:s26], [sflag:$0x3], $0x80, s0, s25, $0xb8;
	[tilespmem:$0x1E800] =	vst v63  }
0xae: {  	_ =	swait.ge [sflag:s22], $0x4000  }
0xaf: {  	s1 =	smov.u32 s29;
	s0 =	sshra.s32 s30, $0x2;
	[sflag:s22] =	ssyncset.done $0x0  }
0xb0: {  	s1 =	sadd.s32 $0x80, s0;
	[sflag:s22] =	ssyncadd.s32 $0xFFFFC000  }
0xb1: {  	[tilespmem:s26], [sflag:$0x2] =	stream.indirect.gather [hbm4b:s4+s25], $0x80, s1, s25, $0xb8;
	[tilespmem:$0x1E800] =	vst v63  }
0xb2: {  	_ =	swait.ge [sflag:s23], $0x4000  }
0xb3: {  	[sflag:s23] =	ssyncset.done $0x0  }
0xb4: {  	s28 =	sadd.s32 $0x1400, s0;
	[sflag:s23] =	ssyncadd.s32 $0xFFFFC000  }
0xb5: {  	[spmem:s2] =	stream.indirect.scatter.add.f32 [tilespmem:s21], [sflag:$0x3], $0x80, s28, s25, $0xb8;
	[tilespmem:$0x1E800] =	vst v63  }
0xb6: {  	_ =	swait.ge [sflag:s22], $0x4000  }
0xb7: {  	[sflag:s22] =	ssyncset.done $0x0  }
0xb8: {  	s29 =	sadd.s32 $0x100, s0;
	[sflag:s22] =	ssyncadd.s32 $0xFFFFC000  }
0xb9: {  	[tilespmem:s21], [sflag:$0x1] =	stream.indirect.gather [hbm4b:s4+s25], $0x80, s29, s25, $0xb8;
	[tilespmem:$0x1E800] =	vst v63  }
0xba: {  	_ =	swait.ge [sflag:s24], $0x4000  }
0xbb: {  	[sflag:s24] =	ssyncset.done $0x0  }
0xbc: {  	s30 =	sadd.s32 $0x1480, s0;
	[sflag:s24] =	ssyncadd.s32 $0xFFFFC000  }
0xbd: {  	[spmem:s2] =	stream.indirect.scatter.add.f32 [tilespmem:s26], [sflag:$0x3], $0x80, s30, s25, $0xb8;
	[tilespmem:$0x1E800] =	vst v63  }
0xbe: {  	_ =	swait.ge [sflag:s22], $0x4000  }
0xbf: {  	[sflag:s22] =	ssyncset.done $0x0  }
0xc0: {  	s1 =	simm.s32 $0x1380;
	[sflag:s22] =	ssyncadd.s32 $0xFFFFC000  }
0xc1: {  	[tilespmem:s26], [sflag:$0x2] =	stream.indirect.gather [hbm4b:s4+s25], $0x80, s1, s25, $0xb8;
	[tilespmem:$0x1E800] =	vst v63  }
0xc2: {  	_ =	swait.ge [sflag:s23], $0x4000  }
0xc3: {  	[sflag:s23] =	ssyncset.done $0x0  }
0xc4: {  	s28 =	simm.s32 $0x2700;
	[sflag:s23] =	ssyncadd.s32 $0xFFFFC000  }
0xc5: {  	[spmem:s2] =	stream.indirect.scatter.add.f32 [tilespmem:s21], [sflag:$0x3], $0x80, s28, s25, $0xb8;
	[tilespmem:$0x1E800] =	vst v63  }
0xc6: {  	_ =	swait.ge [sflag:s22], $0x4000  }
0xc7: {  	[sflag:s22] =	ssyncset.done $0x0  }
0xc8: {  	[sflag:s22] =	ssyncadd.s32 $0xFFFFC000  }
0xc9: {  	_ =	swait.ge [sflag:s24], $0x4000  }
0xca: {  	[sflag:s24] =	ssyncset.done $0x0  }
0xcb: {  	s29 =	simm.s32 $0x2780;
	[sflag:s24] =	ssyncadd.s32 $0xFFFFC000  }
0xcc: {  	[spmem:s2] =	stream.indirect.scatter.add.f32 [tilespmem:s26], [sflag:$0x3], $0x80, s29, s25, $0xb8;
	[tilespmem:$0x1E800] =	vst v63  }
0xcd: {  	_ =	swait.ge [sflag:s22], $0x4000  }
0xce: {  	[sflag:s22] =	ssyncset.done $0x0  }
0xcf: {  	s30 =	simm.s32 $0x0;
	[sflag:s22] =	ssyncadd.s32 $0xFFFFC000  }
0xd0: {  	[tilespmem:s30], [sflag:$0x3] =	stream.linear.gather [hbm4b:s12+s30], $0x1380, $0x38;
	[tilespmem:$0x1E800] =	vst v63  }
0xd1: {  	_ =	swait.ge [sflag:s22], $0x1380  }
0xd2: {  	[sflag:s22] =	ssyncset.done $0x0  }
0xd3: {  	[sflag:s22] =	ssyncadd.s32 $0xFFFFEC80  }
0xd4: {  	[tilespmem:s20], [sflag:$0x3] =	stream.linear.gather [hbm4b:s13+s30], $0x1380, $0x38;
	[tilespmem:$0x1E800] =	vst v63  }
0xd5: {  	_ =	swait.ge [sflag:s22], $0x1380  }
0xd6: {  	[sflag:s22] =	ssyncset.done $0x0  }
0xd7: {  	[sflag:s22] =	ssyncadd.s32 $0xFFFFEC80  }
0xd8: {  	[tilespmem:s21], [sflag:$0x1] =	stream.indirect.gather [hbm4b:s4+s25], $0x80, s30, s25, $0xb8;
	[tilespmem:$0x1E800] =	vst v63  }
0xd9: {  	s1 =	simm.s32 $0x80  }
0xda: {  	[tilespmem:s26], [sflag:$0x2] =	stream.indirect.gather [hbm4b:s4+s25], $0x80, s1, s25, $0xb8;
	[tilespmem:$0x1E800] =	vst v63  }
0xdb: {  	_ =	swait.ge [sflag:s23], $0x4000  }
0xdc: {  	[sflag:s23] =	ssyncset.done $0x0  }
0xdd: {  	s28 =	simm.s32 $0x1400;
	[sflag:s23] =	ssyncadd.s32 $0xFFFFC000  }
0xde: {  	[spmem:s2] =	stream.indirect.scatter.add.f32 [tilespmem:s21], [sflag:$0x3], $0x80, s28, s25, $0xb8;
	[tilespmem:$0x1E800] =	vst v63  }
0xdf: {  	_ =	swait.ge [sflag:s22], $0x4000  }
0xe0: {  	[sflag:s22] =	ssyncset.done $0x0  }
0xe1: {  	s29 =	simm.s32 $0x100;
	[sflag:s22] =	ssyncadd.s32 $0xFFFFC000  }
0xe2: {  	[tilespmem:s21], [sflag:$0x1] =	stream.indirect.gather [hbm4b:s4+s25], $0x80, s29, s25, $0xb8;
	[tilespmem:$0x1E800] =	vst v63  }
0xe3: {  	_ =	swait.ge [sflag:s24], $0x4000  }
0xe4: {  	[sflag:s24] =	ssyncset.done $0x0  }
0xe5: {  	s30 =	simm.s32 $0x1480;
	[sflag:s24] =	ssyncadd.s32 $0xFFFFC000  }
0xe6: {  	[spmem:s2] =	stream.indirect.scatter.add.f32 [tilespmem:s26], [sflag:$0x3], $0x80, s30, s25, $0xb8;
	[tilespmem:$0x1E800] =	vst v63  }
0xe7: {  	_ =	swait.ge [sflag:s22], $0x4000  }
0xe8: {  	s0 =	simm.s32 $0x100;
	s1 =	simm.s32 $0x800;
	[sflag:s22] =	ssyncset.done $0x0  }
.LBB2_7:
0xe9: {  	s28 =	sadd.s32 $0x80, s0  }
0xea: {  	[sflag:s22] =	ssyncadd.s32 $0xFFFFC000;
	s29 =	smov.u32 s1;
	s30 =	sadd.s32 $0x400, s1  }
0xeb: {  	[tilespmem:s26], [sflag:$0x2] =	stream.indirect.gather [hbm4b:s4+s25], $0x80, s28, s25, $0xb8;
	[tilespmem:$0x1E800] =	vst v63  }
0xec: {  	p1 =	sne.s32 s1, $0x4800;
	_ =	swait.ge [sflag:s23], $0x4000  }
0xed: {  	[sflag:s23] =	ssyncset.done $0x0  }
0xee: {  	s1 =	sadd.s32 $0x1400, s0;
	[sflag:s23] =	ssyncadd.s32 $0xFFFFC000  }
0xef: {  	[spmem:s2] =	stream.indirect.scatter.add.f32 [tilespmem:s21], [sflag:$0x3], $0x80, s1, s25, $0xb8;
	[tilespmem:$0x1E800] =	vst v63  }
0xf0: {  	_ =	swait.ge [sflag:s22], $0x4000  }
0xf1: {  	[sflag:s22] =	ssyncset.done $0x0  }
0xf2: {  	s1 =	sadd.s32 $0x100, s0;
	[sflag:s22] =	ssyncadd.s32 $0xFFFFC000  }
0xf3: {  	[tilespmem:s21], [sflag:$0x1] =	stream.indirect.gather [hbm4b:s4+s25], $0x80, s1, s25, $0xb8;
	[tilespmem:$0x1E800] =	vst v63  }
0xf4: {  	_ =	swait.ge [sflag:s24], $0x4000  }
.Ltmp5:
0xf5: {  	[sflag:s24] =	ssyncset.done $0x0;
	(pc) =	sbr.rel @p1 .LBB2_7-.Ltmp5, $4  }
0xf6: {  	s0 =	sadd.s32 $0x1480, s0;
	[sflag:s24] =	ssyncadd.s32 $0xFFFFC000  }
0xf7: {  	[spmem:s2] =	stream.indirect.scatter.add.f32 [tilespmem:s26], [sflag:$0x3], $0x80, s0, s25, $0xb8;
	[tilespmem:$0x1E800] =	vst v63  }
0xf8: {  	_ =	swait.ge [sflag:s22], $0x4000  }
0xf9: {  	s1 =	smov.u32 s30;
	s0 =	sshra.s32 s29, $0x2;
	[sflag:s22] =	ssyncset.done $0x0  }
0xfa: {  	s1 =	sadd.s32 $0x80, s0;
	[sflag:s22] =	ssyncadd.s32 $0xFFFFC000  }
0xfb: {  	[tilespmem:s26], [sflag:$0x2] =	stream.indirect.gather [hbm4b:s4+s25], $0x80, s1, s25, $0xb8;
	[tilespmem:$0x1E800] =	vst v63  }
0xfc: {  	_ =	swait.ge [sflag:s23], $0x4000  }
0xfd: {  	[sflag:s23] =	ssyncset.done $0x0  }
0xfe: {  	s30 =	sadd.s32 $0x1400, s0;
	[sflag:s23] =	ssyncadd.s32 $0xFFFFC000  }
0xff: {  	[spmem:s2] =	stream.indirect.scatter.add.f32 [tilespmem:s21], [sflag:$0x3], $0x80, s30, s25, $0xb8;
	[tilespmem:$0x1E800] =	vst v63  }
0x100: {  	_ =	swait.ge [sflag:s22], $0x4000  }
0x101: {  	[sflag:s22] =	ssyncset.done $0x0  }
0x102: {  	s28 =	sadd.s32 $0x100, s0;
	[sflag:s22] =	ssyncadd.s32 $0xFFFFC000  }
0x103: {  	[tilespmem:s21], [sflag:$0x1] =	stream.indirect.gather [hbm4b:s4+s25], $0x80, s28, s25, $0xb8;
	[tilespmem:$0x1E800] =	vst v63  }
0x104: {  	_ =	swait.ge [sflag:s24], $0x4000  }
0x105: {  	[sflag:s24] =	ssyncset.done $0x0  }
0x106: {  	s29 =	sadd.s32 $0x1480, s0;
	[sflag:s24] =	ssyncadd.s32 $0xFFFFC000  }
0x107: {  	[spmem:s2] =	stream.indirect.scatter.add.f32 [tilespmem:s26], [sflag:$0x3], $0x80, s29, s25, $0xb8;
	[tilespmem:$0x1E800] =	vst v63  }
0x108: {  	_ =	swait.ge [sflag:s22], $0x4000  }
0x109: {  	[sflag:s22] =	ssyncset.done $0x0  }
.Ltmp6:
0x10a: {  	[sflag:s22] =	ssyncadd.s32 $0xFFFFC000;
	(pc) =	sbr.rel .LBB2_14-.Ltmp6, $4  }
0x10b: {  	_ =	swait.ge [sflag:s23], $0x4000  }
0x10c: {  	[sflag:s23] =	ssyncset.done $0x0  }
0x10d: {  	s30 =	simm.s32 $0x2700;
	[sflag:s23] =	ssyncadd.s32 $0xFFFFC000  }
0x10e: {  	[spmem:s2] =	stream.indirect.scatter.add.f32 [tilespmem:s21], [sflag:$0x3], $0x80, s30, s25, $0xb8;
	[tilespmem:$0x1E800] =	vst v63  }
.LBB2_9:
0x10f: {  	[tilespmem:s26], [sflag:$0x2] =	stream.indirect.gather [hbm4b:s4+s25], $0x80, s0, s25, $0xb8;
	[tilespmem:$0x1E800] =	vst v63  }
0x110: {  	_ =	swait.ge [sflag:s23], $0x4000  }
0x111: {  	[sflag:s23] =	ssyncset.done $0x0  }
0x112: {  	s28 =	simm.s32 $0x1400;
	[sflag:s23] =	ssyncadd.s32 $0xFFFFC000  }
0x113: {  	[spmem:s2] =	stream.indirect.scatter.add.f32 [tilespmem:s21], [sflag:$0x3], $0x80, s28, s25, $0xb8;
	[tilespmem:$0x1E800] =	vst v63  }
0x114: {  	_ =	swait.ge [sflag:s22], $0x4000  }
0x115: {  	[sflag:s22] =	ssyncset.done $0x0  }
0x116: {  	s29 =	simm.s32 $0x100;
	[sflag:s22] =	ssyncadd.s32 $0xFFFFC000  }
0x117: {  	[tilespmem:s21], [sflag:$0x1] =	stream.indirect.gather [hbm4b:s4+s25], $0x80, s29, s25, $0xb8;
	[tilespmem:$0x1E800] =	vst v63  }
0x118: {  	_ =	swait.ge [sflag:s24], $0x4000  }
0x119: {  	[sflag:s24] =	ssyncset.done $0x0  }
0x11a: {  	s30 =	simm.s32 $0x1480;
	[sflag:s24] =	ssyncadd.s32 $0xFFFFC000  }
0x11b: {  	[spmem:s2] =	stream.indirect.scatter.add.f32 [tilespmem:s26], [sflag:$0x3], $0x80, s30, s25, $0xb8;
	[tilespmem:$0x1E800] =	vst v63  }
0x11c: {  	_ =	swait.ge [sflag:s22], $0x4000  }
0x11d: {  	s1 =	simm.s32 $0x800;
	s0 =	simm.s32 $0x100;
	[sflag:s22] =	ssyncset.done $0x0  }
.LBB2_10:
0x11e: {  	s28 =	sadd.s32 $0x80, s0  }
0x11f: {  	[sflag:s22] =	ssyncadd.s32 $0xFFFFC000;
	s29 =	smov.u32 s1;
	s30 =	sadd.s32 $0x400, s1  }
0x120: {  	[tilespmem:s26], [sflag:$0x2] =	stream.indirect.gather [hbm4b:s4+s25], $0x80, s28, s25, $0xb8;
	[tilespmem:$0x1E800] =	vst v63  }
0x121: {  	p1 =	sne.s32 s1, $0x4800;
	_ =	swait.ge [sflag:s23], $0x4000  }
0x122: {  	[sflag:s23] =	ssyncset.done $0x0  }
0x123: {  	s1 =	sadd.s32 $0x1400, s0;
	[sflag:s23] =	ssyncadd.s32 $0xFFFFC000  }
0x124: {  	[spmem:s2] =	stream.indirect.scatter.add.f32 [tilespmem:s21], [sflag:$0x3], $0x80, s1, s25, $0xb8;
	[tilespmem:$0x1E800] =	vst v63  }
0x125: {  	_ =	swait.ge [sflag:s22], $0x4000  }
0x126: {  	[sflag:s22] =	ssyncset.done $0x0  }
0x127: {  	s1 =	sadd.s32 $0x100, s0;
	[sflag:s22] =	ssyncadd.s32 $0xFFFFC000  }
0x128: {  	[tilespmem:s21], [sflag:$0x1] =	stream.indirect.gather [hbm4b:s4+s25], $0x80, s1, s25, $0xb8;
	[tilespmem:$0x1E800] =	vst v63  }
0x129: {  	_ =	swait.ge [sflag:s24], $0x4000  }
.Ltmp7:
0x12a: {  	[sflag:s24] =	ssyncset.done $0x0;
	(pc) =	sbr.rel @p1 .LBB2_10-.Ltmp7, $4  }
0x12b: {  	s0 =	sadd.s32 $0x1480, s0;
	[sflag:s24] =	ssyncadd.s32 $0xFFFFC000  }
0x12c: {  	[spmem:s2] =	stream.indirect.scatter.add.f32 [tilespmem:s26], [sflag:$0x3], $0x80, s0, s25, $0xb8;
	[tilespmem:$0x1E800] =	vst v63  }
0x12d: {  	_ =	swait.ge [sflag:s22], $0x4000  }
0x12e: {  	s1 =	smov.u32 s30;
	s0 =	sshra.s32 s29, $0x2;
	[sflag:s22] =	ssyncset.done $0x0  }
0x12f: {  	s1 =	sadd.s32 $0x80, s0;
	[sflag:s22] =	ssyncadd.s32 $0xFFFFC000  }
0x130: {  	[tilespmem:s26], [sflag:$0x2] =	stream.indirect.gather [hbm4b:s4+s25], $0x80, s1, s25, $0xb8;
	[tilespmem:$0x1E800] =	vst v63  }
0x131: {  	_ =	swait.ge [sflag:s23], $0x4000  }
0x132: {  	[sflag:s23] =	ssyncset.done $0x0  }
0x133: {  	s28 =	sadd.s32 $0x1400, s0;
	[sflag:s23] =	ssyncadd.s32 $0xFFFFC000  }
0x134: {  	[spmem:s2] =	stream.indirect.scatter.add.f32 [tilespmem:s21], [sflag:$0x3], $0x80, s28, s25, $0xb8;
	[tilespmem:$0x1E800] =	vst v63  }
0x135: {  	_ =	swait.ge [sflag:s22], $0x4000  }
0x136: {  	[sflag:s22] =	ssyncset.done $0x0  }
0x137: {  	s29 =	sadd.s32 $0x100, s0;
	[sflag:s22] =	ssyncadd.s32 $0xFFFFC000  }
0x138: {  	[tilespmem:s21], [sflag:$0x1] =	stream.indirect.gather [hbm4b:s4+s25], $0x80, s29, s25, $0xb8;
	[tilespmem:$0x1E800] =	vst v63  }
0x139: {  	_ =	swait.ge [sflag:s24], $0x4000  }
0x13a: {  	[sflag:s24] =	ssyncset.done $0x0  }
0x13b: {  	s30 =	sadd.s32 $0x1480, s0;
	[sflag:s24] =	ssyncadd.s32 $0xFFFFC000  }
0x13c: {  	[spmem:s2] =	stream.indirect.scatter.add.f32 [tilespmem:s26], [sflag:$0x3], $0x80, s30, s25, $0xb8;
	[tilespmem:$0x1E800] =	vst v63  }
0x13d: {  	_ =	swait.ge [sflag:s22], $0x4000  }
0x13e: {  	[sflag:s22] =	ssyncset.done $0x0  }
0x13f: {  	s1 =	simm.s32 $0x1380;
	[sflag:s22] =	ssyncadd.s32 $0xFFFFC000  }
0x140: {  	[tilespmem:s26], [sflag:$0x2] =	stream.indirect.gather [hbm4b:s4+s25], $0x80, s1, s25, $0xb8;
	[tilespmem:$0x1E800] =	vst v63  }
0x141: {  	_ =	swait.ge [sflag:s23], $0x4000  }
0x142: {  	[sflag:s23] =	ssyncset.done $0x0  }
0x143: {  	s28 =	simm.s32 $0x2700;
	[sflag:s23] =	ssyncadd.s32 $0xFFFFC000  }
0x144: {  	[spmem:s2] =	stream.indirect.scatter.add.f32 [tilespmem:s21], [sflag:$0x3], $0x80, s28, s25, $0xb8;
	[tilespmem:$0x1E800] =	vst v63  }
0x145: {  	_ =	swait.ge [sflag:s22], $0x4000  }
0x146: {  	[sflag:s22] =	ssyncset.done $0x0  }
0x147: {  	[sflag:s22] =	ssyncadd.s32 $0xFFFFC000  }
0x148: {  	_ =	swait.ge [sflag:s24], $0x4000  }
0x149: {  	[sflag:s24] =	ssyncset.done $0x0  }
0x14a: {  	s29 =	simm.s32 $0x2780;
	[sflag:s24] =	ssyncadd.s32 $0xFFFFC000  }
0x14b: {  	[spmem:s2] =	stream.indirect.scatter.add.f32 [tilespmem:s26], [sflag:$0x3], $0x80, s29, s25, $0xb8;
	[tilespmem:$0x1E800] =	vst v63  }
0x14c: {  	_ =	swait.ge [sflag:s22], $0x4000  }
0x14d: {  	[sflag:s22] =	ssyncset.done $0x0  }
0x14e: {  	s30 =	simm.s32 $0x0;
	[sflag:s22] =	ssyncadd.s32 $0xFFFFC000  }
0x14f: {  	[tilespmem:s30], [sflag:$0x3] =	stream.linear.gather [hbm4b:s12+s30], $0x1300, $0x38;
	[tilespmem:$0x1E800] =	vst v63  }
0x150: {  	_ =	swait.ge [sflag:s22], $0x1300  }
0x151: {  	[sflag:s22] =	ssyncset.done $0x0  }
0x152: {  	[sflag:s22] =	ssyncadd.s32 $0xFFFFED00  }
0x153: {  	[tilespmem:s20], [sflag:$0x3] =	stream.linear.gather [hbm4b:s13+s30], $0x1300, $0x38;
	[tilespmem:$0x1E800] =	vst v63  }
0x154: {  	_ =	swait.ge [sflag:s22], $0x1300  }
0x155: {  	[sflag:s22] =	ssyncset.done $0x0  }
0x156: {  	[sflag:s22] =	ssyncadd.s32 $0xFFFFED00  }
0x157: {  	[tilespmem:s21], [sflag:$0x1] =	stream.indirect.gather [hbm4b:s4+s25], $0x80, s30, s25, $0xb8;
	[tilespmem:$0x1E800] =	vst v63  }
0x158: {  	s1 =	simm.s32 $0x80  }
0x159: {  	[tilespmem:s26], [sflag:$0x2] =	stream.indirect.gather [hbm4b:s4+s25], $0x80, s1, s25, $0xb8;
	[tilespmem:$0x1E800] =	vst v63  }
0x15a: {  	_ =	swait.ge [sflag:s23], $0x4000  }
0x15b: {  	[sflag:s23] =	ssyncset.done $0x0  }
0x15c: {  	s28 =	simm.s32 $0x1400;
	[sflag:s23] =	ssyncadd.s32 $0xFFFFC000  }
0x15d: {  	[spmem:s2] =	stream.indirect.scatter.add.f32 [tilespmem:s21], [sflag:$0x3], $0x80, s28, s25, $0xb8;
	[tilespmem:$0x1E800] =	vst v63  }
0x15e: {  	_ =	swait.ge [sflag:s22], $0x4000  }
0x15f: {  	[sflag:s22] =	ssyncset.done $0x0  }
0x160: {  	s29 =	simm.s32 $0x100;
	[sflag:s22] =	ssyncadd.s32 $0xFFFFC000  }
0x161: {  	[tilespmem:s21], [sflag:$0x1] =	stream.indirect.gather [hbm4b:s4+s25], $0x80, s29, s25, $0xb8;
	[tilespmem:$0x1E800] =	vst v63  }
0x162: {  	_ =	swait.ge [sflag:s24], $0x4000  }
0x163: {  	[sflag:s24] =	ssyncset.done $0x0  }
0x164: {  	s30 =	simm.s32 $0x1480;
	[sflag:s24] =	ssyncadd.s32 $0xFFFFC000  }
0x165: {  	[spmem:s2] =	stream.indirect.scatter.add.f32 [tilespmem:s26], [sflag:$0x3], $0x80, s30, s25, $0xb8;
	[tilespmem:$0x1E800] =	vst v63  }
0x166: {  	_ =	swait.ge [sflag:s22], $0x4000  }
0x167: {  	s0 =	simm.s32 $0x100;
	s1 =	simm.s32 $0x800;
	[sflag:s22] =	ssyncset.done $0x0  }
.LBB2_12:
0x168: {  	s28 =	sadd.s32 $0x80, s0  }
0x169: {  	[sflag:s22] =	ssyncadd.s32 $0xFFFFC000;
	s29 =	smov.u32 s1;
	s30 =	sadd.s32 $0x400, s1  }
0x16a: {  	[tilespmem:s26], [sflag:$0x2] =	stream.indirect.gather [hbm4b:s4+s25], $0x80, s28, s25, $0xb8;
	[tilespmem:$0x1E800] =	vst v63  }
0x16b: {  	p1 =	sne.s32 s1, $0x4400;
	_ =	swait.ge [sflag:s23], $0x4000  }
0x16c: {  	[sflag:s23] =	ssyncset.done $0x0  }
0x16d: {  	s1 =	sadd.s32 $0x1400, s0;
	[sflag:s23] =	ssyncadd.s32 $0xFFFFC000  }
0x16e: {  	[spmem:s2] =	stream.indirect.scatter.add.f32 [tilespmem:s21], [sflag:$0x3], $0x80, s1, s25, $0xb8;
	[tilespmem:$0x1E800] =	vst v63  }
0x16f: {  	_ =	swait.ge [sflag:s22], $0x4000  }
0x170: {  	[sflag:s22] =	ssyncset.done $0x0  }
0x171: {  	s1 =	sadd.s32 $0x100, s0;
	[sflag:s22] =	ssyncadd.s32 $0xFFFFC000  }
0x172: {  	[tilespmem:s21], [sflag:$0x1] =	stream.indirect.gather [hbm4b:s4+s25], $0x80, s1, s25, $0xb8;
	[tilespmem:$0x1E800] =	vst v63  }
0x173: {  	_ =	swait.ge [sflag:s24], $0x4000  }
.Ltmp8:
0x174: {  	[sflag:s24] =	ssyncset.done $0x0;
	(pc) =	sbr.rel @p1 .LBB2_12-.Ltmp8, $4  }
0x175: {  	s0 =	sadd.s32 $0x1480, s0;
	[sflag:s24] =	ssyncadd.s32 $0xFFFFC000  }
0x176: {  	[spmem:s2] =	stream.indirect.scatter.add.f32 [tilespmem:s26], [sflag:$0x3], $0x80, s0, s25, $0xb8;
	[tilespmem:$0x1E800] =	vst v63  }
0x177: {  	_ =	swait.ge [sflag:s22], $0x4000  }
0x178: {  	s1 =	smov.u32 s30;
	s0 =	sshra.s32 s29, $0x2;
	[sflag:s22] =	ssyncset.done $0x0  }
.Ltmp9:
0x179: {  	_ = 	snop;
	(pc) =	sbr.rel .LBB2_13-.Ltmp9, $1  }
0x17a: {  	_ =	sdelay $0x3  }
.LBB2_15:
0x17b: {  	_ =	sfence.sel $0x180000  }
0x17c: {  	[bflag:$0x0] =	sbarrier.arrive $0xFFFF  }
0x17d: {  	_ =	strace $0x9000004A  }
0x17e: {  	s0 =	stileid.u32;
	[bflag:$0x2] =	sbarrier.arrive $0xFFFF  }
0x17f: {  	p0 =	sne.s32 s0, $0x0;
	s0 =	rddreg [dreg:$0x3]  }
0x180: {  	s0 =	sadd.s32 @!p0 $0x100000, s0  }
0x181: {  	[sflag:s0] =	ssyncadd.tile.s32 @!p0 $0x1;
	_ =	shalt  }
.Lfunc_end2:
_tile_overlayer_lowered:
.L_overlay_start_2:
0x182: {  	(tag) =	ssettag $0x2  }
0x183: {  	s0 =	rddreg [dreg:$0x0];
	s2 =	stileid.u32  }
0x184: {  	s1 =	rddreg [dreg:$0x1];
	p0 =	sne.s32 s2, $0x0  }
0x185: {  	s3 =	rddreg [dreg:$0x2];
	[bflag:$0x3] =	sbarrier.arrive $0xFFFF;
	s2 =	simm.s32 @!p0 $0x1C03  }
0x186: {  	[timem:s3], [sflag:s2] =	dma.local @!p0 [hbm:s0], s1  }
0x187: {  	s0 =	simm.s32 @!p0 $0x3  }
0x188: {  	_ =	swait.ge @!p0 [sflag:s0], s1  }
0x189: {  	s1 =	ssub.s32 @!p0 $0x0, s1;
	[sflag:s0] =	ssyncset.done @!p0 $0x0  }
0x18a: {  	[sflag:s0] =	ssyncadd.s32 @!p0 s1  }
0x18b: {  	[bflag:$0x3] =	sbarrier.arrive $0xFFFF  }
0x18c: {  	_ =	shalt  }

// kernel: kernel.15.cloned.1.call-start
scs
__scs_entry_jumppad:
0x0: {  	(pc) =	sbr.rel $0x88, $3  }
0x1: {  	(tag) =	ssettag $0x0;
	lr =	simm.s32 $0x1  }
0x2: {  	[smem:$0x3F99] =	sst lr;
	_ =	strace $0xD0000000  }
0x3: {  	_ = 	snop  }
0x4: {  	_ = 	snop  }
0x5: {  	_ = 	snop  }
0x6: {  	_ = 	snop  }
0x7: {  	_ = 	snop  }
__scs_overlays_trampoline_lowered:
0x8: {  	[smem:$0x3FA8] =	sst s0  }
0x9: {  	[smem:$0x3FA9] =	sst s1  }
0xa: {  	[smem:$0x3FAA] =	sst s2  }
0xb: {  	[smem:$0x3FAB] =	sst s3  }
0xc: {  	[smem:$0x3FAC] =	sst s4  }
0xd: {  	[smem:$0x3FAD] =	sst s5  }
0xe: {  	[smem:$0x3FAE] =	sst s6  }
0xf: {  	[smem:$0x3FAF] =	sst s7  }
0x10: {  	[smem:$0x3FB0] =	sst s8  }
0x11: {  	[smem:$0x3FB1] =	sst s9;
	s0 =	simm.s32 @!p0 $0x0  }
0x12: {  	s1 =	sld [smem:$0x3F97];
	s0 =	simm.s32 @p0 $0x1  }
0x13: {  	[smem:$0x3FB2] =	sst s0;
	s0 =	simm.s32 @!p1 $0x0  }
0x14: {  	s2 =	sld [smem:$0x3F96];
	s0 =	simm.s32 @p1 $0x1  }
0x15: {  	[smem:$0x3FB3] =	sst s0;
	s0 =	simm.s32 @!p2 $0x0  }
0x16: {  	s3 =	sld [smem:$0x3FDB];
	s0 =	simm.s32 @p2 $0x1  }
0x17: {  	s4 =	simm.s32 $0x1BF5;
	[smem:$0x3FB5] =	sst s0  }
0x18: {  	s0 =	sld [smem:$0x3F98];
	_ =	swait.ge [sflag:s4], $0x0  }
0x19: {  	s7 =	sld [smem:$0x3F99]  }
0x1a: {  	s8 =	sadd.s32 $0xFFFFE003, lr  }
0x1b: {  	s9 =	sadd.s32 $0xFFFFFEF7, lr;
	s5 =	simm.s32 $0xFFFFFFFF;
	p2 =	slt.u32 s8, $0xFFFFF086  }
0x1c: {  	p1 =	slt.u32 s9, $0xF7A;
	s5 =	simm.s32 @!p2 $0x0  }
0x1d: {  	s5 =	simm.s32 @p1 $0x1;
	p0 =	seq.s32 s7, s2  }
0x1e: {  	s7 =	smul.u32 @!p0 $0xF7A, s2;
	p2 =	seq.s32 @!p0 s5, $0x0  }
0x1f: {  	s9 =	smul.u32 $0xF7A, s1;
	s8 =	simm.s32 @!p0 $0x1BF5;
	p2 =	por !p2, p0  }
0x20: {  	[sflag:s8] =	ssyncset.s32 @!p0 $0xFFFFF086;
	s6 =	sadd.s32 @!p0 s3, s7;
	s7 =	simm.s32 @!p0 $0x108  }
0x21: {  	s3 =	sadd.s32 s3, s9;
	s6 =	sadd.s32 @!p0 $0x88, s6;
	s7 =	simm.s32 @p2 $0x1082  }
0x22: {  	[simem:s7], [sflag:s8] =	dma.local @!p0 [hbm:s6], $0xF7A  }
0x23: {  	s9 =	sor.u32 $0xD0000000, s2;
	s6 =	simm.s32 $0x108;
	_ =	swait.ge @!p0 [sflag:s8], $0x0  }
0x24: {  	s3 =	sadd.s32 $0x88, s3;
	s6 =	simm.s32 @!p1 $0x1082;
	[sflag:s4] =	ssyncset.s32 $0xFFFFF086  }
0x25: {  	[simem:s6], [sflag:s4] =	dma.local [hbm:s3], $0xF7A  }
0x26: {  	[smem:$0x3F99] =	sst s1;
	(tag) =	ssettag s2;
	_ =	strace s9  }
0x27: {  	s1 =	sld [smem:$0x3FA9]  }
0x28: {  	s2 =	sld [smem:$0x3FAA]  }
0x29: {  	s4 =	sld [smem:$0x3FAC]  }
0x2a: {  	p0 =	seq.s32 s5, $0x0;
	s5 =	sld [smem:$0x3FAD]  }
0x2b: {  	s6 =	sld [smem:$0x3FAE]  }
0x2c: {  	s7 =	sld [smem:$0x3FAF]  }
0x2d: {  	s3 =	simm.s32 $0x108;
	s8 =	sld [smem:$0x3FB0]  }
0x2e: {  	s3 =	simm.s32 @!p0 $0x1082;
	s9 =	sld [smem:$0x3FB1]  }
0x2f: {  	lr =	sadd.s32 s0, s3;
	s0 =	sld [smem:$0x3FA8]  }
0x30: {  	s3 =	sld [smem:$0x3FAB]  }
0x31: {  	[smem:$0x3FB4] =	sst s10  }
0x32: {  	s10 =	sld [smem:$0x3FB2];
	_ =	sdelay $0x3  }
0x33: {  	p0 =	seq.s32 s10, $0x1;
	s10 =	sld [smem:$0x3FB4];
	_ =	sdelay $0x3  }
0x34: {  	[smem:$0x3FB4] =	sst s10  }
0x35: {  	s10 =	sld [smem:$0x3FB3];
	_ =	sdelay $0x3  }
0x36: {  	p1 =	seq.s32 s10, $0x1;
	s10 =	sld [smem:$0x3FB4];
	_ =	sdelay $0x3  }
0x37: {  	[smem:$0x3FB4] =	sst s10  }
0x38: {  	s10 =	sld [smem:$0x3FB5]  }
0x39: {  	_ = 	snop;
	(pc) =	sbr.ind lr, $3  }
0x3a: {  	_ = 	snop  }
0x3b: {  	_ = 	snop  }
0x3c: {  	p2 =	seq.s32 s10, $0x1;
	s10 =	sld [smem:$0x3FB4]  }
0x3d: {  	_ =	shalt  }
0x3e: {  	_ =	shalt  }
0x3f: {  	_ =	shalt  }
0x40: {  	_ =	shalt  }
0x41: {  	_ =	shalt  }
0x42: {  	_ =	shalt  }
0x43: {  	_ =	shalt  }
0x44: {  	_ =	shalt  }
0x45: {  	_ =	shalt  }
0x46: {  	_ =	shalt  }
0x47: {  	_ =	shalt  }
0x48: {  	_ =	shalt  }
0x49: {  	_ =	shalt  }
0x4a: {  	_ =	shalt  }
0x4b: {  	_ =	shalt  }
0x4c: {  	_ =	shalt  }
0x4d: {  	_ =	shalt  }
0x4e: {  	_ =	shalt  }
0x4f: {  	_ =	shalt  }
0x50: {  	_ =	shalt  }
0x51: {  	_ =	shalt  }
0x52: {  	_ =	shalt  }
0x53: {  	_ =	shalt  }
0x54: {  	_ =	shalt  }
0x55: {  	_ =	shalt  }
0x56: {  	_ =	shalt  }
0x57: {  	_ =	shalt  }
0x58: {  	_ =	shalt  }
0x59: {  	_ =	shalt  }
0x5a: {  	_ =	shalt  }
0x5b: {  	_ =	shalt  }
0x5c: {  	_ =	shalt  }
0x5d: {  	_ =	shalt  }
0x5e: {  	_ =	shalt  }
0x5f: {  	_ =	shalt  }
0x60: {  	_ =	shalt  }
0x61: {  	_ =	shalt  }
0x62: {  	_ =	shalt  }
0x63: {  	_ =	shalt  }
0x64: {  	_ =	shalt  }
0x65: {  	_ =	shalt  }
0x66: {  	_ =	shalt  }
0x67: {  	_ =	shalt  }
0x68: {  	_ =	shalt  }
0x69: {  	_ =	shalt  }
0x6a: {  	_ =	shalt  }
0x6b: {  	_ =	shalt  }
0x6c: {  	_ =	shalt  }
0x6d: {  	_ =	shalt  }
0x6e: {  	_ =	shalt  }
0x6f: {  	_ =	shalt  }
0x70: {  	_ =	shalt  }
0x71: {  	_ =	shalt  }
0x72: {  	_ =	shalt  }
0x73: {  	_ =	shalt  }
0x74: {  	_ =	shalt  }
0x75: {  	_ =	shalt  }
0x76: {  	_ =	shalt  }
0x77: {  	_ =	shalt  }
0x78: {  	_ =	shalt  }
0x79: {  	_ =	shalt  }
0x7a: {  	_ =	shalt  }
0x7b: {  	_ =	shalt  }
0x7c: {  	_ =	shalt  }
0x7d: {  	_ =	shalt  }
0x7e: {  	_ =	shalt  }
0x7f: {  	_ =	shalt  }
0x80: {  	_ =	shalt  }
0x81: {  	_ =	shalt  }
0x82: {  	_ =	shalt  }
0x83: {  	_ =	shalt  }
0x84: {  	_ =	shalt  }
0x85: {  	_ =	shalt  }
0x86: {  	_ =	shalt  }
0x87: {  	_ =	shalt  }
.Lfunc_end0:
.L_simem_size_0:
called_computation.2_lowered:
.L_overlay_start_0:
0x88: {  	s2 =	sld [smem:$0x3FD9]  }
0x89: {  	s3 =	sld [smem:$0x3FFE];
	_ =	sdelay $0x1  }
0x8a: {  	s1 =	srdreg.scid  }
0x8b: {  	s0 =	sand.u32 $0x1, s1  }
0x8c: {  	s17 =	sshll.u32 s0, $0xA;
	s2 =	sadd.s32 s3, s2  }
0x8d: {  	s2 =	sadd.s32 s2, s17  }
0x8e: {  	[smem:$0x3FC0] =	sst s2  }
0x8f: {  	_ = 	snop  }
0x90: {  	s2 =	sld [smem:$0x3FD0];
	(tm) =	ssettm $0x1  }
0x91: {  	s18 =	sld [smem:$0x3FFB];
	_ =	sdelay $0x3  }
0x92: {  	_ =	strace s18  }
0x93: {  	s3 =	sld [smem:$0x3FFC];
	_ =	sdelay $0x3  }
0x94: {  	_ =	strace s3  }
0x95: {  	s3 =	sld [smem:$0x3FFD];
	_ =	sdelay $0x3  }
0x96: {  	_ =	strace s3  }
0x97: {  	_ =	strace $0x8FFFFFFF  }
0x98: {  	s19 =	sld [smem:$0x3FDB];
	_ =	sdelay $0x1  }
0x99: {  	s4 =	simm.s32 $_scs_section_size  }
0x9a: {  	s5 =	simm.s32 $_size__tile_overlayer_lowered;
	s6 =	simm.s32 $_tile_overlayer_lowered  }
0x9b: {  	s22 =	simm.s32 $0x1BFF;
	s21 =	sshll.u32 s6, $0x1;
	s3 =	sadd.s32 s4, s19  }
0x9c: {  	s7 =	simm.s32 $0x0;
	s20 =	sshll.u32 s5, $0x1;
	s5 =	sadd.s32 s21, s3  }
0x9d: {  	[timem:s7], [sflag:s22] =	dma.local [hbm:s5], s20  }
0x9e: {  	_ =	swait.ge [sflag:s22], s20  }
0x9f: {  	s4 =	ssub.s32 $0x0, s20;
	[sflag:s22] =	ssyncset.done $0x0  }
0xa0: {  	[sflag:s22] =	ssyncadd.s32 s4;
	_ =	sdelay $0x1  }
0xa1: {  	s23 =	simm.s32 $0x1B8B  }
0xa2: {  	_ =	swait.ge [sflag:s23], $0x1  }
0xa3: {  	[sflag:s23] =	ssyncset.done $0x0  }
0xa4: {  	s25 =	simm.s32 $0x1B8E;
	s24 =	sld [smem:$0x3FFE];
	[sflag:s23] =	ssyncadd.s32 $0xFFFFFFFF  }
0xa5: {  	s26 =	simm.s32 $execute0_lowered;
	[smem:$0x3FD2] =	sst s25  }
0xa6: {  	s5 =	sshll.u32 s26, $0x1;
	_ =	strace $0x8000004C;
	[dreg:$0x1] =	wrdreg $0xFFFFFFFF  }
0xa7: {  	s28 =	simm.s32 $_size_execute0_lowered;
	s3 =	sadd.s32 s3, s5;
	[dreg:$0x0] =	wrdreg $0x0  }
0xa8: {  	s5 =	sshll.u32 s28, $0x1;
	[dreg:$0x2] =	wrdreg s3  }
0xa9: {  	[dreg:$0x3] =	wrdreg s5  }
0xaa: {  	[dreg:$0x4] =	wrdreg $0xC0  }
0xab: {  	_ =	task [dreg:s7], $0x5FFFF  }
0xac: {  	[dreg:$0x1] =	wrdreg $0xFFFFFFFF  }
0xad: {  	[dreg:$0x0] =	wrdreg $0x60  }
0xae: {  	[dreg:$0x2] =	wrdreg s24  }
0xaf: {  	[dreg:$0x3] =	wrdreg s2  }
0xb0: {  	[dreg:$0x4] =	wrdreg $0x68000  }
0xb1: {  	[dreg:$0x5] =	wrdreg $0x9  }
0xb2: {  	_ =	task.clear_ibuf [dreg:s7], $0x6FFFF;
	_ =	strace $0x9000004C  }
0xb3: {  	s29 =	simm.s32 $0x9;
	_ =	strace $0x8000004E  }
0xb4: {  	_ =	swait.ge [sflag:s29], $0x1  }
0xb5: {  	[sflag:s29] =	ssyncadd.s32 $0xFFFFFFFF  }
0xb6: {  	_ =	strace $0x9000004E  }
0xb7: {  	_ =	sfence  }
0xb8: {  	s30 =	sld [smem:$0x0];
	_ =	sdelay $0x2  }
0xb9: {  	s31 =	sshll.u32 s1, $0xD;
	s1 =	sshrl.u32 s1, $0x2  }
0xba: {  	s3 =	sand.u32 $0x4000, s31;
	s1 =	sadd.s32 s1, s30  }
0xbb: {  	s0 =	sor.u32 s3, s0;
	s1 =	sshll.u32 s1, $0x11  }
0xbc: {  	s0 =	sor.u32 s1, s0  }
0xbd: {  	s0 =	sadd.s32 $0x8F2B, s0  }
0xbe: {  	[sflag:s0] =	ssyncadd.remote.s32 $0x1  }
0xbf: {  	_ =	sfence.sel $0xFFFF  }
0xc0: {  	[dreg:$0x0] =	wrdreg $0xFFFFFFFF;
	(pc) =	sbr.abs _section_cstart, $3  }
0xc1: {  	[dreg:$0x1] =	wrdreg $0xFFFFFFFF  }
0xc2: {  	_ =	task.clear_ibuf [dreg:s7], $0x2FFFF;
	_ =	strace $0x9FFFFFFF  }
0xc3: {  	(tm) =	ssettm $0x7FFFFFFF  }
tec
execute0_lowered:
.L_overlay_start_1:
0x0: {  	(tag) =	ssettag $0x1  }
0x1: {  	s0 =	rddreg [dreg:$0x0]  }
0x2: {  	s1 =	srdreg.scid;
	s12 =	rddreg [dreg:$0x1]  }
0x3: {  	s2 =	rddreg [dreg:$0x2];
	s8 =	stileid.u32;
	s3 =	simm.s32 $0x0  }
0x4: {  	s22 =	simm.s32 $0x3;
	s23 =	simm.s32 $0x1;
	s24 =	simm.s32 $0x2  }
0x5: {  	s25 =	simm.s32 $0x80;
	s31 =	simm.s32 $0x0;
	s1 =	sand.u32 $0x1, s1  }
0x6: {  	[smem:$0x7FF] =	sst s3;
	s14 =	smul.u32 $0xA000, s8;
	s15 =	sadd.s32 $0x9C40, s12  }
0x7: {  	s4 =	sshll.u32 s1, $0x4;
	_ =	strace $0x8000004D;
	s7 =	ssub.s32 $0x2, s1  }
0x8: {  	s1 =	smul.u32 $0xA0000, s1;
	s21 =	sor.u32 s8, s4;
	s4 =	sadd.s32 $0x2200, s0  }
0x9: {  	s0 =	sadd.s32 $0x15C00, s0;
	s26 =	sshrl.u32 s7, $0x1;
	s16 =	sadd.s32 $0x2000, s14  }
0xa: {  	s17 =	sadd.s32 $0x4000, s14;
	s18 =	sadd.s32 $0x6000, s14;
	s20 =	sadd.s32 $0x8000, s14  }
0xb: {  	s5 =	smul.u32 $0x4E, s21;
	s6 =	smin.u32 s21, $0x4;
	s19 =	ssub.s32 s7, s26  }
0xc: {  	s7 =	sadd.s32 s14, s2;
	s8 =	sadd.s32 s16, s2;
	s9 =	sadd.s32 s17, s2  }
0xd: {  	s10 =	sadd.s32 s18, s2;
	s11 =	sadd.s32 s20, s2;
	s14 =	sadd.s32 s14, s1  }
0xe: {  	s16 =	sadd.s32 s1, s16;
	s29 =	sadd.s32 s1, s17;
	s30 =	sadd.s32 s1, s18  }
0xf: {  	s1 =	sadd.s32 s1, s20;
	s20 =	simm.s32 $0x1400;
	p0 =	sgt.u32 s21, $0x3  }
0x10: {  	s21 =	simm.s32 $0x2800;
	s26 =	simm.s32 $0x4800;
	s14 =	sshrl.u32 s14, $0x3  }
0x11: {  	s28 =	sshrl.u32 s16, $0x3;
	s16 =	sshrl.u32 s29, $0x3;
	s17 =	sshrl.u32 s30, $0x3  }
.Ltmp0:
0x12: {  	s1 =	sshrl.u32 s1, $0x3;
	s19 =	smax.u32 s19, $0x1;
	(pc) =	sbr.rel .LBB2_1-.Ltmp0, $4  }
0x13: {  	s5 =	sadd.s32 s6, s5;
	s14 =	sadd.s32 s0, s14;
	s16 =	sadd.s32 s0, s16  }
0x14: {  	s17 =	sadd.s32 s0, s17;
	s18 =	sadd.s32 s0, s1;
	s13 =	sshll.u32 s5, $0x4  }
0x15: {  	s5 =	sadd.s32 s12, s13;
	s6 =	sadd.s32 s13, s15;
	s13 =	sadd.s32 $0x280, s13  }
0x16: {  	v0 =	vimm.f32 $0.0e+00;
	s12 =	sadd.s32 s12, s13;
	s13 =	sadd.s32 s13, s15;
	s15 =	sadd.s32 s0, s28  }
.LBB2_13:
0x17: {  	s1 =	sadd.s32 $0x80, s0;
	[sflag:s22] =	ssyncadd.s32 $0xFFFFE000  }
0x18: {  	[tilespmem:s26], [sflag:$0x2] =	stream.indirect.gather [hbm4b:s4+s25], $0x40, s1, s25, $0xb8;
	[tilespmem:$0x10800] =	vst v63  }
0x19: {  	_ =	swait.ge [sflag:s23], $0x2000  }
0x1a: {  	[sflag:s23] =	ssyncset.done $0x0  }
0x1b: {  	s29 =	sadd.s32 $0x1400, s0;
	[sflag:s23] =	ssyncadd.s32 $0xFFFFE000  }
0x1c: {  	[spmem:s2] =	stream.indirect.scatter.add.f32 [tilespmem:s21], [sflag:$0x3], $0x40, s29, s25, $0xb8;
	[tilespmem:$0x10800] =	vst v63  }
0x1d: {  	_ =	swait.ge [sflag:s22], $0x2000  }
0x1e: {  	[sflag:s22] =	ssyncset.done $0x0  }
0x1f: {  	s30 =	sadd.s32 $0x100, s0;
	[sflag:s22] =	ssyncadd.s32 $0xFFFFE000  }
0x20: {  	[tilespmem:s21], [sflag:$0x1] =	stream.indirect.gather [hbm4b:s4+s25], $0x40, s30, s25, $0xb8;
	[tilespmem:$0x10800] =	vst v63  }
0x21: {  	_ =	swait.ge [sflag:s24], $0x2000  }
0x22: {  	[sflag:s24] =	ssyncset.done $0x0  }
0x23: {  	s1 =	sadd.s32 $0x1480, s0;
	[sflag:s24] =	ssyncadd.s32 $0xFFFFE000  }
0x24: {  	[spmem:s2] =	stream.indirect.scatter.add.f32 [tilespmem:s26], [sflag:$0x3], $0x40, s1, s25, $0xb8;
	[tilespmem:$0x10800] =	vst v63  }
0x25: {  	_ =	swait.ge [sflag:s22], $0x2000  }
0x26: {  	[sflag:s22] =	ssyncset.done $0x0  }
0x27: {  	s28 =	simm.s32 $0x1280;
	[sflag:s22] =	ssyncadd.s32 $0xFFFFE000  }
0x28: {  	[tilespmem:s26], [sflag:$0x2] =	stream.indirect.gather [hbm4b:s4+s25], $0x40, s28, s25, $0xb8;
	[tilespmem:$0x10800] =	vst v63  }
0x29: {  	_ =	swait.ge [sflag:s23], $0x2000  }
0x2a: {  	[sflag:s23] =	ssyncset.done $0x0  }
0x2b: {  	s29 =	simm.s32 $0x2600;
	[sflag:s23] =	ssyncadd.s32 $0xFFFFE000  }
0x2c: {  	[spmem:s2] =	stream.indirect.scatter.add.f32 [tilespmem:s21], [sflag:$0x3], $0x40, s29, s25, $0xb8;
	[tilespmem:$0x10800] =	vst v63  }
0x2d: {  	_ =	swait.ge [sflag:s22], $0x2000  }
0x2e: {  	[sflag:s22] =	ssyncset.done $0x0  }
0x2f: {  	[sflag:s22] =	ssyncadd.s32 $0xFFFFE000  }
0x30: {  	_ =	swait.ge [sflag:s24], $0x2000  }
0x31: {  	[sflag:s24] =	ssyncset.done $0x0  }
0x32: {  	s30 =	simm.s32 $0x2680;
	[sflag:s24] =	ssyncadd.s32 $0xFFFFE000  }
0x33: {  	[spmem:s2] =	stream.indirect.scatter.add.f32 [tilespmem:s26], [sflag:$0x3], $0x40, s30, s25, $0xb8;
	[tilespmem:$0x10800] =	vst v63  }
.LBB2_14:
0x34: {  	_ =	swait.ge [sflag:s22], $0x2000  }
0x35: {  	[sflag:s22] =	ssyncset.done $0x0  }
0x36: {  	[sflag:s22] =	ssyncadd.s32 $0xFFFFE000  }
0x37: {  	[bflag:$0x0] =	sbarrier.arrive $0xFFFF  }
0x38: {  	[tilespmem:s21], [sflag:$0x3] =	stream.linear.gather [spmem:s7], $0x2000, $0x38;
	[tilespmem:$0x10800] =	vst v63  }
0x39: {  	_ =	swait.ge [sflag:s22], $0x2000  }
0x3a: {  	[sflag:s22] =	ssyncset.done $0x0  }
0x3b: {  	[sflag:s22] =	ssyncadd.s32 $0xFFFFE000  }
0x3c: {  	[hbm4b:s14+s3] =	stream.linear.scatter [tilespmem:s21], [sflag:$0x1], $0x2000, $0x38;
	[tilespmem:$0x10800] =	vst v63  }
0x3d: {  	_ = 	snop  }
0x3e: {  	[tilespmem:s26], [sflag:$0x3] =	stream.linear.gather [spmem:s8], $0x2000, $0x38;
	[tilespmem:$0x10800] =	vst v63  }
0x3f: {  	_ =	swait.ge [sflag:s22], $0x2000  }
0x40: {  	[sflag:s22] =	ssyncset.done $0x0  }
0x41: {  	[sflag:s22] =	ssyncadd.s32 $0xFFFFE000  }
0x42: {  	[hbm4b:s15+s3] =	stream.linear.scatter [tilespmem:s26], [sflag:$0x2], $0x2000, $0x38;
	[tilespmem:$0x10800] =	vst v63  }
0x43: {  	_ =	swait.ge [sflag:s23], $0x2000  }
0x44: {  	[sflag:s23] =	ssyncset.done $0x0  }
0x45: {  	[sflag:s23] =	ssyncadd.s32 $0xFFFFE000  }
0x46: {  	[tilespmem:s21], [sflag:$0x3] =	stream.linear.gather [spmem:s9], $0x2000, $0x38;
	[tilespmem:$0x10800] =	vst v63  }
0x47: {  	_ =	swait.ge [sflag:s22], $0x2000  }
0x48: {  	[sflag:s22] =	ssyncset.done $0x0  }
0x49: {  	[sflag:s22] =	ssyncadd.s32 $0xFFFFE000  }
0x4a: {  	[hbm4b:s16+s3] =	stream.linear.scatter [tilespmem:s21], [sflag:$0x1], $0x2000, $0x38;
	[tilespmem:$0x10800] =	vst v63  }
0x4b: {  	_ =	swait.ge [sflag:s24], $0x2000  }
0x4c: {  	[sflag:s24] =	ssyncset.done $0x0  }
0x4d: {  	[sflag:s24] =	ssyncadd.s32 $0xFFFFE000  }
0x4e: {  	[tilespmem:s26], [sflag:$0x3] =	stream.linear.gather [spmem:s10], $0x2000, $0x38;
	[tilespmem:$0x10800] =	vst v63  }
0x4f: {  	_ =	swait.ge [sflag:s22], $0x2000  }
0x50: {  	[sflag:s22] =	ssyncset.done $0x0  }
0x51: {  	[sflag:s22] =	ssyncadd.s32 $0xFFFFE000  }
0x52: {  	[hbm4b:s17+s3] =	stream.linear.scatter [tilespmem:s26], [sflag:$0x2], $0x2000, $0x38;
	[tilespmem:$0x10800] =	vst v63  }
0x53: {  	_ =	swait.ge [sflag:s23], $0x2000  }
0x54: {  	[sflag:s23] =	ssyncset.done $0x0  }
0x55: {  	[sflag:s23] =	ssyncadd.s32 $0xFFFFE000  }
0x56: {  	[tilespmem:s21], [sflag:$0x3] =	stream.linear.gather [spmem:s11], $0x2000, $0x38;
	[tilespmem:$0x10800] =	vst v63  }
0x57: {  	_ =	swait.ge [sflag:s22], $0x2000  }
0x58: {  	[sflag:s22] =	ssyncset.done $0x0  }
0x59: {  	s31 =	sadd.s32 $0x1, s31;
	[sflag:s22] =	ssyncadd.s32 $0xFFFFE000  }
0x5a: {  	[hbm4b:s18+s3] =	stream.linear.scatter [tilespmem:s21], [sflag:$0x1], $0x2000, $0x38;
	[tilespmem:$0x10800] =	vst v63  }
0x5b: {  	p1 =	sne.s32 s31, s19;
	_ =	swait.ge [sflag:s24], $0x2000  }
.Ltmp1:
0x5c: {  	[sflag:s24] =	ssyncset.done $0x0;
	(pc) =	sbr.rel @!p1 .LBB2_15-.Ltmp1, $4  }
0x5d: {  	[sflag:s24] =	ssyncadd.s32 $0xFFFFE000  }
0x5e: {  	_ =	swait.ge [sflag:s23], $0x2000  }
0x5f: {  	[sflag:s23] =	ssyncset.done $0x0  }
0x60: {  	[sflag:s23] =	ssyncadd.s32 $0xFFFFE000  }
.LBB2_1:
0x61: {  	[tilespmem:s3], [sflag:$0x1] =	stream.linear.gather [hbm4b:s5+s3], $0x1400, $0x38;
	[tilespmem:$0x10800] =	vst v63  }
0x62: {  	s1 =	simm.s32 $0x100;
	s0 =	simm.s32 $0x0  }
0x63: {  	[tilespmem:s20], [sflag:$0x2] =	stream.linear.gather [hbm4b:s6+s3], $0x1400, $0x38;
	[tilespmem:$0x10800] =	vst v63  }
.LBB2_2:
0x64: {  	p1 =	sne.s32 s1, $0x7F00;
	[tilespmem:s0+$0x2830] =	vst v0;
	s28 =	smov.u32 s1;
	s1 =	sadd.s32 $0x100, s1  }
.Ltmp2:
0x65: {  	[tilespmem:s0+$0x2820] =	vst v0;
	(pc) =	sbr.rel @p1 .LBB2_2-.Ltmp2, $3  }
0x66: {  	[tilespmem:s0+$0x2800] =	vst v0  }
0x67: {  	[tilespmem:s0+$0x2810] =	vst v0;
	_ =	sdelay $0x1  }
0x68: {  	s0 =	sshra.s32 s28, $0x2  }
0x69: {  	[tilespmem:s0+$0x2830] =	vst v0  }
0x6a: {  	[tilespmem:s0+$0x2820] =	vst v0  }
0x6b: {  	[tilespmem:s0+$0x2800] =	vst v0  }
0x6c: {  	[tilespmem:s0+$0x2810] =	vst v0  }
0x6d: {  	[spmem:s7] =	stream.linear.scatter [tilespmem:s21], [sflag:$0x3], $0x2000, $0x38;
	[tilespmem:$0x10800] =	vst v63  }
0x6e: {  	_ =	swait.ge [sflag:s22], $0x2000  }
0x6f: {  	[sflag:s22] =	ssyncset.done $0x0  }
0x70: {  	[sflag:s22] =	ssyncadd.s32 $0xFFFFE000  }
0x71: {  	[spmem:s8] =	stream.linear.scatter [tilespmem:s21], [sflag:$0x3], $0x2000, $0x38;
	[tilespmem:$0x10800] =	vst v63  }
0x72: {  	_ =	swait.ge [sflag:s22], $0x2000  }
0x73: {  	[sflag:s22] =	ssyncset.done $0x0  }
0x74: {  	[sflag:s22] =	ssyncadd.s32 $0xFFFFE000  }
0x75: {  	[spmem:s9] =	stream.linear.scatter [tilespmem:s21], [sflag:$0x3], $0x2000, $0x38;
	[tilespmem:$0x10800] =	vst v63  }
0x76: {  	_ =	swait.ge [sflag:s22], $0x2000  }
0x77: {  	[sflag:s22] =	ssyncset.done $0x0  }
0x78: {  	[sflag:s22] =	ssyncadd.s32 $0xFFFFE000  }
0x79: {  	[spmem:s10] =	stream.linear.scatter [tilespmem:s21], [sflag:$0x3], $0x2000, $0x38;
	[tilespmem:$0x10800] =	vst v63  }
0x7a: {  	_ =	swait.ge [sflag:s22], $0x2000  }
0x7b: {  	[sflag:s22] =	ssyncset.done $0x0  }
0x7c: {  	[sflag:s22] =	ssyncadd.s32 $0xFFFFE000  }
0x7d: {  	[spmem:s11] =	stream.linear.scatter [tilespmem:s21], [sflag:$0x3], $0x2000, $0x38;
	[tilespmem:$0x10800] =	vst v63  }
0x7e: {  	_ =	swait.ge [sflag:s22], $0x2000  }
0x7f: {  	[sflag:s22] =	ssyncset.done $0x0  }
0x80: {  	[sflag:s22] =	ssyncadd.s32 $0xFFFFE000  }
0x81: {  	_ =	swait.ge [sflag:s23], $0x1400  }
0x82: {  	[sflag:s23] =	ssyncset.done $0x0  }
0x83: {  	[sflag:s23] =	ssyncadd.s32 $0xFFFFEC00  }
.Ltmp3:
0x84: {  	_ =	swait.ge [sflag:s24], $0x1400;
	(pc) =	sbr.rel @p0 .LBB2_9-.Ltmp3, $4  }
0x85: {  	[sflag:s24] =	ssyncset.done $0x0  }
0x86: {  	[sflag:s24] =	ssyncadd.s32 $0xFFFFEC00  }
0x87: {  	s30 =	simm.s32 $0x0;
	s0 =	simm.s32 $0x80;
	[bflag:$0x0] =	sbarrier.arrive $0xFFFF  }
0x88: {  	[tilespmem:s21], [sflag:$0x1] =	stream.indirect.gather [hbm4b:s4+s25], $0x40, s30, s25, $0xb8;
	[tilespmem:$0x10800] =	vst v63  }
0x89: {  	[tilespmem:s26], [sflag:$0x2] =	stream.indirect.gather [hbm4b:s4+s25], $0x40, s0, s25, $0xb8;
	[tilespmem:$0x10800] =	vst v63  }
0x8a: {  	_ =	swait.ge [sflag:s23], $0x2000  }
0x8b: {  	[sflag:s23] =	ssyncset.done $0x0  }
0x8c: {  	s28 =	simm.s32 $0x1400;
	[sflag:s23] =	ssyncadd.s32 $0xFFFFE000  }
0x8d: {  	[spmem:s2] =	stream.indirect.scatter.add.f32 [tilespmem:s21], [sflag:$0x3], $0x40, s28, s25, $0xb8;
	[tilespmem:$0x10800] =	vst v63  }
0x8e: {  	_ =	swait.ge [sflag:s22], $0x2000  }
0x8f: {  	[sflag:s22] =	ssyncset.done $0x0  }
0x90: {  	s29 =	simm.s32 $0x100;
	[sflag:s22] =	ssyncadd.s32 $0xFFFFE000  }
0x91: {  	[tilespmem:s21], [sflag:$0x1] =	stream.indirect.gather [hbm4b:s4+s25], $0x40, s29, s25, $0xb8;
	[tilespmem:$0x10800] =	vst v63  }
0x92: {  	_ =	swait.ge [sflag:s24], $0x2000  }
0x93: {  	[sflag:s24] =	ssyncset.done $0x0  }
0x94: {  	s30 =	simm.s32 $0x1480;
	[sflag:s24] =	ssyncadd.s32 $0xFFFFE000  }
0x95: {  	[spmem:s2] =	stream.indirect.scatter.add.f32 [tilespmem:s26], [sflag:$0x3], $0x40, s30, s25, $0xb8;
	[tilespmem:$0x10800] =	vst v63  }
0x96: {  	_ =	swait.ge [sflag:s22], $0x2000  }
0x97: {  	s1 =	simm.s32 $0x800;
	s0 =	simm.s32 $0x100;
	[sflag:s22] =	ssyncset.done $0x0  }
.LBB2_5:
0x98: {  	s28 =	sadd.s32 $0x80, s0  }
0x99: {  	[sflag:s22] =	ssyncadd.s32 $0xFFFFE000;
	s30 =	smov.u32 s1;
	s29 =	sadd.s32 $0x400, s1  }
0x9a: {  	[tilespmem:s26], [sflag:$0x2] =	stream.indirect.gather [hbm4b:s4+s25], $0x40, s28, s25, $0xb8;
	[tilespmem:$0x10800] =	vst v63  }
0x9b: {  	p1 =	sne.s32 s1, $0x4800;
	_ =	swait.ge [sflag:s23], $0x2000  }
0x9c: {  	[sflag:s23] =	ssyncset.done $0x0  }
0x9d: {  	s1 =	sadd.s32 $0x1400, s0;
	[sflag:s23] =	ssyncadd.s32 $0xFFFFE000  }
0x9e: {  	[spmem:s2] =	stream.indirect.scatter.add.f32 [tilespmem:s21], [sflag:$0x3], $0x40, s1, s25, $0xb8;
	[tilespmem:$0x10800] =	vst v63  }
0x9f: {  	_ =	swait.ge [sflag:s22], $0x2000  }
0xa0: {  	[sflag:s22] =	ssyncset.done $0x0  }
0xa1: {  	s1 =	sadd.s32 $0x100, s0;
	[sflag:s22] =	ssyncadd.s32 $0xFFFFE000  }
0xa2: {  	[tilespmem:s21], [sflag:$0x1] =	stream.indirect.gather [hbm4b:s4+s25], $0x40, s1, s25, $0xb8;
	[tilespmem:$0x10800] =	vst v63  }
0xa3: {  	_ =	swait.ge [sflag:s24], $0x2000  }
.Ltmp4:
0xa4: {  	[sflag:s24] =	ssyncset.done $0x0;
	(pc) =	sbr.rel @p1 .LBB2_5-.Ltmp4, $4  }
0xa5: {  	s0 =	sadd.s32 $0x1480, s0;
	[sflag:s24] =	ssyncadd.s32 $0xFFFFE000  }
0xa6: {  	[spmem:s2] =	stream.indirect.scatter.add.f32 [tilespmem:s26], [sflag:$0x3], $0x40, s0, s25, $0xb8;
	[tilespmem:$0x10800] =	vst v63  }
0xa7: {  	_ =	swait.ge [sflag:s22], $0x2000  }
0xa8: {  	s1 =	smov.u32 s29;
	s0 =	sshra.s32 s30, $0x2;
	[sflag:s22] =	ssyncset.done $0x0  }
0xa9: {  	s1 =	sadd.s32 $0x80, s0;
	[sflag:s22] =	ssyncadd.s32 $0xFFFFE000  }
0xaa: {  	[tilespmem:s26], [sflag:$0x2] =	stream.indirect.gather [hbm4b:s4+s25], $0x40, s1, s25, $0xb8;
	[tilespmem:$0x10800] =	vst v63  }
0xab: {  	_ =	swait.ge [sflag:s23], $0x2000  }
0xac: {  	[sflag:s23] =	ssyncset.done $0x0  }
0xad: {  	s28 =	sadd.s32 $0x1400, s0;
	[sflag:s23] =	ssyncadd.s32 $0xFFFFE000  }
0xae: {  	[spmem:s2] =	stream.indirect.scatter.add.f32 [tilespmem:s21], [sflag:$0x3], $0x40, s28, s25, $0xb8;
	[tilespmem:$0x10800] =	vst v63  }
0xaf: {  	_ =	swait.ge [sflag:s22], $0x2000  }
0xb0: {  	[sflag:s22] =	ssyncset.done $0x0  }
0xb1: {  	s29 =	sadd.s32 $0x100, s0;
	[sflag:s22] =	ssyncadd.s32 $0xFFFFE000  }
0xb2: {  	[tilespmem:s21], [sflag:$0x1] =	stream.indirect.gather [hbm4b:s4+s25], $0x40, s29, s25, $0xb8;
	[tilespmem:$0x10800] =	vst v63  }
0xb3: {  	_ =	swait.ge [sflag:s24], $0x2000  }
0xb4: {  	[sflag:s24] =	ssyncset.done $0x0  }
0xb5: {  	s30 =	sadd.s32 $0x1480, s0;
	[sflag:s24] =	ssyncadd.s32 $0xFFFFE000  }
0xb6: {  	[spmem:s2] =	stream.indirect.scatter.add.f32 [tilespmem:s26], [sflag:$0x3], $0x40, s30, s25, $0xb8;
	[tilespmem:$0x10800] =	vst v63  }
0xb7: {  	_ =	swait.ge [sflag:s22], $0x2000  }
0xb8: {  	[sflag:s22] =	ssyncset.done $0x0  }
0xb9: {  	s1 =	simm.s32 $0x1380;
	[sflag:s22] =	ssyncadd.s32 $0xFFFFE000  }
0xba: {  	[tilespmem:s26], [sflag:$0x2] =	stream.indirect.gather [hbm4b:s4+s25], $0x40, s1, s25, $0xb8;
	[tilespmem:$0x10800] =	vst v63  }
0xbb: {  	_ =	swait.ge [sflag:s23], $0x2000  }
0xbc: {  	[sflag:s23] =	ssyncset.done $0x0  }
0xbd: {  	s28 =	simm.s32 $0x2700;
	[sflag:s23] =	ssyncadd.s32 $0xFFFFE000  }
0xbe: {  	[spmem:s2] =	stream.indirect.scatter.add.f32 [tilespmem:s21], [sflag:$0x3], $0x40, s28, s25, $0xb8;
	[tilespmem:$0x10800] =	vst v63  }
0xbf: {  	_ =	swait.ge [sflag:s22], $0x2000  }
0xc0: {  	[sflag:s22] =	ssyncset.done $0x0  }
0xc1: {  	[sflag:s22] =	ssyncadd.s32 $0xFFFFE000  }
0xc2: {  	_ =	swait.ge [sflag:s24], $0x2000  }
0xc3: {  	[sflag:s24] =	ssyncset.done $0x0  }
0xc4: {  	s29 =	simm.s32 $0x2780;
	[sflag:s24] =	ssyncadd.s32 $0xFFFFE000  }
0xc5: {  	[spmem:s2] =	stream.indirect.scatter.add.f32 [tilespmem:s26], [sflag:$0x3], $0x40, s29, s25, $0xb8;
	[tilespmem:$0x10800] =	vst v63  }
0xc6: {  	_ =	swait.ge [sflag:s22], $0x2000  }
0xc7: {  	[sflag:s22] =	ssyncset.done $0x0  }
0xc8: {  	s30 =	simm.s32 $0x0;
	[sflag:s22] =	ssyncadd.s32 $0xFFFFE000  }
0xc9: {  	[tilespmem:s30], [sflag:$0x3] =	stream.linear.gather [hbm4b:s12+s30], $0x1380, $0x38;
	[tilespmem:$0x10800] =	vst v63  }
0xca: {  	_ =	swait.ge [sflag:s22], $0x1380  }
0xcb: {  	[sflag:s22] =	ssyncset.done $0x0  }
0xcc: {  	[sflag:s22] =	ssyncadd.s32 $0xFFFFEC80  }
0xcd: {  	[tilespmem:s20], [sflag:$0x3] =	stream.linear.gather [hbm4b:s13+s30], $0x1380, $0x38;
	[tilespmem:$0x10800] =	vst v63  }
0xce: {  	_ =	swait.ge [sflag:s22], $0x1380  }
0xcf: {  	[sflag:s22] =	ssyncset.done $0x0  }
0xd0: {  	[sflag:s22] =	ssyncadd.s32 $0xFFFFEC80  }
0xd1: {  	[tilespmem:s21], [sflag:$0x1] =	stream.indirect.gather [hbm4b:s4+s25], $0x40, s30, s25, $0xb8;
	[tilespmem:$0x10800] =	vst v63  }
0xd2: {  	s1 =	simm.s32 $0x80  }
0xd3: {  	[tilespmem:s26], [sflag:$0x2] =	stream.indirect.gather [hbm4b:s4+s25], $0x40, s1, s25, $0xb8;
	[tilespmem:$0x10800] =	vst v63  }
0xd4: {  	_ =	swait.ge [sflag:s23], $0x2000  }
0xd5: {  	[sflag:s23] =	ssyncset.done $0x0  }
0xd6: {  	s28 =	simm.s32 $0x1400;
	[sflag:s23] =	ssyncadd.s32 $0xFFFFE000  }
0xd7: {  	[spmem:s2] =	stream.indirect.scatter.add.f32 [tilespmem:s21], [sflag:$0x3], $0x40, s28, s25, $0xb8;
	[tilespmem:$0x10800] =	vst v63  }
0xd8: {  	_ =	swait.ge [sflag:s22], $0x2000  }
0xd9: {  	[sflag:s22] =	ssyncset.done $0x0  }
0xda: {  	s29 =	simm.s32 $0x100;
	[sflag:s22] =	ssyncadd.s32 $0xFFFFE000  }
0xdb: {  	[tilespmem:s21], [sflag:$0x1] =	stream.indirect.gather [hbm4b:s4+s25], $0x40, s29, s25, $0xb8;
	[tilespmem:$0x10800] =	vst v63  }
0xdc: {  	_ =	swait.ge [sflag:s24], $0x2000  }
0xdd: {  	[sflag:s24] =	ssyncset.done $0x0  }
0xde: {  	s30 =	simm.s32 $0x1480;
	[sflag:s24] =	ssyncadd.s32 $0xFFFFE000  }
0xdf: {  	[spmem:s2] =	stream.indirect.scatter.add.f32 [tilespmem:s26], [sflag:$0x3], $0x40, s30, s25, $0xb8;
	[tilespmem:$0x10800] =	vst v63  }
0xe0: {  	_ =	swait.ge [sflag:s22], $0x2000  }
0xe1: {  	s0 =	simm.s32 $0x100;
	s1 =	simm.s32 $0x800;
	[sflag:s22] =	ssyncset.done $0x0  }
.LBB2_7:
0xe2: {  	s28 =	sadd.s32 $0x80, s0  }
0xe3: {  	[sflag:s22] =	ssyncadd.s32 $0xFFFFE000;
	s29 =	smov.u32 s1;
	s30 =	sadd.s32 $0x400, s1  }
0xe4: {  	[tilespmem:s26], [sflag:$0x2] =	stream.indirect.gather [hbm4b:s4+s25], $0x40, s28, s25, $0xb8;
	[tilespmem:$0x10800] =	vst v63  }
0xe5: {  	p1 =	sne.s32 s1, $0x4800;
	_ =	swait.ge [sflag:s23], $0x2000  }
0xe6: {  	[sflag:s23] =	ssyncset.done $0x0  }
0xe7: {  	s1 =	sadd.s32 $0x1400, s0;
	[sflag:s23] =	ssyncadd.s32 $0xFFFFE000  }
0xe8: {  	[spmem:s2] =	stream.indirect.scatter.add.f32 [tilespmem:s21], [sflag:$0x3], $0x40, s1, s25, $0xb8;
	[tilespmem:$0x10800] =	vst v63  }
0xe9: {  	_ =	swait.ge [sflag:s22], $0x2000  }
0xea: {  	[sflag:s22] =	ssyncset.done $0x0  }
0xeb: {  	s1 =	sadd.s32 $0x100, s0;
	[sflag:s22] =	ssyncadd.s32 $0xFFFFE000  }
0xec: {  	[tilespmem:s21], [sflag:$0x1] =	stream.indirect.gather [hbm4b:s4+s25], $0x40, s1, s25, $0xb8;
	[tilespmem:$0x10800] =	vst v63  }
0xed: {  	_ =	swait.ge [sflag:s24], $0x2000  }
.Ltmp5:
0xee: {  	[sflag:s24] =	ssyncset.done $0x0;
	(pc) =	sbr.rel @p1 .LBB2_7-.Ltmp5, $4  }
0xef: {  	s0 =	sadd.s32 $0x1480, s0;
	[sflag:s24] =	ssyncadd.s32 $0xFFFFE000  }
0xf0: {  	[spmem:s2] =	stream.indirect.scatter.add.f32 [tilespmem:s26], [sflag:$0x3], $0x40, s0, s25, $0xb8;
	[tilespmem:$0x10800] =	vst v63  }
0xf1: {  	_ =	swait.ge [sflag:s22], $0x2000  }
0xf2: {  	s1 =	smov.u32 s30;
	s0 =	sshra.s32 s29, $0x2;
	[sflag:s22] =	ssyncset.done $0x0  }
0xf3: {  	s1 =	sadd.s32 $0x80, s0;
	[sflag:s22] =	ssyncadd.s32 $0xFFFFE000  }
0xf4: {  	[tilespmem:s26], [sflag:$0x2] =	stream.indirect.gather [hbm4b:s4+s25], $0x40, s1, s25, $0xb8;
	[tilespmem:$0x10800] =	vst v63  }
0xf5: {  	_ =	swait.ge [sflag:s23], $0x2000  }
0xf6: {  	[sflag:s23] =	ssyncset.done $0x0  }
0xf7: {  	s30 =	sadd.s32 $0x1400, s0;
	[sflag:s23] =	ssyncadd.s32 $0xFFFFE000  }
0xf8: {  	[spmem:s2] =	stream.indirect.scatter.add.f32 [tilespmem:s21], [sflag:$0x3], $0x40, s30, s25, $0xb8;
	[tilespmem:$0x10800] =	vst v63  }
0xf9: {  	_ =	swait.ge [sflag:s22], $0x2000  }
0xfa: {  	[sflag:s22] =	ssyncset.done $0x0  }
0xfb: {  	s28 =	sadd.s32 $0x100, s0;
	[sflag:s22] =	ssyncadd.s32 $0xFFFFE000  }
0xfc: {  	[tilespmem:s21], [sflag:$0x1] =	stream.indirect.gather [hbm4b:s4+s25], $0x40, s28, s25, $0xb8;
	[tilespmem:$0x10800] =	vst v63  }
0xfd: {  	_ =	swait.ge [sflag:s24], $0x2000  }
0xfe: {  	[sflag:s24] =	ssyncset.done $0x0  }
0xff: {  	s29 =	sadd.s32 $0x1480, s0;
	[sflag:s24] =	ssyncadd.s32 $0xFFFFE000  }
0x100: {  	[spmem:s2] =	stream.indirect.scatter.add.f32 [tilespmem:s26], [sflag:$0x3], $0x40, s29, s25, $0xb8;
	[tilespmem:$0x10800] =	vst v63  }
0x101: {  	_ =	swait.ge [sflag:s22], $0x2000  }
0x102: {  	[sflag:s22] =	ssyncset.done $0x0  }
.Ltmp6:
0x103: {  	[sflag:s22] =	ssyncadd.s32 $0xFFFFE000;
	(pc) =	sbr.rel .LBB2_14-.Ltmp6, $4  }
0x104: {  	_ =	swait.ge [sflag:s23], $0x2000  }
0x105: {  	[sflag:s23] =	ssyncset.done $0x0  }
0x106: {  	s30 =	simm.s32 $0x2700;
	[sflag:s23] =	ssyncadd.s32 $0xFFFFE000  }
0x107: {  	[spmem:s2] =	stream.indirect.scatter.add.f32 [tilespmem:s21], [sflag:$0x3], $0x40, s30, s25, $0xb8;
	[tilespmem:$0x10800] =	vst v63  }
.LBB2_9:
0x108: {  	[tilespmem:s26], [sflag:$0x2] =	stream.indirect.gather [hbm4b:s4+s25], $0x40, s0, s25, $0xb8;
	[tilespmem:$0x10800] =	vst v63  }
0x109: {  	_ =	swait.ge [sflag:s23], $0x2000  }
0x10a: {  	[sflag:s23] =	ssyncset.done $0x0  }
0x10b: {  	s28 =	simm.s32 $0x1400;
	[sflag:s23] =	ssyncadd.s32 $0xFFFFE000  }
0x10c: {  	[spmem:s2] =	stream.indirect.scatter.add.f32 [tilespmem:s21], [sflag:$0x3], $0x40, s28, s25, $0xb8;
	[tilespmem:$0x10800] =	vst v63  }
0x10d: {  	_ =	swait.ge [sflag:s22], $0x2000  }
0x10e: {  	[sflag:s22] =	ssyncset.done $0x0  }
0x10f: {  	s29 =	simm.s32 $0x100;
	[sflag:s22] =	ssyncadd.s32 $0xFFFFE000  }
0x110: {  	[tilespmem:s21], [sflag:$0x1] =	stream.indirect.gather [hbm4b:s4+s25], $0x40, s29, s25, $0xb8;
	[tilespmem:$0x10800] =	vst v63  }
0x111: {  	_ =	swait.ge [sflag:s24], $0x2000  }
0x112: {  	[sflag:s24] =	ssyncset.done $0x0  }
0x113: {  	s30 =	simm.s32 $0x1480;
	[sflag:s24] =	ssyncadd.s32 $0xFFFFE000  }
0x114: {  	[spmem:s2] =	stream.indirect.scatter.add.f32 [tilespmem:s26], [sflag:$0x3], $0x40, s30, s25, $0xb8;
	[tilespmem:$0x10800] =	vst v63  }
0x115: {  	_ =	swait.ge [sflag:s22], $0x2000  }
0x116: {  	s1 =	simm.s32 $0x800;
	s0 =	simm.s32 $0x100;
	[sflag:s22] =	ssyncset.done $0x0  }
.LBB2_10:
0x117: {  	s28 =	sadd.s32 $0x80, s0  }
0x118: {  	[sflag:s22] =	ssyncadd.s32 $0xFFFFE000;
	s29 =	smov.u32 s1;
	s30 =	sadd.s32 $0x400, s1  }
0x119: {  	[tilespmem:s26], [sflag:$0x2] =	stream.indirect.gather [hbm4b:s4+s25], $0x40, s28, s25, $0xb8;
	[tilespmem:$0x10800] =	vst v63  }
0x11a: {  	p1 =	sne.s32 s1, $0x4800;
	_ =	swait.ge [sflag:s23], $0x2000  }
0x11b: {  	[sflag:s23] =	ssyncset.done $0x0  }
0x11c: {  	s1 =	sadd.s32 $0x1400, s0;
	[sflag:s23] =	ssyncadd.s32 $0xFFFFE000  }
0x11d: {  	[spmem:s2] =	stream.indirect.scatter.add.f32 [tilespmem:s21], [sflag:$0x3], $0x40, s1, s25, $0xb8;
	[tilespmem:$0x10800] =	vst v63  }
0x11e: {  	_ =	swait.ge [sflag:s22], $0x2000  }
0x11f: {  	[sflag:s22] =	ssyncset.done $0x0  }
0x120: {  	s1 =	sadd.s32 $0x100, s0;
	[sflag:s22] =	ssyncadd.s32 $0xFFFFE000  }
0x121: {  	[tilespmem:s21], [sflag:$0x1] =	stream.indirect.gather [hbm4b:s4+s25], $0x40, s1, s25, $0xb8;
	[tilespmem:$0x10800] =	vst v63  }
0x122: {  	_ =	swait.ge [sflag:s24], $0x2000  }
.Ltmp7:
0x123: {  	[sflag:s24] =	ssyncset.done $0x0;
	(pc) =	sbr.rel @p1 .LBB2_10-.Ltmp7, $4  }
0x124: {  	s0 =	sadd.s32 $0x1480, s0;
	[sflag:s24] =	ssyncadd.s32 $0xFFFFE000  }
0x125: {  	[spmem:s2] =	stream.indirect.scatter.add.f32 [tilespmem:s26], [sflag:$0x3], $0x40, s0, s25, $0xb8;
	[tilespmem:$0x10800] =	vst v63  }
0x126: {  	_ =	swait.ge [sflag:s22], $0x2000  }
0x127: {  	s1 =	smov.u32 s30;
	s0 =	sshra.s32 s29, $0x2;
	[sflag:s22] =	ssyncset.done $0x0  }
0x128: {  	s1 =	sadd.s32 $0x80, s0;
	[sflag:s22] =	ssyncadd.s32 $0xFFFFE000  }
0x129: {  	[tilespmem:s26], [sflag:$0x2] =	stream.indirect.gather [hbm4b:s4+s25], $0x40, s1, s25, $0xb8;
	[tilespmem:$0x10800] =	vst v63  }
0x12a: {  	_ =	swait.ge [sflag:s23], $0x2000  }
0x12b: {  	[sflag:s23] =	ssyncset.done $0x0  }
0x12c: {  	s28 =	sadd.s32 $0x1400, s0;
	[sflag:s23] =	ssyncadd.s32 $0xFFFFE000  }
0x12d: {  	[spmem:s2] =	stream.indirect.scatter.add.f32 [tilespmem:s21], [sflag:$0x3], $0x40, s28, s25, $0xb8;
	[tilespmem:$0x10800] =	vst v63  }
0x12e: {  	_ =	swait.ge [sflag:s22], $0x2000  }
0x12f: {  	[sflag:s22] =	ssyncset.done $0x0  }
0x130: {  	s29 =	sadd.s32 $0x100, s0;
	[sflag:s22] =	ssyncadd.s32 $0xFFFFE000  }
0x131: {  	[tilespmem:s21], [sflag:$0x1] =	stream.indirect.gather [hbm4b:s4+s25], $0x40, s29, s25, $0xb8;
	[tilespmem:$0x10800] =	vst v63  }
0x132: {  	_ =	swait.ge [sflag:s24], $0x2000  }
0x133: {  	[sflag:s24] =	ssyncset.done $0x0  }
0x134: {  	s30 =	sadd.s32 $0x1480, s0;
	[sflag:s24] =	ssyncadd.s32 $0xFFFFE000  }
0x135: {  	[spmem:s2] =	stream.indirect.scatter.add.f32 [tilespmem:s26], [sflag:$0x3], $0x40, s30, s25, $0xb8;
	[tilespmem:$0x10800] =	vst v63  }
0x136: {  	_ =	swait.ge [sflag:s22], $0x2000  }
0x137: {  	[sflag:s22] =	ssyncset.done $0x0  }
0x138: {  	s1 =	simm.s32 $0x1380;
	[sflag:s22] =	ssyncadd.s32 $0xFFFFE000  }
0x139: {  	[tilespmem:s26], [sflag:$0x2] =	stream.indirect.gather [hbm4b:s4+s25], $0x40, s1, s25, $0xb8;
	[tilespmem:$0x10800] =	vst v63  }
0x13a: {  	_ =	swait.ge [sflag:s23], $0x2000  }
0x13b: {  	[sflag:s23] =	ssyncset.done $0x0  }
0x13c: {  	s28 =	simm.s32 $0x2700;
	[sflag:s23] =	ssyncadd.s32 $0xFFFFE000  }
0x13d: {  	[spmem:s2] =	stream.indirect.scatter.add.f32 [tilespmem:s21], [sflag:$0x3], $0x40, s28, s25, $0xb8;
	[tilespmem:$0x10800] =	vst v63  }
0x13e: {  	_ =	swait.ge [sflag:s22], $0x2000  }
0x13f: {  	[sflag:s22] =	ssyncset.done $0x0  }
0x140: {  	[sflag:s22] =	ssyncadd.s32 $0xFFFFE000  }
0x141: {  	_ =	swait.ge [sflag:s24], $0x2000  }
0x142: {  	[sflag:s24] =	ssyncset.done $0x0  }
0x143: {  	s29 =	simm.s32 $0x2780;
	[sflag:s24] =	ssyncadd.s32 $0xFFFFE000  }
0x144: {  	[spmem:s2] =	stream.indirect.scatter.add.f32 [tilespmem:s26], [sflag:$0x3], $0x40, s29, s25, $0xb8;
	[tilespmem:$0x10800] =	vst v63  }
0x145: {  	_ =	swait.ge [sflag:s22], $0x2000  }
0x146: {  	[sflag:s22] =	ssyncset.done $0x0  }
0x147: {  	s30 =	simm.s32 $0x0;
	[sflag:s22] =	ssyncadd.s32 $0xFFFFE000  }
0x148: {  	[tilespmem:s30], [sflag:$0x3] =	stream.linear.gather [hbm4b:s12+s30], $0x1300, $0x38;
	[tilespmem:$0x10800] =	vst v63  }
0x149: {  	_ =	swait.ge [sflag:s22], $0x1300  }
0x14a: {  	[sflag:s22] =	ssyncset.done $0x0  }
0x14b: {  	[sflag:s22] =	ssyncadd.s32 $0xFFFFED00  }
0x14c: {  	[tilespmem:s20], [sflag:$0x3] =	stream.linear.gather [hbm4b:s13+s30], $0x1300, $0x38;
	[tilespmem:$0x10800] =	vst v63  }
0x14d: {  	_ =	swait.ge [sflag:s22], $0x1300  }
0x14e: {  	[sflag:s22] =	ssyncset.done $0x0  }
0x14f: {  	[sflag:s22] =	ssyncadd.s32 $0xFFFFED00  }
0x150: {  	[tilespmem:s21], [sflag:$0x1] =	stream.indirect.gather [hbm4b:s4+s25], $0x40, s30, s25, $0xb8;
	[tilespmem:$0x10800] =	vst v63  }
0x151: {  	s1 =	simm.s32 $0x80  }
0x152: {  	[tilespmem:s26], [sflag:$0x2] =	stream.indirect.gather [hbm4b:s4+s25], $0x40, s1, s25, $0xb8;
	[tilespmem:$0x10800] =	vst v63  }
0x153: {  	_ =	swait.ge [sflag:s23], $0x2000  }
0x154: {  	[sflag:s23] =	ssyncset.done $0x0  }
0x155: {  	s28 =	simm.s32 $0x1400;
	[sflag:s23] =	ssyncadd.s32 $0xFFFFE000  }
0x156: {  	[spmem:s2] =	stream.indirect.scatter.add.f32 [tilespmem:s21], [sflag:$0x3], $0x40, s28, s25, $0xb8;
	[tilespmem:$0x10800] =	vst v63  }
0x157: {  	_ =	swait.ge [sflag:s22], $0x2000  }
0x158: {  	[sflag:s22] =	ssyncset.done $0x0  }
0x159: {  	s29 =	simm.s32 $0x100;
	[sflag:s22] =	ssyncadd.s32 $0xFFFFE000  }
0x15a: {  	[tilespmem:s21], [sflag:$0x1] =	stream.indirect.gather [hbm4b:s4+s25], $0x40, s29, s25, $0xb8;
	[tilespmem:$0x10800] =	vst v63  }
0x15b: {  	_ =	swait.ge [sflag:s24], $0x2000  }
0x15c: {  	[sflag:s24] =	ssyncset.done $0x0  }
0x15d: {  	s30 =	simm.s32 $0x1480;
	[sflag:s24] =	ssyncadd.s32 $0xFFFFE000  }
0x15e: {  	[spmem:s2] =	stream.indirect.scatter.add.f32 [tilespmem:s26], [sflag:$0x3], $0x40, s30, s25, $0xb8;
	[tilespmem:$0x10800] =	vst v63  }
0x15f: {  	_ =	swait.ge [sflag:s22], $0x2000  }
0x160: {  	s0 =	simm.s32 $0x100;
	s1 =	simm.s32 $0x800;
	[sflag:s22] =	ssyncset.done $0x0  }
.LBB2_12:
0x161: {  	s28 =	sadd.s32 $0x80, s0  }
0x162: {  	[sflag:s22] =	ssyncadd.s32 $0xFFFFE000;
	s29 =	smov.u32 s1;
	s30 =	sadd.s32 $0x400, s1  }
0x163: {  	[tilespmem:s26], [sflag:$0x2] =	stream.indirect.gather [hbm4b:s4+s25], $0x40, s28, s25, $0xb8;
	[tilespmem:$0x10800] =	vst v63  }
0x164: {  	p1 =	sne.s32 s1, $0x4400;
	_ =	swait.ge [sflag:s23], $0x2000  }
0x165: {  	[sflag:s23] =	ssyncset.done $0x0  }
0x166: {  	s1 =	sadd.s32 $0x1400, s0;
	[sflag:s23] =	ssyncadd.s32 $0xFFFFE000  }
0x167: {  	[spmem:s2] =	stream.indirect.scatter.add.f32 [tilespmem:s21], [sflag:$0x3], $0x40, s1, s25, $0xb8;
	[tilespmem:$0x10800] =	vst v63  }
0x168: {  	_ =	swait.ge [sflag:s22], $0x2000  }
0x169: {  	[sflag:s22] =	ssyncset.done $0x0  }
0x16a: {  	s1 =	sadd.s32 $0x100, s0;
	[sflag:s22] =	ssyncadd.s32 $0xFFFFE000  }
0x16b: {  	[tilespmem:s21], [sflag:$0x1] =	stream.indirect.gather [hbm4b:s4+s25], $0x40, s1, s25, $0xb8;
	[tilespmem:$0x10800] =	vst v63  }
0x16c: {  	_ =	swait.ge [sflag:s24], $0x2000  }
.Ltmp8:
0x16d: {  	[sflag:s24] =	ssyncset.done $0x0;
	(pc) =	sbr.rel @p1 .LBB2_12-.Ltmp8, $4  }
0x16e: {  	s0 =	sadd.s32 $0x1480, s0;
	[sflag:s24] =	ssyncadd.s32 $0xFFFFE000  }
0x16f: {  	[spmem:s2] =	stream.indirect.scatter.add.f32 [tilespmem:s26], [sflag:$0x3], $0x40, s0, s25, $0xb8;
	[tilespmem:$0x10800] =	vst v63  }
0x170: {  	_ =	swait.ge [sflag:s22], $0x2000  }
0x171: {  	s1 =	smov.u32 s30;
	s0 =	sshra.s32 s29, $0x2;
	[sflag:s22] =	ssyncset.done $0x0  }
.Ltmp9:
0x172: {  	_ = 	snop;
	(pc) =	sbr.rel .LBB2_13-.Ltmp9, $1  }
0x173: {  	_ =	sdelay $0x3  }
.LBB2_15:
0x174: {  	_ =	sfence.sel $0x180000  }
0x175: {  	[bflag:$0x0] =	sbarrier.arrive $0xFFFF  }
0x176: {  	_ =	strace $0x9000004D  }
0x177: {  	s0 =	stileid.u32;
	[bflag:$0x2] =	sbarrier.arrive $0xFFFF  }
0x178: {  	p0 =	sne.s32 s0, $0x0;
	s0 =	rddreg [dreg:$0x3]  }
0x179: {  	s0 =	sadd.s32 @!p0 $0x100000, s0  }
0x17a: {  	[sflag:s0] =	ssyncadd.tile.s32 @!p0 $0x1;
	_ =	shalt  }
.Lfunc_end2:
_tile_overlayer_lowered:
.L_overlay_start_2:
0x17b: {  	(tag) =	ssettag $0x2  }
0x17c: {  	s0 =	rddreg [dreg:$0x0];
	s2 =	stileid.u32  }
0x17d: {  	s1 =	rddreg [dreg:$0x1];
	p0 =	sne.s32 s2, $0x0  }
0x17e: {  	s3 =	rddreg [dreg:$0x2];
	[bflag:$0x3] =	sbarrier.arrive $0xFFFF;
	s2 =	simm.s32 @!p0 $0x1C03  }
0x17f: {  	[timem:s3], [sflag:s2] =	dma.local @!p0 [hbm:s0], s1  }
0x180: {  	s0 =	simm.s32 @!p0 $0x3  }
0x181: {  	_ =	swait.ge @!p0 [sflag:s0], s1  }
0x182: {  	s1 =	ssub.s32 @!p0 $0x0, s1;
	[sflag:s0] =	ssyncset.done @!p0 $0x0  }
0x183: {  	[sflag:s0] =	ssyncadd.s32 @!p0 s1  }
0x184: {  	[bflag:$0x3] =	sbarrier.arrive $0xFFFF  }
0x185: {  	_ =	shalt  }

// kernel: kernel.9.cloned.1.call-start
scs
__scs_entry_jumppad:
0x0: {  	(pc) =	sbr.rel $0x88, $3  }
0x1: {  	(tag) =	ssettag $0x0;
	lr =	simm.s32 $0x1  }
0x2: {  	[smem:$0x3F99] =	sst lr;
	_ =	strace $0xD0000000  }
0x3: {  	_ = 	snop  }
0x4: {  	_ = 	snop  }
0x5: {  	_ = 	snop  }
0x6: {  	_ = 	snop  }
0x7: {  	_ = 	snop  }
__scs_overlays_trampoline_lowered:
0x8: {  	[smem:$0x3FA8] =	sst s0  }
0x9: {  	[smem:$0x3FA9] =	sst s1  }
0xa: {  	[smem:$0x3FAA] =	sst s2  }
0xb: {  	[smem:$0x3FAB] =	sst s3  }
0xc: {  	[smem:$0x3FAC] =	sst s4  }
0xd: {  	[smem:$0x3FAD] =	sst s5  }
0xe: {  	[smem:$0x3FAE] =	sst s6  }
0xf: {  	[smem:$0x3FAF] =	sst s7  }
0x10: {  	[smem:$0x3FB0] =	sst s8  }
0x11: {  	[smem:$0x3FB1] =	sst s9;
	s0 =	simm.s32 @!p0 $0x0  }
0x12: {  	s1 =	sld [smem:$0x3F97];
	s0 =	simm.s32 @p0 $0x1  }
0x13: {  	[smem:$0x3FB2] =	sst s0;
	s0 =	simm.s32 @!p1 $0x0  }
0x14: {  	s2 =	sld [smem:$0x3F96];
	s0 =	simm.s32 @p1 $0x1  }
0x15: {  	[smem:$0x3FB3] =	sst s0;
	s0 =	simm.s32 @!p2 $0x0  }
0x16: {  	s3 =	sld [smem:$0x3FDB];
	s0 =	simm.s32 @p2 $0x1  }
0x17: {  	s4 =	simm.s32 $0x1BF5;
	[smem:$0x3FB5] =	sst s0  }
0x18: {  	s0 =	sld [smem:$0x3F98];
	_ =	swait.ge [sflag:s4], $0x0  }
0x19: {  	s7 =	sld [smem:$0x3F99]  }
0x1a: {  	s8 =	sadd.s32 $0xFFFFE003, lr  }
0x1b: {  	s9 =	sadd.s32 $0xFFFFFEF7, lr;
	s5 =	simm.s32 $0xFFFFFFFF;
	p2 =	slt.u32 s8, $0xFFFFF086  }
0x1c: {  	p1 =	slt.u32 s9, $0xF7A;
	s5 =	simm.s32 @!p2 $0x0  }
0x1d: {  	s5 =	simm.s32 @p1 $0x1;
	p0 =	seq.s32 s7, s2  }
0x1e: {  	s7 =	smul.u32 @!p0 $0xF7A, s2;
	p2 =	seq.s32 @!p0 s5, $0x0  }
0x1f: {  	s9 =	smul.u32 $0xF7A, s1;
	s8 =	simm.s32 @!p0 $0x1BF5;
	p2 =	por !p2, p0  }
0x20: {  	[sflag:s8] =	ssyncset.s32 @!p0 $0xFFFFF086;
	s6 =	sadd.s32 @!p0 s3, s7;
	s7 =	simm.s32 @!p0 $0x108  }
0x21: {  	s3 =	sadd.s32 s3, s9;
	s6 =	sadd.s32 @!p0 $0x88, s6;
	s7 =	simm.s32 @p2 $0x1082  }
0x22: {  	[simem:s7], [sflag:s8] =	dma.local @!p0 [hbm:s6], $0xF7A  }
0x23: {  	s9 =	sor.u32 $0xD0000000, s2;
	s6 =	simm.s32 $0x108;
	_ =	swait.ge @!p0 [sflag:s8], $0x0  }
0x24: {  	s3 =	sadd.s32 $0x88, s3;
	s6 =	simm.s32 @!p1 $0x1082;
	[sflag:s4] =	ssyncset.s32 $0xFFFFF086  }
0x25: {  	[simem:s6], [sflag:s4] =	dma.local [hbm:s3], $0xF7A  }
0x26: {  	[smem:$0x3F99] =	sst s1;
	(tag) =	ssettag s2;
	_ =	strace s9  }
0x27: {  	s1 =	sld [smem:$0x3FA9]  }
0x28: {  	s2 =	sld [smem:$0x3FAA]  }
0x29: {  	s4 =	sld [smem:$0x3FAC]  }
0x2a: {  	p0 =	seq.s32 s5, $0x0;
	s5 =	sld [smem:$0x3FAD]  }
0x2b: {  	s6 =	sld [smem:$0x3FAE]  }
0x2c: {  	s7 =	sld [smem:$0x3FAF]  }
0x2d: {  	s3 =	simm.s32 $0x108;
	s8 =	sld [smem:$0x3FB0]  }
0x2e: {  	s3 =	simm.s32 @!p0 $0x1082;
	s9 =	sld [smem:$0x3FB1]  }
0x2f: {  	lr =	sadd.s32 s0, s3;
	s0 =	sld [smem:$0x3FA8]  }
0x30: {  	s3 =	sld [smem:$0x3FAB]  }
0x31: {  	[smem:$0x3FB4] =	sst s10  }
0x32: {  	s10 =	sld [smem:$0x3FB2];
	_ =	sdelay $0x3  }
0x33: {  	p0 =	seq.s32 s10, $0x1;
	s10 =	sld [smem:$0x3FB4];
	_ =	sdelay $0x3  }
0x34: {  	[smem:$0x3FB4] =	sst s10  }
0x35: {  	s10 =	sld [smem:$0x3FB3];
	_ =	sdelay $0x3  }
0x36: {  	p1 =	seq.s32 s10, $0x1;
	s10 =	sld [smem:$0x3FB4];
	_ =	sdelay $0x3  }
0x37: {  	[smem:$0x3FB4] =	sst s10  }
0x38: {  	s10 =	sld [smem:$0x3FB5]  }
0x39: {  	_ = 	snop;
	(pc) =	sbr.ind lr, $3  }
0x3a: {  	_ = 	snop  }
0x3b: {  	_ = 	snop  }
0x3c: {  	p2 =	seq.s32 s10, $0x1;
	s10 =	sld [smem:$0x3FB4]  }
0x3d: {  	_ =	shalt  }
0x3e: {  	_ =	shalt  }
0x3f: {  	_ =	shalt  }
0x40: {  	_ =	shalt  }
0x41: {  	_ =	shalt  }
0x42: {  	_ =	shalt  }
0x43: {  	_ =	shalt  }
0x44: {  	_ =	shalt  }
0x45: {  	_ =	shalt  }
0x46: {  	_ =	shalt  }
0x47: {  	_ =	shalt  }
0x48: {  	_ =	shalt  }
0x49: {  	_ =	shalt  }
0x4a: {  	_ =	shalt  }
0x4b: {  	_ =	shalt  }
0x4c: {  	_ =	shalt  }
0x4d: {  	_ =	shalt  }
0x4e: {  	_ =	shalt  }
0x4f: {  	_ =	shalt  }
0x50: {  	_ =	shalt  }
0x51: {  	_ =	shalt  }
0x52: {  	_ =	shalt  }
0x53: {  	_ =	shalt  }
0x54: {  	_ =	shalt  }
0x55: {  	_ =	shalt  }
0x56: {  	_ =	shalt  }
0x57: {  	_ =	shalt  }
0x58: {  	_ =	shalt  }
0x59: {  	_ =	shalt  }
0x5a: {  	_ =	shalt  }
0x5b: {  	_ =	shalt  }
0x5c: {  	_ =	shalt  }
0x5d: {  	_ =	shalt  }
0x5e: {  	_ =	shalt  }
0x5f: {  	_ =	shalt  }
0x60: {  	_ =	shalt  }
0x61: {  	_ =	shalt  }
0x62: {  	_ =	shalt  }
0x63: {  	_ =	shalt  }
0x64: {  	_ =	shalt  }
0x65: {  	_ =	shalt  }
0x66: {  	_ =	shalt  }
0x67: {  	_ =	shalt  }
0x68: {  	_ =	shalt  }
0x69: {  	_ =	shalt  }
0x6a: {  	_ =	shalt  }
0x6b: {  	_ =	shalt  }
0x6c: {  	_ =	shalt  }
0x6d: {  	_ =	shalt  }
0x6e: {  	_ =	shalt  }
0x6f: {  	_ =	shalt  }
0x70: {  	_ =	shalt  }
0x71: {  	_ =	shalt  }
0x72: {  	_ =	shalt  }
0x73: {  	_ =	shalt  }
0x74: {  	_ =	shalt  }
0x75: {  	_ =	shalt  }
0x76: {  	_ =	shalt  }
0x77: {  	_ =	shalt  }
0x78: {  	_ =	shalt  }
0x79: {  	_ =	shalt  }
0x7a: {  	_ =	shalt  }
0x7b: {  	_ =	shalt  }
0x7c: {  	_ =	shalt  }
0x7d: {  	_ =	shalt  }
0x7e: {  	_ =	shalt  }
0x7f: {  	_ =	shalt  }
0x80: {  	_ =	shalt  }
0x81: {  	_ =	shalt  }
0x82: {  	_ =	shalt  }
0x83: {  	_ =	shalt  }
0x84: {  	_ =	shalt  }
0x85: {  	_ =	shalt  }
0x86: {  	_ =	shalt  }
0x87: {  	_ =	shalt  }
.Lfunc_end0:
.L_simem_size_0:
called_computation_lowered:
.L_overlay_start_0:
0x88: {  	s2 =	sld [smem:$0x3FD9]  }
0x89: {  	s3 =	sld [smem:$0x3FFE];
	_ =	sdelay $0x1  }
0x8a: {  	s1 =	srdreg.scid  }
0x8b: {  	s0 =	sand.u32 $0x1, s1  }
0x8c: {  	s17 =	sshll.u32 s0, $0xA;
	s2 =	sadd.s32 s3, s2  }
0x8d: {  	s2 =	sadd.s32 s2, s17  }
0x8e: {  	[smem:$0x3FC0] =	sst s2  }
0x8f: {  	_ = 	snop  }
0x90: {  	s2 =	sld [smem:$0x3FD0];
	(tm) =	ssettm $0x1  }
0x91: {  	s18 =	sld [smem:$0x3FFB];
	_ =	sdelay $0x3  }
0x92: {  	_ =	strace s18  }
0x93: {  	s3 =	sld [smem:$0x3FFC];
	_ =	sdelay $0x3  }
0x94: {  	_ =	strace s3  }
0x95: {  	s3 =	sld [smem:$0x3FFD];
	_ =	sdelay $0x3  }
0x96: {  	_ =	strace s3  }
0x97: {  	_ =	strace $0x8FFFFFFF  }
0x98: {  	s19 =	sld [smem:$0x3FDB];
	_ =	sdelay $0x1  }
0x99: {  	s4 =	simm.s32 $_scs_section_size  }
0x9a: {  	s5 =	simm.s32 $_size__tile_overlayer_lowered;
	s6 =	simm.s32 $_tile_overlayer_lowered  }
0x9b: {  	s22 =	simm.s32 $0x1BFF;
	s21 =	sshll.u32 s6, $0x1;
	s3 =	sadd.s32 s4, s19  }
0x9c: {  	s7 =	simm.s32 $0x0;
	s20 =	sshll.u32 s5, $0x1;
	s5 =	sadd.s32 s21, s3  }
0x9d: {  	[timem:s7], [sflag:s22] =	dma.local [hbm:s5], s20  }
0x9e: {  	_ =	swait.ge [sflag:s22], s20  }
0x9f: {  	s4 =	ssub.s32 $0x0, s20;
	[sflag:s22] =	ssyncset.done $0x0  }
0xa0: {  	[sflag:s22] =	ssyncadd.s32 s4;
	_ =	sdelay $0x1  }
0xa1: {  	s23 =	simm.s32 $0x1B8B  }
0xa2: {  	_ =	swait.ge [sflag:s23], $0x1  }
0xa3: {  	[sflag:s23] =	ssyncset.done $0x0  }
0xa4: {  	s25 =	simm.s32 $0x1B8E;
	s24 =	sld [smem:$0x3FFE];
	[sflag:s23] =	ssyncadd.s32 $0xFFFFFFFF  }
0xa5: {  	s26 =	simm.s32 $execute0_lowered;
	[smem:$0x3FD2] =	sst s25  }
0xa6: {  	s5 =	sshll.u32 s26, $0x1;
	_ =	strace $0x80000046;
	[dreg:$0x1] =	wrdreg $0xFFFFFFFF  }
0xa7: {  	s28 =	simm.s32 $_size_execute0_lowered;
	s3 =	sadd.s32 s3, s5;
	[dreg:$0x0] =	wrdreg $0x0  }
0xa8: {  	s5 =	sshll.u32 s28, $0x1;
	[dreg:$0x2] =	wrdreg s3  }
0xa9: {  	[dreg:$0x3] =	wrdreg s5  }
0xaa: {  	[dreg:$0x4] =	wrdreg $0xC0  }
0xab: {  	_ =	task [dreg:s7], $0x5FFFF  }
0xac: {  	[dreg:$0x1] =	wrdreg $0xFFFFFFFF  }
0xad: {  	[dreg:$0x0] =	wrdreg $0x60  }
0xae: {  	[dreg:$0x2] =	wrdreg s24  }
0xaf: {  	[dreg:$0x3] =	wrdreg s2  }
0xb0: {  	[dreg:$0x4] =	wrdreg $0xA8000  }
0xb1: {  	[dreg:$0x5] =	wrdreg $0x9  }
0xb2: {  	_ =	task.clear_ibuf [dreg:s7], $0x6FFFF;
	_ =	strace $0x90000046  }
0xb3: {  	s29 =	simm.s32 $0x9;
	_ =	strace $0x80000048  }
0xb4: {  	_ =	swait.ge [sflag:s29], $0x1  }
0xb5: {  	[sflag:s29] =	ssyncadd.s32 $0xFFFFFFFF  }
0xb6: {  	_ =	strace $0x90000048  }
0xb7: {  	_ =	sfence  }
0xb8: {  	s30 =	sld [smem:$0x0];
	_ =	sdelay $0x2  }
0xb9: {  	s31 =	sshll.u32 s1, $0xD;
	s1 =	sshrl.u32 s1, $0x2  }
0xba: {  	s3 =	sand.u32 $0x4000, s31;
	s1 =	sadd.s32 s1, s30  }
0xbb: {  	s0 =	sor.u32 s3, s0;
	s1 =	sshll.u32 s1, $0x11  }
0xbc: {  	s0 =	sor.u32 s1, s0  }
0xbd: {  	s0 =	sadd.s32 $0x8F2B, s0  }
0xbe: {  	[sflag:s0] =	ssyncadd.remote.s32 $0x1  }
0xbf: {  	_ =	sfence.sel $0xFFFF  }
0xc0: {  	[dreg:$0x0] =	wrdreg $0xFFFFFFFF;
	(pc) =	sbr.abs _section_cstart, $3  }
0xc1: {  	[dreg:$0x1] =	wrdreg $0xFFFFFFFF  }
0xc2: {  	_ =	task.clear_ibuf [dreg:s7], $0x2FFFF;
	_ =	strace $0x9FFFFFFF  }
0xc3: {  	(tm) =	ssettm $0x7FFFFFFF  }
tec
execute0_lowered:
.L_overlay_start_1:
0x0: {  	(tag) =	ssettag $0x1  }
0x1: {  	s0 =	rddreg [dreg:$0x0]  }
0x2: {  	s1 =	srdreg.scid;
	s12 =	rddreg [dreg:$0x1]  }
0x3: {  	s2 =	rddreg [dreg:$0x2];
	s8 =	stileid.u32;
	s3 =	simm.s32 $0x0  }
0x4: {  	s22 =	simm.s32 $0x3;
	s23 =	simm.s32 $0x1;
	s24 =	simm.s32 $0x2  }
0x5: {  	s25 =	simm.s32 $0x80;
	s31 =	simm.s32 $0x0;
	s1 =	sand.u32 $0x1, s1  }
0x6: {  	[smem:$0x7FF] =	sst s3;
	s14 =	smul.u32 $0x14000, s8;
	s15 =	sadd.s32 $0x9C40, s12  }
0x7: {  	s4 =	sshll.u32 s1, $0x4;
	_ =	strace $0x80000047;
	s7 =	ssub.s32 $0x2, s1  }
0x8: {  	s1 =	smul.u32 $0x140000, s1;
	s21 =	sor.u32 s8, s4;
	s4 =	sadd.s32 $0x2200, s0  }
0x9: {  	s0 =	sadd.s32 $0x29400, s0;
	s26 =	sshrl.u32 s7, $0x1;
	s16 =	sadd.s32 $0x4000, s14  }
0xa: {  	s17 =	sadd.s32 $0x8000, s14;
	s18 =	sadd.s32 $0xC000, s14;
	s20 =	sadd.s32 $0x10000, s14  }
0xb: {  	s5 =	smul.u32 $0x4E, s21;
	s6 =	smin.u32 s21, $0x4;
	s19 =	ssub.s32 s7, s26  }
0xc: {  	s7 =	sadd.s32 s14, s2;
	s8 =	sadd.s32 s16, s2;
	s9 =	sadd.s32 s17, s2  }
0xd: {  	s10 =	sadd.s32 s18, s2;
	s11 =	sadd.s32 s20, s2;
	s14 =	sadd.s32 s14, s1  }
0xe: {  	s16 =	sadd.s32 s1, s16;
	s29 =	sadd.s32 s1, s17;
	s30 =	sadd.s32 s1, s18  }
0xf: {  	s1 =	sadd.s32 s1, s20;
	s20 =	simm.s32 $0x1400;
	p0 =	sgt.u32 s21, $0x3  }
0x10: {  	s21 =	simm.s32 $0x2800;
	s26 =	simm.s32 $0x6800;
	s14 =	sshrl.u32 s14, $0x3  }
0x11: {  	s28 =	sshrl.u32 s16, $0x3;
	s16 =	sshrl.u32 s29, $0x3;
	s17 =	sshrl.u32 s30, $0x3  }
.Ltmp0:
0x12: {  	s1 =	sshrl.u32 s1, $0x3;
	s19 =	smax.u32 s19, $0x1;
	(pc) =	sbr.rel .LBB2_1-.Ltmp0, $4  }
0x13: {  	s5 =	sadd.s32 s6, s5;
	s14 =	sadd.s32 s0, s14;
	s16 =	sadd.s32 s0, s16  }
0x14: {  	s17 =	sadd.s32 s0, s17;
	s18 =	sadd.s32 s0, s1;
	s13 =	sshll.u32 s5, $0x4  }
0x15: {  	s5 =	sadd.s32 s12, s13;
	s6 =	sadd.s32 s13, s15;
	s13 =	sadd.s32 $0x280, s13  }
0x16: {  	v0 =	vimm.f32 $0.0e+00;
	s12 =	sadd.s32 s12, s13;
	s13 =	sadd.s32 s13, s15;
	s15 =	sadd.s32 s0, s28  }
.LBB2_13:
0x17: {  	s1 =	sadd.s32 $0x80, s0;
	[sflag:s22] =	ssyncadd.s32 $0xFFFFC000  }
0x18: {  	[tilespmem:s26], [sflag:$0x2] =	stream.indirect.gather [hbm4b:s4+s25], $0x80, s1, s25, $0xb8;
	[tilespmem:$0x1E800] =	vst v63  }
0x19: {  	_ =	swait.ge [sflag:s23], $0x4000  }
0x1a: {  	[sflag:s23] =	ssyncset.done $0x0  }
0x1b: {  	s29 =	sadd.s32 $0x1400, s0;
	[sflag:s23] =	ssyncadd.s32 $0xFFFFC000  }
0x1c: {  	[spmem:s2] =	stream.indirect.scatter.add.f32 [tilespmem:s21], [sflag:$0x3], $0x80, s29, s25, $0xb8;
	[tilespmem:$0x1E800] =	vst v63  }
0x1d: {  	_ =	swait.ge [sflag:s22], $0x4000  }
0x1e: {  	[sflag:s22] =	ssyncset.done $0x0  }
0x1f: {  	s30 =	sadd.s32 $0x100, s0;
	[sflag:s22] =	ssyncadd.s32 $0xFFFFC000  }
0x20: {  	[tilespmem:s21], [sflag:$0x1] =	stream.indirect.gather [hbm4b:s4+s25], $0x80, s30, s25, $0xb8;
	[tilespmem:$0x1E800] =	vst v63  }
0x21: {  	_ =	swait.ge [sflag:s24], $0x4000  }
0x22: {  	[sflag:s24] =	ssyncset.done $0x0  }
0x23: {  	s1 =	sadd.s32 $0x1480, s0;
	[sflag:s24] =	ssyncadd.s32 $0xFFFFC000  }
0x24: {  	[spmem:s2] =	stream.indirect.scatter.add.f32 [tilespmem:s26], [sflag:$0x3], $0x80, s1, s25, $0xb8;
	[tilespmem:$0x1E800] =	vst v63  }
0x25: {  	_ =	swait.ge [sflag:s22], $0x4000  }
0x26: {  	[sflag:s22] =	ssyncset.done $0x0  }
0x27: {  	s28 =	simm.s32 $0x1280;
	[sflag:s22] =	ssyncadd.s32 $0xFFFFC000  }
0x28: {  	[tilespmem:s26], [sflag:$0x2] =	stream.indirect.gather [hbm4b:s4+s25], $0x80, s28, s25, $0xb8;
	[tilespmem:$0x1E800] =	vst v63  }
0x29: {  	_ =	swait.ge [sflag:s23], $0x4000  }
0x2a: {  	[sflag:s23] =	ssyncset.done $0x0  }
0x2b: {  	s29 =	simm.s32 $0x2600;
	[sflag:s23] =	ssyncadd.s32 $0xFFFFC000  }
0x2c: {  	[spmem:s2] =	stream.indirect.scatter.add.f32 [tilespmem:s21], [sflag:$0x3], $0x80, s29, s25, $0xb8;
	[tilespmem:$0x1E800] =	vst v63  }
0x2d: {  	_ =	swait.ge [sflag:s22], $0x4000  }
0x2e: {  	[sflag:s22] =	ssyncset.done $0x0  }
0x2f: {  	[sflag:s22] =	ssyncadd.s32 $0xFFFFC000  }
0x30: {  	_ =	swait.ge [sflag:s24], $0x4000  }
0x31: {  	[sflag:s24] =	ssyncset.done $0x0  }
0x32: {  	s30 =	simm.s32 $0x2680;
	[sflag:s24] =	ssyncadd.s32 $0xFFFFC000  }
0x33: {  	[spmem:s2] =	stream.indirect.scatter.add.f32 [tilespmem:s26], [sflag:$0x3], $0x80, s30, s25, $0xb8;
	[tilespmem:$0x1E800] =	vst v63  }
.LBB2_14:
0x34: {  	_ =	swait.ge [sflag:s22], $0x4000  }
0x35: {  	[sflag:s22] =	ssyncset.done $0x0  }
0x36: {  	[sflag:s22] =	ssyncadd.s32 $0xFFFFC000  }
0x37: {  	[bflag:$0x0] =	sbarrier.arrive $0xFFFF  }
0x38: {  	[tilespmem:s21], [sflag:$0x3] =	stream.linear.gather [spmem:s7], $0x4000, $0x38;
	[tilespmem:$0x1E800] =	vst v63  }
0x39: {  	_ =	swait.ge [sflag:s22], $0x4000  }
0x3a: {  	[sflag:s22] =	ssyncset.done $0x0  }
0x3b: {  	[sflag:s22] =	ssyncadd.s32 $0xFFFFC000  }
0x3c: {  	[hbm4b:s14+s3] =	stream.linear.scatter [tilespmem:s21], [sflag:$0x1], $0x4000, $0x38;
	[tilespmem:$0x1E800] =	vst v63  }
0x3d: {  	_ = 	snop  }
0x3e: {  	[tilespmem:s26], [sflag:$0x3] =	stream.linear.gather [spmem:s8], $0x4000, $0x38;
	[tilespmem:$0x1E800] =	vst v63  }
0x3f: {  	_ =	swait.ge [sflag:s22], $0x4000  }
0x40: {  	[sflag:s22] =	ssyncset.done $0x0  }
0x41: {  	[sflag:s22] =	ssyncadd.s32 $0xFFFFC000  }
0x42: {  	[hbm4b:s15+s3] =	stream.linear.scatter [tilespmem:s26], [sflag:$0x2], $0x4000, $0x38;
	[tilespmem:$0x1E800] =	vst v63  }
0x43: {  	_ =	swait.ge [sflag:s23], $0x4000  }
0x44: {  	[sflag:s23] =	ssyncset.done $0x0  }
0x45: {  	[sflag:s23] =	ssyncadd.s32 $0xFFFFC000  }
0x46: {  	[tilespmem:s21], [sflag:$0x3] =	stream.linear.gather [spmem:s9], $0x4000, $0x38;
	[tilespmem:$0x1E800] =	vst v63  }
0x47: {  	_ =	swait.ge [sflag:s22], $0x4000  }
0x48: {  	[sflag:s22] =	ssyncset.done $0x0  }
0x49: {  	[sflag:s22] =	ssyncadd.s32 $0xFFFFC000  }
0x4a: {  	[hbm4b:s16+s3] =	stream.linear.scatter [tilespmem:s21], [sflag:$0x1], $0x4000, $0x38;
	[tilespmem:$0x1E800] =	vst v63  }
0x4b: {  	_ =	swait.ge [sflag:s24], $0x4000  }
0x4c: {  	[sflag:s24] =	ssyncset.done $0x0  }
0x4d: {  	[sflag:s24] =	ssyncadd.s32 $0xFFFFC000  }
0x4e: {  	[tilespmem:s26], [sflag:$0x3] =	stream.linear.gather [spmem:s10], $0x4000, $0x38;
	[tilespmem:$0x1E800] =	vst v63  }
0x4f: {  	_ =	swait.ge [sflag:s22], $0x4000  }
0x50: {  	[sflag:s22] =	ssyncset.done $0x0  }
0x51: {  	[sflag:s22] =	ssyncadd.s32 $0xFFFFC000  }
0x52: {  	[hbm4b:s17+s3] =	stream.linear.scatter [tilespmem:s26], [sflag:$0x2], $0x4000, $0x38;
	[tilespmem:$0x1E800] =	vst v63  }
0x53: {  	_ =	swait.ge [sflag:s23], $0x4000  }
0x54: {  	[sflag:s23] =	ssyncset.done $0x0  }
0x55: {  	[sflag:s23] =	ssyncadd.s32 $0xFFFFC000  }
0x56: {  	[tilespmem:s21], [sflag:$0x3] =	stream.linear.gather [spmem:s11], $0x4000, $0x38;
	[tilespmem:$0x1E800] =	vst v63  }
0x57: {  	_ =	swait.ge [sflag:s22], $0x4000  }
0x58: {  	[sflag:s22] =	ssyncset.done $0x0  }
0x59: {  	s31 =	sadd.s32 $0x1, s31;
	[sflag:s22] =	ssyncadd.s32 $0xFFFFC000  }
0x5a: {  	[hbm4b:s18+s3] =	stream.linear.scatter [tilespmem:s21], [sflag:$0x1], $0x4000, $0x38;
	[tilespmem:$0x1E800] =	vst v63  }
0x5b: {  	p1 =	sne.s32 s31, s19;
	_ =	swait.ge [sflag:s24], $0x4000  }
.Ltmp1:
0x5c: {  	[sflag:s24] =	ssyncset.done $0x0;
	(pc) =	sbr.rel @!p1 .LBB2_15-.Ltmp1, $4  }
0x5d: {  	[sflag:s24] =	ssyncadd.s32 $0xFFFFC000  }
0x5e: {  	_ =	swait.ge [sflag:s23], $0x4000  }
0x5f: {  	[sflag:s23] =	ssyncset.done $0x0  }
0x60: {  	[sflag:s23] =	ssyncadd.s32 $0xFFFFC000  }
.LBB2_1:
0x61: {  	[tilespmem:s3], [sflag:$0x1] =	stream.linear.gather [hbm4b:s5+s3], $0x1400, $0x38;
	[tilespmem:$0x1E800] =	vst v63  }
0x62: {  	s0 =	simm.s32 $0x0;
	s1 =	simm.s32 $0x200  }
0x63: {  	[tilespmem:s20], [sflag:$0x2] =	stream.linear.gather [hbm4b:s6+s3], $0x1400, $0x38;
	[tilespmem:$0x1E800] =	vst v63  }
.LBB2_2:
0x64: {  	p1 =	sne.s32 s1, $0xFE00;
	[tilespmem:s0+$0x2870] =	vst v0  }
0x65: {  	[tilespmem:s0+$0x2800] =	vst v0  }
0x66: {  	[tilespmem:s0+$0x2810] =	vst v0  }
.Ltmp2:
0x67: {  	[tilespmem:s0+$0x2820] =	vst v0;
	(pc) =	sbr.rel @p1 .LBB2_2-.Ltmp2, $4  }
0x68: {  	[tilespmem:s0+$0x2830] =	vst v0  }
0x69: {  	[tilespmem:s0+$0x2840] =	vst v0  }
0x6a: {  	[tilespmem:s0+$0x2850] =	vst v0  }
0x6b: {  	[tilespmem:s0+$0x2860] =	vst v0;
	s0 =	sshra.s32 s1, $0x2;
	s1 =	sadd.s32 $0x200, s1  }
0x6c: {  	[tilespmem:s0+$0x2870] =	vst v0  }
0x6d: {  	[tilespmem:s0+$0x2800] =	vst v0  }
0x6e: {  	[tilespmem:s0+$0x2810] =	vst v0  }
0x6f: {  	[tilespmem:s0+$0x2820] =	vst v0  }
0x70: {  	[tilespmem:s0+$0x2830] =	vst v0  }
0x71: {  	[tilespmem:s0+$0x2840] =	vst v0  }
0x72: {  	[tilespmem:s0+$0x2850] =	vst v0  }
0x73: {  	[tilespmem:s0+$0x2860] =	vst v0  }
0x74: {  	[spmem:s7] =	stream.linear.scatter [tilespmem:s21], [sflag:$0x3], $0x4000, $0x38;
	[tilespmem:$0x1E800] =	vst v63  }
0x75: {  	_ =	swait.ge [sflag:s22], $0x4000  }
0x76: {  	[sflag:s22] =	ssyncset.done $0x0  }
0x77: {  	[sflag:s22] =	ssyncadd.s32 $0xFFFFC000  }
0x78: {  	[spmem:s8] =	stream.linear.scatter [tilespmem:s21], [sflag:$0x3], $0x4000, $0x38;
	[tilespmem:$0x1E800] =	vst v63  }
0x79: {  	_ =	swait.ge [sflag:s22], $0x4000  }
0x7a: {  	[sflag:s22] =	ssyncset.done $0x0  }
0x7b: {  	[sflag:s22] =	ssyncadd.s32 $0xFFFFC000  }
0x7c: {  	[spmem:s9] =	stream.linear.scatter [tilespmem:s21], [sflag:$0x3], $0x4000, $0x38;
	[tilespmem:$0x1E800] =	vst v63  }
0x7d: {  	_ =	swait.ge [sflag:s22], $0x4000  }
0x7e: {  	[sflag:s22] =	ssyncset.done $0x0  }
0x7f: {  	[sflag:s22] =	ssyncadd.s32 $0xFFFFC000  }
0x80: {  	[spmem:s10] =	stream.linear.scatter [tilespmem:s21], [sflag:$0x3], $0x4000, $0x38;
	[tilespmem:$0x1E800] =	vst v63  }
0x81: {  	_ =	swait.ge [sflag:s22], $0x4000  }
0x82: {  	[sflag:s22] =	ssyncset.done $0x0  }
0x83: {  	[sflag:s22] =	ssyncadd.s32 $0xFFFFC000  }
0x84: {  	[spmem:s11] =	stream.linear.scatter [tilespmem:s21], [sflag:$0x3], $0x4000, $0x38;
	[tilespmem:$0x1E800] =	vst v63  }
0x85: {  	_ =	swait.ge [sflag:s22], $0x4000  }
0x86: {  	[sflag:s22] =	ssyncset.done $0x0  }
0x87: {  	[sflag:s22] =	ssyncadd.s32 $0xFFFFC000  }
0x88: {  	_ =	swait.ge [sflag:s23], $0x1400  }
0x89: {  	[sflag:s23] =	ssyncset.done $0x0  }
0x8a: {  	[sflag:s23] =	ssyncadd.s32 $0xFFFFEC00  }
.Ltmp3:
0x8b: {  	_ =	swait.ge [sflag:s24], $0x1400;
	(pc) =	sbr.rel @p0 .LBB2_9-.Ltmp3, $4  }
0x8c: {  	[sflag:s24] =	ssyncset.done $0x0  }
0x8d: {  	[sflag:s24] =	ssyncadd.s32 $0xFFFFEC00  }
0x8e: {  	s30 =	simm.s32 $0x0;
	s0 =	simm.s32 $0x80;
	[bflag:$0x0] =	sbarrier.arrive $0xFFFF  }
0x8f: {  	[tilespmem:s21], [sflag:$0x1] =	stream.indirect.gather [hbm4b:s4+s25], $0x80, s30, s25, $0xb8;
	[tilespmem:$0x1E800] =	vst v63  }
0x90: {  	[tilespmem:s26], [sflag:$0x2] =	stream.indirect.gather [hbm4b:s4+s25], $0x80, s0, s25, $0xb8;
	[tilespmem:$0x1E800] =	vst v63  }
0x91: {  	_ =	swait.ge [sflag:s23], $0x4000  }
0x92: {  	[sflag:s23] =	ssyncset.done $0x0  }
0x93: {  	s28 =	simm.s32 $0x1400;
	[sflag:s23] =	ssyncadd.s32 $0xFFFFC000  }
0x94: {  	[spmem:s2] =	stream.indirect.scatter.add.f32 [tilespmem:s21], [sflag:$0x3], $0x80, s28, s25, $0xb8;
	[tilespmem:$0x1E800] =	vst v63  }
0x95: {  	_ =	swait.ge [sflag:s22], $0x4000  }
0x96: {  	[sflag:s22] =	ssyncset.done $0x0  }
0x97: {  	s29 =	simm.s32 $0x100;
	[sflag:s22] =	ssyncadd.s32 $0xFFFFC000  }
0x98: {  	[tilespmem:s21], [sflag:$0x1] =	stream.indirect.gather [hbm4b:s4+s25], $0x80, s29, s25, $0xb8;
	[tilespmem:$0x1E800] =	vst v63  }
0x99: {  	_ =	swait.ge [sflag:s24], $0x4000  }
0x9a: {  	[sflag:s24] =	ssyncset.done $0x0  }
0x9b: {  	s30 =	simm.s32 $0x1480;
	[sflag:s24] =	ssyncadd.s32 $0xFFFFC000  }
0x9c: {  	[spmem:s2] =	stream.indirect.scatter.add.f32 [tilespmem:s26], [sflag:$0x3], $0x80, s30, s25, $0xb8;
	[tilespmem:$0x1E800] =	vst v63  }
0x9d: {  	_ =	swait.ge [sflag:s22], $0x4000  }
0x9e: {  	s1 =	simm.s32 $0x800;
	s0 =	simm.s32 $0x100;
	[sflag:s22] =	ssyncset.done $0x0  }
.LBB2_5:
0x9f: {  	s28 =	sadd.s32 $0x80, s0  }
0xa0: {  	[sflag:s22] =	ssyncadd.s32 $0xFFFFC000;
	s30 =	smov.u32 s1;
	s29 =	sadd.s32 $0x400, s1  }
0xa1: {  	[tilespmem:s26], [sflag:$0x2] =	stream.indirect.gather [hbm4b:s4+s25], $0x80, s28, s25, $0xb8;
	[tilespmem:$0x1E800] =	vst v63  }
0xa2: {  	p1 =	sne.s32 s1, $0x4800;
	_ =	swait.ge [sflag:s23], $0x4000  }
0xa3: {  	[sflag:s23] =	ssyncset.done $0x0  }
0xa4: {  	s1 =	sadd.s32 $0x1400, s0;
	[sflag:s23] =	ssyncadd.s32 $0xFFFFC000  }
0xa5: {  	[spmem:s2] =	stream.indirect.scatter.add.f32 [tilespmem:s21], [sflag:$0x3], $0x80, s1, s25, $0xb8;
	[tilespmem:$0x1E800] =	vst v63  }
0xa6: {  	_ =	swait.ge [sflag:s22], $0x4000  }
0xa7: {  	[sflag:s22] =	ssyncset.done $0x0  }
0xa8: {  	s1 =	sadd.s32 $0x100, s0;
	[sflag:s22] =	ssyncadd.s32 $0xFFFFC000  }
0xa9: {  	[tilespmem:s21], [sflag:$0x1] =	stream.indirect.gather [hbm4b:s4+s25], $0x80, s1, s25, $0xb8;
	[tilespmem:$0x1E800] =	vst v63  }
0xaa: {  	_ =	swait.ge [sflag:s24], $0x4000  }
.Ltmp4:
0xab: {  	[sflag:s24] =	ssyncset.done $0x0;
	(pc) =	sbr.rel @p1 .LBB2_5-.Ltmp4, $4  }
0xac: {  	s0 =	sadd.s32 $0x1480, s0;
	[sflag:s24] =	ssyncadd.s32 $0xFFFFC000  }
0xad: {  	[spmem:s2] =	stream.indirect.scatter.add.f32 [tilespmem:s26], [sflag:$0x3], $0x80, s0, s25, $0xb8;
	[tilespmem:$0x1E800] =	vst v63  }
0xae: {  	_ =	swait.ge [sflag:s22], $0x4000  }
0xaf: {  	s1 =	smov.u32 s29;
	s0 =	sshra.s32 s30, $0x2;
	[sflag:s22] =	ssyncset.done $0x0  }
0xb0: {  	s1 =	sadd.s32 $0x80, s0;
	[sflag:s22] =	ssyncadd.s32 $0xFFFFC000  }
0xb1: {  	[tilespmem:s26], [sflag:$0x2] =	stream.indirect.gather [hbm4b:s4+s25], $0x80, s1, s25, $0xb8;
	[tilespmem:$0x1E800] =	vst v63  }
0xb2: {  	_ =	swait.ge [sflag:s23], $0x4000  }
0xb3: {  	[sflag:s23] =	ssyncset.done $0x0  }
0xb4: {  	s28 =	sadd.s32 $0x1400, s0;
	[sflag:s23] =	ssyncadd.s32 $0xFFFFC000  }
0xb5: {  	[spmem:s2] =	stream.indirect.scatter.add.f32 [tilespmem:s21], [sflag:$0x3], $0x80, s28, s25, $0xb8;
	[tilespmem:$0x1E800] =	vst v63  }
0xb6: {  	_ =	swait.ge [sflag:s22], $0x4000  }
0xb7: {  	[sflag:s22] =	ssyncset.done $0x0  }
0xb8: {  	s29 =	sadd.s32 $0x100, s0;
	[sflag:s22] =	ssyncadd.s32 $0xFFFFC000  }
0xb9: {  	[tilespmem:s21], [sflag:$0x1] =	stream.indirect.gather [hbm4b:s4+s25], $0x80, s29, s25, $0xb8;
	[tilespmem:$0x1E800] =	vst v63  }
0xba: {  	_ =	swait.ge [sflag:s24], $0x4000  }
0xbb: {  	[sflag:s24] =	ssyncset.done $0x0  }
0xbc: {  	s30 =	sadd.s32 $0x1480, s0;
	[sflag:s24] =	ssyncadd.s32 $0xFFFFC000  }
0xbd: {  	[spmem:s2] =	stream.indirect.scatter.add.f32 [tilespmem:s26], [sflag:$0x3], $0x80, s30, s25, $0xb8;
	[tilespmem:$0x1E800] =	vst v63  }
0xbe: {  	_ =	swait.ge [sflag:s22], $0x4000  }
0xbf: {  	[sflag:s22] =	ssyncset.done $0x0  }
0xc0: {  	s1 =	simm.s32 $0x1380;
	[sflag:s22] =	ssyncadd.s32 $0xFFFFC000  }
0xc1: {  	[tilespmem:s26], [sflag:$0x2] =	stream.indirect.gather [hbm4b:s4+s25], $0x80, s1, s25, $0xb8;
	[tilespmem:$0x1E800] =	vst v63  }
0xc2: {  	_ =	swait.ge [sflag:s23], $0x4000  }
0xc3: {  	[sflag:s23] =	ssyncset.done $0x0  }
0xc4: {  	s28 =	simm.s32 $0x2700;
	[sflag:s23] =	ssyncadd.s32 $0xFFFFC000  }
0xc5: {  	[spmem:s2] =	stream.indirect.scatter.add.f32 [tilespmem:s21], [sflag:$0x3], $0x80, s28, s25, $0xb8;
	[tilespmem:$0x1E800] =	vst v63  }
0xc6: {  	_ =	swait.ge [sflag:s22], $0x4000  }
0xc7: {  	[sflag:s22] =	ssyncset.done $0x0  }
0xc8: {  	[sflag:s22] =	ssyncadd.s32 $0xFFFFC000  }
0xc9: {  	_ =	swait.ge [sflag:s24], $0x4000  }
0xca: {  	[sflag:s24] =	ssyncset.done $0x0  }
0xcb: {  	s29 =	simm.s32 $0x2780;
	[sflag:s24] =	ssyncadd.s32 $0xFFFFC000  }
0xcc: {  	[spmem:s2] =	stream.indirect.scatter.add.f32 [tilespmem:s26], [sflag:$0x3], $0x80, s29, s25, $0xb8;
	[tilespmem:$0x1E800] =	vst v63  }
0xcd: {  	_ =	swait.ge [sflag:s22], $0x4000  }
0xce: {  	[sflag:s22] =	ssyncset.done $0x0  }
0xcf: {  	s30 =	simm.s32 $0x0;
	[sflag:s22] =	ssyncadd.s32 $0xFFFFC000  }
0xd0: {  	[tilespmem:s30], [sflag:$0x3] =	stream.linear.gather [hbm4b:s12+s30], $0x1380, $0x38;
	[tilespmem:$0x1E800] =	vst v63  }
0xd1: {  	_ =	swait.ge [sflag:s22], $0x1380  }
0xd2: {  	[sflag:s22] =	ssyncset.done $0x0  }
0xd3: {  	[sflag:s22] =	ssyncadd.s32 $0xFFFFEC80  }
0xd4: {  	[tilespmem:s20], [sflag:$0x3] =	stream.linear.gather [hbm4b:s13+s30], $0x1380, $0x38;
	[tilespmem:$0x1E800] =	vst v63  }
0xd5: {  	_ =	swait.ge [sflag:s22], $0x1380  }
0xd6: {  	[sflag:s22] =	ssyncset.done $0x0  }
0xd7: {  	[sflag:s22] =	ssyncadd.s32 $0xFFFFEC80  }
0xd8: {  	[tilespmem:s21], [sflag:$0x1] =	stream.indirect.gather [hbm4b:s4+s25], $0x80, s30, s25, $0xb8;
	[tilespmem:$0x1E800] =	vst v63  }
0xd9: {  	s1 =	simm.s32 $0x80  }
0xda: {  	[tilespmem:s26], [sflag:$0x2] =	stream.indirect.gather [hbm4b:s4+s25], $0x80, s1, s25, $0xb8;
	[tilespmem:$0x1E800] =	vst v63  }
0xdb: {  	_ =	swait.ge [sflag:s23], $0x4000  }
0xdc: {  	[sflag:s23] =	ssyncset.done $0x0  }
0xdd: {  	s28 =	simm.s32 $0x1400;
	[sflag:s23] =	ssyncadd.s32 $0xFFFFC000  }
0xde: {  	[spmem:s2] =	stream.indirect.scatter.add.f32 [tilespmem:s21], [sflag:$0x3], $0x80, s28, s25, $0xb8;
	[tilespmem:$0x1E800] =	vst v63  }
0xdf: {  	_ =	swait.ge [sflag:s22], $0x4000  }
0xe0: {  	[sflag:s22] =	ssyncset.done $0x0  }
0xe1: {  	s29 =	simm.s32 $0x100;
	[sflag:s22] =	ssyncadd.s32 $0xFFFFC000  }
0xe2: {  	[tilespmem:s21], [sflag:$0x1] =	stream.indirect.gather [hbm4b:s4+s25], $0x80, s29, s25, $0xb8;
	[tilespmem:$0x1E800] =	vst v63  }
0xe3: {  	_ =	swait.ge [sflag:s24], $0x4000  }
0xe4: {  	[sflag:s24] =	ssyncset.done $0x0  }
0xe5: {  	s30 =	simm.s32 $0x1480;
	[sflag:s24] =	ssyncadd.s32 $0xFFFFC000  }
0xe6: {  	[spmem:s2] =	stream.indirect.scatter.add.f32 [tilespmem:s26], [sflag:$0x3], $0x80, s30, s25, $0xb8;
	[tilespmem:$0x1E800] =	vst v63  }
0xe7: {  	_ =	swait.ge [sflag:s22], $0x4000  }
0xe8: {  	s0 =	simm.s32 $0x100;
	s1 =	simm.s32 $0x800;
	[sflag:s22] =	ssyncset.done $0x0  }
.LBB2_7:
0xe9: {  	s28 =	sadd.s32 $0x80, s0  }
0xea: {  	[sflag:s22] =	ssyncadd.s32 $0xFFFFC000;
	s29 =	smov.u32 s1;
	s30 =	sadd.s32 $0x400, s1  }
0xeb: {  	[tilespmem:s26], [sflag:$0x2] =	stream.indirect.gather [hbm4b:s4+s25], $0x80, s28, s25, $0xb8;
	[tilespmem:$0x1E800] =	vst v63  }
0xec: {  	p1 =	sne.s32 s1, $0x4800;
	_ =	swait.ge [sflag:s23], $0x4000  }
0xed: {  	[sflag:s23] =	ssyncset.done $0x0  }
0xee: {  	s1 =	sadd.s32 $0x1400, s0;
	[sflag:s23] =	ssyncadd.s32 $0xFFFFC000  }
0xef: {  	[spmem:s2] =	stream.indirect.scatter.add.f32 [tilespmem:s21], [sflag:$0x3], $0x80, s1, s25, $0xb8;
	[tilespmem:$0x1E800] =	vst v63  }
0xf0: {  	_ =	swait.ge [sflag:s22], $0x4000  }
0xf1: {  	[sflag:s22] =	ssyncset.done $0x0  }
0xf2: {  	s1 =	sadd.s32 $0x100, s0;
	[sflag:s22] =	ssyncadd.s32 $0xFFFFC000  }
0xf3: {  	[tilespmem:s21], [sflag:$0x1] =	stream.indirect.gather [hbm4b:s4+s25], $0x80, s1, s25, $0xb8;
	[tilespmem:$0x1E800] =	vst v63  }
0xf4: {  	_ =	swait.ge [sflag:s24], $0x4000  }
.Ltmp5:
0xf5: {  	[sflag:s24] =	ssyncset.done $0x0;
	(pc) =	sbr.rel @p1 .LBB2_7-.Ltmp5, $4  }
0xf6: {  	s0 =	sadd.s32 $0x1480, s0;
	[sflag:s24] =	ssyncadd.s32 $0xFFFFC000  }
0xf7: {  	[spmem:s2] =	stream.indirect.scatter.add.f32 [tilespmem:s26], [sflag:$0x3], $0x80, s0, s25, $0xb8;
	[tilespmem:$0x1E800] =	vst v63  }
0xf8: {  	_ =	swait.ge [sflag:s22], $0x4000  }
0xf9: {  	s1 =	smov.u32 s30;
	s0 =	sshra.s32 s29, $0x2;
	[sflag:s22] =	ssyncset.done $0x0  }
0xfa: {  	s1 =	sadd.s32 $0x80, s0;
	[sflag:s22] =	ssyncadd.s32 $0xFFFFC000  }
0xfb: {  	[tilespmem:s26], [sflag:$0x2] =	stream.indirect.gather [hbm4b:s4+s25], $0x80, s1, s25, $0xb8;
	[tilespmem:$0x1E800] =	vst v63  }
0xfc: {  	_ =	swait.ge [sflag:s23], $0x4000  }
0xfd: {  	[sflag:s23] =	ssyncset.done $0x0  }
0xfe: {  	s30 =	sadd.s32 $0x1400, s0;
	[sflag:s23] =	ssyncadd.s32 $0xFFFFC000  }
0xff: {  	[spmem:s2] =	stream.indirect.scatter.add.f32 [tilespmem:s21], [sflag:$0x3], $0x80, s30, s25, $0xb8;
	[tilespmem:$0x1E800] =	vst v63  }
0x100: {  	_ =	swait.ge [sflag:s22], $0x4000  }
0x101: {  	[sflag:s22] =	ssyncset.done $0x0  }
0x102: {  	s28 =	sadd.s32 $0x100, s0;
	[sflag:s22] =	ssyncadd.s32 $0xFFFFC000  }
0x103: {  	[tilespmem:s21], [sflag:$0x1] =	stream.indirect.gather [hbm4b:s4+s25], $0x80, s28, s25, $0xb8;
	[tilespmem:$0x1E800] =	vst v63  }
0x104: {  	_ =	swait.ge [sflag:s24], $0x4000  }
0x105: {  	[sflag:s24] =	ssyncset.done $0x0  }
0x106: {  	s29 =	sadd.s32 $0x1480, s0;
	[sflag:s24] =	ssyncadd.s32 $0xFFFFC000  }
0x107: {  	[spmem:s2] =	stream.indirect.scatter.add.f32 [tilespmem:s26], [sflag:$0x3], $0x80, s29, s25, $0xb8;
	[tilespmem:$0x1E800] =	vst v63  }
0x108: {  	_ =	swait.ge [sflag:s22], $0x4000  }
0x109: {  	[sflag:s22] =	ssyncset.done $0x0  }
.Ltmp6:
0x10a: {  	[sflag:s22] =	ssyncadd.s32 $0xFFFFC000;
	(pc) =	sbr.rel .LBB2_14-.Ltmp6, $4  }
0x10b: {  	_ =	swait.ge [sflag:s23], $0x4000  }
0x10c: {  	[sflag:s23] =	ssyncset.done $0x0  }
0x10d: {  	s30 =	simm.s32 $0x2700;
	[sflag:s23] =	ssyncadd.s32 $0xFFFFC000  }
0x10e: {  	[spmem:s2] =	stream.indirect.scatter.add.f32 [tilespmem:s21], [sflag:$0x3], $0x80, s30, s25, $0xb8;
	[tilespmem:$0x1E800] =	vst v63  }
.LBB2_9:
0x10f: {  	[tilespmem:s26], [sflag:$0x2] =	stream.indirect.gather [hbm4b:s4+s25], $0x80, s0, s25, $0xb8;
	[tilespmem:$0x1E800] =	vst v63  }
0x110: {  	_ =	swait.ge [sflag:s23], $0x4000  }
0x111: {  	[sflag:s23] =	ssyncset.done $0x0  }
0x112: {  	s28 =	simm.s32 $0x1400;
	[sflag:s23] =	ssyncadd.s32 $0xFFFFC000  }
0x113: {  	[spmem:s2] =	stream.indirect.scatter.add.f32 [tilespmem:s21], [sflag:$0x3], $0x80, s28, s25, $0xb8;
	[tilespmem:$0x1E800] =	vst v63  }
0x114: {  	_ =	swait.ge [sflag:s22], $0x4000  }
0x115: {  	[sflag:s22] =	ssyncset.done $0x0  }
0x116: {  	s29 =	simm.s32 $0x100;
	[sflag:s22] =	ssyncadd.s32 $0xFFFFC000  }
0x117: {  	[tilespmem:s21], [sflag:$0x1] =	stream.indirect.gather [hbm4b:s4+s25], $0x80, s29, s25, $0xb8;
	[tilespmem:$0x1E800] =	vst v63  }
0x118: {  	_ =	swait.ge [sflag:s24], $0x4000  }
0x119: {  	[sflag:s24] =	ssyncset.done $0x0  }
0x11a: {  	s30 =	simm.s32 $0x1480;
	[sflag:s24] =	ssyncadd.s32 $0xFFFFC000  }
0x11b: {  	[spmem:s2] =	stream.indirect.scatter.add.f32 [tilespmem:s26], [sflag:$0x3], $0x80, s30, s25, $0xb8;
	[tilespmem:$0x1E800] =	vst v63  }
0x11c: {  	_ =	swait.ge [sflag:s22], $0x4000  }
0x11d: {  	s1 =	simm.s32 $0x800;
	s0 =	simm.s32 $0x100;
	[sflag:s22] =	ssyncset.done $0x0  }
.LBB2_10:
0x11e: {  	s28 =	sadd.s32 $0x80, s0  }
0x11f: {  	[sflag:s22] =	ssyncadd.s32 $0xFFFFC000;
	s29 =	smov.u32 s1;
	s30 =	sadd.s32 $0x400, s1  }
0x120: {  	[tilespmem:s26], [sflag:$0x2] =	stream.indirect.gather [hbm4b:s4+s25], $0x80, s28, s25, $0xb8;
	[tilespmem:$0x1E800] =	vst v63  }
0x121: {  	p1 =	sne.s32 s1, $0x4800;
	_ =	swait.ge [sflag:s23], $0x4000  }
0x122: {  	[sflag:s23] =	ssyncset.done $0x0  }
0x123: {  	s1 =	sadd.s32 $0x1400, s0;
	[sflag:s23] =	ssyncadd.s32 $0xFFFFC000  }
0x124: {  	[spmem:s2] =	stream.indirect.scatter.add.f32 [tilespmem:s21], [sflag:$0x3], $0x80, s1, s25, $0xb8;
	[tilespmem:$0x1E800] =	vst v63  }
0x125: {  	_ =	swait.ge [sflag:s22], $0x4000  }
0x126: {  	[sflag:s22] =	ssyncset.done $0x0  }
0x127: {  	s1 =	sadd.s32 $0x100, s0;
	[sflag:s22] =	ssyncadd.s32 $0xFFFFC000  }
0x128: {  	[tilespmem:s21], [sflag:$0x1] =	stream.indirect.gather [hbm4b:s4+s25], $0x80, s1, s25, $0xb8;
	[tilespmem:$0x1E800] =	vst v63  }
0x129: {  	_ =	swait.ge [sflag:s24], $0x4000  }
.Ltmp7:
0x12a: {  	[sflag:s24] =	ssyncset.done $0x0;
	(pc) =	sbr.rel @p1 .LBB2_10-.Ltmp7, $4  }
0x12b: {  	s0 =	sadd.s32 $0x1480, s0;
	[sflag:s24] =	ssyncadd.s32 $0xFFFFC000  }
0x12c: {  	[spmem:s2] =	stream.indirect.scatter.add.f32 [tilespmem:s26], [sflag:$0x3], $0x80, s0, s25, $0xb8;
	[tilespmem:$0x1E800] =	vst v63  }
0x12d: {  	_ =	swait.ge [sflag:s22], $0x4000  }
0x12e: {  	s1 =	smov.u32 s30;
	s0 =	sshra.s32 s29, $0x2;
	[sflag:s22] =	ssyncset.done $0x0  }
0x12f: {  	s1 =	sadd.s32 $0x80, s0;
	[sflag:s22] =	ssyncadd.s32 $0xFFFFC000  }
0x130: {  	[tilespmem:s26], [sflag:$0x2] =	stream.indirect.gather [hbm4b:s4+s25], $0x80, s1, s25, $0xb8;
	[tilespmem:$0x1E800] =	vst v63  }
0x131: {  	_ =	swait.ge [sflag:s23], $0x4000  }
0x132: {  	[sflag:s23] =	ssyncset.done $0x0  }
0x133: {  	s28 =	sadd.s32 $0x1400, s0;
	[sflag:s23] =	ssyncadd.s32 $0xFFFFC000  }
0x134: {  	[spmem:s2] =	stream.indirect.scatter.add.f32 [tilespmem:s21], [sflag:$0x3], $0x80, s28, s25, $0xb8;
	[tilespmem:$0x1E800] =	vst v63  }
0x135: {  	_ =	swait.ge [sflag:s22], $0x4000  }
0x136: {  	[sflag:s22] =	ssyncset.done $0x0  }
0x137: {  	s29 =	sadd.s32 $0x100, s0;
	[sflag:s22] =	ssyncadd.s32 $0xFFFFC000  }
0x138: {  	[tilespmem:s21], [sflag:$0x1] =	stream.indirect.gather [hbm4b:s4+s25], $0x80, s29, s25, $0xb8;
	[tilespmem:$0x1E800] =	vst v63  }
0x139: {  	_ =	swait.ge [sflag:s24], $0x4000  }
0x13a: {  	[sflag:s24] =	ssyncset.done $0x0  }
0x13b: {  	s30 =	sadd.s32 $0x1480, s0;
	[sflag:s24] =	ssyncadd.s32 $0xFFFFC000  }
0x13c: {  	[spmem:s2] =	stream.indirect.scatter.add.f32 [tilespmem:s26], [sflag:$0x3], $0x80, s30, s25, $0xb8;
	[tilespmem:$0x1E800] =	vst v63  }
0x13d: {  	_ =	swait.ge [sflag:s22], $0x4000  }
0x13e: {  	[sflag:s22] =	ssyncset.done $0x0  }
0x13f: {  	s1 =	simm.s32 $0x1380;
	[sflag:s22] =	ssyncadd.s32 $0xFFFFC000  }
0x140: {  	[tilespmem:s26], [sflag:$0x2] =	stream.indirect.gather [hbm4b:s4+s25], $0x80, s1, s25, $0xb8;
	[tilespmem:$0x1E800] =	vst v63  }
0x141: {  	_ =	swait.ge [sflag:s23], $0x4000  }
0x142: {  	[sflag:s23] =	ssyncset.done $0x0  }
0x143: {  	s28 =	simm.s32 $0x2700;
	[sflag:s23] =	ssyncadd.s32 $0xFFFFC000  }
0x144: {  	[spmem:s2] =	stream.indirect.scatter.add.f32 [tilespmem:s21], [sflag:$0x3], $0x80, s28, s25, $0xb8;
	[tilespmem:$0x1E800] =	vst v63  }
0x145: {  	_ =	swait.ge [sflag:s22], $0x4000  }
0x146: {  	[sflag:s22] =	ssyncset.done $0x0  }
0x147: {  	[sflag:s22] =	ssyncadd.s32 $0xFFFFC000  }
0x148: {  	_ =	swait.ge [sflag:s24], $0x4000  }
0x149: {  	[sflag:s24] =	ssyncset.done $0x0  }
0x14a: {  	s29 =	simm.s32 $0x2780;
	[sflag:s24] =	ssyncadd.s32 $0xFFFFC000  }
0x14b: {  	[spmem:s2] =	stream.indirect.scatter.add.f32 [tilespmem:s26], [sflag:$0x3], $0x80, s29, s25, $0xb8;
	[tilespmem:$0x1E800] =	vst v63  }
0x14c: {  	_ =	swait.ge [sflag:s22], $0x4000  }
0x14d: {  	[sflag:s22] =	ssyncset.done $0x0  }
0x14e: {  	s30 =	simm.s32 $0x0;
	[sflag:s22] =	ssyncadd.s32 $0xFFFFC000  }
0x14f: {  	[tilespmem:s30], [sflag:$0x3] =	stream.linear.gather [hbm4b:s12+s30], $0x1300, $0x38;
	[tilespmem:$0x1E800] =	vst v63  }
0x150: {  	_ =	swait.ge [sflag:s22], $0x1300  }
0x151: {  	[sflag:s22] =	ssyncset.done $0x0  }
0x152: {  	[sflag:s22] =	ssyncadd.s32 $0xFFFFED00  }
0x153: {  	[tilespmem:s20], [sflag:$0x3] =	stream.linear.gather [hbm4b:s13+s30], $0x1300, $0x38;
	[tilespmem:$0x1E800] =	vst v63  }
0x154: {  	_ =	swait.ge [sflag:s22], $0x1300  }
0x155: {  	[sflag:s22] =	ssyncset.done $0x0  }
0x156: {  	[sflag:s22] =	ssyncadd.s32 $0xFFFFED00  }
0x157: {  	[tilespmem:s21], [sflag:$0x1] =	stream.indirect.gather [hbm4b:s4+s25], $0x80, s30, s25, $0xb8;
	[tilespmem:$0x1E800] =	vst v63  }
0x158: {  	s1 =	simm.s32 $0x80  }
0x159: {  	[tilespmem:s26], [sflag:$0x2] =	stream.indirect.gather [hbm4b:s4+s25], $0x80, s1, s25, $0xb8;
	[tilespmem:$0x1E800] =	vst v63  }
0x15a: {  	_ =	swait.ge [sflag:s23], $0x4000  }
0x15b: {  	[sflag:s23] =	ssyncset.done $0x0  }
0x15c: {  	s28 =	simm.s32 $0x1400;
	[sflag:s23] =	ssyncadd.s32 $0xFFFFC000  }
0x15d: {  	[spmem:s2] =	stream.indirect.scatter.add.f32 [tilespmem:s21], [sflag:$0x3], $0x80, s28, s25, $0xb8;
	[tilespmem:$0x1E800] =	vst v63  }
0x15e: {  	_ =	swait.ge [sflag:s22], $0x4000  }
0x15f: {  	[sflag:s22] =	ssyncset.done $0x0  }
0x160: {  	s29 =	simm.s32 $0x100;
	[sflag:s22] =	ssyncadd.s32 $0xFFFFC000  }
0x161: {  	[tilespmem:s21], [sflag:$0x1] =	stream.indirect.gather [hbm4b:s4+s25], $0x80, s29, s25, $0xb8;
	[tilespmem:$0x1E800] =	vst v63  }
0x162: {  	_ =	swait.ge [sflag:s24], $0x4000  }
0x163: {  	[sflag:s24] =	ssyncset.done $0x0  }
0x164: {  	s30 =	simm.s32 $0x1480;
	[sflag:s24] =	ssyncadd.s32 $0xFFFFC000  }
0x165: {  	[spmem:s2] =	stream.indirect.scatter.add.f32 [tilespmem:s26], [sflag:$0x3], $0x80, s30, s25, $0xb8;
	[tilespmem:$0x1E800] =	vst v63  }
0x166: {  	_ =	swait.ge [sflag:s22], $0x4000  }
0x167: {  	s0 =	simm.s32 $0x100;
	s1 =	simm.s32 $0x800;
	[sflag:s22] =	ssyncset.done $0x0  }
.LBB2_12:
0x168: {  	s28 =	sadd.s32 $0x80, s0  }
0x169: {  	[sflag:s22] =	ssyncadd.s32 $0xFFFFC000;
	s29 =	smov.u32 s1;
	s30 =	sadd.s32 $0x400, s1  }
0x16a: {  	[tilespmem:s26], [sflag:$0x2] =	stream.indirect.gather [hbm4b:s4+s25], $0x80, s28, s25, $0xb8;
	[tilespmem:$0x1E800] =	vst v63  }
0x16b: {  	p1 =	sne.s32 s1, $0x4400;
	_ =	swait.ge [sflag:s23], $0x4000  }
0x16c: {  	[sflag:s23] =	ssyncset.done $0x0  }
0x16d: {  	s1 =	sadd.s32 $0x1400, s0;
	[sflag:s23] =	ssyncadd.s32 $0xFFFFC000  }
0x16e: {  	[spmem:s2] =	stream.indirect.scatter.add.f32 [tilespmem:s21], [sflag:$0x3], $0x80, s1, s25, $0xb8;
	[tilespmem:$0x1E800] =	vst v63  }
0x16f: {  	_ =	swait.ge [sflag:s22], $0x4000  }
0x170: {  	[sflag:s22] =	ssyncset.done $0x0  }
0x171: {  	s1 =	sadd.s32 $0x100, s0;
	[sflag:s22] =	ssyncadd.s32 $0xFFFFC000  }
0x172: {  	[tilespmem:s21], [sflag:$0x1] =	stream.indirect.gather [hbm4b:s4+s25], $0x80, s1, s25, $0xb8;
	[tilespmem:$0x1E800] =	vst v63  }
0x173: {  	_ =	swait.ge [sflag:s24], $0x4000  }
.Ltmp8:
0x174: {  	[sflag:s24] =	ssyncset.done $0x0;
	(pc) =	sbr.rel @p1 .LBB2_12-.Ltmp8, $4  }
0x175: {  	s0 =	sadd.s32 $0x1480, s0;
	[sflag:s24] =	ssyncadd.s32 $0xFFFFC000  }
0x176: {  	[spmem:s2] =	stream.indirect.scatter.add.f32 [tilespmem:s26], [sflag:$0x3], $0x80, s0, s25, $0xb8;
	[tilespmem:$0x1E800] =	vst v63  }
0x177: {  	_ =	swait.ge [sflag:s22], $0x4000  }
0x178: {  	s1 =	smov.u32 s30;
	s0 =	sshra.s32 s29, $0x2;
	[sflag:s22] =	ssyncset.done $0x0  }
.Ltmp9:
0x179: {  	_ = 	snop;
	(pc) =	sbr.rel .LBB2_13-.Ltmp9, $1  }
0x17a: {  	_ =	sdelay $0x3  }
.LBB2_15:
0x17b: {  	_ =	sfence.sel $0x180000  }
0x17c: {  	[bflag:$0x0] =	sbarrier.arrive $0xFFFF  }
0x17d: {  	_ =	strace $0x90000047  }
0x17e: {  	s0 =	stileid.u32;
	[bflag:$0x2] =	sbarrier.arrive $0xFFFF  }
0x17f: {  	p0 =	sne.s32 s0, $0x0;
	s0 =	rddreg [dreg:$0x3]  }
0x180: {  	s0 =	sadd.s32 @!p0 $0x100000, s0  }
0x181: {  	[sflag:s0] =	ssyncadd.tile.s32 @!p0 $0x1;
	_ =	shalt  }
.Lfunc_end2:
_tile_overlayer_lowered:
.L_overlay_start_2:
0x182: {  	(tag) =	ssettag $0x2  }
0x183: {  	s0 =	rddreg [dreg:$0x0];
	s2 =	stileid.u32  }
0x184: {  	s1 =	rddreg [dreg:$0x1];
	p0 =	sne.s32 s2, $0x0  }
0x185: {  	s3 =	rddreg [dreg:$0x2];
	[bflag:$0x3] =	sbarrier.arrive $0xFFFF;
	s2 =	simm.s32 @!p0 $0x1C03  }
0x186: {  	[timem:s3], [sflag:s2] =	dma.local @!p0 [hbm:s0], s1  }
0x187: {  	s0 =	simm.s32 @!p0 $0x3  }
0x188: {  	_ =	swait.ge @!p0 [sflag:s0], s1  }
0x189: {  	s1 =	ssub.s32 @!p0 $0x0, s1;
	[sflag:s0] =	ssyncset.done @!p0 $0x0  }
0x18a: {  	[sflag:s0] =	ssyncadd.s32 @!p0 s1  }
0x18b: {  	[bflag:$0x3] =	sbarrier.arrive $0xFFFF  }
0x18c: {  	_ =	shalt  }

</sc_bundles>
